<compile_context>
chip_gen: v7x
topology: tpu7x:2x2x1
jax: 0.10.2.dev20260603
libtpu: 0.0.44.dev20260713+nightly
codegen_flags: <defaults>
</compile_context>

<pallas_src>
import functools

import jax
import jax.numpy as jnp
from jax import lax
from jax.experimental import pallas as pl
from jax.experimental.pallas import tpu as pltpu
from jax.experimental.pallas import tpu_sc as plsc

B, K, N, DIM, C_IN = 4, 1024, 2048, 3, 125
IN_SIZE = C_IN + DIM
H1 = H2 = C_OUT = 256
NB = 16

NC, NS = 2, 16
NW = NC * NS
NCHUNK = N // 16
ILV = 4
UNROLL = 2
SPLIT = 2


def _make_fused_body(nbatch):
    nq = nbatch * K
    qpw = nq // NW
    tpb = NW // nbatch

    def body(pts_hbm, keys_hbm, table_hbm, out_hbm, pts_v, keys_v,
             colbuf, rows_v0, rows_v1, sem0, sem1):
        c = lax.axis_index("c")
        s = lax.axis_index("s")
        wid = s * NC + c
        b = wid // tpb
        pltpu.sync_copy(pts_hbm.at[b], pts_v)
        pltpu.sync_copy(keys_hbm.at[wid], keys_v)

        def gbody(gi, _):
            g0 = gi * 16
            kxv = keys_v[pl.ds(g0, 16)]
            kyv = keys_v[pl.ds(qpw + g0, 16)]
            kzv = keys_v[pl.ds(2 * qpw + g0, 16)]
            for j0 in range(0, 16, ILV):
                kq = [(kxv[j0 + t], kyv[j0 + t], kzv[j0 + t])
                      for t in range(ILV)]

                def cbody(ci, carry):
                    off = ci * 16
                    px = pts_v[pl.ds(off, 16)]
                    py = pts_v[pl.ds(N + off, 16)]
                    pz = pts_v[pl.ds(2 * N + off, 16)]
                    idxv = off + lax.iota(jnp.int32, 16)
                    nxt = []
                    for t in range(ILV):
                        kx, ky, kz = kq[t]
                        rd, ri = carry[2 * t], carry[2 * t + 1]
                        dx = px - kx
                        dy = py - ky
                        dz = pz - kz
                        d = dx * dx + dy * dy + dz * dz
                        sk, sv = plsc.sort_key_val(d, idxv, descending=True)
                        take = sk < rd
                        md = jnp.where(take, sk, rd)
                        mi = jnp.where(take, sv, ri)
                        nxt += list(plsc.sort_key_val(md, mi))
                    return tuple(nxt)

                inf16 = jnp.full((16,), jnp.inf, jnp.float32)
                z16 = jnp.zeros((16,), jnp.int32)
                res = lax.fori_loop(0, NCHUNK, cbody, (inf16, z16) * ILV,
                                    unroll=UNROLL)
                lanes = lax.iota(jnp.int32, 16) * qpw
                for t in range(ILV):
                    plsc.store_scatter(colbuf, [lanes + (g0 + j0 + t)],
                                       res[2 * t + 1] + b * N)
            return 0

        lax.fori_loop(0, qpw // 16, gbody, 0)

        def start(j, rows, sem):
            idx = colbuf.at[pl.ds(j * qpw, qpw)]
            pltpu.async_copy(table_hbm.at[idx], rows, sem)

        def drain(rows, sem):
            pltpu.make_async_copy(table_hbm.at[pl.ds(0, qpw)], rows,
                                  sem).wait()

        def out_slice(j):
            return out_hbm.at[pl.ds(j * nq + wid * qpw, qpw)]

        start(0, rows_v0, sem0)

        def gather_loop(i, _):
            ja = 2 * i
            jb = 2 * i + 1
            jc = lax.rem(2 * i + 2, NB)
            start(jb, rows_v1, sem1)
            drain(rows_v0, sem0)
            pltpu.sync_copy(rows_v0, out_slice(ja))
            start(jc, rows_v0, sem0)
            drain(rows_v1, sem1)
            pltpu.sync_copy(rows_v1, out_slice(jb))
            return 0

        lax.fori_loop(0, NB // 2, gather_loop, 0)
        drain(rows_v0, sem0)
        pltpu.sync_copy(rows_v0, out_slice(0))

    return body, nq, qpw


def _fused_call(pts_t, keys_g, table, nbatch):
    body, nq, qpw = _make_fused_body(nbatch)
    mesh = plsc.VectorSubcoreMesh(core_axis_name="c", subcore_axis_name="s",
                                  num_cores=NC, num_subcores=NS)
    fn = functools.partial(
        pl.kernel,
        out_type=jax.ShapeDtypeStruct((nq * NB, IN_SIZE), jnp.float32),
        mesh=mesh,
        compiler_params=pltpu.CompilerParams(needs_layout_passes=False),
        scratch_types=[
            pltpu.VMEM((DIM * N,), jnp.float32),
            pltpu.VMEM((DIM * qpw,), jnp.float32),
            pltpu.VMEM((NB * qpw,), jnp.int32),
            pltpu.VMEM((qpw, IN_SIZE), jnp.float32),
            pltpu.VMEM((qpw, IN_SIZE), jnp.float32),
            pltpu.SemaphoreType.DMA,
            pltpu.SemaphoreType.DMA,
        ],
    )(body)
    return fn(pts_t, keys_g, table)


QB = 256


def _mlp_body(g_ref, kn_ref, w1_ref, w1k_ref, b1_ref, w2_ref, b2_ref,
              w3_ref, b3_ref, out_ref):
    f32 = jnp.float32
    kt = jnp.dot(kn_ref[...], w1k_ref[...], preferred_element_type=f32)
    kt = kt + b1_ref[...]
    acc = jnp.full((QB, C_OUT), -jnp.inf, f32)
    for j in range(NB):
        x = g_ref[j]
        h = jnp.dot(x, w1_ref[...], preferred_element_type=f32) + kt
        h = jnp.maximum(h, 0.0)
        h = jnp.dot(h, w2_ref[...], preferred_element_type=f32) + b2_ref[...]
        h = jnp.maximum(h, 0.0)
        o = jnp.dot(h, w3_ref[...], preferred_element_type=f32)
        acc = jnp.maximum(acc, o)
    out_ref[...] = acc + b3_ref[...]


def _mlp_call(g, kn, W1, W1k, b1, W2, b2, W3, b3):
    nq = g.shape[1]
    grid = (nq // QB,)
    return pl.pallas_call(
        _mlp_body,
        grid=grid,
        in_specs=[
            pl.BlockSpec((NB, QB, IN_SIZE), lambda i: (0, i, 0)),
            pl.BlockSpec((QB, 8), lambda i: (i, 0)),
            pl.BlockSpec((IN_SIZE, H1), lambda i: (0, 0)),
            pl.BlockSpec((8, H1), lambda i: (0, 0)),
            pl.BlockSpec((1, H1), lambda i: (0, 0)),
            pl.BlockSpec((H1, H2), lambda i: (0, 0)),
            pl.BlockSpec((1, H2), lambda i: (0, 0)),
            pl.BlockSpec((H2, C_OUT), lambda i: (0, 0)),
            pl.BlockSpec((1, C_OUT), lambda i: (0, 0)),
        ],
        out_specs=pl.BlockSpec((QB, C_OUT), lambda i: (i, 0)),
        out_shape=jax.ShapeDtypeStruct((nq, C_OUT), jnp.float32),
    )(g, kn, W1, W1k, b1, W2, b2, W3, b3)


def kernel(keys, points, feats, W1, b1, W2, b2, W3, b3):
    f32 = jnp.float32
    nb = B // SPLIT
    tpb = NW // nb
    qpw = nb * K // NW

    W1k = jnp.concatenate([W1[:DIM], jnp.zeros((8 - DIM, H1), f32)], axis=0)
    b1r, b2r, b3r = b1.reshape(1, H1), b2.reshape(1, H2), b3.reshape(1, C_OUT)

    outs = []
    for h in range(SPLIT):
        kh = lax.slice_in_dim(keys, h * nb, (h + 1) * nb, axis=0)
        ph = lax.slice_in_dim(points, h * nb, (h + 1) * nb, axis=0)
        fh = lax.slice_in_dim(feats, h * nb, (h + 1) * nb, axis=0)
        nq = nb * K
        pts_t = ph.transpose(0, 2, 1).reshape(nb, DIM * N)
        keys_g = (kh.reshape(nb, tpb, qpw, DIM)
                  .transpose(0, 1, 3, 2)
                  .reshape(NW, DIM * qpw))
        table = jnp.concatenate([ph, fh], axis=2).reshape(nb * N, IN_SIZE)
        g = _fused_call(pts_t, keys_g, table, nb).reshape(NB, nq, IN_SIZE)
        kflat = kh.reshape(nq, DIM)
        kn = jnp.concatenate([-kflat, jnp.zeros((nq, 8 - DIM), f32)], axis=1)
        outs.append(_mlp_call(g, kn, W1, W1k, b1r, W2, b2r, W3, b3r))

    out = jnp.concatenate(outs, axis=0) if SPLIT > 1 else outs[0]
    return out.reshape(B, K, C_OUT)

# --- scband reference (transcript-rebuilt; emitter-appended) ---
"""Pipeline reference for scband-se-ft-74646531605091 (READ-ONLY COPY).

The authoritative reference and input builder live on the scoring server;
editing this copy changes nothing except your own understanding.
"""

import jax, jax.numpy as jnp
import numpy as np

B, K, N, DIM, C_IN = 4, 1024, 2048, 3, 125
IN_SIZE = C_IN + DIM
H1, H2, C_OUT = 256, 256, 256
NEIGHBORS = 16


def _lin_init(k, fan_in, shape):
    bound = 1.0 / np.sqrt(fan_in)
    return jax.random.uniform(k, shape, jnp.float32, -bound, bound)


def setup_inputs(seed: int = 0) -> dict:
    key = jax.random.key(seed)
    ks = jax.random.split(key, 10)
    keys_t = jax.random.normal(ks[0], (B, K, DIM), jnp.float32)
    points = jax.random.normal(ks[1], (B, N, DIM), jnp.float32)
    feats = jax.random.normal(ks[2], (B, N, C_IN), jnp.float32)
    W1 = _lin_init(ks[3], IN_SIZE, (IN_SIZE, H1))
    b1 = _lin_init(ks[4], IN_SIZE, (H1,))
    W2 = _lin_init(ks[5], H1, (H1, H2))
    b2 = _lin_init(ks[6], H1, (H2,))
    W3 = _lin_init(ks[7], H2, (H2, C_OUT))
    b3 = _lin_init(ks[8], H2, (C_OUT,))
    return {"keys": keys_t, "points": points, "feats": feats,
            "W1": W1, "b1": b1, "W2": W2, "b2": b2, "W3": W3, "b3": b3}


def _dist_fn(keys, points):
    # Euclidean dist_fn: valid [B,K,N] bool, dist_vec [B,K,N,dim], dist [B,K,N]
    dist_vec = points[:, None, :, :] - keys[:, :, None, :]
    dist = jnp.sqrt(jnp.sum(dist_vec * dist_vec, axis=-1) + 1e-12)
    valid = jnp.ones(dist.shape, dtype=bool)
    return valid, dist_vec, dist


def reference(keys, points, feats, W1, b1, W2, b2, W3, b3):
    valid, dist_vec, dist = _dist_fn(keys, points)
    big_dist = jnp.max(dist) * 3000.0
    dist = dist + (~valid).astype(dist.dtype) * big_dist
    k_count = min(NEIGHBORS, dist.shape[2])
    # topk smallest (largest=False, sorted=False)
    _, n_idxs = jax.lax.top_k(-dist, k_count)  # [B,K,k]
    # gather relative positions: rel_pos [B,K,N,dim] -> [B,K,k,dim]
    neighbor_rel = jnp.take_along_axis(dist_vec, n_idxs[..., None], axis=2)
    # gather features: feats [B,N,c_in], per-batch gather -> [B,K,k,c_in]
    neighbor_feats = jax.vmap(lambda f, idx: f[idx])(feats, n_idxs)
    neighbor_comb = jnp.concatenate([neighbor_rel, neighbor_feats], axis=3)
    # SetTransform (deepsets elementwise MLP, reduction='none')
    h = jax.nn.relu(neighbor_comb @ W1 + b1)
    h = jax.nn.relu(h @ W2 + b2)
    neighbor_lat = h @ W3 + b3  # [B,K,k,c_out]
    simple_reduction = jnp.max(neighbor_lat, axis=2)  # [B,K,c_out]
    return simple_reduction

if __name__ == "__main__":
    import jax
    _d = setup_inputs()
    print(jax.jit(kernel)(*tuple(_d.values())))

</pallas_src>

<mosaic_0001>
#map = affine_map<(d0, d1) -> (0, 0)>
module attributes {stable_mosaic.version = 14 : i64} {
  func.func @body(%arg0: i32, %arg1: i32, %arg2: memref<2x6144xf32, #tpu.memory_space<hbm>>, %arg3: memref<32x192xf32, #tpu.memory_space<hbm>>, %arg4: memref<4096x128xf32, #tpu.memory_space<hbm>>, %arg5: memref<32768x128xf32, #tpu.memory_space<hbm>>, %arg6: memref<6144xf32, #tpu.memory_space<vmem>>, %arg7: memref<192xf32, #tpu.memory_space<vmem>>, %arg8: memref<1024xi32, #tpu.memory_space<vmem>>, %arg9: memref<64x128xf32, #tpu.memory_space<vmem>>, %arg10: memref<64x128xf32, #tpu.memory_space<vmem>>, %arg11: memref<!tpu.dma_semaphore, #tpu.memory_space<semaphore_mem>>, %arg12: memref<!tpu.dma_semaphore, #tpu.memory_space<semaphore_mem>>) attributes {dimension_semantics = [#tpu.dimension_semantics<core_parallel>, #tpu.dimension_semantics<subcore_parallel>], iteration_bounds = array<i64: 2, 16>, scalar_prefetch = 0 : i64, scratch_operands = 7 : i64, tpu.core_type = #tpu.core_type<sc_vector_subcore>, window_params = [{transform_indices = #map}, {transform_indices = #map}, {transform_indices = #map}, {transform_indices = #map}]} {
    %mul3A = arith.constant 2 : i32
    %mul3A_0 = arith.muli %arg1, %mul3A : i32
    %add3A = arith.addi %mul3A_0, %arg0 : i32
    %jit3A = arith.constant 16 : i32
    %div3A = arith.divsi %add3A, %jit3A : i32
    %sign3A = arith.constant 0 : i32
    %sign3A_1 = arith.cmpi sgt, %add3A, %sign3A : i32
    %sign3A_2 = arith.extui %sign3A_1 : i1 to i32
    %sign3A_3 = arith.constant 0 : i32
    %sign3A_4 = arith.cmpi slt, %add3A, %sign3A_3 : i32
    %sign3A_5 = arith.extui %sign3A_4 : i1 to i32
    %sign3A_6 = arith.subi %sign3A_2, %sign3A_5 : i32
    %sign3A_7 = arith.constant 0 : i32
    %sign3A_8 = arith.cmpi sgt, %jit3A, %sign3A_7 : i32
    %sign3A_9 = arith.extui %sign3A_8 : i1 to i32
    %sign3A_10 = arith.constant 0 : i32
    %sign3A_11 = arith.cmpi slt, %jit3A, %sign3A_10 : i32
    %sign3A_12 = arith.extui %sign3A_11 : i1 to i32
    %sign3A_13 = arith.subi %sign3A_9, %sign3A_12 : i32
    %ne3A = arith.cmpi ne, %sign3A_6, %sign3A_13 : i32
    %rem3A = arith.remsi %add3A, %jit3A : i32
    %ne3A_14 = arith.constant 0 : i32
    %ne3A_15 = arith.cmpi ne, %rem3A, %ne3A_14 : i32
    %and3A = arith.andi %ne3A, %ne3A_15 : i1
    %sub3A = arith.constant 1 : i32
    %sub3A_16 = arith.subi %div3A, %sub3A : i32
    %select_n3A = arith.select %and3A, %sub3A_16, %div3A : i32
    "tpu.region"() ({
      %run_scoped3A = tpu.sem_alloc : memref<!tpu.dma_semaphore, #tpu.memory_space<semaphore_mem>>
      %dma_start3A_43 = arith.constant 0 : i32
      %dma_start3A_44 = tpu.memref_slice %arg2[%select_n3A, %dma_start3A_43] : memref<2x6144xf32, #tpu.memory_space<hbm>> -> memref<1x6144xf32, #tpu.memory_space<hbm>>
      %dma_start3A_45 = tpu.memref_squeeze %dma_start3A_44 : memref<1x6144xf32, #tpu.memory_space<hbm>> -> memref<6144xf32, #tpu.memory_space<hbm>>
      %dma_start3A_46 = arith.constant 0 : i32
      %dma_start3A_47 = tpu.memref_slice %arg2[%select_n3A, %dma_start3A_46] : memref<2x6144xf32, #tpu.memory_space<hbm>> -> memref<1x6144xf32, #tpu.memory_space<hbm>>
      %dma_start3A_48 = tpu.memref_squeeze %dma_start3A_47 : memref<1x6144xf32, #tpu.memory_space<hbm>> -> memref<6144xf32, #tpu.memory_space<hbm>>
      tpu.enqueue_dma source(%dma_start3A_48 : memref<6144xf32, #tpu.memory_space<hbm>>) target(%arg6 : memref<6144xf32, #tpu.memory_space<vmem>>) target_semaphore(%run_scoped3A : memref<!tpu.dma_semaphore, #tpu.memory_space<semaphore_mem>>)
      %dma_wait3A_49 = arith.constant 0 : i32
      %dma_wait3A_50 = tpu.memref_slice %arg2[%select_n3A, %dma_wait3A_49] : memref<2x6144xf32, #tpu.memory_space<hbm>> -> memref<1x6144xf32, #tpu.memory_space<hbm>>
      %dma_wait3A_51 = tpu.memref_squeeze %dma_wait3A_50 : memref<1x6144xf32, #tpu.memory_space<hbm>> -> memref<6144xf32, #tpu.memory_space<hbm>>
      %dma_wait3A_52 = arith.constant 0 : i32
      %dma_wait3A_53 = tpu.memref_slice %arg2[%select_n3A, %dma_wait3A_52] : memref<2x6144xf32, #tpu.memory_space<hbm>> -> memref<1x6144xf32, #tpu.memory_space<hbm>>
      %dma_wait3A_54 = tpu.memref_squeeze %dma_wait3A_53 : memref<1x6144xf32, #tpu.memory_space<hbm>> -> memref<6144xf32, #tpu.memory_space<hbm>>
      tpu.wait_dma2 semaphore(%run_scoped3A : memref<!tpu.dma_semaphore, #tpu.memory_space<semaphore_mem>>) src(%dma_wait3A_54 : memref<6144xf32, #tpu.memory_space<hbm>>) dst(%arg6 : memref<6144xf32, #tpu.memory_space<vmem>>)
      tpu.yield
    }) : () -> ()
    "tpu.region"() ({
      %run_scoped3A = tpu.sem_alloc : memref<!tpu.dma_semaphore, #tpu.memory_space<semaphore_mem>>
      %dma_start3A_43 = arith.constant 0 : i32
      %dma_start3A_44 = tpu.memref_slice %arg3[%add3A, %dma_start3A_43] : memref<32x192xf32, #tpu.memory_space<hbm>> -> memref<1x192xf32, #tpu.memory_space<hbm>>
      %dma_start3A_45 = tpu.memref_squeeze %dma_start3A_44 : memref<1x192xf32, #tpu.memory_space<hbm>> -> memref<192xf32, #tpu.memory_space<hbm>>
      %dma_start3A_46 = arith.constant 0 : i32
      %dma_start3A_47 = tpu.memref_slice %arg3[%add3A, %dma_start3A_46] : memref<32x192xf32, #tpu.memory_space<hbm>> -> memref<1x192xf32, #tpu.memory_space<hbm>>
      %dma_start3A_48 = tpu.memref_squeeze %dma_start3A_47 : memref<1x192xf32, #tpu.memory_space<hbm>> -> memref<192xf32, #tpu.memory_space<hbm>>
      tpu.enqueue_dma source(%dma_start3A_48 : memref<192xf32, #tpu.memory_space<hbm>>) target(%arg7 : memref<192xf32, #tpu.memory_space<vmem>>) target_semaphore(%run_scoped3A : memref<!tpu.dma_semaphore, #tpu.memory_space<semaphore_mem>>)
      %dma_wait3A_49 = arith.constant 0 : i32
      %dma_wait3A_50 = tpu.memref_slice %arg3[%add3A, %dma_wait3A_49] : memref<32x192xf32, #tpu.memory_space<hbm>> -> memref<1x192xf32, #tpu.memory_space<hbm>>
      %dma_wait3A_51 = tpu.memref_squeeze %dma_wait3A_50 : memref<1x192xf32, #tpu.memory_space<hbm>> -> memref<192xf32, #tpu.memory_space<hbm>>
      %dma_wait3A_52 = arith.constant 0 : i32
      %dma_wait3A_53 = tpu.memref_slice %arg3[%add3A, %dma_wait3A_52] : memref<32x192xf32, #tpu.memory_space<hbm>> -> memref<1x192xf32, #tpu.memory_space<hbm>>
      %dma_wait3A_54 = tpu.memref_squeeze %dma_wait3A_53 : memref<1x192xf32, #tpu.memory_space<hbm>> -> memref<192xf32, #tpu.memory_space<hbm>>
      tpu.wait_dma2 semaphore(%run_scoped3A : memref<!tpu.dma_semaphore, #tpu.memory_space<semaphore_mem>>) src(%dma_wait3A_54 : memref<192xf32, #tpu.memory_space<hbm>>) dst(%arg7 : memref<192xf32, #tpu.memory_space<vmem>>)
      tpu.yield
    }) : () -> ()
    %scan3A = arith.constant 0 : i32
    %scan3A_17 = arith.constant 0 : i32
    %scan3A_18 = arith.constant 4 : i32
    %scan3A_19 = arith.addi %scan3A_17, %scan3A_18 : i32
    %scan3A_20 = arith.constant 1 : i32
    %scan3A_21 = scf.for %scan3A_43 = %scan3A_17 to %scan3A_19 step %scan3A_20 iter_args(%scan3A_44 = %scan3A) -> (i32)  : i32 {
      %mul3A_45 = arith.constant 16 : i32
      %mul3A_46 = arith.muli %scan3A_43, %mul3A_45 : i32
      %get3A = arith.index_cast %mul3A_46 : i32 to index
      %get3A_47 = tpu.vector_load %arg7[%get3A] {strides = array<i32>} : memref<192xf32, #tpu.memory_space<vmem>>, vector<16xf32>,
      %add3A_48 = arith.constant 64 : i32
      %add3A_49 = arith.addi %add3A_48, %mul3A_46 : i32
      %get3A_50 = arith.index_cast %add3A_49 : i32 to index
      %get3A_51 = tpu.vector_load %arg7[%get3A_50] {strides = array<i32>} : memref<192xf32, #tpu.memory_space<vmem>>, vector<16xf32>,
      %add3A_52 = arith.constant 128 : i32
      %add3A_53 = arith.addi %add3A_52, %mul3A_46 : i32
      %get3A_54 = arith.index_cast %add3A_53 : i32 to index
      %get3A_55 = tpu.vector_load %arg7[%get3A_54] {strides = array<i32>} : memref<192xf32, #tpu.memory_space<vmem>>, vector<16xf32>,
      %slice3A = vector.extract_strided_slice %get3A_47 {offsets = [0], sizes = [1], strides = [1]} : vector<16xf32> to vector<1xf32>
      %squeeze3A = vector.extract %slice3A[0] : f32 from vector<1xf32>
      %slice3A_56 = vector.extract_strided_slice %get3A_51 {offsets = [0], sizes = [1], strides = [1]} : vector<16xf32> to vector<1xf32>
      %squeeze3A_57 = vector.extract %slice3A_56[0] : f32 from vector<1xf32>
      %slice3A_58 = vector.extract_strided_slice %get3A_55 {offsets = [0], sizes = [1], strides = [1]} : vector<16xf32> to vector<1xf32>
      %squeeze3A_59 = vector.extract %slice3A_58[0] : f32 from vector<1xf32>
      %slice3A_60 = vector.extract_strided_slice %get3A_47 {offsets = [1], sizes = [1], strides = [1]} : vector<16xf32> to vector<1xf32>
      %squeeze3A_61 = vector.extract %slice3A_60[0] : f32 from vector<1xf32>
      %slice3A_62 = vector.extract_strided_slice %get3A_51 {offsets = [1], sizes = [1], strides = [1]} : vector<16xf32> to vector<1xf32>
      %squeeze3A_63 = vector.extract %slice3A_62[0] : f32 from vector<1xf32>
      %slice3A_64 = vector.extract_strided_slice %get3A_55 {offsets = [1], sizes = [1], strides = [1]} : vector<16xf32> to vector<1xf32>
      %squeeze3A_65 = vector.extract %slice3A_64[0] : f32 from vector<1xf32>
      %slice3A_66 = vector.extract_strided_slice %get3A_47 {offsets = [2], sizes = [1], strides = [1]} : vector<16xf32> to vector<1xf32>
      %squeeze3A_67 = vector.extract %slice3A_66[0] : f32 from vector<1xf32>
      %slice3A_68 = vector.extract_strided_slice %get3A_51 {offsets = [2], sizes = [1], strides = [1]} : vector<16xf32> to vector<1xf32>
      %squeeze3A_69 = vector.extract %slice3A_68[0] : f32 from vector<1xf32>
      %slice3A_70 = vector.extract_strided_slice %get3A_55 {offsets = [2], sizes = [1], strides = [1]} : vector<16xf32> to vector<1xf32>
      %squeeze3A_71 = vector.extract %slice3A_70[0] : f32 from vector<1xf32>
      %slice3A_72 = vector.extract_strided_slice %get3A_47 {offsets = [3], sizes = [1], strides = [1]} : vector<16xf32> to vector<1xf32>
      %squeeze3A_73 = vector.extract %slice3A_72[0] : f32 from vector<1xf32>
      %slice3A_74 = vector.extract_strided_slice %get3A_51 {offsets = [3], sizes = [1], strides = [1]} : vector<16xf32> to vector<1xf32>
      %squeeze3A_75 = vector.extract %slice3A_74[0] : f32 from vector<1xf32>
      %slice3A_76 = vector.extract_strided_slice %get3A_55 {offsets = [3], sizes = [1], strides = [1]} : vector<16xf32> to vector<1xf32>
      %squeeze3A_77 = vector.extract %slice3A_76[0] : f32 from vector<1xf32>
      %broadcast_in_dim3A = arith.constant 0x7F800000 : f32
      %broadcast_in_dim3A_78 = vector.broadcast %broadcast_in_dim3A : f32 to vector<16xf32>
      %broadcast_in_dim3A_79 = arith.constant 0 : i32
      %broadcast_in_dim3A_80 = vector.broadcast %broadcast_in_dim3A_79 : i32 to vector<16xi32>
      %scan3A_81 = arith.constant 0 : i32
      %scan3A_82 = arith.constant 128 : i32
      %scan3A_83 = arith.addi %scan3A_81, %scan3A_82 : i32
      %scan3A_84 = arith.constant 2 : i32
      %scan3A_85:8 = scf.for %scan3A_365 = %scan3A_81 to %scan3A_83 step %scan3A_84 iter_args(%scan3A_366 = %broadcast_in_dim3A_78, %scan3A_367 = %broadcast_in_dim3A_80, %scan3A_368 = %broadcast_in_dim3A_78, %scan3A_369 = %broadcast_in_dim3A_80, %scan3A_370 = %broadcast_in_dim3A_78, %scan3A_371 = %broadcast_in_dim3A_80, %scan3A_372 = %broadcast_in_dim3A_78, %scan3A_373 = %broadcast_in_dim3A_80) -> (vector<16xf32>, vector<16xi32>, vector<16xf32>, vector<16xi32>, vector<16xf32>, vector<16xi32>, vector<16xf32>, vector<16xi32>)  : i32 {
        %mul3A_374 = arith.constant 16 : i32
        %mul3A_375 = arith.muli %scan3A_365, %mul3A_374 : i32
        %get3A_376 = arith.index_cast %mul3A_375 : i32 to index
        %get3A_377 = tpu.vector_load %arg6[%get3A_376] {strides = array<i32>} : memref<6144xf32, #tpu.memory_space<vmem>>, vector<16xf32>,
        %add3A_378 = arith.constant 2048 : i32
        %add3A_379 = arith.addi %add3A_378, %mul3A_375 : i32
        %get3A_380 = arith.index_cast %add3A_379 : i32 to index
        %get3A_381 = tpu.vector_load %arg6[%get3A_380] {strides = array<i32>} : memref<6144xf32, #tpu.memory_space<vmem>>, vector<16xf32>,
        %add3A_382 = arith.constant 4096 : i32
        %add3A_383 = arith.addi %add3A_382, %mul3A_375 : i32
        %get3A_384 = arith.index_cast %add3A_383 : i32 to index
        %get3A_385 = tpu.vector_load %arg6[%get3A_384] {strides = array<i32>} : memref<6144xf32, #tpu.memory_space<vmem>>, vector<16xf32>,
        %iota3A_386 = tpu.iota {dimensions = array<i32: 0>} : vector<16xi32>
        %add3A_387 = vector.broadcast %mul3A_375 : i32 to vector<16xi32>
        %add3A_388 = arith.addi %add3A_387, %iota3A_386 : vector<16xi32>
        %sub3A_389 = vector.broadcast %squeeze3A : f32 to vector<16xf32>
        %sub3A_390 = arith.subf %get3A_377, %sub3A_389 : vector<16xf32>
        %sub3A_391 = vector.broadcast %squeeze3A_57 : f32 to vector<16xf32>
        %sub3A_392 = arith.subf %get3A_381, %sub3A_391 : vector<16xf32>
        %sub3A_393 = vector.broadcast %squeeze3A_59 : f32 to vector<16xf32>
        %sub3A_394 = arith.subf %get3A_385, %sub3A_393 : vector<16xf32>
        %mul3A_395 = arith.mulf %sub3A_390, %sub3A_390 : vector<16xf32>
        %mul3A_396 = arith.mulf %sub3A_392, %sub3A_392 : vector<16xf32>
        %add3A_397 = arith.addf %mul3A_395, %mul3A_396 : vector<16xf32>
        %mul3A_398 = arith.mulf %sub3A_394, %sub3A_394 : vector<16xf32>
        %add3A_399 = arith.addf %add3A_397, %mul3A_398 : vector<16xf32>
        %masked_sort3A = arith.constant dense<true> : vector<16xi1>
        %masked_sort3A_400, %masked_sort3A_401, %masked_sort3A_402 = tpu.sort %add3A_399, %add3A_388 masked %masked_sort3A {descending = true} : (vector<16xf32>, vector<16xi32>, vector<16xi1>) -> (vector<16xi1>, vector<16xf32>, vector<16xi32>)
        %lt3A = arith.cmpf olt, %masked_sort3A_401, %scan3A_366 : vector<16xf32>
        %select_n3A_403 = arith.select %lt3A, %masked_sort3A_401, %scan3A_366 : vector<16xi1>, vector<16xf32>
        %select_n3A_404 = arith.select %lt3A, %masked_sort3A_402, %scan3A_367 : vector<16xi1>, vector<16xi32>
        %masked_sort3A_405 = arith.constant dense<true> : vector<16xi1>
        %masked_sort3A_406, %masked_sort3A_407, %masked_sort3A_408 = tpu.sort %select_n3A_403, %select_n3A_404 masked %masked_sort3A_405 : (vector<16xf32>, vector<16xi32>, vector<16xi1>) -> (vector<16xi1>, vector<16xf32>, vector<16xi32>)
        %sub3A_409 = vector.broadcast %squeeze3A_61 : f32 to vector<16xf32>
        %sub3A_410 = arith.subf %get3A_377, %sub3A_409 : vector<16xf32>
        %sub3A_411 = vector.broadcast %squeeze3A_63 : f32 to vector<16xf32>
        %sub3A_412 = arith.subf %get3A_381, %sub3A_411 : vector<16xf32>
        %sub3A_413 = vector.broadcast %squeeze3A_65 : f32 to vector<16xf32>
        %sub3A_414 = arith.subf %get3A_385, %sub3A_413 : vector<16xf32>
        %mul3A_415 = arith.mulf %sub3A_410, %sub3A_410 : vector<16xf32>
        %mul3A_416 = arith.mulf %sub3A_412, %sub3A_412 : vector<16xf32>
        %add3A_417 = arith.addf %mul3A_415, %mul3A_416 : vector<16xf32>
        %mul3A_418 = arith.mulf %sub3A_414, %sub3A_414 : vector<16xf32>
        %add3A_419 = arith.addf %add3A_417, %mul3A_418 : vector<16xf32>
        %masked_sort3A_420 = arith.constant dense<true> : vector<16xi1>
        %masked_sort3A_421, %masked_sort3A_422, %masked_sort3A_423 = tpu.sort %add3A_419, %add3A_388 masked %masked_sort3A_420 {descending = true} : (vector<16xf32>, vector<16xi32>, vector<16xi1>) -> (vector<16xi1>, vector<16xf32>, vector<16xi32>)
        %lt3A_424 = arith.cmpf olt, %masked_sort3A_422, %scan3A_368 : vector<16xf32>
        %select_n3A_425 = arith.select %lt3A_424, %masked_sort3A_422, %scan3A_368 : vector<16xi1>, vector<16xf32>
        %select_n3A_426 = arith.select %lt3A_424, %masked_sort3A_423, %scan3A_369 : vector<16xi1>, vector<16xi32>
        %masked_sort3A_427 = arith.constant dense<true> : vector<16xi1>
        %masked_sort3A_428, %masked_sort3A_429, %masked_sort3A_430 = tpu.sort %select_n3A_425, %select_n3A_426 masked %masked_sort3A_427 : (vector<16xf32>, vector<16xi32>, vector<16xi1>) -> (vector<16xi1>, vector<16xf32>, vector<16xi32>)
        %sub3A_431 = vector.broadcast %squeeze3A_67 : f32 to vector<16xf32>
        %sub3A_432 = arith.subf %get3A_377, %sub3A_431 : vector<16xf32>
        %sub3A_433 = vector.broadcast %squeeze3A_69 : f32 to vector<16xf32>
        %sub3A_434 = arith.subf %get3A_381, %sub3A_433 : vector<16xf32>
        %sub3A_435 = vector.broadcast %squeeze3A_71 : f32 to vector<16xf32>
        %sub3A_436 = arith.subf %get3A_385, %sub3A_435 : vector<16xf32>
        %mul3A_437 = arith.mulf %sub3A_432, %sub3A_432 : vector<16xf32>
        %mul3A_438 = arith.mulf %sub3A_434, %sub3A_434 : vector<16xf32>
        %add3A_439 = arith.addf %mul3A_437, %mul3A_438 : vector<16xf32>
        %mul3A_440 = arith.mulf %sub3A_436, %sub3A_436 : vector<16xf32>
        %add3A_441 = arith.addf %add3A_439, %mul3A_440 : vector<16xf32>
        %masked_sort3A_442 = arith.constant dense<true> : vector<16xi1>
        %masked_sort3A_443, %masked_sort3A_444, %masked_sort3A_445 = tpu.sort %add3A_441, %add3A_388 masked %masked_sort3A_442 {descending = true} : (vector<16xf32>, vector<16xi32>, vector<16xi1>) -> (vector<16xi1>, vector<16xf32>, vector<16xi32>)
        %lt3A_446 = arith.cmpf olt, %masked_sort3A_444, %scan3A_370 : vector<16xf32>
        %select_n3A_447 = arith.select %lt3A_446, %masked_sort3A_444, %scan3A_370 : vector<16xi1>, vector<16xf32>
        %select_n3A_448 = arith.select %lt3A_446, %masked_sort3A_445, %scan3A_371 : vector<16xi1>, vector<16xi32>
        %masked_sort3A_449 = arith.constant dense<true> : vector<16xi1>
        %masked_sort3A_450, %masked_sort3A_451, %masked_sort3A_452 = tpu.sort %select_n3A_447, %select_n3A_448 masked %masked_sort3A_449 : (vector<16xf32>, vector<16xi32>, vector<16xi1>) -> (vector<16xi1>, vector<16xf32>, vector<16xi32>)
        %sub3A_453 = vector.broadcast %squeeze3A_73 : f32 to vector<16xf32>
        %sub3A_454 = arith.subf %get3A_377, %sub3A_453 : vector<16xf32>
        %sub3A_455 = vector.broadcast %squeeze3A_75 : f32 to vector<16xf32>
        %sub3A_456 = arith.subf %get3A_381, %sub3A_455 : vector<16xf32>
        %sub3A_457 = vector.broadcast %squeeze3A_77 : f32 to vector<16xf32>
        %sub3A_458 = arith.subf %get3A_385, %sub3A_457 : vector<16xf32>
        %mul3A_459 = arith.mulf %sub3A_454, %sub3A_454 : vector<16xf32>
        %mul3A_460 = arith.mulf %sub3A_456, %sub3A_456 : vector<16xf32>
        %add3A_461 = arith.addf %mul3A_459, %mul3A_460 : vector<16xf32>
        %mul3A_462 = arith.mulf %sub3A_458, %sub3A_458 : vector<16xf32>
        %add3A_463 = arith.addf %add3A_461, %mul3A_462 : vector<16xf32>
        %masked_sort3A_464 = arith.constant dense<true> : vector<16xi1>
        %masked_sort3A_465, %masked_sort3A_466, %masked_sort3A_467 = tpu.sort %add3A_463, %add3A_388 masked %masked_sort3A_464 {descending = true} : (vector<16xf32>, vector<16xi32>, vector<16xi1>) -> (vector<16xi1>, vector<16xf32>, vector<16xi32>)
        %lt3A_468 = arith.cmpf olt, %masked_sort3A_466, %scan3A_372 : vector<16xf32>
        %select_n3A_469 = arith.select %lt3A_468, %masked_sort3A_466, %scan3A_372 : vector<16xi1>, vector<16xf32>
        %select_n3A_470 = arith.select %lt3A_468, %masked_sort3A_467, %scan3A_373 : vector<16xi1>, vector<16xi32>
        %masked_sort3A_471 = arith.constant dense<true> : vector<16xi1>
        %masked_sort3A_472, %masked_sort3A_473, %masked_sort3A_474 = tpu.sort %select_n3A_469, %select_n3A_470 masked %masked_sort3A_471 : (vector<16xf32>, vector<16xi32>, vector<16xi1>) -> (vector<16xi1>, vector<16xf32>, vector<16xi32>)
        %scan3A_475 = arith.constant 1 : i32
        %scan3A_476 = arith.addi %scan3A_365, %scan3A_475 : i32
        %mul3A_477 = arith.constant 16 : i32
        %mul3A_478 = arith.muli %scan3A_476, %mul3A_477 : i32
        %get3A_479 = arith.index_cast %mul3A_478 : i32 to index
        %get3A_480 = tpu.vector_load %arg6[%get3A_479] {strides = array<i32>} : memref<6144xf32, #tpu.memory_space<vmem>>, vector<16xf32>,
        %add3A_481 = arith.constant 2048 : i32
        %add3A_482 = arith.addi %add3A_481, %mul3A_478 : i32
        %get3A_483 = arith.index_cast %add3A_482 : i32 to index
        %get3A_484 = tpu.vector_load %arg6[%get3A_483] {strides = array<i32>} : memref<6144xf32, #tpu.memory_space<vmem>>, vector<16xf32>,
        %add3A_485 = arith.constant 4096 : i32
        %add3A_486 = arith.addi %add3A_485, %mul3A_478 : i32
        %get3A_487 = arith.index_cast %add3A_486 : i32 to index
        %get3A_488 = tpu.vector_load %arg6[%get3A_487] {strides = array<i32>} : memref<6144xf32, #tpu.memory_space<vmem>>, vector<16xf32>,
        %iota3A_489 = tpu.iota {dimensions = array<i32: 0>} : vector<16xi32>
        %add3A_490 = vector.broadcast %mul3A_478 : i32 to vector<16xi32>
        %add3A_491 = arith.addi %add3A_490, %iota3A_489 : vector<16xi32>
        %sub3A_492 = vector.broadcast %squeeze3A : f32 to vector<16xf32>
        %sub3A_493 = arith.subf %get3A_480, %sub3A_492 : vector<16xf32>
        %sub3A_494 = vector.broadcast %squeeze3A_57 : f32 to vector<16xf32>
        %sub3A_495 = arith.subf %get3A_484, %sub3A_494 : vector<16xf32>
        %sub3A_496 = vector.broadcast %squeeze3A_59 : f32 to vector<16xf32>
        %sub3A_497 = arith.subf %get3A_488, %sub3A_496 : vector<16xf32>
        %mul3A_498 = arith.mulf %sub3A_493, %sub3A_493 : vector<16xf32>
        %mul3A_499 = arith.mulf %sub3A_495, %sub3A_495 : vector<16xf32>
        %add3A_500 = arith.addf %mul3A_498, %mul3A_499 : vector<16xf32>
        %mul3A_501 = arith.mulf %sub3A_497, %sub3A_497 : vector<16xf32>
        %add3A_502 = arith.addf %add3A_500, %mul3A_501 : vector<16xf32>
        %masked_sort3A_503 = arith.constant dense<true> : vector<16xi1>
        %masked_sort3A_504, %masked_sort3A_505, %masked_sort3A_506 = tpu.sort %add3A_502, %add3A_491 masked %masked_sort3A_503 {descending = true} : (vector<16xf32>, vector<16xi32>, vector<16xi1>) -> (vector<16xi1>, vector<16xf32>, vector<16xi32>)
        %lt3A_507 = arith.cmpf olt, %masked_sort3A_505, %masked_sort3A_407 : vector<16xf32>
        %select_n3A_508 = arith.select %lt3A_507, %masked_sort3A_505, %masked_sort3A_407 : vector<16xi1>, vector<16xf32>
        %select_n3A_509 = arith.select %lt3A_507, %masked_sort3A_506, %masked_sort3A_408 : vector<16xi1>, vector<16xi32>
        %masked_sort3A_510 = arith.constant dense<true> : vector<16xi1>
        %masked_sort3A_511, %masked_sort3A_512, %masked_sort3A_513 = tpu.sort %select_n3A_508, %select_n3A_509 masked %masked_sort3A_510 : (vector<16xf32>, vector<16xi32>, vector<16xi1>) -> (vector<16xi1>, vector<16xf32>, vector<16xi32>)
        %sub3A_514 = vector.broadcast %squeeze3A_61 : f32 to vector<16xf32>
        %sub3A_515 = arith.subf %get3A_480, %sub3A_514 : vector<16xf32>
        %sub3A_516 = vector.broadcast %squeeze3A_63 : f32 to vector<16xf32>
        %sub3A_517 = arith.subf %get3A_484, %sub3A_516 : vector<16xf32>
        %sub3A_518 = vector.broadcast %squeeze3A_65 : f32 to vector<16xf32>
        %sub3A_519 = arith.subf %get3A_488, %sub3A_518 : vector<16xf32>
        %mul3A_520 = arith.mulf %sub3A_515, %sub3A_515 : vector<16xf32>
        %mul3A_521 = arith.mulf %sub3A_517, %sub3A_517 : vector<16xf32>
        %add3A_522 = arith.addf %mul3A_520, %mul3A_521 : vector<16xf32>
        %mul3A_523 = arith.mulf %sub3A_519, %sub3A_519 : vector<16xf32>
        %add3A_524 = arith.addf %add3A_522, %mul3A_523 : vector<16xf32>
        %masked_sort3A_525 = arith.constant dense<true> : vector<16xi1>
        %masked_sort3A_526, %masked_sort3A_527, %masked_sort3A_528 = tpu.sort %add3A_524, %add3A_491 masked %masked_sort3A_525 {descending = true} : (vector<16xf32>, vector<16xi32>, vector<16xi1>) -> (vector<16xi1>, vector<16xf32>, vector<16xi32>)
        %lt3A_529 = arith.cmpf olt, %masked_sort3A_527, %masked_sort3A_429 : vector<16xf32>
        %select_n3A_530 = arith.select %lt3A_529, %masked_sort3A_527, %masked_sort3A_429 : vector<16xi1>, vector<16xf32>
        %select_n3A_531 = arith.select %lt3A_529, %masked_sort3A_528, %masked_sort3A_430 : vector<16xi1>, vector<16xi32>
        %masked_sort3A_532 = arith.constant dense<true> : vector<16xi1>
        %masked_sort3A_533, %masked_sort3A_534, %masked_sort3A_535 = tpu.sort %select_n3A_530, %select_n3A_531 masked %masked_sort3A_532 : (vector<16xf32>, vector<16xi32>, vector<16xi1>) -> (vector<16xi1>, vector<16xf32>, vector<16xi32>)
        %sub3A_536 = vector.broadcast %squeeze3A_67 : f32 to vector<16xf32>
        %sub3A_537 = arith.subf %get3A_480, %sub3A_536 : vector<16xf32>
        %sub3A_538 = vector.broadcast %squeeze3A_69 : f32 to vector<16xf32>
        %sub3A_539 = arith.subf %get3A_484, %sub3A_538 : vector<16xf32>
        %sub3A_540 = vector.broadcast %squeeze3A_71 : f32 to vector<16xf32>
        %sub3A_541 = arith.subf %get3A_488, %sub3A_540 : vector<16xf32>
        %mul3A_542 = arith.mulf %sub3A_537, %sub3A_537 : vector<16xf32>
        %mul3A_543 = arith.mulf %sub3A_539, %sub3A_539 : vector<16xf32>
        %add3A_544 = arith.addf %mul3A_542, %mul3A_543 : vector<16xf32>
        %mul3A_545 = arith.mulf %sub3A_541, %sub3A_541 : vector<16xf32>
        %add3A_546 = arith.addf %add3A_544, %mul3A_545 : vector<16xf32>
        %masked_sort3A_547 = arith.constant dense<true> : vector<16xi1>
        %masked_sort3A_548, %masked_sort3A_549, %masked_sort3A_550 = tpu.sort %add3A_546, %add3A_491 masked %masked_sort3A_547 {descending = true} : (vector<16xf32>, vector<16xi32>, vector<16xi1>) -> (vector<16xi1>, vector<16xf32>, vector<16xi32>)
        %lt3A_551 = arith.cmpf olt, %masked_sort3A_549, %masked_sort3A_451 : vector<16xf32>
        %select_n3A_552 = arith.select %lt3A_551, %masked_sort3A_549, %masked_sort3A_451 : vector<16xi1>, vector<16xf32>
        %select_n3A_553 = arith.select %lt3A_551, %masked_sort3A_550, %masked_sort3A_452 : vector<16xi1>, vector<16xi32>
        %masked_sort3A_554 = arith.constant dense<true> : vector<16xi1>
        %masked_sort3A_555, %masked_sort3A_556, %masked_sort3A_557 = tpu.sort %select_n3A_552, %select_n3A_553 masked %masked_sort3A_554 : (vector<16xf32>, vector<16xi32>, vector<16xi1>) -> (vector<16xi1>, vector<16xf32>, vector<16xi32>)
        %sub3A_558 = vector.broadcast %squeeze3A_73 : f32 to vector<16xf32>
        %sub3A_559 = arith.subf %get3A_480, %sub3A_558 : vector<16xf32>
        %sub3A_560 = vector.broadcast %squeeze3A_75 : f32 to vector<16xf32>
        %sub3A_561 = arith.subf %get3A_484, %sub3A_560 : vector<16xf32>
        %sub3A_562 = vector.broadcast %squeeze3A_77 : f32 to vector<16xf32>
        %sub3A_563 = arith.subf %get3A_488, %sub3A_562 : vector<16xf32>
        %mul3A_564 = arith.mulf %sub3A_559, %sub3A_559 : vector<16xf32>
        %mul3A_565 = arith.mulf %sub3A_561, %sub3A_561 : vector<16xf32>
        %add3A_566 = arith.addf %mul3A_564, %mul3A_565 : vector<16xf32>
        %mul3A_567 = arith.mulf %sub3A_563, %sub3A_563 : vector<16xf32>
        %add3A_568 = arith.addf %add3A_566, %mul3A_567 : vector<16xf32>
        %masked_sort3A_569 = arith.constant dense<true> : vector<16xi1>
        %masked_sort3A_570, %masked_sort3A_571, %masked_sort3A_572 = tpu.sort %add3A_568, %add3A_491 masked %masked_sort3A_569 {descending = true} : (vector<16xf32>, vector<16xi32>, vector<16xi1>) -> (vector<16xi1>, vector<16xf32>, vector<16xi32>)
        %lt3A_573 = arith.cmpf olt, %masked_sort3A_571, %masked_sort3A_473 : vector<16xf32>
        %select_n3A_574 = arith.select %lt3A_573, %masked_sort3A_571, %masked_sort3A_473 : vector<16xi1>, vector<16xf32>
        %select_n3A_575 = arith.select %lt3A_573, %masked_sort3A_572, %masked_sort3A_474 : vector<16xi1>, vector<16xi32>
        %masked_sort3A_576 = arith.constant dense<true> : vector<16xi1>
        %masked_sort3A_577, %masked_sort3A_578, %masked_sort3A_579 = tpu.sort %select_n3A_574, %select_n3A_575 masked %masked_sort3A_576 : (vector<16xf32>, vector<16xi32>, vector<16xi1>) -> (vector<16xi1>, vector<16xf32>, vector<16xi32>)
        scf.yield %masked_sort3A_512, %masked_sort3A_513, %masked_sort3A_534, %masked_sort3A_535, %masked_sort3A_556, %masked_sort3A_557, %masked_sort3A_578, %masked_sort3A_579 : vector<16xf32>, vector<16xi32>, vector<16xf32>, vector<16xi32>, vector<16xf32>, vector<16xi32>, vector<16xf32>, vector<16xi32>
      }
      %scan3A_86 = arith.constant 128 : i32
      %iota3A = tpu.iota {dimensions = array<i32: 0>} : vector<16xi32>
      %mul3A_87 = arith.constant 64 : i32
      %mul3A_88 = vector.broadcast %mul3A_87 : i32 to vector<16xi32>
      %mul3A_89 = arith.muli %iota3A, %mul3A_88 : vector<16xi32>
      %add3A_90 = arith.constant 0 : i32
      %add3A_91 = arith.addi %mul3A_46, %add3A_90 : i32
      %add3A_92 = arith.constant 0 : i32
      %add3A_93 = arith.addi %add3A_91, %add3A_92 : i32
      %add3A_94 = vector.broadcast %add3A_93 : i32 to vector<16xi32>
      %add3A_95 = arith.addi %mul3A_89, %add3A_94 : vector<16xi32>
      %mul3A_96 = arith.constant 2048 : i32
      %mul3A_97 = arith.muli %select_n3A, %mul3A_96 : i32
      %add3A_98 = vector.broadcast %mul3A_97 : i32 to vector<16xi32>
      %add3A_99 = arith.addi %scan3A_85#1, %add3A_98 : vector<16xi32>
      tpu.vector_store_idx %arg8[%add3A_95], %add3A_99 : memref<1024xi32, #tpu.memory_space<vmem>>[vector<16xi32>], vector<16xi32>,
      %add3A_100 = arith.constant 0 : i32
      %add3A_101 = arith.addi %mul3A_46, %add3A_100 : i32
      %add3A_102 = arith.constant 1 : i32
      %add3A_103 = arith.addi %add3A_101, %add3A_102 : i32
      %add3A_104 = vector.broadcast %add3A_103 : i32 to vector<16xi32>
      %add3A_105 = arith.addi %mul3A_89, %add3A_104 : vector<16xi32>
      %mul3A_106 = arith.constant 2048 : i32
      %mul3A_107 = arith.muli %select_n3A, %mul3A_106 : i32
      %add3A_108 = vector.broadcast %mul3A_107 : i32 to vector<16xi32>
      %add3A_109 = arith.addi %scan3A_85#3, %add3A_108 : vector<16xi32>
      tpu.vector_store_idx %arg8[%add3A_105], %add3A_109 : memref<1024xi32, #tpu.memory_space<vmem>>[vector<16xi32>], vector<16xi32>,
      %add3A_110 = arith.constant 0 : i32
      %add3A_111 = arith.addi %mul3A_46, %add3A_110 : i32
      %add3A_112 = arith.constant 2 : i32
      %add3A_113 = arith.addi %add3A_111, %add3A_112 : i32
      %add3A_114 = vector.broadcast %add3A_113 : i32 to vector<16xi32>
      %add3A_115 = arith.addi %mul3A_89, %add3A_114 : vector<16xi32>
      %mul3A_116 = arith.constant 2048 : i32
      %mul3A_117 = arith.muli %select_n3A, %mul3A_116 : i32
      %add3A_118 = vector.broadcast %mul3A_117 : i32 to vector<16xi32>
      %add3A_119 = arith.addi %scan3A_85#5, %add3A_118 : vector<16xi32>
      tpu.vector_store_idx %arg8[%add3A_115], %add3A_119 : memref<1024xi32, #tpu.memory_space<vmem>>[vector<16xi32>], vector<16xi32>,
      %add3A_120 = arith.constant 0 : i32
      %add3A_121 = arith.addi %mul3A_46, %add3A_120 : i32
      %add3A_122 = arith.constant 3 : i32
      %add3A_123 = arith.addi %add3A_121, %add3A_122 : i32
      %add3A_124 = vector.broadcast %add3A_123 : i32 to vector<16xi32>
      %add3A_125 = arith.addi %mul3A_89, %add3A_124 : vector<16xi32>
      %mul3A_126 = arith.constant 2048 : i32
      %mul3A_127 = arith.muli %select_n3A, %mul3A_126 : i32
      %add3A_128 = vector.broadcast %mul3A_127 : i32 to vector<16xi32>
      %add3A_129 = arith.addi %scan3A_85#7, %add3A_128 : vector<16xi32>
      tpu.vector_store_idx %arg8[%add3A_125], %add3A_129 : memref<1024xi32, #tpu.memory_space<vmem>>[vector<16xi32>], vector<16xi32>,
      %slice3A_130 = vector.extract_strided_slice %get3A_47 {offsets = [4], sizes = [1], strides = [1]} : vector<16xf32> to vector<1xf32>
      %squeeze3A_131 = vector.extract %slice3A_130[0] : f32 from vector<1xf32>
      %slice3A_132 = vector.extract_strided_slice %get3A_51 {offsets = [4], sizes = [1], strides = [1]} : vector<16xf32> to vector<1xf32>
      %squeeze3A_133 = vector.extract %slice3A_132[0] : f32 from vector<1xf32>
      %slice3A_134 = vector.extract_strided_slice %get3A_55 {offsets = [4], sizes = [1], strides = [1]} : vector<16xf32> to vector<1xf32>
      %squeeze3A_135 = vector.extract %slice3A_134[0] : f32 from vector<1xf32>
      %slice3A_136 = vector.extract_strided_slice %get3A_47 {offsets = [5], sizes = [1], strides = [1]} : vector<16xf32> to vector<1xf32>
      %squeeze3A_137 = vector.extract %slice3A_136[0] : f32 from vector<1xf32>
      %slice3A_138 = vector.extract_strided_slice %get3A_51 {offsets = [5], sizes = [1], strides = [1]} : vector<16xf32> to vector<1xf32>
      %squeeze3A_139 = vector.extract %slice3A_138[0] : f32 from vector<1xf32>
      %slice3A_140 = vector.extract_strided_slice %get3A_55 {offsets = [5], sizes = [1], strides = [1]} : vector<16xf32> to vector<1xf32>
      %squeeze3A_141 = vector.extract %slice3A_140[0] : f32 from vector<1xf32>
      %slice3A_142 = vector.extract_strided_slice %get3A_47 {offsets = [6], sizes = [1], strides = [1]} : vector<16xf32> to vector<1xf32>
      %squeeze3A_143 = vector.extract %slice3A_142[0] : f32 from vector<1xf32>
      %slice3A_144 = vector.extract_strided_slice %get3A_51 {offsets = [6], sizes = [1], strides = [1]} : vector<16xf32> to vector<1xf32>
      %squeeze3A_145 = vector.extract %slice3A_144[0] : f32 from vector<1xf32>
      %slice3A_146 = vector.extract_strided_slice %get3A_55 {offsets = [6], sizes = [1], strides = [1]} : vector<16xf32> to vector<1xf32>
      %squeeze3A_147 = vector.extract %slice3A_146[0] : f32 from vector<1xf32>
      %slice3A_148 = vector.extract_strided_slice %get3A_47 {offsets = [7], sizes = [1], strides = [1]} : vector<16xf32> to vector<1xf32>
      %squeeze3A_149 = vector.extract %slice3A_148[0] : f32 from vector<1xf32>
      %slice3A_150 = vector.extract_strided_slice %get3A_51 {offsets = [7], sizes = [1], strides = [1]} : vector<16xf32> to vector<1xf32>
      %squeeze3A_151 = vector.extract %slice3A_150[0] : f32 from vector<1xf32>
      %slice3A_152 = vector.extract_strided_slice %get3A_55 {offsets = [7], sizes = [1], strides = [1]} : vector<16xf32> to vector<1xf32>
      %squeeze3A_153 = vector.extract %slice3A_152[0] : f32 from vector<1xf32>
      %broadcast_in_dim3A_154 = arith.constant 0x7F800000 : f32
      %broadcast_in_dim3A_155 = vector.broadcast %broadcast_in_dim3A_154 : f32 to vector<16xf32>
      %broadcast_in_dim3A_156 = arith.constant 0 : i32
      %broadcast_in_dim3A_157 = vector.broadcast %broadcast_in_dim3A_156 : i32 to vector<16xi32>
      %scan3A_158 = arith.constant 0 : i32
      %scan3A_159 = arith.constant 128 : i32
      %scan3A_160 = arith.addi %scan3A_158, %scan3A_159 : i32
      %scan3A_161 = arith.constant 2 : i32
      %scan3A_162:8 = scf.for %scan3A_365 = %scan3A_158 to %scan3A_160 step %scan3A_161 iter_args(%scan3A_366 = %broadcast_in_dim3A_155, %scan3A_367 = %broadcast_in_dim3A_157, %scan3A_368 = %broadcast_in_dim3A_155, %scan3A_369 = %broadcast_in_dim3A_157, %scan3A_370 = %broadcast_in_dim3A_155, %scan3A_371 = %broadcast_in_dim3A_157, %scan3A_372 = %broadcast_in_dim3A_155, %scan3A_373 = %broadcast_in_dim3A_157) -> (vector<16xf32>, vector<16xi32>, vector<16xf32>, vector<16xi32>, vector<16xf32>, vector<16xi32>, vector<16xf32>, vector<16xi32>)  : i32 {
        %mul3A_374 = arith.constant 16 : i32
        %mul3A_375 = arith.muli %scan3A_365, %mul3A_374 : i32
        %get3A_376 = arith.index_cast %mul3A_375 : i32 to index
        %get3A_377 = tpu.vector_load %arg6[%get3A_376] {strides = array<i32>} : memref<6144xf32, #tpu.memory_space<vmem>>, vector<16xf32>,
        %add3A_378 = arith.constant 2048 : i32
        %add3A_379 = arith.addi %add3A_378, %mul3A_375 : i32
        %get3A_380 = arith.index_cast %add3A_379 : i32 to index
        %get3A_381 = tpu.vector_load %arg6[%get3A_380] {strides = array<i32>} : memref<6144xf32, #tpu.memory_space<vmem>>, vector<16xf32>,
        %add3A_382 = arith.constant 4096 : i32
        %add3A_383 = arith.addi %add3A_382, %mul3A_375 : i32
        %get3A_384 = arith.index_cast %add3A_383 : i32 to index
        %get3A_385 = tpu.vector_load %arg6[%get3A_384] {strides = array<i32>} : memref<6144xf32, #tpu.memory_space<vmem>>, vector<16xf32>,
        %iota3A_386 = tpu.iota {dimensions = array<i32: 0>} : vector<16xi32>
        %add3A_387 = vector.broadcast %mul3A_375 : i32 to vector<16xi32>
        %add3A_388 = arith.addi %add3A_387, %iota3A_386 : vector<16xi32>
        %sub3A_389 = vector.broadcast %squeeze3A_131 : f32 to vector<16xf32>
        %sub3A_390 = arith.subf %get3A_377, %sub3A_389 : vector<16xf32>
        %sub3A_391 = vector.broadcast %squeeze3A_133 : f32 to vector<16xf32>
        %sub3A_392 = arith.subf %get3A_381, %sub3A_391 : vector<16xf32>
        %sub3A_393 = vector.broadcast %squeeze3A_135 : f32 to vector<16xf32>
        %sub3A_394 = arith.subf %get3A_385, %sub3A_393 : vector<16xf32>
        %mul3A_395 = arith.mulf %sub3A_390, %sub3A_390 : vector<16xf32>
        %mul3A_396 = arith.mulf %sub3A_392, %sub3A_392 : vector<16xf32>
        %add3A_397 = arith.addf %mul3A_395, %mul3A_396 : vector<16xf32>
        %mul3A_398 = arith.mulf %sub3A_394, %sub3A_394 : vector<16xf32>
        %add3A_399 = arith.addf %add3A_397, %mul3A_398 : vector<16xf32>
        %masked_sort3A = arith.constant dense<true> : vector<16xi1>
        %masked_sort3A_400, %masked_sort3A_401, %masked_sort3A_402 = tpu.sort %add3A_399, %add3A_388 masked %masked_sort3A {descending = true} : (vector<16xf32>, vector<16xi32>, vector<16xi1>) -> (vector<16xi1>, vector<16xf32>, vector<16xi32>)
        %lt3A = arith.cmpf olt, %masked_sort3A_401, %scan3A_366 : vector<16xf32>
        %select_n3A_403 = arith.select %lt3A, %masked_sort3A_401, %scan3A_366 : vector<16xi1>, vector<16xf32>
        %select_n3A_404 = arith.select %lt3A, %masked_sort3A_402, %scan3A_367 : vector<16xi1>, vector<16xi32>
        %masked_sort3A_405 = arith.constant dense<true> : vector<16xi1>
        %masked_sort3A_406, %masked_sort3A_407, %masked_sort3A_408 = tpu.sort %select_n3A_403, %select_n3A_404 masked %masked_sort3A_405 : (vector<16xf32>, vector<16xi32>, vector<16xi1>) -> (vector<16xi1>, vector<16xf32>, vector<16xi32>)
        %sub3A_409 = vector.broadcast %squeeze3A_137 : f32 to vector<16xf32>
        %sub3A_410 = arith.subf %get3A_377, %sub3A_409 : vector<16xf32>
        %sub3A_411 = vector.broadcast %squeeze3A_139 : f32 to vector<16xf32>
        %sub3A_412 = arith.subf %get3A_381, %sub3A_411 : vector<16xf32>
        %sub3A_413 = vector.broadcast %squeeze3A_141 : f32 to vector<16xf32>
        %sub3A_414 = arith.subf %get3A_385, %sub3A_413 : vector<16xf32>
        %mul3A_415 = arith.mulf %sub3A_410, %sub3A_410 : vector<16xf32>
        %mul3A_416 = arith.mulf %sub3A_412, %sub3A_412 : vector<16xf32>
        %add3A_417 = arith.addf %mul3A_415, %mul3A_416 : vector<16xf32>
        %mul3A_418 = arith.mulf %sub3A_414, %sub3A_414 : vector<16xf32>
        %add3A_419 = arith.addf %add3A_417, %mul3A_418 : vector<16xf32>
        %masked_sort3A_420 = arith.constant dense<true> : vector<16xi1>
        %masked_sort3A_421, %masked_sort3A_422, %masked_sort3A_423 = tpu.sort %add3A_419, %add3A_388 masked %masked_sort3A_420 {descending = true} : (vector<16xf32>, vector<16xi32>, vector<16xi1>) -> (vector<16xi1>, vector<16xf32>, vector<16xi32>)
        %lt3A_424 = arith.cmpf olt, %masked_sort3A_422, %scan3A_368 : vector<16xf32>
        %select_n3A_425 = arith.select %lt3A_424, %masked_sort3A_422, %scan3A_368 : vector<16xi1>, vector<16xf32>
        %select_n3A_426 = arith.select %lt3A_424, %masked_sort3A_423, %scan3A_369 : vector<16xi1>, vector<16xi32>
        %masked_sort3A_427 = arith.constant dense<true> : vector<16xi1>
        %masked_sort3A_428, %masked_sort3A_429, %masked_sort3A_430 = tpu.sort %select_n3A_425, %select_n3A_426 masked %masked_sort3A_427 : (vector<16xf32>, vector<16xi32>, vector<16xi1>) -> (vector<16xi1>, vector<16xf32>, vector<16xi32>)
        %sub3A_431 = vector.broadcast %squeeze3A_143 : f32 to vector<16xf32>
        %sub3A_432 = arith.subf %get3A_377, %sub3A_431 : vector<16xf32>
        %sub3A_433 = vector.broadcast %squeeze3A_145 : f32 to vector<16xf32>
        %sub3A_434 = arith.subf %get3A_381, %sub3A_433 : vector<16xf32>
        %sub3A_435 = vector.broadcast %squeeze3A_147 : f32 to vector<16xf32>
        %sub3A_436 = arith.subf %get3A_385, %sub3A_435 : vector<16xf32>
        %mul3A_437 = arith.mulf %sub3A_432, %sub3A_432 : vector<16xf32>
        %mul3A_438 = arith.mulf %sub3A_434, %sub3A_434 : vector<16xf32>
        %add3A_439 = arith.addf %mul3A_437, %mul3A_438 : vector<16xf32>
        %mul3A_440 = arith.mulf %sub3A_436, %sub3A_436 : vector<16xf32>
        %add3A_441 = arith.addf %add3A_439, %mul3A_440 : vector<16xf32>
        %masked_sort3A_442 = arith.constant dense<true> : vector<16xi1>
        %masked_sort3A_443, %masked_sort3A_444, %masked_sort3A_445 = tpu.sort %add3A_441, %add3A_388 masked %masked_sort3A_442 {descending = true} : (vector<16xf32>, vector<16xi32>, vector<16xi1>) -> (vector<16xi1>, vector<16xf32>, vector<16xi32>)
        %lt3A_446 = arith.cmpf olt, %masked_sort3A_444, %scan3A_370 : vector<16xf32>
        %select_n3A_447 = arith.select %lt3A_446, %masked_sort3A_444, %scan3A_370 : vector<16xi1>, vector<16xf32>
        %select_n3A_448 = arith.select %lt3A_446, %masked_sort3A_445, %scan3A_371 : vector<16xi1>, vector<16xi32>
        %masked_sort3A_449 = arith.constant dense<true> : vector<16xi1>
        %masked_sort3A_450, %masked_sort3A_451, %masked_sort3A_452 = tpu.sort %select_n3A_447, %select_n3A_448 masked %masked_sort3A_449 : (vector<16xf32>, vector<16xi32>, vector<16xi1>) -> (vector<16xi1>, vector<16xf32>, vector<16xi32>)
        %sub3A_453 = vector.broadcast %squeeze3A_149 : f32 to vector<16xf32>
        %sub3A_454 = arith.subf %get3A_377, %sub3A_453 : vector<16xf32>
        %sub3A_455 = vector.broadcast %squeeze3A_151 : f32 to vector<16xf32>
        %sub3A_456 = arith.subf %get3A_381, %sub3A_455 : vector<16xf32>
        %sub3A_457 = vector.broadcast %squeeze3A_153 : f32 to vector<16xf32>
        %sub3A_458 = arith.subf %get3A_385, %sub3A_457 : vector<16xf32>
        %mul3A_459 = arith.mulf %sub3A_454, %sub3A_454 : vector<16xf32>
        %mul3A_460 = arith.mulf %sub3A_456, %sub3A_456 : vector<16xf32>
        %add3A_461 = arith.addf %mul3A_459, %mul3A_460 : vector<16xf32>
        %mul3A_462 = arith.mulf %sub3A_458, %sub3A_458 : vector<16xf32>
        %add3A_463 = arith.addf %add3A_461, %mul3A_462 : vector<16xf32>
        %masked_sort3A_464 = arith.constant dense<true> : vector<16xi1>
        %masked_sort3A_465, %masked_sort3A_466, %masked_sort3A_467 = tpu.sort %add3A_463, %add3A_388 masked %masked_sort3A_464 {descending = true} : (vector<16xf32>, vector<16xi32>, vector<16xi1>) -> (vector<16xi1>, vector<16xf32>, vector<16xi32>)
        %lt3A_468 = arith.cmpf olt, %masked_sort3A_466, %scan3A_372 : vector<16xf32>
        %select_n3A_469 = arith.select %lt3A_468, %masked_sort3A_466, %scan3A_372 : vector<16xi1>, vector<16xf32>
        %select_n3A_470 = arith.select %lt3A_468, %masked_sort3A_467, %scan3A_373 : vector<16xi1>, vector<16xi32>
        %masked_sort3A_471 = arith.constant dense<true> : vector<16xi1>
        %masked_sort3A_472, %masked_sort3A_473, %masked_sort3A_474 = tpu.sort %select_n3A_469, %select_n3A_470 masked %masked_sort3A_471 : (vector<16xf32>, vector<16xi32>, vector<16xi1>) -> (vector<16xi1>, vector<16xf32>, vector<16xi32>)
        %scan3A_475 = arith.constant 1 : i32
        %scan3A_476 = arith.addi %scan3A_365, %scan3A_475 : i32
        %mul3A_477 = arith.constant 16 : i32
        %mul3A_478 = arith.muli %scan3A_476, %mul3A_477 : i32
        %get3A_479 = arith.index_cast %mul3A_478 : i32 to index
        %get3A_480 = tpu.vector_load %arg6[%get3A_479] {strides = array<i32>} : memref<6144xf32, #tpu.memory_space<vmem>>, vector<16xf32>,
        %add3A_481 = arith.constant 2048 : i32
        %add3A_482 = arith.addi %add3A_481, %mul3A_478 : i32
        %get3A_483 = arith.index_cast %add3A_482 : i32 to index
        %get3A_484 = tpu.vector_load %arg6[%get3A_483] {strides = array<i32>} : memref<6144xf32, #tpu.memory_space<vmem>>, vector<16xf32>,
        %add3A_485 = arith.constant 4096 : i32
        %add3A_486 = arith.addi %add3A_485, %mul3A_478 : i32
        %get3A_487 = arith.index_cast %add3A_486 : i32 to index
        %get3A_488 = tpu.vector_load %arg6[%get3A_487] {strides = array<i32>} : memref<6144xf32, #tpu.memory_space<vmem>>, vector<16xf32>,
        %iota3A_489 = tpu.iota {dimensions = array<i32: 0>} : vector<16xi32>
        %add3A_490 = vector.broadcast %mul3A_478 : i32 to vector<16xi32>
        %add3A_491 = arith.addi %add3A_490, %iota3A_489 : vector<16xi32>
        %sub3A_492 = vector.broadcast %squeeze3A_131 : f32 to vector<16xf32>
        %sub3A_493 = arith.subf %get3A_480, %sub3A_492 : vector<16xf32>
        %sub3A_494 = vector.broadcast %squeeze3A_133 : f32 to vector<16xf32>
        %sub3A_495 = arith.subf %get3A_484, %sub3A_494 : vector<16xf32>
        %sub3A_496 = vector.broadcast %squeeze3A_135 : f32 to vector<16xf32>
        %sub3A_497 = arith.subf %get3A_488, %sub3A_496 : vector<16xf32>
        %mul3A_498 = arith.mulf %sub3A_493, %sub3A_493 : vector<16xf32>
        %mul3A_499 = arith.mulf %sub3A_495, %sub3A_495 : vector<16xf32>
        %add3A_500 = arith.addf %mul3A_498, %mul3A_499 : vector<16xf32>
        %mul3A_501 = arith.mulf %sub3A_497, %sub3A_497 : vector<16xf32>
        %add3A_502 = arith.addf %add3A_500, %mul3A_501 : vector<16xf32>
        %masked_sort3A_503 = arith.constant dense<true> : vector<16xi1>
        %masked_sort3A_504, %masked_sort3A_505, %masked_sort3A_506 = tpu.sort %add3A_502, %add3A_491 masked %masked_sort3A_503 {descending = true} : (vector<16xf32>, vector<16xi32>, vector<16xi1>) -> (vector<16xi1>, vector<16xf32>, vector<16xi32>)
        %lt3A_507 = arith.cmpf olt, %masked_sort3A_505, %masked_sort3A_407 : vector<16xf32>
        %select_n3A_508 = arith.select %lt3A_507, %masked_sort3A_505, %masked_sort3A_407 : vector<16xi1>, vector<16xf32>
        %select_n3A_509 = arith.select %lt3A_507, %masked_sort3A_506, %masked_sort3A_408 : vector<16xi1>, vector<16xi32>
        %masked_sort3A_510 = arith.constant dense<true> : vector<16xi1>
        %masked_sort3A_511, %masked_sort3A_512, %masked_sort3A_513 = tpu.sort %select_n3A_508, %select_n3A_509 masked %masked_sort3A_510 : (vector<16xf32>, vector<16xi32>, vector<16xi1>) -> (vector<16xi1>, vector<16xf32>, vector<16xi32>)
        %sub3A_514 = vector.broadcast %squeeze3A_137 : f32 to vector<16xf32>
        %sub3A_515 = arith.subf %get3A_480, %sub3A_514 : vector<16xf32>
        %sub3A_516 = vector.broadcast %squeeze3A_139 : f32 to vector<16xf32>
        %sub3A_517 = arith.subf %get3A_484, %sub3A_516 : vector<16xf32>
        %sub3A_518 = vector.broadcast %squeeze3A_141 : f32 to vector<16xf32>
        %sub3A_519 = arith.subf %get3A_488, %sub3A_518 : vector<16xf32>
        %mul3A_520 = arith.mulf %sub3A_515, %sub3A_515 : vector<16xf32>
        %mul3A_521 = arith.mulf %sub3A_517, %sub3A_517 : vector<16xf32>
        %add3A_522 = arith.addf %mul3A_520, %mul3A_521 : vector<16xf32>
        %mul3A_523 = arith.mulf %sub3A_519, %sub3A_519 : vector<16xf32>
        %add3A_524 = arith.addf %add3A_522, %mul3A_523 : vector<16xf32>
        %masked_sort3A_525 = arith.constant dense<true> : vector<16xi1>
        %masked_sort3A_526, %masked_sort3A_527, %masked_sort3A_528 = tpu.sort %add3A_524, %add3A_491 masked %masked_sort3A_525 {descending = true} : (vector<16xf32>, vector<16xi32>, vector<16xi1>) -> (vector<16xi1>, vector<16xf32>, vector<16xi32>)
        %lt3A_529 = arith.cmpf olt, %masked_sort3A_527, %masked_sort3A_429 : vector<16xf32>
        %select_n3A_530 = arith.select %lt3A_529, %masked_sort3A_527, %masked_sort3A_429 : vector<16xi1>, vector<16xf32>
        %select_n3A_531 = arith.select %lt3A_529, %masked_sort3A_528, %masked_sort3A_430 : vector<16xi1>, vector<16xi32>
        %masked_sort3A_532 = arith.constant dense<true> : vector<16xi1>
        %masked_sort3A_533, %masked_sort3A_534, %masked_sort3A_535 = tpu.sort %select_n3A_530, %select_n3A_531 masked %masked_sort3A_532 : (vector<16xf32>, vector<16xi32>, vector<16xi1>) -> (vector<16xi1>, vector<16xf32>, vector<16xi32>)
        %sub3A_536 = vector.broadcast %squeeze3A_143 : f32 to vector<16xf32>
        %sub3A_537 = arith.subf %get3A_480, %sub3A_536 : vector<16xf32>
        %sub3A_538 = vector.broadcast %squeeze3A_145 : f32 to vector<16xf32>
        %sub3A_539 = arith.subf %get3A_484, %sub3A_538 : vector<16xf32>
        %sub3A_540 = vector.broadcast %squeeze3A_147 : f32 to vector<16xf32>
        %sub3A_541 = arith.subf %get3A_488, %sub3A_540 : vector<16xf32>
        %mul3A_542 = arith.mulf %sub3A_537, %sub3A_537 : vector<16xf32>
        %mul3A_543 = arith.mulf %sub3A_539, %sub3A_539 : vector<16xf32>
        %add3A_544 = arith.addf %mul3A_542, %mul3A_543 : vector<16xf32>
        %mul3A_545 = arith.mulf %sub3A_541, %sub3A_541 : vector<16xf32>
        %add3A_546 = arith.addf %add3A_544, %mul3A_545 : vector<16xf32>
        %masked_sort3A_547 = arith.constant dense<true> : vector<16xi1>
        %masked_sort3A_548, %masked_sort3A_549, %masked_sort3A_550 = tpu.sort %add3A_546, %add3A_491 masked %masked_sort3A_547 {descending = true} : (vector<16xf32>, vector<16xi32>, vector<16xi1>) -> (vector<16xi1>, vector<16xf32>, vector<16xi32>)
        %lt3A_551 = arith.cmpf olt, %masked_sort3A_549, %masked_sort3A_451 : vector<16xf32>
        %select_n3A_552 = arith.select %lt3A_551, %masked_sort3A_549, %masked_sort3A_451 : vector<16xi1>, vector<16xf32>
        %select_n3A_553 = arith.select %lt3A_551, %masked_sort3A_550, %masked_sort3A_452 : vector<16xi1>, vector<16xi32>
        %masked_sort3A_554 = arith.constant dense<true> : vector<16xi1>
        %masked_sort3A_555, %masked_sort3A_556, %masked_sort3A_557 = tpu.sort %select_n3A_552, %select_n3A_553 masked %masked_sort3A_554 : (vector<16xf32>, vector<16xi32>, vector<16xi1>) -> (vector<16xi1>, vector<16xf32>, vector<16xi32>)
        %sub3A_558 = vector.broadcast %squeeze3A_149 : f32 to vector<16xf32>
        %sub3A_559 = arith.subf %get3A_480, %sub3A_558 : vector<16xf32>
        %sub3A_560 = vector.broadcast %squeeze3A_151 : f32 to vector<16xf32>
        %sub3A_561 = arith.subf %get3A_484, %sub3A_560 : vector<16xf32>
        %sub3A_562 = vector.broadcast %squeeze3A_153 : f32 to vector<16xf32>
        %sub3A_563 = arith.subf %get3A_488, %sub3A_562 : vector<16xf32>
        %mul3A_564 = arith.mulf %sub3A_559, %sub3A_559 : vector<16xf32>
        %mul3A_565 = arith.mulf %sub3A_561, %sub3A_561 : vector<16xf32>
        %add3A_566 = arith.addf %mul3A_564, %mul3A_565 : vector<16xf32>
        %mul3A_567 = arith.mulf %sub3A_563, %sub3A_563 : vector<16xf32>
        %add3A_568 = arith.addf %add3A_566, %mul3A_567 : vector<16xf32>
        %masked_sort3A_569 = arith.constant dense<true> : vector<16xi1>
        %masked_sort3A_570, %masked_sort3A_571, %masked_sort3A_572 = tpu.sort %add3A_568, %add3A_491 masked %masked_sort3A_569 {descending = true} : (vector<16xf32>, vector<16xi32>, vector<16xi1>) -> (vector<16xi1>, vector<16xf32>, vector<16xi32>)
        %lt3A_573 = arith.cmpf olt, %masked_sort3A_571, %masked_sort3A_473 : vector<16xf32>
        %select_n3A_574 = arith.select %lt3A_573, %masked_sort3A_571, %masked_sort3A_473 : vector<16xi1>, vector<16xf32>
        %select_n3A_575 = arith.select %lt3A_573, %masked_sort3A_572, %masked_sort3A_474 : vector<16xi1>, vector<16xi32>
        %masked_sort3A_576 = arith.constant dense<true> : vector<16xi1>
        %masked_sort3A_577, %masked_sort3A_578, %masked_sort3A_579 = tpu.sort %select_n3A_574, %select_n3A_575 masked %masked_sort3A_576 : (vector<16xf32>, vector<16xi32>, vector<16xi1>) -> (vector<16xi1>, vector<16xf32>, vector<16xi32>)
        scf.yield %masked_sort3A_512, %masked_sort3A_513, %masked_sort3A_534, %masked_sort3A_535, %masked_sort3A_556, %masked_sort3A_557, %masked_sort3A_578, %masked_sort3A_579 : vector<16xf32>, vector<16xi32>, vector<16xf32>, vector<16xi32>, vector<16xf32>, vector<16xi32>, vector<16xf32>, vector<16xi32>
      }
      %scan3A_163 = arith.constant 128 : i32
      %iota3A_164 = tpu.iota {dimensions = array<i32: 0>} : vector<16xi32>
      %mul3A_165 = arith.constant 64 : i32
      %mul3A_166 = vector.broadcast %mul3A_165 : i32 to vector<16xi32>
      %mul3A_167 = arith.muli %iota3A_164, %mul3A_166 : vector<16xi32>
      %add3A_168 = arith.constant 4 : i32
      %add3A_169 = arith.addi %mul3A_46, %add3A_168 : i32
      %add3A_170 = arith.constant 0 : i32
      %add3A_171 = arith.addi %add3A_169, %add3A_170 : i32
      %add3A_172 = vector.broadcast %add3A_171 : i32 to vector<16xi32>
      %add3A_173 = arith.addi %mul3A_167, %add3A_172 : vector<16xi32>
      %mul3A_174 = arith.constant 2048 : i32
      %mul3A_175 = arith.muli %select_n3A, %mul3A_174 : i32
      %add3A_176 = vector.broadcast %mul3A_175 : i32 to vector<16xi32>
      %add3A_177 = arith.addi %scan3A_162#1, %add3A_176 : vector<16xi32>
      tpu.vector_store_idx %arg8[%add3A_173], %add3A_177 : memref<1024xi32, #tpu.memory_space<vmem>>[vector<16xi32>], vector<16xi32>,
      %add3A_178 = arith.constant 4 : i32
      %add3A_179 = arith.addi %mul3A_46, %add3A_178 : i32
      %add3A_180 = arith.constant 1 : i32
      %add3A_181 = arith.addi %add3A_179, %add3A_180 : i32
      %add3A_182 = vector.broadcast %add3A_181 : i32 to vector<16xi32>
      %add3A_183 = arith.addi %mul3A_167, %add3A_182 : vector<16xi32>
      %mul3A_184 = arith.constant 2048 : i32
      %mul3A_185 = arith.muli %select_n3A, %mul3A_184 : i32
      %add3A_186 = vector.broadcast %mul3A_185 : i32 to vector<16xi32>
      %add3A_187 = arith.addi %scan3A_162#3, %add3A_186 : vector<16xi32>
      tpu.vector_store_idx %arg8[%add3A_183], %add3A_187 : memref<1024xi32, #tpu.memory_space<vmem>>[vector<16xi32>], vector<16xi32>,
      %add3A_188 = arith.constant 4 : i32
      %add3A_189 = arith.addi %mul3A_46, %add3A_188 : i32
      %add3A_190 = arith.constant 2 : i32
      %add3A_191 = arith.addi %add3A_189, %add3A_190 : i32
      %add3A_192 = vector.broadcast %add3A_191 : i32 to vector<16xi32>
      %add3A_193 = arith.addi %mul3A_167, %add3A_192 : vector<16xi32>
      %mul3A_194 = arith.constant 2048 : i32
      %mul3A_195 = arith.muli %select_n3A, %mul3A_194 : i32
      %add3A_196 = vector.broadcast %mul3A_195 : i32 to vector<16xi32>
      %add3A_197 = arith.addi %scan3A_162#5, %add3A_196 : vector<16xi32>
      tpu.vector_store_idx %arg8[%add3A_193], %add3A_197 : memref<1024xi32, #tpu.memory_space<vmem>>[vector<16xi32>], vector<16xi32>,
      %add3A_198 = arith.constant 4 : i32
      %add3A_199 = arith.addi %mul3A_46, %add3A_198 : i32
      %add3A_200 = arith.constant 3 : i32
      %add3A_201 = arith.addi %add3A_199, %add3A_200 : i32
      %add3A_202 = vector.broadcast %add3A_201 : i32 to vector<16xi32>
      %add3A_203 = arith.addi %mul3A_167, %add3A_202 : vector<16xi32>
      %mul3A_204 = arith.constant 2048 : i32
      %mul3A_205 = arith.muli %select_n3A, %mul3A_204 : i32
      %add3A_206 = vector.broadcast %mul3A_205 : i32 to vector<16xi32>
      %add3A_207 = arith.addi %scan3A_162#7, %add3A_206 : vector<16xi32>
      tpu.vector_store_idx %arg8[%add3A_203], %add3A_207 : memref<1024xi32, #tpu.memory_space<vmem>>[vector<16xi32>], vector<16xi32>,
      %slice3A_208 = vector.extract_strided_slice %get3A_47 {offsets = [8], sizes = [1], strides = [1]} : vector<16xf32> to vector<1xf32>
      %squeeze3A_209 = vector.extract %slice3A_208[0] : f32 from vector<1xf32>
      %slice3A_210 = vector.extract_strided_slice %get3A_51 {offsets = [8], sizes = [1], strides = [1]} : vector<16xf32> to vector<1xf32>
      %squeeze3A_211 = vector.extract %slice3A_210[0] : f32 from vector<1xf32>
      %slice3A_212 = vector.extract_strided_slice %get3A_55 {offsets = [8], sizes = [1], strides = [1]} : vector<16xf32> to vector<1xf32>
      %squeeze3A_213 = vector.extract %slice3A_212[0] : f32 from vector<1xf32>
      %slice3A_214 = vector.extract_strided_slice %get3A_47 {offsets = [9], sizes = [1], strides = [1]} : vector<16xf32> to vector<1xf32>
      %squeeze3A_215 = vector.extract %slice3A_214[0] : f32 from vector<1xf32>
      %slice3A_216 = vector.extract_strided_slice %get3A_51 {offsets = [9], sizes = [1], strides = [1]} : vector<16xf32> to vector<1xf32>
      %squeeze3A_217 = vector.extract %slice3A_216[0] : f32 from vector<1xf32>
      %slice3A_218 = vector.extract_strided_slice %get3A_55 {offsets = [9], sizes = [1], strides = [1]} : vector<16xf32> to vector<1xf32>
      %squeeze3A_219 = vector.extract %slice3A_218[0] : f32 from vector<1xf32>
      %slice3A_220 = vector.extract_strided_slice %get3A_47 {offsets = [10], sizes = [1], strides = [1]} : vector<16xf32> to vector<1xf32>
      %squeeze3A_221 = vector.extract %slice3A_220[0] : f32 from vector<1xf32>
      %slice3A_222 = vector.extract_strided_slice %get3A_51 {offsets = [10], sizes = [1], strides = [1]} : vector<16xf32> to vector<1xf32>
      %squeeze3A_223 = vector.extract %slice3A_222[0] : f32 from vector<1xf32>
      %slice3A_224 = vector.extract_strided_slice %get3A_55 {offsets = [10], sizes = [1], strides = [1]} : vector<16xf32> to vector<1xf32>
      %squeeze3A_225 = vector.extract %slice3A_224[0] : f32 from vector<1xf32>
      %slice3A_226 = vector.extract_strided_slice %get3A_47 {offsets = [11], sizes = [1], strides = [1]} : vector<16xf32> to vector<1xf32>
      %squeeze3A_227 = vector.extract %slice3A_226[0] : f32 from vector<1xf32>
      %slice3A_228 = vector.extract_strided_slice %get3A_51 {offsets = [11], sizes = [1], strides = [1]} : vector<16xf32> to vector<1xf32>
      %squeeze3A_229 = vector.extract %slice3A_228[0] : f32 from vector<1xf32>
      %slice3A_230 = vector.extract_strided_slice %get3A_55 {offsets = [11], sizes = [1], strides = [1]} : vector<16xf32> to vector<1xf32>
      %squeeze3A_231 = vector.extract %slice3A_230[0] : f32 from vector<1xf32>
      %broadcast_in_dim3A_232 = arith.constant 0x7F800000 : f32
      %broadcast_in_dim3A_233 = vector.broadcast %broadcast_in_dim3A_232 : f32 to vector<16xf32>
      %broadcast_in_dim3A_234 = arith.constant 0 : i32
      %broadcast_in_dim3A_235 = vector.broadcast %broadcast_in_dim3A_234 : i32 to vector<16xi32>
      %scan3A_236 = arith.constant 0 : i32
      %scan3A_237 = arith.constant 128 : i32
      %scan3A_238 = arith.addi %scan3A_236, %scan3A_237 : i32
      %scan3A_239 = arith.constant 2 : i32
      %scan3A_240:8 = scf.for %scan3A_365 = %scan3A_236 to %scan3A_238 step %scan3A_239 iter_args(%scan3A_366 = %broadcast_in_dim3A_233, %scan3A_367 = %broadcast_in_dim3A_235, %scan3A_368 = %broadcast_in_dim3A_233, %scan3A_369 = %broadcast_in_dim3A_235, %scan3A_370 = %broadcast_in_dim3A_233, %scan3A_371 = %broadcast_in_dim3A_235, %scan3A_372 = %broadcast_in_dim3A_233, %scan3A_373 = %broadcast_in_dim3A_235) -> (vector<16xf32>, vector<16xi32>, vector<16xf32>, vector<16xi32>, vector<16xf32>, vector<16xi32>, vector<16xf32>, vector<16xi32>)  : i32 {
        %mul3A_374 = arith.constant 16 : i32
        %mul3A_375 = arith.muli %scan3A_365, %mul3A_374 : i32
        %get3A_376 = arith.index_cast %mul3A_375 : i32 to index
        %get3A_377 = tpu.vector_load %arg6[%get3A_376] {strides = array<i32>} : memref<6144xf32, #tpu.memory_space<vmem>>, vector<16xf32>,
        %add3A_378 = arith.constant 2048 : i32
        %add3A_379 = arith.addi %add3A_378, %mul3A_375 : i32
        %get3A_380 = arith.index_cast %add3A_379 : i32 to index
        %get3A_381 = tpu.vector_load %arg6[%get3A_380] {strides = array<i32>} : memref<6144xf32, #tpu.memory_space<vmem>>, vector<16xf32>,
        %add3A_382 = arith.constant 4096 : i32
        %add3A_383 = arith.addi %add3A_382, %mul3A_375 : i32
        %get3A_384 = arith.index_cast %add3A_383 : i32 to index
        %get3A_385 = tpu.vector_load %arg6[%get3A_384] {strides = array<i32>} : memref<6144xf32, #tpu.memory_space<vmem>>, vector<16xf32>,
        %iota3A_386 = tpu.iota {dimensions = array<i32: 0>} : vector<16xi32>
        %add3A_387 = vector.broadcast %mul3A_375 : i32 to vector<16xi32>
        %add3A_388 = arith.addi %add3A_387, %iota3A_386 : vector<16xi32>
        %sub3A_389 = vector.broadcast %squeeze3A_209 : f32 to vector<16xf32>
        %sub3A_390 = arith.subf %get3A_377, %sub3A_389 : vector<16xf32>
        %sub3A_391 = vector.broadcast %squeeze3A_211 : f32 to vector<16xf32>
        %sub3A_392 = arith.subf %get3A_381, %sub3A_391 : vector<16xf32>
        %sub3A_393 = vector.broadcast %squeeze3A_213 : f32 to vector<16xf32>
        %sub3A_394 = arith.subf %get3A_385, %sub3A_393 : vector<16xf32>
        %mul3A_395 = arith.mulf %sub3A_390, %sub3A_390 : vector<16xf32>
        %mul3A_396 = arith.mulf %sub3A_392, %sub3A_392 : vector<16xf32>
        %add3A_397 = arith.addf %mul3A_395, %mul3A_396 : vector<16xf32>
        %mul3A_398 = arith.mulf %sub3A_394, %sub3A_394 : vector<16xf32>
        %add3A_399 = arith.addf %add3A_397, %mul3A_398 : vector<16xf32>
        %masked_sort3A = arith.constant dense<true> : vector<16xi1>
        %masked_sort3A_400, %masked_sort3A_401, %masked_sort3A_402 = tpu.sort %add3A_399, %add3A_388 masked %masked_sort3A {descending = true} : (vector<16xf32>, vector<16xi32>, vector<16xi1>) -> (vector<16xi1>, vector<16xf32>, vector<16xi32>)
        %lt3A = arith.cmpf olt, %masked_sort3A_401, %scan3A_366 : vector<16xf32>
        %select_n3A_403 = arith.select %lt3A, %masked_sort3A_401, %scan3A_366 : vector<16xi1>, vector<16xf32>
        %select_n3A_404 = arith.select %lt3A, %masked_sort3A_402, %scan3A_367 : vector<16xi1>, vector<16xi32>
        %masked_sort3A_405 = arith.constant dense<true> : vector<16xi1>
        %masked_sort3A_406, %masked_sort3A_407, %masked_sort3A_408 = tpu.sort %select_n3A_403, %select_n3A_404 masked %masked_sort3A_405 : (vector<16xf32>, vector<16xi32>, vector<16xi1>) -> (vector<16xi1>, vector<16xf32>, vector<16xi32>)
        %sub3A_409 = vector.broadcast %squeeze3A_215 : f32 to vector<16xf32>
        %sub3A_410 = arith.subf %get3A_377, %sub3A_409 : vector<16xf32>
        %sub3A_411 = vector.broadcast %squeeze3A_217 : f32 to vector<16xf32>
        %sub3A_412 = arith.subf %get3A_381, %sub3A_411 : vector<16xf32>
        %sub3A_413 = vector.broadcast %squeeze3A_219 : f32 to vector<16xf32>
        %sub3A_414 = arith.subf %get3A_385, %sub3A_413 : vector<16xf32>
        %mul3A_415 = arith.mulf %sub3A_410, %sub3A_410 : vector<16xf32>
        %mul3A_416 = arith.mulf %sub3A_412, %sub3A_412 : vector<16xf32>
        %add3A_417 = arith.addf %mul3A_415, %mul3A_416 : vector<16xf32>
        %mul3A_418 = arith.mulf %sub3A_414, %sub3A_414 : vector<16xf32>
        %add3A_419 = arith.addf %add3A_417, %mul3A_418 : vector<16xf32>
        %masked_sort3A_420 = arith.constant dense<true> : vector<16xi1>
        %masked_sort3A_421, %masked_sort3A_422, %masked_sort3A_423 = tpu.sort %add3A_419, %add3A_388 masked %masked_sort3A_420 {descending = true} : (vector<16xf32>, vector<16xi32>, vector<16xi1>) -> (vector<16xi1>, vector<16xf32>, vector<16xi32>)
        %lt3A_424 = arith.cmpf olt, %masked_sort3A_422, %scan3A_368 : vector<16xf32>
        %select_n3A_425 = arith.select %lt3A_424, %masked_sort3A_422, %scan3A_368 : vector<16xi1>, vector<16xf32>
        %select_n3A_426 = arith.select %lt3A_424, %masked_sort3A_423, %scan3A_369 : vector<16xi1>, vector<16xi32>
        %masked_sort3A_427 = arith.constant dense<true> : vector<16xi1>
        %masked_sort3A_428, %masked_sort3A_429, %masked_sort3A_430 = tpu.sort %select_n3A_425, %select_n3A_426 masked %masked_sort3A_427 : (vector<16xf32>, vector<16xi32>, vector<16xi1>) -> (vector<16xi1>, vector<16xf32>, vector<16xi32>)
        %sub3A_431 = vector.broadcast %squeeze3A_221 : f32 to vector<16xf32>
        %sub3A_432 = arith.subf %get3A_377, %sub3A_431 : vector<16xf32>
        %sub3A_433 = vector.broadcast %squeeze3A_223 : f32 to vector<16xf32>
        %sub3A_434 = arith.subf %get3A_381, %sub3A_433 : vector<16xf32>
        %sub3A_435 = vector.broadcast %squeeze3A_225 : f32 to vector<16xf32>
        %sub3A_436 = arith.subf %get3A_385, %sub3A_435 : vector<16xf32>
        %mul3A_437 = arith.mulf %sub3A_432, %sub3A_432 : vector<16xf32>
        %mul3A_438 = arith.mulf %sub3A_434, %sub3A_434 : vector<16xf32>
        %add3A_439 = arith.addf %mul3A_437, %mul3A_438 : vector<16xf32>
        %mul3A_440 = arith.mulf %sub3A_436, %sub3A_436 : vector<16xf32>
        %add3A_441 = arith.addf %add3A_439, %mul3A_440 : vector<16xf32>
        %masked_sort3A_442 = arith.constant dense<true> : vector<16xi1>
        %masked_sort3A_443, %masked_sort3A_444, %masked_sort3A_445 = tpu.sort %add3A_441, %add3A_388 masked %masked_sort3A_442 {descending = true} : (vector<16xf32>, vector<16xi32>, vector<16xi1>) -> (vector<16xi1>, vector<16xf32>, vector<16xi32>)
        %lt3A_446 = arith.cmpf olt, %masked_sort3A_444, %scan3A_370 : vector<16xf32>
        %select_n3A_447 = arith.select %lt3A_446, %masked_sort3A_444, %scan3A_370 : vector<16xi1>, vector<16xf32>
        %select_n3A_448 = arith.select %lt3A_446, %masked_sort3A_445, %scan3A_371 : vector<16xi1>, vector<16xi32>
        %masked_sort3A_449 = arith.constant dense<true> : vector<16xi1>
        %masked_sort3A_450, %masked_sort3A_451, %masked_sort3A_452 = tpu.sort %select_n3A_447, %select_n3A_448 masked %masked_sort3A_449 : (vector<16xf32>, vector<16xi32>, vector<16xi1>) -> (vector<16xi1>, vector<16xf32>, vector<16xi32>)
        %sub3A_453 = vector.broadcast %squeeze3A_227 : f32 to vector<16xf32>
        %sub3A_454 = arith.subf %get3A_377, %sub3A_453 : vector<16xf32>
        %sub3A_455 = vector.broadcast %squeeze3A_229 : f32 to vector<16xf32>
        %sub3A_456 = arith.subf %get3A_381, %sub3A_455 : vector<16xf32>
        %sub3A_457 = vector.broadcast %squeeze3A_231 : f32 to vector<16xf32>
        %sub3A_458 = arith.subf %get3A_385, %sub3A_457 : vector<16xf32>
        %mul3A_459 = arith.mulf %sub3A_454, %sub3A_454 : vector<16xf32>
        %mul3A_460 = arith.mulf %sub3A_456, %sub3A_456 : vector<16xf32>
        %add3A_461 = arith.addf %mul3A_459, %mul3A_460 : vector<16xf32>
        %mul3A_462 = arith.mulf %sub3A_458, %sub3A_458 : vector<16xf32>
        %add3A_463 = arith.addf %add3A_461, %mul3A_462 : vector<16xf32>
        %masked_sort3A_464 = arith.constant dense<true> : vector<16xi1>
        %masked_sort3A_465, %masked_sort3A_466, %masked_sort3A_467 = tpu.sort %add3A_463, %add3A_388 masked %masked_sort3A_464 {descending = true} : (vector<16xf32>, vector<16xi32>, vector<16xi1>) -> (vector<16xi1>, vector<16xf32>, vector<16xi32>)
        %lt3A_468 = arith.cmpf olt, %masked_sort3A_466, %scan3A_372 : vector<16xf32>
        %select_n3A_469 = arith.select %lt3A_468, %masked_sort3A_466, %scan3A_372 : vector<16xi1>, vector<16xf32>
        %select_n3A_470 = arith.select %lt3A_468, %masked_sort3A_467, %scan3A_373 : vector<16xi1>, vector<16xi32>
        %masked_sort3A_471 = arith.constant dense<true> : vector<16xi1>
        %masked_sort3A_472, %masked_sort3A_473, %masked_sort3A_474 = tpu.sort %select_n3A_469, %select_n3A_470 masked %masked_sort3A_471 : (vector<16xf32>, vector<16xi32>, vector<16xi1>) -> (vector<16xi1>, vector<16xf32>, vector<16xi32>)
        %scan3A_475 = arith.constant 1 : i32
        %scan3A_476 = arith.addi %scan3A_365, %scan3A_475 : i32
        %mul3A_477 = arith.constant 16 : i32
        %mul3A_478 = arith.muli %scan3A_476, %mul3A_477 : i32
        %get3A_479 = arith.index_cast %mul3A_478 : i32 to index
        %get3A_480 = tpu.vector_load %arg6[%get3A_479] {strides = array<i32>} : memref<6144xf32, #tpu.memory_space<vmem>>, vector<16xf32>,
        %add3A_481 = arith.constant 2048 : i32
        %add3A_482 = arith.addi %add3A_481, %mul3A_478 : i32
        %get3A_483 = arith.index_cast %add3A_482 : i32 to index
        %get3A_484 = tpu.vector_load %arg6[%get3A_483] {strides = array<i32>} : memref<6144xf32, #tpu.memory_space<vmem>>, vector<16xf32>,
        %add3A_485 = arith.constant 4096 : i32
        %add3A_486 = arith.addi %add3A_485, %mul3A_478 : i32
        %get3A_487 = arith.index_cast %add3A_486 : i32 to index
        %get3A_488 = tpu.vector_load %arg6[%get3A_487] {strides = array<i32>} : memref<6144xf32, #tpu.memory_space<vmem>>, vector<16xf32>,
        %iota3A_489 = tpu.iota {dimensions = array<i32: 0>} : vector<16xi32>
        %add3A_490 = vector.broadcast %mul3A_478 : i32 to vector<16xi32>
        %add3A_491 = arith.addi %add3A_490, %iota3A_489 : vector<16xi32>
        %sub3A_492 = vector.broadcast %squeeze3A_209 : f32 to vector<16xf32>
        %sub3A_493 = arith.subf %get3A_480, %sub3A_492 : vector<16xf32>
        %sub3A_494 = vector.broadcast %squeeze3A_211 : f32 to vector<16xf32>
        %sub3A_495 = arith.subf %get3A_484, %sub3A_494 : vector<16xf32>
        %sub3A_496 = vector.broadcast %squeeze3A_213 : f32 to vector<16xf32>
        %sub3A_497 = arith.subf %get3A_488, %sub3A_496 : vector<16xf32>
        %mul3A_498 = arith.mulf %sub3A_493, %sub3A_493 : vector<16xf32>
        %mul3A_499 = arith.mulf %sub3A_495, %sub3A_495 : vector<16xf32>
        %add3A_500 = arith.addf %mul3A_498, %mul3A_499 : vector<16xf32>
        %mul3A_501 = arith.mulf %sub3A_497, %sub3A_497 : vector<16xf32>
        %add3A_502 = arith.addf %add3A_500, %mul3A_501 : vector<16xf32>
        %masked_sort3A_503 = arith.constant dense<true> : vector<16xi1>
        %masked_sort3A_504, %masked_sort3A_505, %masked_sort3A_506 = tpu.sort %add3A_502, %add3A_491 masked %masked_sort3A_503 {descending = true} : (vector<16xf32>, vector<16xi32>, vector<16xi1>) -> (vector<16xi1>, vector<16xf32>, vector<16xi32>)
        %lt3A_507 = arith.cmpf olt, %masked_sort3A_505, %masked_sort3A_407 : vector<16xf32>
        %select_n3A_508 = arith.select %lt3A_507, %masked_sort3A_505, %masked_sort3A_407 : vector<16xi1>, vector<16xf32>
        %select_n3A_509 = arith.select %lt3A_507, %masked_sort3A_506, %masked_sort3A_408 : vector<16xi1>, vector<16xi32>
        %masked_sort3A_510 = arith.constant dense<true> : vector<16xi1>
        %masked_sort3A_511, %masked_sort3A_512, %masked_sort3A_513 = tpu.sort %select_n3A_508, %select_n3A_509 masked %masked_sort3A_510 : (vector<16xf32>, vector<16xi32>, vector<16xi1>) -> (vector<16xi1>, vector<16xf32>, vector<16xi32>)
        %sub3A_514 = vector.broadcast %squeeze3A_215 : f32 to vector<16xf32>
        %sub3A_515 = arith.subf %get3A_480, %sub3A_514 : vector<16xf32>
        %sub3A_516 = vector.broadcast %squeeze3A_217 : f32 to vector<16xf32>
        %sub3A_517 = arith.subf %get3A_484, %sub3A_516 : vector<16xf32>
        %sub3A_518 = vector.broadcast %squeeze3A_219 : f32 to vector<16xf32>
        %sub3A_519 = arith.subf %get3A_488, %sub3A_518 : vector<16xf32>
        %mul3A_520 = arith.mulf %sub3A_515, %sub3A_515 : vector<16xf32>
        %mul3A_521 = arith.mulf %sub3A_517, %sub3A_517 : vector<16xf32>
        %add3A_522 = arith.addf %mul3A_520, %mul3A_521 : vector<16xf32>
        %mul3A_523 = arith.mulf %sub3A_519, %sub3A_519 : vector<16xf32>
        %add3A_524 = arith.addf %add3A_522, %mul3A_523 : vector<16xf32>
        %masked_sort3A_525 = arith.constant dense<true> : vector<16xi1>
        %masked_sort3A_526, %masked_sort3A_527, %masked_sort3A_528 = tpu.sort %add3A_524, %add3A_491 masked %masked_sort3A_525 {descending = true} : (vector<16xf32>, vector<16xi32>, vector<16xi1>) -> (vector<16xi1>, vector<16xf32>, vector<16xi32>)
        %lt3A_529 = arith.cmpf olt, %masked_sort3A_527, %masked_sort3A_429 : vector<16xf32>
        %select_n3A_530 = arith.select %lt3A_529, %masked_sort3A_527, %masked_sort3A_429 : vector<16xi1>, vector<16xf32>
        %select_n3A_531 = arith.select %lt3A_529, %masked_sort3A_528, %masked_sort3A_430 : vector<16xi1>, vector<16xi32>
        %masked_sort3A_532 = arith.constant dense<true> : vector<16xi1>
        %masked_sort3A_533, %masked_sort3A_534, %masked_sort3A_535 = tpu.sort %select_n3A_530, %select_n3A_531 masked %masked_sort3A_532 : (vector<16xf32>, vector<16xi32>, vector<16xi1>) -> (vector<16xi1>, vector<16xf32>, vector<16xi32>)
        %sub3A_536 = vector.broadcast %squeeze3A_221 : f32 to vector<16xf32>
        %sub3A_537 = arith.subf %get3A_480, %sub3A_536 : vector<16xf32>
        %sub3A_538 = vector.broadcast %squeeze3A_223 : f32 to vector<16xf32>
        %sub3A_539 = arith.subf %get3A_484, %sub3A_538 : vector<16xf32>
        %sub3A_540 = vector.broadcast %squeeze3A_225 : f32 to vector<16xf32>
        %sub3A_541 = arith.subf %get3A_488, %sub3A_540 : vector<16xf32>
        %mul3A_542 = arith.mulf %sub3A_537, %sub3A_537 : vector<16xf32>
        %mul3A_543 = arith.mulf %sub3A_539, %sub3A_539 : vector<16xf32>
        %add3A_544 = arith.addf %mul3A_542, %mul3A_543 : vector<16xf32>
        %mul3A_545 = arith.mulf %sub3A_541, %sub3A_541 : vector<16xf32>
        %add3A_546 = arith.addf %add3A_544, %mul3A_545 : vector<16xf32>
        %masked_sort3A_547 = arith.constant dense<true> : vector<16xi1>
        %masked_sort3A_548, %masked_sort3A_549, %masked_sort3A_550 = tpu.sort %add3A_546, %add3A_491 masked %masked_sort3A_547 {descending = true} : (vector<16xf32>, vector<16xi32>, vector<16xi1>) -> (vector<16xi1>, vector<16xf32>, vector<16xi32>)
        %lt3A_551 = arith.cmpf olt, %masked_sort3A_549, %masked_sort3A_451 : vector<16xf32>
        %select_n3A_552 = arith.select %lt3A_551, %masked_sort3A_549, %masked_sort3A_451 : vector<16xi1>, vector<16xf32>
        %select_n3A_553 = arith.select %lt3A_551, %masked_sort3A_550, %masked_sort3A_452 : vector<16xi1>, vector<16xi32>
        %masked_sort3A_554 = arith.constant dense<true> : vector<16xi1>
        %masked_sort3A_555, %masked_sort3A_556, %masked_sort3A_557 = tpu.sort %select_n3A_552, %select_n3A_553 masked %masked_sort3A_554 : (vector<16xf32>, vector<16xi32>, vector<16xi1>) -> (vector<16xi1>, vector<16xf32>, vector<16xi32>)
        %sub3A_558 = vector.broadcast %squeeze3A_227 : f32 to vector<16xf32>
        %sub3A_559 = arith.subf %get3A_480, %sub3A_558 : vector<16xf32>
        %sub3A_560 = vector.broadcast %squeeze3A_229 : f32 to vector<16xf32>
        %sub3A_561 = arith.subf %get3A_484, %sub3A_560 : vector<16xf32>
        %sub3A_562 = vector.broadcast %squeeze3A_231 : f32 to vector<16xf32>
        %sub3A_563 = arith.subf %get3A_488, %sub3A_562 : vector<16xf32>
        %mul3A_564 = arith.mulf %sub3A_559, %sub3A_559 : vector<16xf32>
        %mul3A_565 = arith.mulf %sub3A_561, %sub3A_561 : vector<16xf32>
        %add3A_566 = arith.addf %mul3A_564, %mul3A_565 : vector<16xf32>
        %mul3A_567 = arith.mulf %sub3A_563, %sub3A_563 : vector<16xf32>
        %add3A_568 = arith.addf %add3A_566, %mul3A_567 : vector<16xf32>
        %masked_sort3A_569 = arith.constant dense<true> : vector<16xi1>
        %masked_sort3A_570, %masked_sort3A_571, %masked_sort3A_572 = tpu.sort %add3A_568, %add3A_491 masked %masked_sort3A_569 {descending = true} : (vector<16xf32>, vector<16xi32>, vector<16xi1>) -> (vector<16xi1>, vector<16xf32>, vector<16xi32>)
        %lt3A_573 = arith.cmpf olt, %masked_sort3A_571, %masked_sort3A_473 : vector<16xf32>
        %select_n3A_574 = arith.select %lt3A_573, %masked_sort3A_571, %masked_sort3A_473 : vector<16xi1>, vector<16xf32>
        %select_n3A_575 = arith.select %lt3A_573, %masked_sort3A_572, %masked_sort3A_474 : vector<16xi1>, vector<16xi32>
        %masked_sort3A_576 = arith.constant dense<true> : vector<16xi1>
        %masked_sort3A_577, %masked_sort3A_578, %masked_sort3A_579 = tpu.sort %select_n3A_574, %select_n3A_575 masked %masked_sort3A_576 : (vector<16xf32>, vector<16xi32>, vector<16xi1>) -> (vector<16xi1>, vector<16xf32>, vector<16xi32>)
        scf.yield %masked_sort3A_512, %masked_sort3A_513, %masked_sort3A_534, %masked_sort3A_535, %masked_sort3A_556, %masked_sort3A_557, %masked_sort3A_578, %masked_sort3A_579 : vector<16xf32>, vector<16xi32>, vector<16xf32>, vector<16xi32>, vector<16xf32>, vector<16xi32>, vector<16xf32>, vector<16xi32>
      }
      %scan3A_241 = arith.constant 128 : i32
      %iota3A_242 = tpu.iota {dimensions = array<i32: 0>} : vector<16xi32>
      %mul3A_243 = arith.constant 64 : i32
      %mul3A_244 = vector.broadcast %mul3A_243 : i32 to vector<16xi32>
      %mul3A_245 = arith.muli %iota3A_242, %mul3A_244 : vector<16xi32>
      %add3A_246 = arith.constant 8 : i32
      %add3A_247 = arith.addi %mul3A_46, %add3A_246 : i32
      %add3A_248 = arith.constant 0 : i32
      %add3A_249 = arith.addi %add3A_247, %add3A_248 : i32
      %add3A_250 = vector.broadcast %add3A_249 : i32 to vector<16xi32>
      %add3A_251 = arith.addi %mul3A_245, %add3A_250 : vector<16xi32>
      %mul3A_252 = arith.constant 2048 : i32
      %mul3A_253 = arith.muli %select_n3A, %mul3A_252 : i32
      %add3A_254 = vector.broadcast %mul3A_253 : i32 to vector<16xi32>
      %add3A_255 = arith.addi %scan3A_240#1, %add3A_254 : vector<16xi32>
      tpu.vector_store_idx %arg8[%add3A_251], %add3A_255 : memref<1024xi32, #tpu.memory_space<vmem>>[vector<16xi32>], vector<16xi32>,
      %add3A_256 = arith.constant 8 : i32
      %add3A_257 = arith.addi %mul3A_46, %add3A_256 : i32
      %add3A_258 = arith.constant 1 : i32
      %add3A_259 = arith.addi %add3A_257, %add3A_258 : i32
      %add3A_260 = vector.broadcast %add3A_259 : i32 to vector<16xi32>
      %add3A_261 = arith.addi %mul3A_245, %add3A_260 : vector<16xi32>
      %mul3A_262 = arith.constant 2048 : i32
      %mul3A_263 = arith.muli %select_n3A, %mul3A_262 : i32
      %add3A_264 = vector.broadcast %mul3A_263 : i32 to vector<16xi32>
      %add3A_265 = arith.addi %scan3A_240#3, %add3A_264 : vector<16xi32>
      tpu.vector_store_idx %arg8[%add3A_261], %add3A_265 : memref<1024xi32, #tpu.memory_space<vmem>>[vector<16xi32>], vector<16xi32>,
      %add3A_266 = arith.constant 8 : i32
      %add3A_267 = arith.addi %mul3A_46, %add3A_266 : i32
      %add3A_268 = arith.constant 2 : i32
      %add3A_269 = arith.addi %add3A_267, %add3A_268 : i32
      %add3A_270 = vector.broadcast %add3A_269 : i32 to vector<16xi32>
      %add3A_271 = arith.addi %mul3A_245, %add3A_270 : vector<16xi32>
      %mul3A_272 = arith.constant 2048 : i32
      %mul3A_273 = arith.muli %select_n3A, %mul3A_272 : i32
      %add3A_274 = vector.broadcast %mul3A_273 : i32 to vector<16xi32>
      %add3A_275 = arith.addi %scan3A_240#5, %add3A_274 : vector<16xi32>
      tpu.vector_store_idx %arg8[%add3A_271], %add3A_275 : memref<1024xi32, #tpu.memory_space<vmem>>[vector<16xi32>], vector<16xi32>,
      %add3A_276 = arith.constant 8 : i32
      %add3A_277 = arith.addi %mul3A_46, %add3A_276 : i32
      %add3A_278 = arith.constant 3 : i32
      %add3A_279 = arith.addi %add3A_277, %add3A_278 : i32
      %add3A_280 = vector.broadcast %add3A_279 : i32 to vector<16xi32>
      %add3A_281 = arith.addi %mul3A_245, %add3A_280 : vector<16xi32>
      %mul3A_282 = arith.constant 2048 : i32
      %mul3A_283 = arith.muli %select_n3A, %mul3A_282 : i32
      %add3A_284 = vector.broadcast %mul3A_283 : i32 to vector<16xi32>
      %add3A_285 = arith.addi %scan3A_240#7, %add3A_284 : vector<16xi32>
      tpu.vector_store_idx %arg8[%add3A_281], %add3A_285 : memref<1024xi32, #tpu.memory_space<vmem>>[vector<16xi32>], vector<16xi32>,
      %slice3A_286 = vector.extract_strided_slice %get3A_47 {offsets = [12], sizes = [1], strides = [1]} : vector<16xf32> to vector<1xf32>
      %squeeze3A_287 = vector.extract %slice3A_286[0] : f32 from vector<1xf32>
      %slice3A_288 = vector.extract_strided_slice %get3A_51 {offsets = [12], sizes = [1], strides = [1]} : vector<16xf32> to vector<1xf32>
      %squeeze3A_289 = vector.extract %slice3A_288[0] : f32 from vector<1xf32>
      %slice3A_290 = vector.extract_strided_slice %get3A_55 {offsets = [12], sizes = [1], strides = [1]} : vector<16xf32> to vector<1xf32>
      %squeeze3A_291 = vector.extract %slice3A_290[0] : f32 from vector<1xf32>
      %slice3A_292 = vector.extract_strided_slice %get3A_47 {offsets = [13], sizes = [1], strides = [1]} : vector<16xf32> to vector<1xf32>
      %squeeze3A_293 = vector.extract %slice3A_292[0] : f32 from vector<1xf32>
      %slice3A_294 = vector.extract_strided_slice %get3A_51 {offsets = [13], sizes = [1], strides = [1]} : vector<16xf32> to vector<1xf32>
      %squeeze3A_295 = vector.extract %slice3A_294[0] : f32 from vector<1xf32>
      %slice3A_296 = vector.extract_strided_slice %get3A_55 {offsets = [13], sizes = [1], strides = [1]} : vector<16xf32> to vector<1xf32>
      %squeeze3A_297 = vector.extract %slice3A_296[0] : f32 from vector<1xf32>
      %slice3A_298 = vector.extract_strided_slice %get3A_47 {offsets = [14], sizes = [1], strides = [1]} : vector<16xf32> to vector<1xf32>
      %squeeze3A_299 = vector.extract %slice3A_298[0] : f32 from vector<1xf32>
      %slice3A_300 = vector.extract_strided_slice %get3A_51 {offsets = [14], sizes = [1], strides = [1]} : vector<16xf32> to vector<1xf32>
      %squeeze3A_301 = vector.extract %slice3A_300[0] : f32 from vector<1xf32>
      %slice3A_302 = vector.extract_strided_slice %get3A_55 {offsets = [14], sizes = [1], strides = [1]} : vector<16xf32> to vector<1xf32>
      %squeeze3A_303 = vector.extract %slice3A_302[0] : f32 from vector<1xf32>
      %slice3A_304 = vector.extract_strided_slice %get3A_47 {offsets = [15], sizes = [1], strides = [1]} : vector<16xf32> to vector<1xf32>
      %squeeze3A_305 = vector.extract %slice3A_304[0] : f32 from vector<1xf32>
      %slice3A_306 = vector.extract_strided_slice %get3A_51 {offsets = [15], sizes = [1], strides = [1]} : vector<16xf32> to vector<1xf32>
      %squeeze3A_307 = vector.extract %slice3A_306[0] : f32 from vector<1xf32>
      %slice3A_308 = vector.extract_strided_slice %get3A_55 {offsets = [15], sizes = [1], strides = [1]} : vector<16xf32> to vector<1xf32>
      %squeeze3A_309 = vector.extract %slice3A_308[0] : f32 from vector<1xf32>
      %broadcast_in_dim3A_310 = arith.constant 0x7F800000 : f32
      %broadcast_in_dim3A_311 = vector.broadcast %broadcast_in_dim3A_310 : f32 to vector<16xf32>
      %broadcast_in_dim3A_312 = arith.constant 0 : i32
      %broadcast_in_dim3A_313 = vector.broadcast %broadcast_in_dim3A_312 : i32 to vector<16xi32>
      %scan3A_314 = arith.constant 0 : i32
      %scan3A_315 = arith.constant 128 : i32
      %scan3A_316 = arith.addi %scan3A_314, %scan3A_315 : i32
      %scan3A_317 = arith.constant 2 : i32
      %scan3A_318:8 = scf.for %scan3A_365 = %scan3A_314 to %scan3A_316 step %scan3A_317 iter_args(%scan3A_366 = %broadcast_in_dim3A_311, %scan3A_367 = %broadcast_in_dim3A_313, %scan3A_368 = %broadcast_in_dim3A_311, %scan3A_369 = %broadcast_in_dim3A_313, %scan3A_370 = %broadcast_in_dim3A_311, %scan3A_371 = %broadcast_in_dim3A_313, %scan3A_372 = %broadcast_in_dim3A_311, %scan3A_373 = %broadcast_in_dim3A_313) -> (vector<16xf32>, vector<16xi32>, vector<16xf32>, vector<16xi32>, vector<16xf32>, vector<16xi32>, vector<16xf32>, vector<16xi32>)  : i32 {
        %mul3A_374 = arith.constant 16 : i32
        %mul3A_375 = arith.muli %scan3A_365, %mul3A_374 : i32
        %get3A_376 = arith.index_cast %mul3A_375 : i32 to index
        %get3A_377 = tpu.vector_load %arg6[%get3A_376] {strides = array<i32>} : memref<6144xf32, #tpu.memory_space<vmem>>, vector<16xf32>,
        %add3A_378 = arith.constant 2048 : i32
        %add3A_379 = arith.addi %add3A_378, %mul3A_375 : i32
        %get3A_380 = arith.index_cast %add3A_379 : i32 to index
        %get3A_381 = tpu.vector_load %arg6[%get3A_380] {strides = array<i32>} : memref<6144xf32, #tpu.memory_space<vmem>>, vector<16xf32>,
        %add3A_382 = arith.constant 4096 : i32
        %add3A_383 = arith.addi %add3A_382, %mul3A_375 : i32
        %get3A_384 = arith.index_cast %add3A_383 : i32 to index
        %get3A_385 = tpu.vector_load %arg6[%get3A_384] {strides = array<i32>} : memref<6144xf32, #tpu.memory_space<vmem>>, vector<16xf32>,
        %iota3A_386 = tpu.iota {dimensions = array<i32: 0>} : vector<16xi32>
        %add3A_387 = vector.broadcast %mul3A_375 : i32 to vector<16xi32>
        %add3A_388 = arith.addi %add3A_387, %iota3A_386 : vector<16xi32>
        %sub3A_389 = vector.broadcast %squeeze3A_287 : f32 to vector<16xf32>
        %sub3A_390 = arith.subf %get3A_377, %sub3A_389 : vector<16xf32>
        %sub3A_391 = vector.broadcast %squeeze3A_289 : f32 to vector<16xf32>
        %sub3A_392 = arith.subf %get3A_381, %sub3A_391 : vector<16xf32>
        %sub3A_393 = vector.broadcast %squeeze3A_291 : f32 to vector<16xf32>
        %sub3A_394 = arith.subf %get3A_385, %sub3A_393 : vector<16xf32>
        %mul3A_395 = arith.mulf %sub3A_390, %sub3A_390 : vector<16xf32>
        %mul3A_396 = arith.mulf %sub3A_392, %sub3A_392 : vector<16xf32>
        %add3A_397 = arith.addf %mul3A_395, %mul3A_396 : vector<16xf32>
        %mul3A_398 = arith.mulf %sub3A_394, %sub3A_394 : vector<16xf32>
        %add3A_399 = arith.addf %add3A_397, %mul3A_398 : vector<16xf32>
        %masked_sort3A = arith.constant dense<true> : vector<16xi1>
        %masked_sort3A_400, %masked_sort3A_401, %masked_sort3A_402 = tpu.sort %add3A_399, %add3A_388 masked %masked_sort3A {descending = true} : (vector<16xf32>, vector<16xi32>, vector<16xi1>) -> (vector<16xi1>, vector<16xf32>, vector<16xi32>)
        %lt3A = arith.cmpf olt, %masked_sort3A_401, %scan3A_366 : vector<16xf32>
        %select_n3A_403 = arith.select %lt3A, %masked_sort3A_401, %scan3A_366 : vector<16xi1>, vector<16xf32>
        %select_n3A_404 = arith.select %lt3A, %masked_sort3A_402, %scan3A_367 : vector<16xi1>, vector<16xi32>
        %masked_sort3A_405 = arith.constant dense<true> : vector<16xi1>
        %masked_sort3A_406, %masked_sort3A_407, %masked_sort3A_408 = tpu.sort %select_n3A_403, %select_n3A_404 masked %masked_sort3A_405 : (vector<16xf32>, vector<16xi32>, vector<16xi1>) -> (vector<16xi1>, vector<16xf32>, vector<16xi32>)
        %sub3A_409 = vector.broadcast %squeeze3A_293 : f32 to vector<16xf32>
        %sub3A_410 = arith.subf %get3A_377, %sub3A_409 : vector<16xf32>
        %sub3A_411 = vector.broadcast %squeeze3A_295 : f32 to vector<16xf32>
        %sub3A_412 = arith.subf %get3A_381, %sub3A_411 : vector<16xf32>
        %sub3A_413 = vector.broadcast %squeeze3A_297 : f32 to vector<16xf32>
        %sub3A_414 = arith.subf %get3A_385, %sub3A_413 : vector<16xf32>
        %mul3A_415 = arith.mulf %sub3A_410, %sub3A_410 : vector<16xf32>
        %mul3A_416 = arith.mulf %sub3A_412, %sub3A_412 : vector<16xf32>
        %add3A_417 = arith.addf %mul3A_415, %mul3A_416 : vector<16xf32>
        %mul3A_418 = arith.mulf %sub3A_414, %sub3A_414 : vector<16xf32>
        %add3A_419 = arith.addf %add3A_417, %mul3A_418 : vector<16xf32>
        %masked_sort3A_420 = arith.constant dense<true> : vector<16xi1>
        %masked_sort3A_421, %masked_sort3A_422, %masked_sort3A_423 = tpu.sort %add3A_419, %add3A_388 masked %masked_sort3A_420 {descending = true} : (vector<16xf32>, vector<16xi32>, vector<16xi1>) -> (vector<16xi1>, vector<16xf32>, vector<16xi32>)
        %lt3A_424 = arith.cmpf olt, %masked_sort3A_422, %scan3A_368 : vector<16xf32>
        %select_n3A_425 = arith.select %lt3A_424, %masked_sort3A_422, %scan3A_368 : vector<16xi1>, vector<16xf32>
        %select_n3A_426 = arith.select %lt3A_424, %masked_sort3A_423, %scan3A_369 : vector<16xi1>, vector<16xi32>
        %masked_sort3A_427 = arith.constant dense<true> : vector<16xi1>
        %masked_sort3A_428, %masked_sort3A_429, %masked_sort3A_430 = tpu.sort %select_n3A_425, %select_n3A_426 masked %masked_sort3A_427 : (vector<16xf32>, vector<16xi32>, vector<16xi1>) -> (vector<16xi1>, vector<16xf32>, vector<16xi32>)
        %sub3A_431 = vector.broadcast %squeeze3A_299 : f32 to vector<16xf32>
        %sub3A_432 = arith.subf %get3A_377, %sub3A_431 : vector<16xf32>
        %sub3A_433 = vector.broadcast %squeeze3A_301 : f32 to vector<16xf32>
        %sub3A_434 = arith.subf %get3A_381, %sub3A_433 : vector<16xf32>
        %sub3A_435 = vector.broadcast %squeeze3A_303 : f32 to vector<16xf32>
        %sub3A_436 = arith.subf %get3A_385, %sub3A_435 : vector<16xf32>
        %mul3A_437 = arith.mulf %sub3A_432, %sub3A_432 : vector<16xf32>
        %mul3A_438 = arith.mulf %sub3A_434, %sub3A_434 : vector<16xf32>
        %add3A_439 = arith.addf %mul3A_437, %mul3A_438 : vector<16xf32>
        %mul3A_440 = arith.mulf %sub3A_436, %sub3A_436 : vector<16xf32>
        %add3A_441 = arith.addf %add3A_439, %mul3A_440 : vector<16xf32>
        %masked_sort3A_442 = arith.constant dense<true> : vector<16xi1>
        %masked_sort3A_443, %masked_sort3A_444, %masked_sort3A_445 = tpu.sort %add3A_441, %add3A_388 masked %masked_sort3A_442 {descending = true} : (vector<16xf32>, vector<16xi32>, vector<16xi1>) -> (vector<16xi1>, vector<16xf32>, vector<16xi32>)
        %lt3A_446 = arith.cmpf olt, %masked_sort3A_444, %scan3A_370 : vector<16xf32>
        %select_n3A_447 = arith.select %lt3A_446, %masked_sort3A_444, %scan3A_370 : vector<16xi1>, vector<16xf32>
        %select_n3A_448 = arith.select %lt3A_446, %masked_sort3A_445, %scan3A_371 : vector<16xi1>, vector<16xi32>
        %masked_sort3A_449 = arith.constant dense<true> : vector<16xi1>
        %masked_sort3A_450, %masked_sort3A_451, %masked_sort3A_452 = tpu.sort %select_n3A_447, %select_n3A_448 masked %masked_sort3A_449 : (vector<16xf32>, vector<16xi32>, vector<16xi1>) -> (vector<16xi1>, vector<16xf32>, vector<16xi32>)
        %sub3A_453 = vector.broadcast %squeeze3A_305 : f32 to vector<16xf32>
        %sub3A_454 = arith.subf %get3A_377, %sub3A_453 : vector<16xf32>
        %sub3A_455 = vector.broadcast %squeeze3A_307 : f32 to vector<16xf32>
        %sub3A_456 = arith.subf %get3A_381, %sub3A_455 : vector<16xf32>
        %sub3A_457 = vector.broadcast %squeeze3A_309 : f32 to vector<16xf32>
        %sub3A_458 = arith.subf %get3A_385, %sub3A_457 : vector<16xf32>
        %mul3A_459 = arith.mulf %sub3A_454, %sub3A_454 : vector<16xf32>
        %mul3A_460 = arith.mulf %sub3A_456, %sub3A_456 : vector<16xf32>
        %add3A_461 = arith.addf %mul3A_459, %mul3A_460 : vector<16xf32>
        %mul3A_462 = arith.mulf %sub3A_458, %sub3A_458 : vector<16xf32>
        %add3A_463 = arith.addf %add3A_461, %mul3A_462 : vector<16xf32>
        %masked_sort3A_464 = arith.constant dense<true> : vector<16xi1>
        %masked_sort3A_465, %masked_sort3A_466, %masked_sort3A_467 = tpu.sort %add3A_463, %add3A_388 masked %masked_sort3A_464 {descending = true} : (vector<16xf32>, vector<16xi32>, vector<16xi1>) -> (vector<16xi1>, vector<16xf32>, vector<16xi32>)
        %lt3A_468 = arith.cmpf olt, %masked_sort3A_466, %scan3A_372 : vector<16xf32>
        %select_n3A_469 = arith.select %lt3A_468, %masked_sort3A_466, %scan3A_372 : vector<16xi1>, vector<16xf32>
        %select_n3A_470 = arith.select %lt3A_468, %masked_sort3A_467, %scan3A_373 : vector<16xi1>, vector<16xi32>
        %masked_sort3A_471 = arith.constant dense<true> : vector<16xi1>
        %masked_sort3A_472, %masked_sort3A_473, %masked_sort3A_474 = tpu.sort %select_n3A_469, %select_n3A_470 masked %masked_sort3A_471 : (vector<16xf32>, vector<16xi32>, vector<16xi1>) -> (vector<16xi1>, vector<16xf32>, vector<16xi32>)
        %scan3A_475 = arith.constant 1 : i32
        %scan3A_476 = arith.addi %scan3A_365, %scan3A_475 : i32
        %mul3A_477 = arith.constant 16 : i32
        %mul3A_478 = arith.muli %scan3A_476, %mul3A_477 : i32
        %get3A_479 = arith.index_cast %mul3A_478 : i32 to index
        %get3A_480 = tpu.vector_load %arg6[%get3A_479] {strides = array<i32>} : memref<6144xf32, #tpu.memory_space<vmem>>, vector<16xf32>,
        %add3A_481 = arith.constant 2048 : i32
        %add3A_482 = arith.addi %add3A_481, %mul3A_478 : i32
        %get3A_483 = arith.index_cast %add3A_482 : i32 to index
        %get3A_484 = tpu.vector_load %arg6[%get3A_483] {strides = array<i32>} : memref<6144xf32, #tpu.memory_space<vmem>>, vector<16xf32>,
        %add3A_485 = arith.constant 4096 : i32
        %add3A_486 = arith.addi %add3A_485, %mul3A_478 : i32
        %get3A_487 = arith.index_cast %add3A_486 : i32 to index
        %get3A_488 = tpu.vector_load %arg6[%get3A_487] {strides = array<i32>} : memref<6144xf32, #tpu.memory_space<vmem>>, vector<16xf32>,
        %iota3A_489 = tpu.iota {dimensions = array<i32: 0>} : vector<16xi32>
        %add3A_490 = vector.broadcast %mul3A_478 : i32 to vector<16xi32>
        %add3A_491 = arith.addi %add3A_490, %iota3A_489 : vector<16xi32>
        %sub3A_492 = vector.broadcast %squeeze3A_287 : f32 to vector<16xf32>
        %sub3A_493 = arith.subf %get3A_480, %sub3A_492 : vector<16xf32>
        %sub3A_494 = vector.broadcast %squeeze3A_289 : f32 to vector<16xf32>
        %sub3A_495 = arith.subf %get3A_484, %sub3A_494 : vector<16xf32>
        %sub3A_496 = vector.broadcast %squeeze3A_291 : f32 to vector<16xf32>
        %sub3A_497 = arith.subf %get3A_488, %sub3A_496 : vector<16xf32>
        %mul3A_498 = arith.mulf %sub3A_493, %sub3A_493 : vector<16xf32>
        %mul3A_499 = arith.mulf %sub3A_495, %sub3A_495 : vector<16xf32>
        %add3A_500 = arith.addf %mul3A_498, %mul3A_499 : vector<16xf32>
        %mul3A_501 = arith.mulf %sub3A_497, %sub3A_497 : vector<16xf32>
        %add3A_502 = arith.addf %add3A_500, %mul3A_501 : vector<16xf32>
        %masked_sort3A_503 = arith.constant dense<true> : vector<16xi1>
        %masked_sort3A_504, %masked_sort3A_505, %masked_sort3A_506 = tpu.sort %add3A_502, %add3A_491 masked %masked_sort3A_503 {descending = true} : (vector<16xf32>, vector<16xi32>, vector<16xi1>) -> (vector<16xi1>, vector<16xf32>, vector<16xi32>)
        %lt3A_507 = arith.cmpf olt, %masked_sort3A_505, %masked_sort3A_407 : vector<16xf32>
        %select_n3A_508 = arith.select %lt3A_507, %masked_sort3A_505, %masked_sort3A_407 : vector<16xi1>, vector<16xf32>
        %select_n3A_509 = arith.select %lt3A_507, %masked_sort3A_506, %masked_sort3A_408 : vector<16xi1>, vector<16xi32>
        %masked_sort3A_510 = arith.constant dense<true> : vector<16xi1>
        %masked_sort3A_511, %masked_sort3A_512, %masked_sort3A_513 = tpu.sort %select_n3A_508, %select_n3A_509 masked %masked_sort3A_510 : (vector<16xf32>, vector<16xi32>, vector<16xi1>) -> (vector<16xi1>, vector<16xf32>, vector<16xi32>)
        %sub3A_514 = vector.broadcast %squeeze3A_293 : f32 to vector<16xf32>
        %sub3A_515 = arith.subf %get3A_480, %sub3A_514 : vector<16xf32>
        %sub3A_516 = vector.broadcast %squeeze3A_295 : f32 to vector<16xf32>
        %sub3A_517 = arith.subf %get3A_484, %sub3A_516 : vector<16xf32>
        %sub3A_518 = vector.broadcast %squeeze3A_297 : f32 to vector<16xf32>
        %sub3A_519 = arith.subf %get3A_488, %sub3A_518 : vector<16xf32>
        %mul3A_520 = arith.mulf %sub3A_515, %sub3A_515 : vector<16xf32>
        %mul3A_521 = arith.mulf %sub3A_517, %sub3A_517 : vector<16xf32>
        %add3A_522 = arith.addf %mul3A_520, %mul3A_521 : vector<16xf32>
        %mul3A_523 = arith.mulf %sub3A_519, %sub3A_519 : vector<16xf32>
        %add3A_524 = arith.addf %add3A_522, %mul3A_523 : vector<16xf32>
        %masked_sort3A_525 = arith.constant dense<true> : vector<16xi1>
        %masked_sort3A_526, %masked_sort3A_527, %masked_sort3A_528 = tpu.sort %add3A_524, %add3A_491 masked %masked_sort3A_525 {descending = true} : (vector<16xf32>, vector<16xi32>, vector<16xi1>) -> (vector<16xi1>, vector<16xf32>, vector<16xi32>)
        %lt3A_529 = arith.cmpf olt, %masked_sort3A_527, %masked_sort3A_429 : vector<16xf32>
        %select_n3A_530 = arith.select %lt3A_529, %masked_sort3A_527, %masked_sort3A_429 : vector<16xi1>, vector<16xf32>
        %select_n3A_531 = arith.select %lt3A_529, %masked_sort3A_528, %masked_sort3A_430 : vector<16xi1>, vector<16xi32>
        %masked_sort3A_532 = arith.constant dense<true> : vector<16xi1>
        %masked_sort3A_533, %masked_sort3A_534, %masked_sort3A_535 = tpu.sort %select_n3A_530, %select_n3A_531 masked %masked_sort3A_532 : (vector<16xf32>, vector<16xi32>, vector<16xi1>) -> (vector<16xi1>, vector<16xf32>, vector<16xi32>)
        %sub3A_536 = vector.broadcast %squeeze3A_299 : f32 to vector<16xf32>
        %sub3A_537 = arith.subf %get3A_480, %sub3A_536 : vector<16xf32>
        %sub3A_538 = vector.broadcast %squeeze3A_301 : f32 to vector<16xf32>
        %sub3A_539 = arith.subf %get3A_484, %sub3A_538 : vector<16xf32>
        %sub3A_540 = vector.broadcast %squeeze3A_303 : f32 to vector<16xf32>
        %sub3A_541 = arith.subf %get3A_488, %sub3A_540 : vector<16xf32>
        %mul3A_542 = arith.mulf %sub3A_537, %sub3A_537 : vector<16xf32>
        %mul3A_543 = arith.mulf %sub3A_539, %sub3A_539 : vector<16xf32>
        %add3A_544 = arith.addf %mul3A_542, %mul3A_543 : vector<16xf32>
        %mul3A_545 = arith.mulf %sub3A_541, %sub3A_541 : vector<16xf32>
        %add3A_546 = arith.addf %add3A_544, %mul3A_545 : vector<16xf32>
        %masked_sort3A_547 = arith.constant dense<true> : vector<16xi1>
        %masked_sort3A_548, %masked_sort3A_549, %masked_sort3A_550 = tpu.sort %add3A_546, %add3A_491 masked %masked_sort3A_547 {descending = true} : (vector<16xf32>, vector<16xi32>, vector<16xi1>) -> (vector<16xi1>, vector<16xf32>, vector<16xi32>)
        %lt3A_551 = arith.cmpf olt, %masked_sort3A_549, %masked_sort3A_451 : vector<16xf32>
        %select_n3A_552 = arith.select %lt3A_551, %masked_sort3A_549, %masked_sort3A_451 : vector<16xi1>, vector<16xf32>
        %select_n3A_553 = arith.select %lt3A_551, %masked_sort3A_550, %masked_sort3A_452 : vector<16xi1>, vector<16xi32>
        %masked_sort3A_554 = arith.constant dense<true> : vector<16xi1>
        %masked_sort3A_555, %masked_sort3A_556, %masked_sort3A_557 = tpu.sort %select_n3A_552, %select_n3A_553 masked %masked_sort3A_554 : (vector<16xf32>, vector<16xi32>, vector<16xi1>) -> (vector<16xi1>, vector<16xf32>, vector<16xi32>)
        %sub3A_558 = vector.broadcast %squeeze3A_305 : f32 to vector<16xf32>
        %sub3A_559 = arith.subf %get3A_480, %sub3A_558 : vector<16xf32>
        %sub3A_560 = vector.broadcast %squeeze3A_307 : f32 to vector<16xf32>
        %sub3A_561 = arith.subf %get3A_484, %sub3A_560 : vector<16xf32>
        %sub3A_562 = vector.broadcast %squeeze3A_309 : f32 to vector<16xf32>
        %sub3A_563 = arith.subf %get3A_488, %sub3A_562 : vector<16xf32>
        %mul3A_564 = arith.mulf %sub3A_559, %sub3A_559 : vector<16xf32>
        %mul3A_565 = arith.mulf %sub3A_561, %sub3A_561 : vector<16xf32>
        %add3A_566 = arith.addf %mul3A_564, %mul3A_565 : vector<16xf32>
        %mul3A_567 = arith.mulf %sub3A_563, %sub3A_563 : vector<16xf32>
        %add3A_568 = arith.addf %add3A_566, %mul3A_567 : vector<16xf32>
        %masked_sort3A_569 = arith.constant dense<true> : vector<16xi1>
        %masked_sort3A_570, %masked_sort3A_571, %masked_sort3A_572 = tpu.sort %add3A_568, %add3A_491 masked %masked_sort3A_569 {descending = true} : (vector<16xf32>, vector<16xi32>, vector<16xi1>) -> (vector<16xi1>, vector<16xf32>, vector<16xi32>)
        %lt3A_573 = arith.cmpf olt, %masked_sort3A_571, %masked_sort3A_473 : vector<16xf32>
        %select_n3A_574 = arith.select %lt3A_573, %masked_sort3A_571, %masked_sort3A_473 : vector<16xi1>, vector<16xf32>
        %select_n3A_575 = arith.select %lt3A_573, %masked_sort3A_572, %masked_sort3A_474 : vector<16xi1>, vector<16xi32>
        %masked_sort3A_576 = arith.constant dense<true> : vector<16xi1>
        %masked_sort3A_577, %masked_sort3A_578, %masked_sort3A_579 = tpu.sort %select_n3A_574, %select_n3A_575 masked %masked_sort3A_576 : (vector<16xf32>, vector<16xi32>, vector<16xi1>) -> (vector<16xi1>, vector<16xf32>, vector<16xi32>)
        scf.yield %masked_sort3A_512, %masked_sort3A_513, %masked_sort3A_534, %masked_sort3A_535, %masked_sort3A_556, %masked_sort3A_557, %masked_sort3A_578, %masked_sort3A_579 : vector<16xf32>, vector<16xi32>, vector<16xf32>, vector<16xi32>, vector<16xf32>, vector<16xi32>, vector<16xf32>, vector<16xi32>
      }
      %scan3A_319 = arith.constant 128 : i32
      %iota3A_320 = tpu.iota {dimensions = array<i32: 0>} : vector<16xi32>
      %mul3A_321 = arith.constant 64 : i32
      %mul3A_322 = vector.broadcast %mul3A_321 : i32 to vector<16xi32>
      %mul3A_323 = arith.muli %iota3A_320, %mul3A_322 : vector<16xi32>
      %add3A_324 = arith.constant 12 : i32
      %add3A_325 = arith.addi %mul3A_46, %add3A_324 : i32
      %add3A_326 = arith.constant 0 : i32
      %add3A_327 = arith.addi %add3A_325, %add3A_326 : i32
      %add3A_328 = vector.broadcast %add3A_327 : i32 to vector<16xi32>
      %add3A_329 = arith.addi %mul3A_323, %add3A_328 : vector<16xi32>
      %mul3A_330 = arith.constant 2048 : i32
      %mul3A_331 = arith.muli %select_n3A, %mul3A_330 : i32
      %add3A_332 = vector.broadcast %mul3A_331 : i32 to vector<16xi32>
      %add3A_333 = arith.addi %scan3A_318#1, %add3A_332 : vector<16xi32>
      tpu.vector_store_idx %arg8[%add3A_329], %add3A_333 : memref<1024xi32, #tpu.memory_space<vmem>>[vector<16xi32>], vector<16xi32>,
      %add3A_334 = arith.constant 12 : i32
      %add3A_335 = arith.addi %mul3A_46, %add3A_334 : i32
      %add3A_336 = arith.constant 1 : i32
      %add3A_337 = arith.addi %add3A_335, %add3A_336 : i32
      %add3A_338 = vector.broadcast %add3A_337 : i32 to vector<16xi32>
      %add3A_339 = arith.addi %mul3A_323, %add3A_338 : vector<16xi32>
      %mul3A_340 = arith.constant 2048 : i32
      %mul3A_341 = arith.muli %select_n3A, %mul3A_340 : i32
      %add3A_342 = vector.broadcast %mul3A_341 : i32 to vector<16xi32>
      %add3A_343 = arith.addi %scan3A_318#3, %add3A_342 : vector<16xi32>
      tpu.vector_store_idx %arg8[%add3A_339], %add3A_343 : memref<1024xi32, #tpu.memory_space<vmem>>[vector<16xi32>], vector<16xi32>,
      %add3A_344 = arith.constant 12 : i32
      %add3A_345 = arith.addi %mul3A_46, %add3A_344 : i32
      %add3A_346 = arith.constant 2 : i32
      %add3A_347 = arith.addi %add3A_345, %add3A_346 : i32
      %add3A_348 = vector.broadcast %add3A_347 : i32 to vector<16xi32>
      %add3A_349 = arith.addi %mul3A_323, %add3A_348 : vector<16xi32>
      %mul3A_350 = arith.constant 2048 : i32
      %mul3A_351 = arith.muli %select_n3A, %mul3A_350 : i32
      %add3A_352 = vector.broadcast %mul3A_351 : i32 to vector<16xi32>
      %add3A_353 = arith.addi %scan3A_318#5, %add3A_352 : vector<16xi32>
      tpu.vector_store_idx %arg8[%add3A_349], %add3A_353 : memref<1024xi32, #tpu.memory_space<vmem>>[vector<16xi32>], vector<16xi32>,
      %add3A_354 = arith.constant 12 : i32
      %add3A_355 = arith.addi %mul3A_46, %add3A_354 : i32
      %add3A_356 = arith.constant 3 : i32
      %add3A_357 = arith.addi %add3A_355, %add3A_356 : i32
      %add3A_358 = vector.broadcast %add3A_357 : i32 to vector<16xi32>
      %add3A_359 = arith.addi %mul3A_323, %add3A_358 : vector<16xi32>
      %mul3A_360 = arith.constant 2048 : i32
      %mul3A_361 = arith.muli %select_n3A, %mul3A_360 : i32
      %add3A_362 = vector.broadcast %mul3A_361 : i32 to vector<16xi32>
      %add3A_363 = arith.addi %scan3A_318#7, %add3A_362 : vector<16xi32>
      tpu.vector_store_idx %arg8[%add3A_359], %add3A_363 : memref<1024xi32, #tpu.memory_space<vmem>>[vector<16xi32>], vector<16xi32>,
      %scan3A_364 = arith.constant 0 : i32
      scf.yield %scan3A_364 : i32
    }
    %scan3A_22 = arith.constant 4 : i32
    %dma_start3A = arith.constant 0 : i32
    %dma_start3A_23 = tpu.memref_slice %arg8[%dma_start3A] : memref<1024xi32, #tpu.memory_space<vmem>> -> memref<64xi32, #tpu.memory_space<vmem>>
    %dma_start3A_24 = arith.constant 0 : i32
    %dma_start3A_25 = arith.constant 0 : i32
    %dma_start3A_26 = tpu.memref_slice %arg4[%dma_start3A_24, %dma_start3A_25] : memref<4096x128xf32, #tpu.memory_space<hbm>> -> memref<4096x128xf32, #tpu.memory_space<hbm>>
    tpu.enqueue_indirect_dma source(%dma_start3A_26 : memref<4096x128xf32, #tpu.memory_space<hbm>>) target(%arg9 : memref<64x128xf32, #tpu.memory_space<vmem>>) offsets(%dma_start3A_23 : memref<64xi32, #tpu.memory_space<vmem>>) semaphore(%arg11 : memref<!tpu.dma_semaphore, #tpu.memory_space<semaphore_mem>>)
    %scan3A_27 = arith.constant 0 : i32
    %scan3A_28 = arith.constant 0 : i32
    %scan3A_29 = arith.constant 8 : i32
    %scan3A_30 = arith.addi %scan3A_28, %scan3A_29 : i32
    %scan3A_31 = arith.constant 1 : i32
    %scan3A_32 = scf.for %scan3A_43 = %scan3A_28 to %scan3A_30 step %scan3A_31 iter_args(%scan3A_44 = %scan3A_27) -> (i32)  : i32 {
      %mul3A_45 = arith.constant 2 : i32
      %mul3A_46 = arith.muli %mul3A_45, %scan3A_43 : i32
      %mul3A_47 = arith.constant 2 : i32
      %mul3A_48 = arith.muli %mul3A_47, %scan3A_43 : i32
      %add3A_49 = arith.constant 1 : i32
      %add3A_50 = arith.addi %mul3A_48, %add3A_49 : i32
      %mul3A_51 = arith.constant 2 : i32
      %mul3A_52 = arith.muli %mul3A_51, %scan3A_43 : i32
      %add3A_53 = arith.constant 2 : i32
      %add3A_54 = arith.addi %mul3A_52, %add3A_53 : i32
      %rem3A_55 = arith.constant 16 : i32
      %rem3A_56 = arith.remsi %add3A_54, %rem3A_55 : i32
      %mul3A_57 = arith.constant 64 : i32
      %mul3A_58 = arith.muli %add3A_50, %mul3A_57 : i32
      %dma_start3A_59 = tpu.memref_slice %arg8[%mul3A_58] : memref<1024xi32, #tpu.memory_space<vmem>> -> memref<64xi32, #tpu.memory_space<vmem>>
      %dma_start3A_60 = arith.constant 0 : i32
      %dma_start3A_61 = arith.constant 0 : i32
      %dma_start3A_62 = tpu.memref_slice %arg4[%dma_start3A_60, %dma_start3A_61] : memref<4096x128xf32, #tpu.memory_space<hbm>> -> memref<4096x128xf32, #tpu.memory_space<hbm>>
      tpu.enqueue_indirect_dma source(%dma_start3A_62 : memref<4096x128xf32, #tpu.memory_space<hbm>>) target(%arg10 : memref<64x128xf32, #tpu.memory_space<vmem>>) offsets(%dma_start3A_59 : memref<64xi32, #tpu.memory_space<vmem>>) semaphore(%arg12 : memref<!tpu.dma_semaphore, #tpu.memory_space<semaphore_mem>>)
      %dma_wait3A_63 = arith.constant 0 : i32
      %dma_wait3A_64 = arith.constant 0 : i32
      %dma_wait3A_65 = tpu.memref_slice %arg4[%dma_wait3A_63, %dma_wait3A_64] : memref<4096x128xf32, #tpu.memory_space<hbm>> -> memref<64x128xf32, #tpu.memory_space<hbm>>
      %dma_wait3A_66 = arith.constant 0 : i32
      %dma_wait3A_67 = arith.constant 0 : i32
      %dma_wait3A_68 = tpu.memref_slice %arg4[%dma_wait3A_66, %dma_wait3A_67] : memref<4096x128xf32, #tpu.memory_space<hbm>> -> memref<64x128xf32, #tpu.memory_space<hbm>>
      tpu.wait_dma2 semaphore(%arg11 : memref<!tpu.dma_semaphore, #tpu.memory_space<semaphore_mem>>) src(%dma_wait3A_68 : memref<64x128xf32, #tpu.memory_space<hbm>>) dst(%arg9 : memref<64x128xf32, #tpu.memory_space<vmem>>)
      %mul3A_69 = arith.constant 2048 : i32
      %mul3A_70 = arith.muli %mul3A_46, %mul3A_69 : i32
      %mul3A_71 = arith.constant 64 : i32
      %mul3A_72 = arith.muli %add3A, %mul3A_71 : i32
      %add3A_73 = arith.addi %mul3A_70, %mul3A_72 : i32
      "tpu.region"() ({
        %run_scoped3A = tpu.sem_alloc : memref<!tpu.dma_semaphore, #tpu.memory_space<semaphore_mem>>
        %dma_start3A_92 = arith.constant 0 : i32
        %dma_start3A_93 = tpu.memref_slice %arg5[%add3A_73, %dma_start3A_92] : memref<32768x128xf32, #tpu.memory_space<hbm>> -> memref<64x128xf32, #tpu.memory_space<hbm>>
        %dma_start3A_94 = arith.constant 0 : i32
        %dma_start3A_95 = tpu.memref_slice %arg5[%add3A_73, %dma_start3A_94] : memref<32768x128xf32, #tpu.memory_space<hbm>> -> memref<64x128xf32, #tpu.memory_space<hbm>>
        tpu.enqueue_dma source(%arg9 : memref<64x128xf32, #tpu.memory_space<vmem>>) target(%dma_start3A_95 : memref<64x128xf32, #tpu.memory_space<hbm>>) target_semaphore(%run_scoped3A : memref<!tpu.dma_semaphore, #tpu.memory_space<semaphore_mem>>)
        %dma_wait3A_96 = arith.constant 0 : i32
        %dma_wait3A_97 = tpu.memref_slice %arg5[%add3A_73, %dma_wait3A_96] : memref<32768x128xf32, #tpu.memory_space<hbm>> -> memref<64x128xf32, #tpu.memory_space<hbm>>
        %dma_wait3A_98 = arith.constant 0 : i32
        %dma_wait3A_99 = tpu.memref_slice %arg5[%add3A_73, %dma_wait3A_98] : memref<32768x128xf32, #tpu.memory_space<hbm>> -> memref<64x128xf32, #tpu.memory_space<hbm>>
        tpu.wait_dma2 semaphore(%run_scoped3A : memref<!tpu.dma_semaphore, #tpu.memory_space<semaphore_mem>>) src(%arg9 : memref<64x128xf32, #tpu.memory_space<vmem>>) dst(%dma_wait3A_99 : memref<64x128xf32, #tpu.memory_space<hbm>>)
        tpu.yield
      }) : () -> ()
      %mul3A_74 = arith.constant 64 : i32
      %mul3A_75 = arith.muli %rem3A_56, %mul3A_74 : i32
      %dma_start3A_76 = tpu.memref_slice %arg8[%mul3A_75] : memref<1024xi32, #tpu.memory_space<vmem>> -> memref<64xi32, #tpu.memory_space<vmem>>
      %dma_start3A_77 = arith.constant 0 : i32
      %dma_start3A_78 = arith.constant 0 : i32
      %dma_start3A_79 = tpu.memref_slice %arg4[%dma_start3A_77, %dma_start3A_78] : memref<4096x128xf32, #tpu.memory_space<hbm>> -> memref<4096x128xf32, #tpu.memory_space<hbm>>
      tpu.enqueue_indirect_dma source(%dma_start3A_79 : memref<4096x128xf32, #tpu.memory_space<hbm>>) target(%arg9 : memref<64x128xf32, #tpu.memory_space<vmem>>) offsets(%dma_start3A_76 : memref<64xi32, #tpu.memory_space<vmem>>) semaphore(%arg11 : memref<!tpu.dma_semaphore, #tpu.memory_space<semaphore_mem>>)
      %dma_wait3A_80 = arith.constant 0 : i32
      %dma_wait3A_81 = arith.constant 0 : i32
      %dma_wait3A_82 = tpu.memref_slice %arg4[%dma_wait3A_80, %dma_wait3A_81] : memref<4096x128xf32, #tpu.memory_space<hbm>> -> memref<64x128xf32, #tpu.memory_space<hbm>>
      %dma_wait3A_83 = arith.constant 0 : i32
      %dma_wait3A_84 = arith.constant 0 : i32
      %dma_wait3A_85 = tpu.memref_slice %arg4[%dma_wait3A_83, %dma_wait3A_84] : memref<4096x128xf32, #tpu.memory_space<hbm>> -> memref<64x128xf32, #tpu.memory_space<hbm>>
      tpu.wait_dma2 semaphore(%arg12 : memref<!tpu.dma_semaphore, #tpu.memory_space<semaphore_mem>>) src(%dma_wait3A_85 : memref<64x128xf32, #tpu.memory_space<hbm>>) dst(%arg10 : memref<64x128xf32, #tpu.memory_space<vmem>>)
      %mul3A_86 = arith.constant 2048 : i32
      %mul3A_87 = arith.muli %add3A_50, %mul3A_86 : i32
      %mul3A_88 = arith.constant 64 : i32
      %mul3A_89 = arith.muli %add3A, %mul3A_88 : i32
      %add3A_90 = arith.addi %mul3A_87, %mul3A_89 : i32
      "tpu.region"() ({
        %run_scoped3A = tpu.sem_alloc : memref<!tpu.dma_semaphore, #tpu.memory_space<semaphore_mem>>
        %dma_start3A_92 = arith.constant 0 : i32
        %dma_start3A_93 = tpu.memref_slice %arg5[%add3A_90, %dma_start3A_92] : memref<32768x128xf32, #tpu.memory_space<hbm>> -> memref<64x128xf32, #tpu.memory_space<hbm>>
        %dma_start3A_94 = arith.constant 0 : i32
        %dma_start3A_95 = tpu.memref_slice %arg5[%add3A_90, %dma_start3A_94] : memref<32768x128xf32, #tpu.memory_space<hbm>> -> memref<64x128xf32, #tpu.memory_space<hbm>>
        tpu.enqueue_dma source(%arg10 : memref<64x128xf32, #tpu.memory_space<vmem>>) target(%dma_start3A_95 : memref<64x128xf32, #tpu.memory_space<hbm>>) target_semaphore(%run_scoped3A : memref<!tpu.dma_semaphore, #tpu.memory_space<semaphore_mem>>)
        %dma_wait3A_96 = arith.constant 0 : i32
        %dma_wait3A_97 = tpu.memref_slice %arg5[%add3A_90, %dma_wait3A_96] : memref<32768x128xf32, #tpu.memory_space<hbm>> -> memref<64x128xf32, #tpu.memory_space<hbm>>
        %dma_wait3A_98 = arith.constant 0 : i32
        %dma_wait3A_99 = tpu.memref_slice %arg5[%add3A_90, %dma_wait3A_98] : memref<32768x128xf32, #tpu.memory_space<hbm>> -> memref<64x128xf32, #tpu.memory_space<hbm>>
        tpu.wait_dma2 semaphore(%run_scoped3A : memref<!tpu.dma_semaphore, #tpu.memory_space<semaphore_mem>>) src(%arg10 : memref<64x128xf32, #tpu.memory_space<vmem>>) dst(%dma_wait3A_99 : memref<64x128xf32, #tpu.memory_space<hbm>>)
        tpu.yield
      }) : () -> ()
      %scan3A_91 = arith.constant 0 : i32
      scf.yield %scan3A_91 : i32
    }
    %scan3A_33 = arith.constant 8 : i32
    %dma_wait3A = arith.constant 0 : i32
    %dma_wait3A_34 = arith.constant 0 : i32
    %dma_wait3A_35 = tpu.memref_slice %arg4[%dma_wait3A, %dma_wait3A_34] : memref<4096x128xf32, #tpu.memory_space<hbm>> -> memref<64x128xf32, #tpu.memory_space<hbm>>
    %dma_wait3A_36 = arith.constant 0 : i32
    %dma_wait3A_37 = arith.constant 0 : i32
    %dma_wait3A_38 = tpu.memref_slice %arg4[%dma_wait3A_36, %dma_wait3A_37] : memref<4096x128xf32, #tpu.memory_space<hbm>> -> memref<64x128xf32, #tpu.memory_space<hbm>>
    tpu.wait_dma2 semaphore(%arg11 : memref<!tpu.dma_semaphore, #tpu.memory_space<semaphore_mem>>) src(%dma_wait3A_38 : memref<64x128xf32, #tpu.memory_space<hbm>>) dst(%arg9 : memref<64x128xf32, #tpu.memory_space<vmem>>)
    %mul3A_39 = arith.constant 64 : i32
    %mul3A_40 = arith.muli %add3A, %mul3A_39 : i32
    %add3A_41 = arith.constant 0 : i32
    %add3A_42 = arith.addi %add3A_41, %mul3A_40 : i32
    "tpu.region"() ({
      %run_scoped3A = tpu.sem_alloc : memref<!tpu.dma_semaphore, #tpu.memory_space<semaphore_mem>>
      %dma_start3A_43 = arith.constant 0 : i32
      %dma_start3A_44 = tpu.memref_slice %arg5[%add3A_42, %dma_start3A_43] : memref<32768x128xf32, #tpu.memory_space<hbm>> -> memref<64x128xf32, #tpu.memory_space<hbm>>
      %dma_start3A_45 = arith.constant 0 : i32
      %dma_start3A_46 = tpu.memref_slice %arg5[%add3A_42, %dma_start3A_45] : memref<32768x128xf32, #tpu.memory_space<hbm>> -> memref<64x128xf32, #tpu.memory_space<hbm>>
      tpu.enqueue_dma source(%arg9 : memref<64x128xf32, #tpu.memory_space<vmem>>) target(%dma_start3A_46 : memref<64x128xf32, #tpu.memory_space<hbm>>) target_semaphore(%run_scoped3A : memref<!tpu.dma_semaphore, #tpu.memory_space<semaphore_mem>>)
      %dma_wait3A_47 = arith.constant 0 : i32
      %dma_wait3A_48 = tpu.memref_slice %arg5[%add3A_42, %dma_wait3A_47] : memref<32768x128xf32, #tpu.memory_space<hbm>> -> memref<64x128xf32, #tpu.memory_space<hbm>>
      %dma_wait3A_49 = arith.constant 0 : i32
      %dma_wait3A_50 = tpu.memref_slice %arg5[%add3A_42, %dma_wait3A_49] : memref<32768x128xf32, #tpu.memory_space<hbm>> -> memref<64x128xf32, #tpu.memory_space<hbm>>
      tpu.wait_dma2 semaphore(%run_scoped3A : memref<!tpu.dma_semaphore, #tpu.memory_space<semaphore_mem>>) src(%arg9 : memref<64x128xf32, #tpu.memory_space<vmem>>) dst(%dma_wait3A_50 : memref<64x128xf32, #tpu.memory_space<hbm>>)
      tpu.yield
    }) : () -> ()
    return
  }
}

#map = affine_map<(d0, d1) -> (0, 0)>
module attributes {stable_mosaic.version = 14 : i64} {
  func.func @body(%arg0: i32, %arg1: i32, %arg2: memref<2x6144xf32, #tpu.memory_space<hbm>>, %arg3: memref<32x192xf32, #tpu.memory_space<hbm>>, %arg4: memref<4096x128xf32, #tpu.memory_space<hbm>>, %arg5: memref<32768x128xf32, #tpu.memory_space<hbm>>, %arg6: memref<6144xf32, #tpu.memory_space<vmem>>, %arg7: memref<192xf32, #tpu.memory_space<vmem>>, %arg8: memref<1024xi32, #tpu.memory_space<vmem>>, %arg9: memref<64x128xf32, #tpu.memory_space<vmem>>, %arg10: memref<64x128xf32, #tpu.memory_space<vmem>>, %arg11: memref<!tpu.dma_semaphore, #tpu.memory_space<semaphore_mem>>, %arg12: memref<!tpu.dma_semaphore, #tpu.memory_space<semaphore_mem>>) attributes {dimension_semantics = [#tpu.dimension_semantics<core_parallel>, #tpu.dimension_semantics<subcore_parallel>], iteration_bounds = array<i64: 2, 16>, scalar_prefetch = 0 : i64, scratch_operands = 7 : i64, tpu.core_type = #tpu.core_type<sc_vector_subcore>, window_params = [{transform_indices = #map}, {transform_indices = #map}, {transform_indices = #map}, {transform_indices = #map}]} {
    %mul3A = arith.constant 2 : i32
    %mul3A_0 = arith.muli %arg1, %mul3A : i32
    %add3A = arith.addi %mul3A_0, %arg0 : i32
    %jit3A = arith.constant 16 : i32
    %div3A = arith.divsi %add3A, %jit3A : i32
    %sign3A = arith.constant 0 : i32
    %sign3A_1 = arith.cmpi sgt, %add3A, %sign3A : i32
    %sign3A_2 = arith.extui %sign3A_1 : i1 to i32
    %sign3A_3 = arith.constant 0 : i32
    %sign3A_4 = arith.cmpi slt, %add3A, %sign3A_3 : i32
    %sign3A_5 = arith.extui %sign3A_4 : i1 to i32
    %sign3A_6 = arith.subi %sign3A_2, %sign3A_5 : i32
    %sign3A_7 = arith.constant 0 : i32
    %sign3A_8 = arith.cmpi sgt, %jit3A, %sign3A_7 : i32
    %sign3A_9 = arith.extui %sign3A_8 : i1 to i32
    %sign3A_10 = arith.constant 0 : i32
    %sign3A_11 = arith.cmpi slt, %jit3A, %sign3A_10 : i32
    %sign3A_12 = arith.extui %sign3A_11 : i1 to i32
    %sign3A_13 = arith.subi %sign3A_9, %sign3A_12 : i32
    %ne3A = arith.cmpi ne, %sign3A_6, %sign3A_13 : i32
    %rem3A = arith.remsi %add3A, %jit3A : i32
    %ne3A_14 = arith.constant 0 : i32
    %ne3A_15 = arith.cmpi ne, %rem3A, %ne3A_14 : i32
    %and3A = arith.andi %ne3A, %ne3A_15 : i1
    %sub3A = arith.constant 1 : i32
    %sub3A_16 = arith.subi %div3A, %sub3A : i32
    %select_n3A = arith.select %and3A, %sub3A_16, %div3A : i32
    "tpu.region"() ({
      %run_scoped3A = tpu.sem_alloc : memref<!tpu.dma_semaphore, #tpu.memory_space<semaphore_mem>>
      %dma_start3A_43 = arith.constant 0 : i32
      %dma_start3A_44 = tpu.memref_slice %arg2[%select_n3A, %dma_start3A_43] : memref<2x6144xf32, #tpu.memory_space<hbm>> -> memref<1x6144xf32, #tpu.memory_space<hbm>>
      %dma_start3A_45 = tpu.memref_squeeze %dma_start3A_44 : memref<1x6144xf32, #tpu.memory_space<hbm>> -> memref<6144xf32, #tpu.memory_space<hbm>>
      %dma_start3A_46 = arith.constant 0 : i32
      %dma_start3A_47 = tpu.memref_slice %arg2[%select_n3A, %dma_start3A_46] : memref<2x6144xf32, #tpu.memory_space<hbm>> -> memref<1x6144xf32, #tpu.memory_space<hbm>>
      %dma_start3A_48 = tpu.memref_squeeze %dma_start3A_47 : memref<1x6144xf32, #tpu.memory_space<hbm>> -> memref<6144xf32, #tpu.memory_space<hbm>>
      tpu.enqueue_dma source(%dma_start3A_48 : memref<6144xf32, #tpu.memory_space<hbm>>) target(%arg6 : memref<6144xf32, #tpu.memory_space<vmem>>) target_semaphore(%run_scoped3A : memref<!tpu.dma_semaphore, #tpu.memory_space<semaphore_mem>>)
      %dma_wait3A_49 = arith.constant 0 : i32
      %dma_wait3A_50 = tpu.memref_slice %arg2[%select_n3A, %dma_wait3A_49] : memref<2x6144xf32, #tpu.memory_space<hbm>> -> memref<1x6144xf32, #tpu.memory_space<hbm>>
      %dma_wait3A_51 = tpu.memref_squeeze %dma_wait3A_50 : memref<1x6144xf32, #tpu.memory_space<hbm>> -> memref<6144xf32, #tpu.memory_space<hbm>>
      %dma_wait3A_52 = arith.constant 0 : i32
      %dma_wait3A_53 = tpu.memref_slice %arg2[%select_n3A, %dma_wait3A_52] : memref<2x6144xf32, #tpu.memory_space<hbm>> -> memref<1x6144xf32, #tpu.memory_space<hbm>>
      %dma_wait3A_54 = tpu.memref_squeeze %dma_wait3A_53 : memref<1x6144xf32, #tpu.memory_space<hbm>> -> memref<6144xf32, #tpu.memory_space<hbm>>
      tpu.wait_dma2 semaphore(%run_scoped3A : memref<!tpu.dma_semaphore, #tpu.memory_space<semaphore_mem>>) src(%dma_wait3A_54 : memref<6144xf32, #tpu.memory_space<hbm>>) dst(%arg6 : memref<6144xf32, #tpu.memory_space<vmem>>)
      tpu.yield
    }) : () -> ()
    "tpu.region"() ({
      %run_scoped3A = tpu.sem_alloc : memref<!tpu.dma_semaphore, #tpu.memory_space<semaphore_mem>>
      %dma_start3A_43 = arith.constant 0 : i32
      %dma_start3A_44 = tpu.memref_slice %arg3[%add3A, %dma_start3A_43] : memref<32x192xf32, #tpu.memory_space<hbm>> -> memref<1x192xf32, #tpu.memory_space<hbm>>
      %dma_start3A_45 = tpu.memref_squeeze %dma_start3A_44 : memref<1x192xf32, #tpu.memory_space<hbm>> -> memref<192xf32, #tpu.memory_space<hbm>>
      %dma_start3A_46 = arith.constant 0 : i32
      %dma_start3A_47 = tpu.memref_slice %arg3[%add3A, %dma_start3A_46] : memref<32x192xf32, #tpu.memory_space<hbm>> -> memref<1x192xf32, #tpu.memory_space<hbm>>
      %dma_start3A_48 = tpu.memref_squeeze %dma_start3A_47 : memref<1x192xf32, #tpu.memory_space<hbm>> -> memref<192xf32, #tpu.memory_space<hbm>>
      tpu.enqueue_dma source(%dma_start3A_48 : memref<192xf32, #tpu.memory_space<hbm>>) target(%arg7 : memref<192xf32, #tpu.memory_space<vmem>>) target_semaphore(%run_scoped3A : memref<!tpu.dma_semaphore, #tpu.memory_space<semaphore_mem>>)
      %dma_wait3A_49 = arith.constant 0 : i32
      %dma_wait3A_50 = tpu.memref_slice %arg3[%add3A, %dma_wait3A_49] : memref<32x192xf32, #tpu.memory_space<hbm>> -> memref<1x192xf32, #tpu.memory_space<hbm>>
      %dma_wait3A_51 = tpu.memref_squeeze %dma_wait3A_50 : memref<1x192xf32, #tpu.memory_space<hbm>> -> memref<192xf32, #tpu.memory_space<hbm>>
      %dma_wait3A_52 = arith.constant 0 : i32
      %dma_wait3A_53 = tpu.memref_slice %arg3[%add3A, %dma_wait3A_52] : memref<32x192xf32, #tpu.memory_space<hbm>> -> memref<1x192xf32, #tpu.memory_space<hbm>>
      %dma_wait3A_54 = tpu.memref_squeeze %dma_wait3A_53 : memref<1x192xf32, #tpu.memory_space<hbm>> -> memref<192xf32, #tpu.memory_space<hbm>>
      tpu.wait_dma2 semaphore(%run_scoped3A : memref<!tpu.dma_semaphore, #tpu.memory_space<semaphore_mem>>) src(%dma_wait3A_54 : memref<192xf32, #tpu.memory_space<hbm>>) dst(%arg7 : memref<192xf32, #tpu.memory_space<vmem>>)
      tpu.yield
    }) : () -> ()
    %scan3A = arith.constant 0 : i32
    %scan3A_17 = arith.constant 0 : i32
    %scan3A_18 = arith.constant 4 : i32
    %scan3A_19 = arith.addi %scan3A_17, %scan3A_18 : i32
    %scan3A_20 = arith.constant 1 : i32
    %scan3A_21 = scf.for %scan3A_43 = %scan3A_17 to %scan3A_19 step %scan3A_20 iter_args(%scan3A_44 = %scan3A) -> (i32)  : i32 {
      %mul3A_45 = arith.constant 16 : i32
      %mul3A_46 = arith.muli %scan3A_43, %mul3A_45 : i32
      %get3A = arith.index_cast %mul3A_46 : i32 to index
      %get3A_47 = tpu.vector_load %arg7[%get3A] {strides = array<i32>} : memref<192xf32, #tpu.memory_space<vmem>>, vector<16xf32>,
      %add3A_48 = arith.constant 64 : i32
      %add3A_49 = arith.addi %add3A_48, %mul3A_46 : i32
      %get3A_50 = arith.index_cast %add3A_49 : i32 to index
      %get3A_51 = tpu.vector_load %arg7[%get3A_50] {strides = array<i32>} : memref<192xf32, #tpu.memory_space<vmem>>, vector<16xf32>,
      %add3A_52 = arith.constant 128 : i32
      %add3A_53 = arith.addi %add3A_52, %mul3A_46 : i32
      %get3A_54 = arith.index_cast %add3A_53 : i32 to index
      %get3A_55 = tpu.vector_load %arg7[%get3A_54] {strides = array<i32>} : memref<192xf32, #tpu.memory_space<vmem>>, vector<16xf32>,
      %slice3A = vector.extract_strided_slice %get3A_47 {offsets = [0], sizes = [1], strides = [1]} : vector<16xf32> to vector<1xf32>
      %squeeze3A = vector.extract %slice3A[0] : f32 from vector<1xf32>
      %slice3A_56 = vector.extract_strided_slice %get3A_51 {offsets = [0], sizes = [1], strides = [1]} : vector<16xf32> to vector<1xf32>
      %squeeze3A_57 = vector.extract %slice3A_56[0] : f32 from vector<1xf32>
      %slice3A_58 = vector.extract_strided_slice %get3A_55 {offsets = [0], sizes = [1], strides = [1]} : vector<16xf32> to vector<1xf32>
      %squeeze3A_59 = vector.extract %slice3A_58[0] : f32 from vector<1xf32>
      %slice3A_60 = vector.extract_strided_slice %get3A_47 {offsets = [1], sizes = [1], strides = [1]} : vector<16xf32> to vector<1xf32>
      %squeeze3A_61 = vector.extract %slice3A_60[0] : f32 from vector<1xf32>
      %slice3A_62 = vector.extract_strided_slice %get3A_51 {offsets = [1], sizes = [1], strides = [1]} : vector<16xf32> to vector<1xf32>
      %squeeze3A_63 = vector.extract %slice3A_62[0] : f32 from vector<1xf32>
      %slice3A_64 = vector.extract_strided_slice %get3A_55 {offsets = [1], sizes = [1], strides = [1]} : vector<16xf32> to vector<1xf32>
      %squeeze3A_65 = vector.extract %slice3A_64[0] : f32 from vector<1xf32>
      %slice3A_66 = vector.extract_strided_slice %get3A_47 {offsets = [2], sizes = [1], strides = [1]} : vector<16xf32> to vector<1xf32>
      %squeeze3A_67 = vector.extract %slice3A_66[0] : f32 from vector<1xf32>
      %slice3A_68 = vector.extract_strided_slice %get3A_51 {offsets = [2], sizes = [1], strides = [1]} : vector<16xf32> to vector<1xf32>
      %squeeze3A_69 = vector.extract %slice3A_68[0] : f32 from vector<1xf32>
      %slice3A_70 = vector.extract_strided_slice %get3A_55 {offsets = [2], sizes = [1], strides = [1]} : vector<16xf32> to vector<1xf32>
      %squeeze3A_71 = vector.extract %slice3A_70[0] : f32 from vector<1xf32>
      %slice3A_72 = vector.extract_strided_slice %get3A_47 {offsets = [3], sizes = [1], strides = [1]} : vector<16xf32> to vector<1xf32>
      %squeeze3A_73 = vector.extract %slice3A_72[0] : f32 from vector<1xf32>
      %slice3A_74 = vector.extract_strided_slice %get3A_51 {offsets = [3], sizes = [1], strides = [1]} : vector<16xf32> to vector<1xf32>
      %squeeze3A_75 = vector.extract %slice3A_74[0] : f32 from vector<1xf32>
      %slice3A_76 = vector.extract_strided_slice %get3A_55 {offsets = [3], sizes = [1], strides = [1]} : vector<16xf32> to vector<1xf32>
      %squeeze3A_77 = vector.extract %slice3A_76[0] : f32 from vector<1xf32>
      %broadcast_in_dim3A = arith.constant 0x7F800000 : f32
      %broadcast_in_dim3A_78 = vector.broadcast %broadcast_in_dim3A : f32 to vector<16xf32>
      %broadcast_in_dim3A_79 = arith.constant 0 : i32
      %broadcast_in_dim3A_80 = vector.broadcast %broadcast_in_dim3A_79 : i32 to vector<16xi32>
      %scan3A_81 = arith.constant 0 : i32
      %scan3A_82 = arith.constant 128 : i32
      %scan3A_83 = arith.addi %scan3A_81, %scan3A_82 : i32
      %scan3A_84 = arith.constant 2 : i32
      %scan3A_85:8 = scf.for %scan3A_365 = %scan3A_81 to %scan3A_83 step %scan3A_84 iter_args(%scan3A_366 = %broadcast_in_dim3A_78, %scan3A_367 = %broadcast_in_dim3A_80, %scan3A_368 = %broadcast_in_dim3A_78, %scan3A_369 = %broadcast_in_dim3A_80, %scan3A_370 = %broadcast_in_dim3A_78, %scan3A_371 = %broadcast_in_dim3A_80, %scan3A_372 = %broadcast_in_dim3A_78, %scan3A_373 = %broadcast_in_dim3A_80) -> (vector<16xf32>, vector<16xi32>, vector<16xf32>, vector<16xi32>, vector<16xf32>, vector<16xi32>, vector<16xf32>, vector<16xi32>)  : i32 {
        %mul3A_374 = arith.constant 16 : i32
        %mul3A_375 = arith.muli %scan3A_365, %mul3A_374 : i32
        %get3A_376 = arith.index_cast %mul3A_375 : i32 to index
        %get3A_377 = tpu.vector_load %arg6[%get3A_376] {strides = array<i32>} : memref<6144xf32, #tpu.memory_space<vmem>>, vector<16xf32>,
        %add3A_378 = arith.constant 2048 : i32
        %add3A_379 = arith.addi %add3A_378, %mul3A_375 : i32
        %get3A_380 = arith.index_cast %add3A_379 : i32 to index
        %get3A_381 = tpu.vector_load %arg6[%get3A_380] {strides = array<i32>} : memref<6144xf32, #tpu.memory_space<vmem>>, vector<16xf32>,
        %add3A_382 = arith.constant 4096 : i32
        %add3A_383 = arith.addi %add3A_382, %mul3A_375 : i32
        %get3A_384 = arith.index_cast %add3A_383 : i32 to index
        %get3A_385 = tpu.vector_load %arg6[%get3A_384] {strides = array<i32>} : memref<6144xf32, #tpu.memory_space<vmem>>, vector<16xf32>,
        %iota3A_386 = tpu.iota {dimensions = array<i32: 0>} : vector<16xi32>
        %add3A_387 = vector.broadcast %mul3A_375 : i32 to vector<16xi32>
        %add3A_388 = arith.addi %add3A_387, %iota3A_386 : vector<16xi32>
        %sub3A_389 = vector.broadcast %squeeze3A : f32 to vector<16xf32>
        %sub3A_390 = arith.subf %get3A_377, %sub3A_389 : vector<16xf32>
        %sub3A_391 = vector.broadcast %squeeze3A_57 : f32 to vector<16xf32>
        %sub3A_392 = arith.subf %get3A_381, %sub3A_391 : vector<16xf32>
        %sub3A_393 = vector.broadcast %squeeze3A_59 : f32 to vector<16xf32>
        %sub3A_394 = arith.subf %get3A_385, %sub3A_393 : vector<16xf32>
        %mul3A_395 = arith.mulf %sub3A_390, %sub3A_390 : vector<16xf32>
        %mul3A_396 = arith.mulf %sub3A_392, %sub3A_392 : vector<16xf32>
        %add3A_397 = arith.addf %mul3A_395, %mul3A_396 : vector<16xf32>
        %mul3A_398 = arith.mulf %sub3A_394, %sub3A_394 : vector<16xf32>
        %add3A_399 = arith.addf %add3A_397, %mul3A_398 : vector<16xf32>
        %masked_sort3A = arith.constant dense<true> : vector<16xi1>
        %masked_sort3A_400, %masked_sort3A_401, %masked_sort3A_402 = tpu.sort %add3A_399, %add3A_388 masked %masked_sort3A {descending = true} : (vector<16xf32>, vector<16xi32>, vector<16xi1>) -> (vector<16xi1>, vector<16xf32>, vector<16xi32>)
        %lt3A = arith.cmpf olt, %masked_sort3A_401, %scan3A_366 : vector<16xf32>
        %select_n3A_403 = arith.select %lt3A, %masked_sort3A_401, %scan3A_366 : vector<16xi1>, vector<16xf32>
        %select_n3A_404 = arith.select %lt3A, %masked_sort3A_402, %scan3A_367 : vector<16xi1>, vector<16xi32>
        %masked_sort3A_405 = arith.constant dense<true> : vector<16xi1>
        %masked_sort3A_406, %masked_sort3A_407, %masked_sort3A_408 = tpu.sort %select_n3A_403, %select_n3A_404 masked %masked_sort3A_405 : (vector<16xf32>, vector<16xi32>, vector<16xi1>) -> (vector<16xi1>, vector<16xf32>, vector<16xi32>)
        %sub3A_409 = vector.broadcast %squeeze3A_61 : f32 to vector<16xf32>
        %sub3A_410 = arith.subf %get3A_377, %sub3A_409 : vector<16xf32>
        %sub3A_411 = vector.broadcast %squeeze3A_63 : f32 to vector<16xf32>
        %sub3A_412 = arith.subf %get3A_381, %sub3A_411 : vector<16xf32>
        %sub3A_413 = vector.broadcast %squeeze3A_65 : f32 to vector<16xf32>
        %sub3A_414 = arith.subf %get3A_385, %sub3A_413 : vector<16xf32>
        %mul3A_415 = arith.mulf %sub3A_410, %sub3A_410 : vector<16xf32>
        %mul3A_416 = arith.mulf %sub3A_412, %sub3A_412 : vector<16xf32>
        %add3A_417 = arith.addf %mul3A_415, %mul3A_416 : vector<16xf32>
        %mul3A_418 = arith.mulf %sub3A_414, %sub3A_414 : vector<16xf32>
        %add3A_419 = arith.addf %add3A_417, %mul3A_418 : vector<16xf32>
        %masked_sort3A_420 = arith.constant dense<true> : vector<16xi1>
        %masked_sort3A_421, %masked_sort3A_422, %masked_sort3A_423 = tpu.sort %add3A_419, %add3A_388 masked %masked_sort3A_420 {descending = true} : (vector<16xf32>, vector<16xi32>, vector<16xi1>) -> (vector<16xi1>, vector<16xf32>, vector<16xi32>)
        %lt3A_424 = arith.cmpf olt, %masked_sort3A_422, %scan3A_368 : vector<16xf32>
        %select_n3A_425 = arith.select %lt3A_424, %masked_sort3A_422, %scan3A_368 : vector<16xi1>, vector<16xf32>
        %select_n3A_426 = arith.select %lt3A_424, %masked_sort3A_423, %scan3A_369 : vector<16xi1>, vector<16xi32>
        %masked_sort3A_427 = arith.constant dense<true> : vector<16xi1>
        %masked_sort3A_428, %masked_sort3A_429, %masked_sort3A_430 = tpu.sort %select_n3A_425, %select_n3A_426 masked %masked_sort3A_427 : (vector<16xf32>, vector<16xi32>, vector<16xi1>) -> (vector<16xi1>, vector<16xf32>, vector<16xi32>)
        %sub3A_431 = vector.broadcast %squeeze3A_67 : f32 to vector<16xf32>
        %sub3A_432 = arith.subf %get3A_377, %sub3A_431 : vector<16xf32>
        %sub3A_433 = vector.broadcast %squeeze3A_69 : f32 to vector<16xf32>
        %sub3A_434 = arith.subf %get3A_381, %sub3A_433 : vector<16xf32>
        %sub3A_435 = vector.broadcast %squeeze3A_71 : f32 to vector<16xf32>
        %sub3A_436 = arith.subf %get3A_385, %sub3A_435 : vector<16xf32>
        %mul3A_437 = arith.mulf %sub3A_432, %sub3A_432 : vector<16xf32>
        %mul3A_438 = arith.mulf %sub3A_434, %sub3A_434 : vector<16xf32>
        %add3A_439 = arith.addf %mul3A_437, %mul3A_438 : vector<16xf32>
        %mul3A_440 = arith.mulf %sub3A_436, %sub3A_436 : vector<16xf32>
        %add3A_441 = arith.addf %add3A_439, %mul3A_440 : vector<16xf32>
        %masked_sort3A_442 = arith.constant dense<true> : vector<16xi1>
        %masked_sort3A_443, %masked_sort3A_444, %masked_sort3A_445 = tpu.sort %add3A_441, %add3A_388 masked %masked_sort3A_442 {descending = true} : (vector<16xf32>, vector<16xi32>, vector<16xi1>) -> (vector<16xi1>, vector<16xf32>, vector<16xi32>)
        %lt3A_446 = arith.cmpf olt, %masked_sort3A_444, %scan3A_370 : vector<16xf32>
        %select_n3A_447 = arith.select %lt3A_446, %masked_sort3A_444, %scan3A_370 : vector<16xi1>, vector<16xf32>
        %select_n3A_448 = arith.select %lt3A_446, %masked_sort3A_445, %scan3A_371 : vector<16xi1>, vector<16xi32>
        %masked_sort3A_449 = arith.constant dense<true> : vector<16xi1>
        %masked_sort3A_450, %masked_sort3A_451, %masked_sort3A_452 = tpu.sort %select_n3A_447, %select_n3A_448 masked %masked_sort3A_449 : (vector<16xf32>, vector<16xi32>, vector<16xi1>) -> (vector<16xi1>, vector<16xf32>, vector<16xi32>)
        %sub3A_453 = vector.broadcast %squeeze3A_73 : f32 to vector<16xf32>
        %sub3A_454 = arith.subf %get3A_377, %sub3A_453 : vector<16xf32>
        %sub3A_455 = vector.broadcast %squeeze3A_75 : f32 to vector<16xf32>
        %sub3A_456 = arith.subf %get3A_381, %sub3A_455 : vector<16xf32>
        %sub3A_457 = vector.broadcast %squeeze3A_77 : f32 to vector<16xf32>
        %sub3A_458 = arith.subf %get3A_385, %sub3A_457 : vector<16xf32>
        %mul3A_459 = arith.mulf %sub3A_454, %sub3A_454 : vector<16xf32>
        %mul3A_460 = arith.mulf %sub3A_456, %sub3A_456 : vector<16xf32>
        %add3A_461 = arith.addf %mul3A_459, %mul3A_460 : vector<16xf32>
        %mul3A_462 = arith.mulf %sub3A_458, %sub3A_458 : vector<16xf32>
        %add3A_463 = arith.addf %add3A_461, %mul3A_462 : vector<16xf32>
        %masked_sort3A_464 = arith.constant dense<true> : vector<16xi1>
        %masked_sort3A_465, %masked_sort3A_466, %masked_sort3A_467 = tpu.sort %add3A_463, %add3A_388 masked %masked_sort3A_464 {descending = true} : (vector<16xf32>, vector<16xi32>, vector<16xi1>) -> (vector<16xi1>, vector<16xf32>, vector<16xi32>)
        %lt3A_468 = arith.cmpf olt, %masked_sort3A_466, %scan3A_372 : vector<16xf32>
        %select_n3A_469 = arith.select %lt3A_468, %masked_sort3A_466, %scan3A_372 : vector<16xi1>, vector<16xf32>
        %select_n3A_470 = arith.select %lt3A_468, %masked_sort3A_467, %scan3A_373 : vector<16xi1>, vector<16xi32>
        %masked_sort3A_471 = arith.constant dense<true> : vector<16xi1>
        %masked_sort3A_472, %masked_sort3A_473, %masked_sort3A_474 = tpu.sort %select_n3A_469, %select_n3A_470 masked %masked_sort3A_471 : (vector<16xf32>, vector<16xi32>, vector<16xi1>) -> (vector<16xi1>, vector<16xf32>, vector<16xi32>)
        %scan3A_475 = arith.constant 1 : i32
        %scan3A_476 = arith.addi %scan3A_365, %scan3A_475 : i32
        %mul3A_477 = arith.constant 16 : i32
        %mul3A_478 = arith.muli %scan3A_476, %mul3A_477 : i32
        %get3A_479 = arith.index_cast %mul3A_478 : i32 to index
        %get3A_480 = tpu.vector_load %arg6[%get3A_479] {strides = array<i32>} : memref<6144xf32, #tpu.memory_space<vmem>>, vector<16xf32>,
        %add3A_481 = arith.constant 2048 : i32
        %add3A_482 = arith.addi %add3A_481, %mul3A_478 : i32
        %get3A_483 = arith.index_cast %add3A_482 : i32 to index
        %get3A_484 = tpu.vector_load %arg6[%get3A_483] {strides = array<i32>} : memref<6144xf32, #tpu.memory_space<vmem>>, vector<16xf32>,
        %add3A_485 = arith.constant 4096 : i32
        %add3A_486 = arith.addi %add3A_485, %mul3A_478 : i32
        %get3A_487 = arith.index_cast %add3A_486 : i32 to index
        %get3A_488 = tpu.vector_load %arg6[%get3A_487] {strides = array<i32>} : memref<6144xf32, #tpu.memory_space<vmem>>, vector<16xf32>,
        %iota3A_489 = tpu.iota {dimensions = array<i32: 0>} : vector<16xi32>
        %add3A_490 = vector.broadcast %mul3A_478 : i32 to vector<16xi32>
        %add3A_491 = arith.addi %add3A_490, %iota3A_489 : vector<16xi32>
        %sub3A_492 = vector.broadcast %squeeze3A : f32 to vector<16xf32>
        %sub3A_493 = arith.subf %get3A_480, %sub3A_492 : vector<16xf32>
        %sub3A_494 = vector.broadcast %squeeze3A_57 : f32 to vector<16xf32>
        %sub3A_495 = arith.subf %get3A_484, %sub3A_494 : vector<16xf32>
        %sub3A_496 = vector.broadcast %squeeze3A_59 : f32 to vector<16xf32>
        %sub3A_497 = arith.subf %get3A_488, %sub3A_496 : vector<16xf32>
        %mul3A_498 = arith.mulf %sub3A_493, %sub3A_493 : vector<16xf32>
        %mul3A_499 = arith.mulf %sub3A_495, %sub3A_495 : vector<16xf32>
        %add3A_500 = arith.addf %mul3A_498, %mul3A_499 : vector<16xf32>
        %mul3A_501 = arith.mulf %sub3A_497, %sub3A_497 : vector<16xf32>
        %add3A_502 = arith.addf %add3A_500, %mul3A_501 : vector<16xf32>
        %masked_sort3A_503 = arith.constant dense<true> : vector<16xi1>
        %masked_sort3A_504, %masked_sort3A_505, %masked_sort3A_506 = tpu.sort %add3A_502, %add3A_491 masked %masked_sort3A_503 {descending = true} : (vector<16xf32>, vector<16xi32>, vector<16xi1>) -> (vector<16xi1>, vector<16xf32>, vector<16xi32>)
        %lt3A_507 = arith.cmpf olt, %masked_sort3A_505, %masked_sort3A_407 : vector<16xf32>
        %select_n3A_508 = arith.select %lt3A_507, %masked_sort3A_505, %masked_sort3A_407 : vector<16xi1>, vector<16xf32>
        %select_n3A_509 = arith.select %lt3A_507, %masked_sort3A_506, %masked_sort3A_408 : vector<16xi1>, vector<16xi32>
        %masked_sort3A_510 = arith.constant dense<true> : vector<16xi1>
        %masked_sort3A_511, %masked_sort3A_512, %masked_sort3A_513 = tpu.sort %select_n3A_508, %select_n3A_509 masked %masked_sort3A_510 : (vector<16xf32>, vector<16xi32>, vector<16xi1>) -> (vector<16xi1>, vector<16xf32>, vector<16xi32>)
        %sub3A_514 = vector.broadcast %squeeze3A_61 : f32 to vector<16xf32>
        %sub3A_515 = arith.subf %get3A_480, %sub3A_514 : vector<16xf32>
        %sub3A_516 = vector.broadcast %squeeze3A_63 : f32 to vector<16xf32>
        %sub3A_517 = arith.subf %get3A_484, %sub3A_516 : vector<16xf32>
        %sub3A_518 = vector.broadcast %squeeze3A_65 : f32 to vector<16xf32>
        %sub3A_519 = arith.subf %get3A_488, %sub3A_518 : vector<16xf32>
        %mul3A_520 = arith.mulf %sub3A_515, %sub3A_515 : vector<16xf32>
        %mul3A_521 = arith.mulf %sub3A_517, %sub3A_517 : vector<16xf32>
        %add3A_522 = arith.addf %mul3A_520, %mul3A_521 : vector<16xf32>
        %mul3A_523 = arith.mulf %sub3A_519, %sub3A_519 : vector<16xf32>
        %add3A_524 = arith.addf %add3A_522, %mul3A_523 : vector<16xf32>
        %masked_sort3A_525 = arith.constant dense<true> : vector<16xi1>
        %masked_sort3A_526, %masked_sort3A_527, %masked_sort3A_528 = tpu.sort %add3A_524, %add3A_491 masked %masked_sort3A_525 {descending = true} : (vector<16xf32>, vector<16xi32>, vector<16xi1>) -> (vector<16xi1>, vector<16xf32>, vector<16xi32>)
        %lt3A_529 = arith.cmpf olt, %masked_sort3A_527, %masked_sort3A_429 : vector<16xf32>
        %select_n3A_530 = arith.select %lt3A_529, %masked_sort3A_527, %masked_sort3A_429 : vector<16xi1>, vector<16xf32>
        %select_n3A_531 = arith.select %lt3A_529, %masked_sort3A_528, %masked_sort3A_430 : vector<16xi1>, vector<16xi32>
        %masked_sort3A_532 = arith.constant dense<true> : vector<16xi1>
        %masked_sort3A_533, %masked_sort3A_534, %masked_sort3A_535 = tpu.sort %select_n3A_530, %select_n3A_531 masked %masked_sort3A_532 : (vector<16xf32>, vector<16xi32>, vector<16xi1>) -> (vector<16xi1>, vector<16xf32>, vector<16xi32>)
        %sub3A_536 = vector.broadcast %squeeze3A_67 : f32 to vector<16xf32>
        %sub3A_537 = arith.subf %get3A_480, %sub3A_536 : vector<16xf32>
        %sub3A_538 = vector.broadcast %squeeze3A_69 : f32 to vector<16xf32>
        %sub3A_539 = arith.subf %get3A_484, %sub3A_538 : vector<16xf32>
        %sub3A_540 = vector.broadcast %squeeze3A_71 : f32 to vector<16xf32>
        %sub3A_541 = arith.subf %get3A_488, %sub3A_540 : vector<16xf32>
        %mul3A_542 = arith.mulf %sub3A_537, %sub3A_537 : vector<16xf32>
        %mul3A_543 = arith.mulf %sub3A_539, %sub3A_539 : vector<16xf32>
        %add3A_544 = arith.addf %mul3A_542, %mul3A_543 : vector<16xf32>
        %mul3A_545 = arith.mulf %sub3A_541, %sub3A_541 : vector<16xf32>
        %add3A_546 = arith.addf %add3A_544, %mul3A_545 : vector<16xf32>
        %masked_sort3A_547 = arith.constant dense<true> : vector<16xi1>
        %masked_sort3A_548, %masked_sort3A_549, %masked_sort3A_550 = tpu.sort %add3A_546, %add3A_491 masked %masked_sort3A_547 {descending = true} : (vector<16xf32>, vector<16xi32>, vector<16xi1>) -> (vector<16xi1>, vector<16xf32>, vector<16xi32>)
        %lt3A_551 = arith.cmpf olt, %masked_sort3A_549, %masked_sort3A_451 : vector<16xf32>
        %select_n3A_552 = arith.select %lt3A_551, %masked_sort3A_549, %masked_sort3A_451 : vector<16xi1>, vector<16xf32>
        %select_n3A_553 = arith.select %lt3A_551, %masked_sort3A_550, %masked_sort3A_452 : vector<16xi1>, vector<16xi32>
        %masked_sort3A_554 = arith.constant dense<true> : vector<16xi1>
        %masked_sort3A_555, %masked_sort3A_556, %masked_sort3A_557 = tpu.sort %select_n3A_552, %select_n3A_553 masked %masked_sort3A_554 : (vector<16xf32>, vector<16xi32>, vector<16xi1>) -> (vector<16xi1>, vector<16xf32>, vector<16xi32>)
        %sub3A_558 = vector.broadcast %squeeze3A_73 : f32 to vector<16xf32>
        %sub3A_559 = arith.subf %get3A_480, %sub3A_558 : vector<16xf32>
        %sub3A_560 = vector.broadcast %squeeze3A_75 : f32 to vector<16xf32>
        %sub3A_561 = arith.subf %get3A_484, %sub3A_560 : vector<16xf32>
        %sub3A_562 = vector.broadcast %squeeze3A_77 : f32 to vector<16xf32>
        %sub3A_563 = arith.subf %get3A_488, %sub3A_562 : vector<16xf32>
        %mul3A_564 = arith.mulf %sub3A_559, %sub3A_559 : vector<16xf32>
        %mul3A_565 = arith.mulf %sub3A_561, %sub3A_561 : vector<16xf32>
        %add3A_566 = arith.addf %mul3A_564, %mul3A_565 : vector<16xf32>
        %mul3A_567 = arith.mulf %sub3A_563, %sub3A_563 : vector<16xf32>
        %add3A_568 = arith.addf %add3A_566, %mul3A_567 : vector<16xf32>
        %masked_sort3A_569 = arith.constant dense<true> : vector<16xi1>
        %masked_sort3A_570, %masked_sort3A_571, %masked_sort3A_572 = tpu.sort %add3A_568, %add3A_491 masked %masked_sort3A_569 {descending = true} : (vector<16xf32>, vector<16xi32>, vector<16xi1>) -> (vector<16xi1>, vector<16xf32>, vector<16xi32>)
        %lt3A_573 = arith.cmpf olt, %masked_sort3A_571, %masked_sort3A_473 : vector<16xf32>
        %select_n3A_574 = arith.select %lt3A_573, %masked_sort3A_571, %masked_sort3A_473 : vector<16xi1>, vector<16xf32>
        %select_n3A_575 = arith.select %lt3A_573, %masked_sort3A_572, %masked_sort3A_474 : vector<16xi1>, vector<16xi32>
        %masked_sort3A_576 = arith.constant dense<true> : vector<16xi1>
        %masked_sort3A_577, %masked_sort3A_578, %masked_sort3A_579 = tpu.sort %select_n3A_574, %select_n3A_575 masked %masked_sort3A_576 : (vector<16xf32>, vector<16xi32>, vector<16xi1>) -> (vector<16xi1>, vector<16xf32>, vector<16xi32>)
        scf.yield %masked_sort3A_512, %masked_sort3A_513, %masked_sort3A_534, %masked_sort3A_535, %masked_sort3A_556, %masked_sort3A_557, %masked_sort3A_578, %masked_sort3A_579 : vector<16xf32>, vector<16xi32>, vector<16xf32>, vector<16xi32>, vector<16xf32>, vector<16xi32>, vector<16xf32>, vector<16xi32>
      }
      %scan3A_86 = arith.constant 128 : i32
      %iota3A = tpu.iota {dimensions = array<i32: 0>} : vector<16xi32>
      %mul3A_87 = arith.constant 64 : i32
      %mul3A_88 = vector.broadcast %mul3A_87 : i32 to vector<16xi32>
      %mul3A_89 = arith.muli %iota3A, %mul3A_88 : vector<16xi32>
      %add3A_90 = arith.constant 0 : i32
      %add3A_91 = arith.addi %mul3A_46, %add3A_90 : i32
      %add3A_92 = arith.constant 0 : i32
      %add3A_93 = arith.addi %add3A_91, %add3A_92 : i32
      %add3A_94 = vector.broadcast %add3A_93 : i32 to vector<16xi32>
      %add3A_95 = arith.addi %mul3A_89, %add3A_94 : vector<16xi32>
      %mul3A_96 = arith.constant 2048 : i32
      %mul3A_97 = arith.muli %select_n3A, %mul3A_96 : i32
      %add3A_98 = vector.broadcast %mul3A_97 : i32 to vector<16xi32>
      %add3A_99 = arith.addi %scan3A_85#1, %add3A_98 : vector<16xi32>
      tpu.vector_store_idx %arg8[%add3A_95], %add3A_99 : memref<1024xi32, #tpu.memory_space<vmem>>[vector<16xi32>], vector<16xi32>,
      %add3A_100 = arith.constant 0 : i32
      %add3A_101 = arith.addi %mul3A_46, %add3A_100 : i32
      %add3A_102 = arith.constant 1 : i32
      %add3A_103 = arith.addi %add3A_101, %add3A_102 : i32
      %add3A_104 = vector.broadcast %add3A_103 : i32 to vector<16xi32>
      %add3A_105 = arith.addi %mul3A_89, %add3A_104 : vector<16xi32>
      %mul3A_106 = arith.constant 2048 : i32
      %mul3A_107 = arith.muli %select_n3A, %mul3A_106 : i32
      %add3A_108 = vector.broadcast %mul3A_107 : i32 to vector<16xi32>
      %add3A_109 = arith.addi %scan3A_85#3, %add3A_108 : vector<16xi32>
      tpu.vector_store_idx %arg8[%add3A_105], %add3A_109 : memref<1024xi32, #tpu.memory_space<vmem>>[vector<16xi32>], vector<16xi32>,
      %add3A_110 = arith.constant 0 : i32
      %add3A_111 = arith.addi %mul3A_46, %add3A_110 : i32
      %add3A_112 = arith.constant 2 : i32
      %add3A_113 = arith.addi %add3A_111, %add3A_112 : i32
      %add3A_114 = vector.broadcast %add3A_113 : i32 to vector<16xi32>
      %add3A_115 = arith.addi %mul3A_89, %add3A_114 : vector<16xi32>
      %mul3A_116 = arith.constant 2048 : i32
      %mul3A_117 = arith.muli %select_n3A, %mul3A_116 : i32
      %add3A_118 = vector.broadcast %mul3A_117 : i32 to vector<16xi32>
      %add3A_119 = arith.addi %scan3A_85#5, %add3A_118 : vector<16xi32>
      tpu.vector_store_idx %arg8[%add3A_115], %add3A_119 : memref<1024xi32, #tpu.memory_space<vmem>>[vector<16xi32>], vector<16xi32>,
      %add3A_120 = arith.constant 0 : i32
      %add3A_121 = arith.addi %mul3A_46, %add3A_120 : i32
      %add3A_122 = arith.constant 3 : i32
      %add3A_123 = arith.addi %add3A_121, %add3A_122 : i32
      %add3A_124 = vector.broadcast %add3A_123 : i32 to vector<16xi32>
      %add3A_125 = arith.addi %mul3A_89, %add3A_124 : vector<16xi32>
      %mul3A_126 = arith.constant 2048 : i32
      %mul3A_127 = arith.muli %select_n3A, %mul3A_126 : i32
      %add3A_128 = vector.broadcast %mul3A_127 : i32 to vector<16xi32>
      %add3A_129 = arith.addi %scan3A_85#7, %add3A_128 : vector<16xi32>
      tpu.vector_store_idx %arg8[%add3A_125], %add3A_129 : memref<1024xi32, #tpu.memory_space<vmem>>[vector<16xi32>], vector<16xi32>,
      %slice3A_130 = vector.extract_strided_slice %get3A_47 {offsets = [4], sizes = [1], strides = [1]} : vector<16xf32> to vector<1xf32>
      %squeeze3A_131 = vector.extract %slice3A_130[0] : f32 from vector<1xf32>
      %slice3A_132 = vector.extract_strided_slice %get3A_51 {offsets = [4], sizes = [1], strides = [1]} : vector<16xf32> to vector<1xf32>
      %squeeze3A_133 = vector.extract %slice3A_132[0] : f32 from vector<1xf32>
      %slice3A_134 = vector.extract_strided_slice %get3A_55 {offsets = [4], sizes = [1], strides = [1]} : vector<16xf32> to vector<1xf32>
      %squeeze3A_135 = vector.extract %slice3A_134[0] : f32 from vector<1xf32>
      %slice3A_136 = vector.extract_strided_slice %get3A_47 {offsets = [5], sizes = [1], strides = [1]} : vector<16xf32> to vector<1xf32>
      %squeeze3A_137 = vector.extract %slice3A_136[0] : f32 from vector<1xf32>
      %slice3A_138 = vector.extract_strided_slice %get3A_51 {offsets = [5], sizes = [1], strides = [1]} : vector<16xf32> to vector<1xf32>
      %squeeze3A_139 = vector.extract %slice3A_138[0] : f32 from vector<1xf32>
      %slice3A_140 = vector.extract_strided_slice %get3A_55 {offsets = [5], sizes = [1], strides = [1]} : vector<16xf32> to vector<1xf32>
      %squeeze3A_141 = vector.extract %slice3A_140[0] : f32 from vector<1xf32>
      %slice3A_142 = vector.extract_strided_slice %get3A_47 {offsets = [6], sizes = [1], strides = [1]} : vector<16xf32> to vector<1xf32>
      %squeeze3A_143 = vector.extract %slice3A_142[0] : f32 from vector<1xf32>
      %slice3A_144 = vector.extract_strided_slice %get3A_51 {offsets = [6], sizes = [1], strides = [1]} : vector<16xf32> to vector<1xf32>
      %squeeze3A_145 = vector.extract %slice3A_144[0] : f32 from vector<1xf32>
      %slice3A_146 = vector.extract_strided_slice %get3A_55 {offsets = [6], sizes = [1], strides = [1]} : vector<16xf32> to vector<1xf32>
      %squeeze3A_147 = vector.extract %slice3A_146[0] : f32 from vector<1xf32>
      %slice3A_148 = vector.extract_strided_slice %get3A_47 {offsets = [7], sizes = [1], strides = [1]} : vector<16xf32> to vector<1xf32>
      %squeeze3A_149 = vector.extract %slice3A_148[0] : f32 from vector<1xf32>
      %slice3A_150 = vector.extract_strided_slice %get3A_51 {offsets = [7], sizes = [1], strides = [1]} : vector<16xf32> to vector<1xf32>
      %squeeze3A_151 = vector.extract %slice3A_150[0] : f32 from vector<1xf32>
      %slice3A_152 = vector.extract_strided_slice %get3A_55 {offsets = [7], sizes = [1], strides = [1]} : vector<16xf32> to vector<1xf32>
      %squeeze3A_153 = vector.extract %slice3A_152[0] : f32 from vector<1xf32>
      %broadcast_in_dim3A_154 = arith.constant 0x7F800000 : f32
      %broadcast_in_dim3A_155 = vector.broadcast %broadcast_in_dim3A_154 : f32 to vector<16xf32>
      %broadcast_in_dim3A_156 = arith.constant 0 : i32
      %broadcast_in_dim3A_157 = vector.broadcast %broadcast_in_dim3A_156 : i32 to vector<16xi32>
      %scan3A_158 = arith.constant 0 : i32
      %scan3A_159 = arith.constant 128 : i32
      %scan3A_160 = arith.addi %scan3A_158, %scan3A_159 : i32
      %scan3A_161 = arith.constant 2 : i32
      %scan3A_162:8 = scf.for %scan3A_365 = %scan3A_158 to %scan3A_160 step %scan3A_161 iter_args(%scan3A_366 = %broadcast_in_dim3A_155, %scan3A_367 = %broadcast_in_dim3A_157, %scan3A_368 = %broadcast_in_dim3A_155, %scan3A_369 = %broadcast_in_dim3A_157, %scan3A_370 = %broadcast_in_dim3A_155, %scan3A_371 = %broadcast_in_dim3A_157, %scan3A_372 = %broadcast_in_dim3A_155, %scan3A_373 = %broadcast_in_dim3A_157) -> (vector<16xf32>, vector<16xi32>, vector<16xf32>, vector<16xi32>, vector<16xf32>, vector<16xi32>, vector<16xf32>, vector<16xi32>)  : i32 {
        %mul3A_374 = arith.constant 16 : i32
        %mul3A_375 = arith.muli %scan3A_365, %mul3A_374 : i32
        %get3A_376 = arith.index_cast %mul3A_375 : i32 to index
        %get3A_377 = tpu.vector_load %arg6[%get3A_376] {strides = array<i32>} : memref<6144xf32, #tpu.memory_space<vmem>>, vector<16xf32>,
        %add3A_378 = arith.constant 2048 : i32
        %add3A_379 = arith.addi %add3A_378, %mul3A_375 : i32
        %get3A_380 = arith.index_cast %add3A_379 : i32 to index
        %get3A_381 = tpu.vector_load %arg6[%get3A_380] {strides = array<i32>} : memref<6144xf32, #tpu.memory_space<vmem>>, vector<16xf32>,
        %add3A_382 = arith.constant 4096 : i32
        %add3A_383 = arith.addi %add3A_382, %mul3A_375 : i32
        %get3A_384 = arith.index_cast %add3A_383 : i32 to index
        %get3A_385 = tpu.vector_load %arg6[%get3A_384] {strides = array<i32>} : memref<6144xf32, #tpu.memory_space<vmem>>, vector<16xf32>,
        %iota3A_386 = tpu.iota {dimensions = array<i32: 0>} : vector<16xi32>
        %add3A_387 = vector.broadcast %mul3A_375 : i32 to vector<16xi32>
        %add3A_388 = arith.addi %add3A_387, %iota3A_386 : vector<16xi32>
        %sub3A_389 = vector.broadcast %squeeze3A_131 : f32 to vector<16xf32>
        %sub3A_390 = arith.subf %get3A_377, %sub3A_389 : vector<16xf32>
        %sub3A_391 = vector.broadcast %squeeze3A_133 : f32 to vector<16xf32>
        %sub3A_392 = arith.subf %get3A_381, %sub3A_391 : vector<16xf32>
        %sub3A_393 = vector.broadcast %squeeze3A_135 : f32 to vector<16xf32>
        %sub3A_394 = arith.subf %get3A_385, %sub3A_393 : vector<16xf32>
        %mul3A_395 = arith.mulf %sub3A_390, %sub3A_390 : vector<16xf32>
        %mul3A_396 = arith.mulf %sub3A_392, %sub3A_392 : vector<16xf32>
        %add3A_397 = arith.addf %mul3A_395, %mul3A_396 : vector<16xf32>
        %mul3A_398 = arith.mulf %sub3A_394, %sub3A_394 : vector<16xf32>
        %add3A_399 = arith.addf %add3A_397, %mul3A_398 : vector<16xf32>
        %masked_sort3A = arith.constant dense<true> : vector<16xi1>
        %masked_sort3A_400, %masked_sort3A_401, %masked_sort3A_402 = tpu.sort %add3A_399, %add3A_388 masked %masked_sort3A {descending = true} : (vector<16xf32>, vector<16xi32>, vector<16xi1>) -> (vector<16xi1>, vector<16xf32>, vector<16xi32>)
        %lt3A = arith.cmpf olt, %masked_sort3A_401, %scan3A_366 : vector<16xf32>
        %select_n3A_403 = arith.select %lt3A, %masked_sort3A_401, %scan3A_366 : vector<16xi1>, vector<16xf32>
        %select_n3A_404 = arith.select %lt3A, %masked_sort3A_402, %scan3A_367 : vector<16xi1>, vector<16xi32>
        %masked_sort3A_405 = arith.constant dense<true> : vector<16xi1>
        %masked_sort3A_406, %masked_sort3A_407, %masked_sort3A_408 = tpu.sort %select_n3A_403, %select_n3A_404 masked %masked_sort3A_405 : (vector<16xf32>, vector<16xi32>, vector<16xi1>) -> (vector<16xi1>, vector<16xf32>, vector<16xi32>)
        %sub3A_409 = vector.broadcast %squeeze3A_137 : f32 to vector<16xf32>
        %sub3A_410 = arith.subf %get3A_377, %sub3A_409 : vector<16xf32>
        %sub3A_411 = vector.broadcast %squeeze3A_139 : f32 to vector<16xf32>
        %sub3A_412 = arith.subf %get3A_381, %sub3A_411 : vector<16xf32>
        %sub3A_413 = vector.broadcast %squeeze3A_141 : f32 to vector<16xf32>
        %sub3A_414 = arith.subf %get3A_385, %sub3A_413 : vector<16xf32>
        %mul3A_415 = arith.mulf %sub3A_410, %sub3A_410 : vector<16xf32>
        %mul3A_416 = arith.mulf %sub3A_412, %sub3A_412 : vector<16xf32>
        %add3A_417 = arith.addf %mul3A_415, %mul3A_416 : vector<16xf32>
        %mul3A_418 = arith.mulf %sub3A_414, %sub3A_414 : vector<16xf32>
        %add3A_419 = arith.addf %add3A_417, %mul3A_418 : vector<16xf32>
        %masked_sort3A_420 = arith.constant dense<true> : vector<16xi1>
        %masked_sort3A_421, %masked_sort3A_422, %masked_sort3A_423 = tpu.sort %add3A_419, %add3A_388 masked %masked_sort3A_420 {descending = true} : (vector<16xf32>, vector<16xi32>, vector<16xi1>) -> (vector<16xi1>, vector<16xf32>, vector<16xi32>)
        %lt3A_424 = arith.cmpf olt, %masked_sort3A_422, %scan3A_368 : vector<16xf32>
        %select_n3A_425 = arith.select %lt3A_424, %masked_sort3A_422, %scan3A_368 : vector<16xi1>, vector<16xf32>
        %select_n3A_426 = arith.select %lt3A_424, %masked_sort3A_423, %scan3A_369 : vector<16xi1>, vector<16xi32>
        %masked_sort3A_427 = arith.constant dense<true> : vector<16xi1>
        %masked_sort3A_428, %masked_sort3A_429, %masked_sort3A_430 = tpu.sort %select_n3A_425, %select_n3A_426 masked %masked_sort3A_427 : (vector<16xf32>, vector<16xi32>, vector<16xi1>) -> (vector<16xi1>, vector<16xf32>, vector<16xi32>)
        %sub3A_431 = vector.broadcast %squeeze3A_143 : f32 to vector<16xf32>
        %sub3A_432 = arith.subf %get3A_377, %sub3A_431 : vector<16xf32>
        %sub3A_433 = vector.broadcast %squeeze3A_145 : f32 to vector<16xf32>
        %sub3A_434 = arith.subf %get3A_381, %sub3A_433 : vector<16xf32>
        %sub3A_435 = vector.broadcast %squeeze3A_147 : f32 to vector<16xf32>
        %sub3A_436 = arith.subf %get3A_385, %sub3A_435 : vector<16xf32>
        %mul3A_437 = arith.mulf %sub3A_432, %sub3A_432 : vector<16xf32>
        %mul3A_438 = arith.mulf %sub3A_434, %sub3A_434 : vector<16xf32>
        %add3A_439 = arith.addf %mul3A_437, %mul3A_438 : vector<16xf32>
        %mul3A_440 = arith.mulf %sub3A_436, %sub3A_436 : vector<16xf32>
        %add3A_441 = arith.addf %add3A_439, %mul3A_440 : vector<16xf32>
        %masked_sort3A_442 = arith.constant dense<true> : vector<16xi1>
        %masked_sort3A_443, %masked_sort3A_444, %masked_sort3A_445 = tpu.sort %add3A_441, %add3A_388 masked %masked_sort3A_442 {descending = true} : (vector<16xf32>, vector<16xi32>, vector<16xi1>) -> (vector<16xi1>, vector<16xf32>, vector<16xi32>)
        %lt3A_446 = arith.cmpf olt, %masked_sort3A_444, %scan3A_370 : vector<16xf32>
        %select_n3A_447 = arith.select %lt3A_446, %masked_sort3A_444, %scan3A_370 : vector<16xi1>, vector<16xf32>
        %select_n3A_448 = arith.select %lt3A_446, %masked_sort3A_445, %scan3A_371 : vector<16xi1>, vector<16xi32>
        %masked_sort3A_449 = arith.constant dense<true> : vector<16xi1>
        %masked_sort3A_450, %masked_sort3A_451, %masked_sort3A_452 = tpu.sort %select_n3A_447, %select_n3A_448 masked %masked_sort3A_449 : (vector<16xf32>, vector<16xi32>, vector<16xi1>) -> (vector<16xi1>, vector<16xf32>, vector<16xi32>)
        %sub3A_453 = vector.broadcast %squeeze3A_149 : f32 to vector<16xf32>
        %sub3A_454 = arith.subf %get3A_377, %sub3A_453 : vector<16xf32>
        %sub3A_455 = vector.broadcast %squeeze3A_151 : f32 to vector<16xf32>
        %sub3A_456 = arith.subf %get3A_381, %sub3A_455 : vector<16xf32>
        %sub3A_457 = vector.broadcast %squeeze3A_153 : f32 to vector<16xf32>
        %sub3A_458 = arith.subf %get3A_385, %sub3A_457 : vector<16xf32>
        %mul3A_459 = arith.mulf %sub3A_454, %sub3A_454 : vector<16xf32>
        %mul3A_460 = arith.mulf %sub3A_456, %sub3A_456 : vector<16xf32>
        %add3A_461 = arith.addf %mul3A_459, %mul3A_460 : vector<16xf32>
        %mul3A_462 = arith.mulf %sub3A_458, %sub3A_458 : vector<16xf32>
        %add3A_463 = arith.addf %add3A_461, %mul3A_462 : vector<16xf32>
        %masked_sort3A_464 = arith.constant dense<true> : vector<16xi1>
        %masked_sort3A_465, %masked_sort3A_466, %masked_sort3A_467 = tpu.sort %add3A_463, %add3A_388 masked %masked_sort3A_464 {descending = true} : (vector<16xf32>, vector<16xi32>, vector<16xi1>) -> (vector<16xi1>, vector<16xf32>, vector<16xi32>)
        %lt3A_468 = arith.cmpf olt, %masked_sort3A_466, %scan3A_372 : vector<16xf32>
        %select_n3A_469 = arith.select %lt3A_468, %masked_sort3A_466, %scan3A_372 : vector<16xi1>, vector<16xf32>
        %select_n3A_470 = arith.select %lt3A_468, %masked_sort3A_467, %scan3A_373 : vector<16xi1>, vector<16xi32>
        %masked_sort3A_471 = arith.constant dense<true> : vector<16xi1>
        %masked_sort3A_472, %masked_sort3A_473, %masked_sort3A_474 = tpu.sort %select_n3A_469, %select_n3A_470 masked %masked_sort3A_471 : (vector<16xf32>, vector<16xi32>, vector<16xi1>) -> (vector<16xi1>, vector<16xf32>, vector<16xi32>)
        %scan3A_475 = arith.constant 1 : i32
        %scan3A_476 = arith.addi %scan3A_365, %scan3A_475 : i32
        %mul3A_477 = arith.constant 16 : i32
        %mul3A_478 = arith.muli %scan3A_476, %mul3A_477 : i32
        %get3A_479 = arith.index_cast %mul3A_478 : i32 to index
        %get3A_480 = tpu.vector_load %arg6[%get3A_479] {strides = array<i32>} : memref<6144xf32, #tpu.memory_space<vmem>>, vector<16xf32>,
        %add3A_481 = arith.constant 2048 : i32
        %add3A_482 = arith.addi %add3A_481, %mul3A_478 : i32
        %get3A_483 = arith.index_cast %add3A_482 : i32 to index
        %get3A_484 = tpu.vector_load %arg6[%get3A_483] {strides = array<i32>} : memref<6144xf32, #tpu.memory_space<vmem>>, vector<16xf32>,
        %add3A_485 = arith.constant 4096 : i32
        %add3A_486 = arith.addi %add3A_485, %mul3A_478 : i32
        %get3A_487 = arith.index_cast %add3A_486 : i32 to index
        %get3A_488 = tpu.vector_load %arg6[%get3A_487] {strides = array<i32>} : memref<6144xf32, #tpu.memory_space<vmem>>, vector<16xf32>,
        %iota3A_489 = tpu.iota {dimensions = array<i32: 0>} : vector<16xi32>
        %add3A_490 = vector.broadcast %mul3A_478 : i32 to vector<16xi32>
        %add3A_491 = arith.addi %add3A_490, %iota3A_489 : vector<16xi32>
        %sub3A_492 = vector.broadcast %squeeze3A_131 : f32 to vector<16xf32>
        %sub3A_493 = arith.subf %get3A_480, %sub3A_492 : vector<16xf32>
        %sub3A_494 = vector.broadcast %squeeze3A_133 : f32 to vector<16xf32>
        %sub3A_495 = arith.subf %get3A_484, %sub3A_494 : vector<16xf32>
        %sub3A_496 = vector.broadcast %squeeze3A_135 : f32 to vector<16xf32>
        %sub3A_497 = arith.subf %get3A_488, %sub3A_496 : vector<16xf32>
        %mul3A_498 = arith.mulf %sub3A_493, %sub3A_493 : vector<16xf32>
        %mul3A_499 = arith.mulf %sub3A_495, %sub3A_495 : vector<16xf32>
        %add3A_500 = arith.addf %mul3A_498, %mul3A_499 : vector<16xf32>
        %mul3A_501 = arith.mulf %sub3A_497, %sub3A_497 : vector<16xf32>
        %add3A_502 = arith.addf %add3A_500, %mul3A_501 : vector<16xf32>
        %masked_sort3A_503 = arith.constant dense<true> : vector<16xi1>
        %masked_sort3A_504, %masked_sort3A_505, %masked_sort3A_506 = tpu.sort %add3A_502, %add3A_491 masked %masked_sort3A_503 {descending = true} : (vector<16xf32>, vector<16xi32>, vector<16xi1>) -> (vector<16xi1>, vector<16xf32>, vector<16xi32>)
        %lt3A_507 = arith.cmpf olt, %masked_sort3A_505, %masked_sort3A_407 : vector<16xf32>
        %select_n3A_508 = arith.select %lt3A_507, %masked_sort3A_505, %masked_sort3A_407 : vector<16xi1>, vector<16xf32>
        %select_n3A_509 = arith.select %lt3A_507, %masked_sort3A_506, %masked_sort3A_408 : vector<16xi1>, vector<16xi32>
        %masked_sort3A_510 = arith.constant dense<true> : vector<16xi1>
        %masked_sort3A_511, %masked_sort3A_512, %masked_sort3A_513 = tpu.sort %select_n3A_508, %select_n3A_509 masked %masked_sort3A_510 : (vector<16xf32>, vector<16xi32>, vector<16xi1>) -> (vector<16xi1>, vector<16xf32>, vector<16xi32>)
        %sub3A_514 = vector.broadcast %squeeze3A_137 : f32 to vector<16xf32>
        %sub3A_515 = arith.subf %get3A_480, %sub3A_514 : vector<16xf32>
        %sub3A_516 = vector.broadcast %squeeze3A_139 : f32 to vector<16xf32>
        %sub3A_517 = arith.subf %get3A_484, %sub3A_516 : vector<16xf32>
        %sub3A_518 = vector.broadcast %squeeze3A_141 : f32 to vector<16xf32>
        %sub3A_519 = arith.subf %get3A_488, %sub3A_518 : vector<16xf32>
        %mul3A_520 = arith.mulf %sub3A_515, %sub3A_515 : vector<16xf32>
        %mul3A_521 = arith.mulf %sub3A_517, %sub3A_517 : vector<16xf32>
        %add3A_522 = arith.addf %mul3A_520, %mul3A_521 : vector<16xf32>
        %mul3A_523 = arith.mulf %sub3A_519, %sub3A_519 : vector<16xf32>
        %add3A_524 = arith.addf %add3A_522, %mul3A_523 : vector<16xf32>
        %masked_sort3A_525 = arith.constant dense<true> : vector<16xi1>
        %masked_sort3A_526, %masked_sort3A_527, %masked_sort3A_528 = tpu.sort %add3A_524, %add3A_491 masked %masked_sort3A_525 {descending = true} : (vector<16xf32>, vector<16xi32>, vector<16xi1>) -> (vector<16xi1>, vector<16xf32>, vector<16xi32>)
        %lt3A_529 = arith.cmpf olt, %masked_sort3A_527, %masked_sort3A_429 : vector<16xf32>
        %select_n3A_530 = arith.select %lt3A_529, %masked_sort3A_527, %masked_sort3A_429 : vector<16xi1>, vector<16xf32>
        %select_n3A_531 = arith.select %lt3A_529, %masked_sort3A_528, %masked_sort3A_430 : vector<16xi1>, vector<16xi32>
        %masked_sort3A_532 = arith.constant dense<true> : vector<16xi1>
        %masked_sort3A_533, %masked_sort3A_534, %masked_sort3A_535 = tpu.sort %select_n3A_530, %select_n3A_531 masked %masked_sort3A_532 : (vector<16xf32>, vector<16xi32>, vector<16xi1>) -> (vector<16xi1>, vector<16xf32>, vector<16xi32>)
        %sub3A_536 = vector.broadcast %squeeze3A_143 : f32 to vector<16xf32>
        %sub3A_537 = arith.subf %get3A_480, %sub3A_536 : vector<16xf32>
        %sub3A_538 = vector.broadcast %squeeze3A_145 : f32 to vector<16xf32>
        %sub3A_539 = arith.subf %get3A_484, %sub3A_538 : vector<16xf32>
        %sub3A_540 = vector.broadcast %squeeze3A_147 : f32 to vector<16xf32>
        %sub3A_541 = arith.subf %get3A_488, %sub3A_540 : vector<16xf32>
        %mul3A_542 = arith.mulf %sub3A_537, %sub3A_537 : vector<16xf32>
        %mul3A_543 = arith.mulf %sub3A_539, %sub3A_539 : vector<16xf32>
        %add3A_544 = arith.addf %mul3A_542, %mul3A_543 : vector<16xf32>
        %mul3A_545 = arith.mulf %sub3A_541, %sub3A_541 : vector<16xf32>
        %add3A_546 = arith.addf %add3A_544, %mul3A_545 : vector<16xf32>
        %masked_sort3A_547 = arith.constant dense<true> : vector<16xi1>
        %masked_sort3A_548, %masked_sort3A_549, %masked_sort3A_550 = tpu.sort %add3A_546, %add3A_491 masked %masked_sort3A_547 {descending = true} : (vector<16xf32>, vector<16xi32>, vector<16xi1>) -> (vector<16xi1>, vector<16xf32>, vector<16xi32>)
        %lt3A_551 = arith.cmpf olt, %masked_sort3A_549, %masked_sort3A_451 : vector<16xf32>
        %select_n3A_552 = arith.select %lt3A_551, %masked_sort3A_549, %masked_sort3A_451 : vector<16xi1>, vector<16xf32>
        %select_n3A_553 = arith.select %lt3A_551, %masked_sort3A_550, %masked_sort3A_452 : vector<16xi1>, vector<16xi32>
        %masked_sort3A_554 = arith.constant dense<true> : vector<16xi1>
        %masked_sort3A_555, %masked_sort3A_556, %masked_sort3A_557 = tpu.sort %select_n3A_552, %select_n3A_553 masked %masked_sort3A_554 : (vector<16xf32>, vector<16xi32>, vector<16xi1>) -> (vector<16xi1>, vector<16xf32>, vector<16xi32>)
        %sub3A_558 = vector.broadcast %squeeze3A_149 : f32 to vector<16xf32>
        %sub3A_559 = arith.subf %get3A_480, %sub3A_558 : vector<16xf32>
        %sub3A_560 = vector.broadcast %squeeze3A_151 : f32 to vector<16xf32>
        %sub3A_561 = arith.subf %get3A_484, %sub3A_560 : vector<16xf32>
        %sub3A_562 = vector.broadcast %squeeze3A_153 : f32 to vector<16xf32>
        %sub3A_563 = arith.subf %get3A_488, %sub3A_562 : vector<16xf32>
        %mul3A_564 = arith.mulf %sub3A_559, %sub3A_559 : vector<16xf32>
        %mul3A_565 = arith.mulf %sub3A_561, %sub3A_561 : vector<16xf32>
        %add3A_566 = arith.addf %mul3A_564, %mul3A_565 : vector<16xf32>
        %mul3A_567 = arith.mulf %sub3A_563, %sub3A_563 : vector<16xf32>
        %add3A_568 = arith.addf %add3A_566, %mul3A_567 : vector<16xf32>
        %masked_sort3A_569 = arith.constant dense<true> : vector<16xi1>
        %masked_sort3A_570, %masked_sort3A_571, %masked_sort3A_572 = tpu.sort %add3A_568, %add3A_491 masked %masked_sort3A_569 {descending = true} : (vector<16xf32>, vector<16xi32>, vector<16xi1>) -> (vector<16xi1>, vector<16xf32>, vector<16xi32>)
        %lt3A_573 = arith.cmpf olt, %masked_sort3A_571, %masked_sort3A_473 : vector<16xf32>
        %select_n3A_574 = arith.select %lt3A_573, %masked_sort3A_571, %masked_sort3A_473 : vector<16xi1>, vector<16xf32>
        %select_n3A_575 = arith.select %lt3A_573, %masked_sort3A_572, %masked_sort3A_474 : vector<16xi1>, vector<16xi32>
        %masked_sort3A_576 = arith.constant dense<true> : vector<16xi1>
        %masked_sort3A_577, %masked_sort3A_578, %masked_sort3A_579 = tpu.sort %select_n3A_574, %select_n3A_575 masked %masked_sort3A_576 : (vector<16xf32>, vector<16xi32>, vector<16xi1>) -> (vector<16xi1>, vector<16xf32>, vector<16xi32>)
        scf.yield %masked_sort3A_512, %masked_sort3A_513, %masked_sort3A_534, %masked_sort3A_535, %masked_sort3A_556, %masked_sort3A_557, %masked_sort3A_578, %masked_sort3A_579 : vector<16xf32>, vector<16xi32>, vector<16xf32>, vector<16xi32>, vector<16xf32>, vector<16xi32>, vector<16xf32>, vector<16xi32>
      }
      %scan3A_163 = arith.constant 128 : i32
      %iota3A_164 = tpu.iota {dimensions = array<i32: 0>} : vector<16xi32>
      %mul3A_165 = arith.constant 64 : i32
      %mul3A_166 = vector.broadcast %mul3A_165 : i32 to vector<16xi32>
      %mul3A_167 = arith.muli %iota3A_164, %mul3A_166 : vector<16xi32>
      %add3A_168 = arith.constant 4 : i32
      %add3A_169 = arith.addi %mul3A_46, %add3A_168 : i32
      %add3A_170 = arith.constant 0 : i32
      %add3A_171 = arith.addi %add3A_169, %add3A_170 : i32
      %add3A_172 = vector.broadcast %add3A_171 : i32 to vector<16xi32>
      %add3A_173 = arith.addi %mul3A_167, %add3A_172 : vector<16xi32>
      %mul3A_174 = arith.constant 2048 : i32
      %mul3A_175 = arith.muli %select_n3A, %mul3A_174 : i32
      %add3A_176 = vector.broadcast %mul3A_175 : i32 to vector<16xi32>
      %add3A_177 = arith.addi %scan3A_162#1, %add3A_176 : vector<16xi32>
      tpu.vector_store_idx %arg8[%add3A_173], %add3A_177 : memref<1024xi32, #tpu.memory_space<vmem>>[vector<16xi32>], vector<16xi32>,
      %add3A_178 = arith.constant 4 : i32
      %add3A_179 = arith.addi %mul3A_46, %add3A_178 : i32
      %add3A_180 = arith.constant 1 : i32
      %add3A_181 = arith.addi %add3A_179, %add3A_180 : i32
      %add3A_182 = vector.broadcast %add3A_181 : i32 to vector<16xi32>
      %add3A_183 = arith.addi %mul3A_167, %add3A_182 : vector<16xi32>
      %mul3A_184 = arith.constant 2048 : i32
      %mul3A_185 = arith.muli %select_n3A, %mul3A_184 : i32
      %add3A_186 = vector.broadcast %mul3A_185 : i32 to vector<16xi32>
      %add3A_187 = arith.addi %scan3A_162#3, %add3A_186 : vector<16xi32>
      tpu.vector_store_idx %arg8[%add3A_183], %add3A_187 : memref<1024xi32, #tpu.memory_space<vmem>>[vector<16xi32>], vector<16xi32>,
      %add3A_188 = arith.constant 4 : i32
      %add3A_189 = arith.addi %mul3A_46, %add3A_188 : i32
      %add3A_190 = arith.constant 2 : i32
      %add3A_191 = arith.addi %add3A_189, %add3A_190 : i32
      %add3A_192 = vector.broadcast %add3A_191 : i32 to vector<16xi32>
      %add3A_193 = arith.addi %mul3A_167, %add3A_192 : vector<16xi32>
      %mul3A_194 = arith.constant 2048 : i32
      %mul3A_195 = arith.muli %select_n3A, %mul3A_194 : i32
      %add3A_196 = vector.broadcast %mul3A_195 : i32 to vector<16xi32>
      %add3A_197 = arith.addi %scan3A_162#5, %add3A_196 : vector<16xi32>
      tpu.vector_store_idx %arg8[%add3A_193], %add3A_197 : memref<1024xi32, #tpu.memory_space<vmem>>[vector<16xi32>], vector<16xi32>,
      %add3A_198 = arith.constant 4 : i32
      %add3A_199 = arith.addi %mul3A_46, %add3A_198 : i32
      %add3A_200 = arith.constant 3 : i32
      %add3A_201 = arith.addi %add3A_199, %add3A_200 : i32
      %add3A_202 = vector.broadcast %add3A_201 : i32 to vector<16xi32>
      %add3A_203 = arith.addi %mul3A_167, %add3A_202 : vector<16xi32>
      %mul3A_204 = arith.constant 2048 : i32
      %mul3A_205 = arith.muli %select_n3A, %mul3A_204 : i32
      %add3A_206 = vector.broadcast %mul3A_205 : i32 to vector<16xi32>
      %add3A_207 = arith.addi %scan3A_162#7, %add3A_206 : vector<16xi32>
      tpu.vector_store_idx %arg8[%add3A_203], %add3A_207 : memref<1024xi32, #tpu.memory_space<vmem>>[vector<16xi32>], vector<16xi32>,
      %slice3A_208 = vector.extract_strided_slice %get3A_47 {offsets = [8], sizes = [1], strides = [1]} : vector<16xf32> to vector<1xf32>
      %squeeze3A_209 = vector.extract %slice3A_208[0] : f32 from vector<1xf32>
      %slice3A_210 = vector.extract_strided_slice %get3A_51 {offsets = [8], sizes = [1], strides = [1]} : vector<16xf32> to vector<1xf32>
      %squeeze3A_211 = vector.extract %slice3A_210[0] : f32 from vector<1xf32>
      %slice3A_212 = vector.extract_strided_slice %get3A_55 {offsets = [8], sizes = [1], strides = [1]} : vector<16xf32> to vector<1xf32>
      %squeeze3A_213 = vector.extract %slice3A_212[0] : f32 from vector<1xf32>
      %slice3A_214 = vector.extract_strided_slice %get3A_47 {offsets = [9], sizes = [1], strides = [1]} : vector<16xf32> to vector<1xf32>
      %squeeze3A_215 = vector.extract %slice3A_214[0] : f32 from vector<1xf32>
      %slice3A_216 = vector.extract_strided_slice %get3A_51 {offsets = [9], sizes = [1], strides = [1]} : vector<16xf32> to vector<1xf32>
      %squeeze3A_217 = vector.extract %slice3A_216[0] : f32 from vector<1xf32>
      %slice3A_218 = vector.extract_strided_slice %get3A_55 {offsets = [9], sizes = [1], strides = [1]} : vector<16xf32> to vector<1xf32>
      %squeeze3A_219 = vector.extract %slice3A_218[0] : f32 from vector<1xf32>
      %slice3A_220 = vector.extract_strided_slice %get3A_47 {offsets = [10], sizes = [1], strides = [1]} : vector<16xf32> to vector<1xf32>
      %squeeze3A_221 = vector.extract %slice3A_220[0] : f32 from vector<1xf32>
      %slice3A_222 = vector.extract_strided_slice %get3A_51 {offsets = [10], sizes = [1], strides = [1]} : vector<16xf32> to vector<1xf32>
      %squeeze3A_223 = vector.extract %slice3A_222[0] : f32 from vector<1xf32>
      %slice3A_224 = vector.extract_strided_slice %get3A_55 {offsets = [10], sizes = [1], strides = [1]} : vector<16xf32> to vector<1xf32>
      %squeeze3A_225 = vector.extract %slice3A_224[0] : f32 from vector<1xf32>
      %slice3A_226 = vector.extract_strided_slice %get3A_47 {offsets = [11], sizes = [1], strides = [1]} : vector<16xf32> to vector<1xf32>
      %squeeze3A_227 = vector.extract %slice3A_226[0] : f32 from vector<1xf32>
      %slice3A_228 = vector.extract_strided_slice %get3A_51 {offsets = [11], sizes = [1], strides = [1]} : vector<16xf32> to vector<1xf32>
      %squeeze3A_229 = vector.extract %slice3A_228[0] : f32 from vector<1xf32>
      %slice3A_230 = vector.extract_strided_slice %get3A_55 {offsets = [11], sizes = [1], strides = [1]} : vector<16xf32> to vector<1xf32>
      %squeeze3A_231 = vector.extract %slice3A_230[0] : f32 from vector<1xf32>
      %broadcast_in_dim3A_232 = arith.constant 0x7F800000 : f32
      %broadcast_in_dim3A_233 = vector.broadcast %broadcast_in_dim3A_232 : f32 to vector<16xf32>
      %broadcast_in_dim3A_234 = arith.constant 0 : i32
      %broadcast_in_dim3A_235 = vector.broadcast %broadcast_in_dim3A_234 : i32 to vector<16xi32>
      %scan3A_236 = arith.constant 0 : i32
      %scan3A_237 = arith.constant 128 : i32
      %scan3A_238 = arith.addi %scan3A_236, %scan3A_237 : i32
      %scan3A_239 = arith.constant 2 : i32
      %scan3A_240:8 = scf.for %scan3A_365 = %scan3A_236 to %scan3A_238 step %scan3A_239 iter_args(%scan3A_366 = %broadcast_in_dim3A_233, %scan3A_367 = %broadcast_in_dim3A_235, %scan3A_368 = %broadcast_in_dim3A_233, %scan3A_369 = %broadcast_in_dim3A_235, %scan3A_370 = %broadcast_in_dim3A_233, %scan3A_371 = %broadcast_in_dim3A_235, %scan3A_372 = %broadcast_in_dim3A_233, %scan3A_373 = %broadcast_in_dim3A_235) -> (vector<16xf32>, vector<16xi32>, vector<16xf32>, vector<16xi32>, vector<16xf32>, vector<16xi32>, vector<16xf32>, vector<16xi32>)  : i32 {
        %mul3A_374 = arith.constant 16 : i32
        %mul3A_375 = arith.muli %scan3A_365, %mul3A_374 : i32
        %get3A_376 = arith.index_cast %mul3A_375 : i32 to index
        %get3A_377 = tpu.vector_load %arg6[%get3A_376] {strides = array<i32>} : memref<6144xf32, #tpu.memory_space<vmem>>, vector<16xf32>,
        %add3A_378 = arith.constant 2048 : i32
        %add3A_379 = arith.addi %add3A_378, %mul3A_375 : i32
        %get3A_380 = arith.index_cast %add3A_379 : i32 to index
        %get3A_381 = tpu.vector_load %arg6[%get3A_380] {strides = array<i32>} : memref<6144xf32, #tpu.memory_space<vmem>>, vector<16xf32>,
        %add3A_382 = arith.constant 4096 : i32
        %add3A_383 = arith.addi %add3A_382, %mul3A_375 : i32
        %get3A_384 = arith.index_cast %add3A_383 : i32 to index
        %get3A_385 = tpu.vector_load %arg6[%get3A_384] {strides = array<i32>} : memref<6144xf32, #tpu.memory_space<vmem>>, vector<16xf32>,
        %iota3A_386 = tpu.iota {dimensions = array<i32: 0>} : vector<16xi32>
        %add3A_387 = vector.broadcast %mul3A_375 : i32 to vector<16xi32>
        %add3A_388 = arith.addi %add3A_387, %iota3A_386 : vector<16xi32>
        %sub3A_389 = vector.broadcast %squeeze3A_209 : f32 to vector<16xf32>
        %sub3A_390 = arith.subf %get3A_377, %sub3A_389 : vector<16xf32>
        %sub3A_391 = vector.broadcast %squeeze3A_211 : f32 to vector<16xf32>
        %sub3A_392 = arith.subf %get3A_381, %sub3A_391 : vector<16xf32>
        %sub3A_393 = vector.broadcast %squeeze3A_213 : f32 to vector<16xf32>
        %sub3A_394 = arith.subf %get3A_385, %sub3A_393 : vector<16xf32>
        %mul3A_395 = arith.mulf %sub3A_390, %sub3A_390 : vector<16xf32>
        %mul3A_396 = arith.mulf %sub3A_392, %sub3A_392 : vector<16xf32>
        %add3A_397 = arith.addf %mul3A_395, %mul3A_396 : vector<16xf32>
        %mul3A_398 = arith.mulf %sub3A_394, %sub3A_394 : vector<16xf32>
        %add3A_399 = arith.addf %add3A_397, %mul3A_398 : vector<16xf32>
        %masked_sort3A = arith.constant dense<true> : vector<16xi1>
        %masked_sort3A_400, %masked_sort3A_401, %masked_sort3A_402 = tpu.sort %add3A_399, %add3A_388 masked %masked_sort3A {descending = true} : (vector<16xf32>, vector<16xi32>, vector<16xi1>) -> (vector<16xi1>, vector<16xf32>, vector<16xi32>)
        %lt3A = arith.cmpf olt, %masked_sort3A_401, %scan3A_366 : vector<16xf32>
        %select_n3A_403 = arith.select %lt3A, %masked_sort3A_401, %scan3A_366 : vector<16xi1>, vector<16xf32>
        %select_n3A_404 = arith.select %lt3A, %masked_sort3A_402, %scan3A_367 : vector<16xi1>, vector<16xi32>
        %masked_sort3A_405 = arith.constant dense<true> : vector<16xi1>
        %masked_sort3A_406, %masked_sort3A_407, %masked_sort3A_408 = tpu.sort %select_n3A_403, %select_n3A_404 masked %masked_sort3A_405 : (vector<16xf32>, vector<16xi32>, vector<16xi1>) -> (vector<16xi1>, vector<16xf32>, vector<16xi32>)
        %sub3A_409 = vector.broadcast %squeeze3A_215 : f32 to vector<16xf32>
        %sub3A_410 = arith.subf %get3A_377, %sub3A_409 : vector<16xf32>
        %sub3A_411 = vector.broadcast %squeeze3A_217 : f32 to vector<16xf32>
        %sub3A_412 = arith.subf %get3A_381, %sub3A_411 : vector<16xf32>
        %sub3A_413 = vector.broadcast %squeeze3A_219 : f32 to vector<16xf32>
        %sub3A_414 = arith.subf %get3A_385, %sub3A_413 : vector<16xf32>
        %mul3A_415 = arith.mulf %sub3A_410, %sub3A_410 : vector<16xf32>
        %mul3A_416 = arith.mulf %sub3A_412, %sub3A_412 : vector<16xf32>
        %add3A_417 = arith.addf %mul3A_415, %mul3A_416 : vector<16xf32>
        %mul3A_418 = arith.mulf %sub3A_414, %sub3A_414 : vector<16xf32>
        %add3A_419 = arith.addf %add3A_417, %mul3A_418 : vector<16xf32>
        %masked_sort3A_420 = arith.constant dense<true> : vector<16xi1>
        %masked_sort3A_421, %masked_sort3A_422, %masked_sort3A_423 = tpu.sort %add3A_419, %add3A_388 masked %masked_sort3A_420 {descending = true} : (vector<16xf32>, vector<16xi32>, vector<16xi1>) -> (vector<16xi1>, vector<16xf32>, vector<16xi32>)
        %lt3A_424 = arith.cmpf olt, %masked_sort3A_422, %scan3A_368 : vector<16xf32>
        %select_n3A_425 = arith.select %lt3A_424, %masked_sort3A_422, %scan3A_368 : vector<16xi1>, vector<16xf32>
        %select_n3A_426 = arith.select %lt3A_424, %masked_sort3A_423, %scan3A_369 : vector<16xi1>, vector<16xi32>
        %masked_sort3A_427 = arith.constant dense<true> : vector<16xi1>
        %masked_sort3A_428, %masked_sort3A_429, %masked_sort3A_430 = tpu.sort %select_n3A_425, %select_n3A_426 masked %masked_sort3A_427 : (vector<16xf32>, vector<16xi32>, vector<16xi1>) -> (vector<16xi1>, vector<16xf32>, vector<16xi32>)
        %sub3A_431 = vector.broadcast %squeeze3A_221 : f32 to vector<16xf32>
        %sub3A_432 = arith.subf %get3A_377, %sub3A_431 : vector<16xf32>
        %sub3A_433 = vector.broadcast %squeeze3A_223 : f32 to vector<16xf32>
        %sub3A_434 = arith.subf %get3A_381, %sub3A_433 : vector<16xf32>
        %sub3A_435 = vector.broadcast %squeeze3A_225 : f32 to vector<16xf32>
        %sub3A_436 = arith.subf %get3A_385, %sub3A_435 : vector<16xf32>
        %mul3A_437 = arith.mulf %sub3A_432, %sub3A_432 : vector<16xf32>
        %mul3A_438 = arith.mulf %sub3A_434, %sub3A_434 : vector<16xf32>
        %add3A_439 = arith.addf %mul3A_437, %mul3A_438 : vector<16xf32>
        %mul3A_440 = arith.mulf %sub3A_436, %sub3A_436 : vector<16xf32>
        %add3A_441 = arith.addf %add3A_439, %mul3A_440 : vector<16xf32>
        %masked_sort3A_442 = arith.constant dense<true> : vector<16xi1>
        %masked_sort3A_443, %masked_sort3A_444, %masked_sort3A_445 = tpu.sort %add3A_441, %add3A_388 masked %masked_sort3A_442 {descending = true} : (vector<16xf32>, vector<16xi32>, vector<16xi1>) -> (vector<16xi1>, vector<16xf32>, vector<16xi32>)
        %lt3A_446 = arith.cmpf olt, %masked_sort3A_444, %scan3A_370 : vector<16xf32>
        %select_n3A_447 = arith.select %lt3A_446, %masked_sort3A_444, %scan3A_370 : vector<16xi1>, vector<16xf32>
        %select_n3A_448 = arith.select %lt3A_446, %masked_sort3A_445, %scan3A_371 : vector<16xi1>, vector<16xi32>
        %masked_sort3A_449 = arith.constant dense<true> : vector<16xi1>
        %masked_sort3A_450, %masked_sort3A_451, %masked_sort3A_452 = tpu.sort %select_n3A_447, %select_n3A_448 masked %masked_sort3A_449 : (vector<16xf32>, vector<16xi32>, vector<16xi1>) -> (vector<16xi1>, vector<16xf32>, vector<16xi32>)
        %sub3A_453 = vector.broadcast %squeeze3A_227 : f32 to vector<16xf32>
        %sub3A_454 = arith.subf %get3A_377, %sub3A_453 : vector<16xf32>
        %sub3A_455 = vector.broadcast %squeeze3A_229 : f32 to vector<16xf32>
        %sub3A_456 = arith.subf %get3A_381, %sub3A_455 : vector<16xf32>
        %sub3A_457 = vector.broadcast %squeeze3A_231 : f32 to vector<16xf32>
        %sub3A_458 = arith.subf %get3A_385, %sub3A_457 : vector<16xf32>
        %mul3A_459 = arith.mulf %sub3A_454, %sub3A_454 : vector<16xf32>
        %mul3A_460 = arith.mulf %sub3A_456, %sub3A_456 : vector<16xf32>
        %add3A_461 = arith.addf %mul3A_459, %mul3A_460 : vector<16xf32>
        %mul3A_462 = arith.mulf %sub3A_458, %sub3A_458 : vector<16xf32>
        %add3A_463 = arith.addf %add3A_461, %mul3A_462 : vector<16xf32>
        %masked_sort3A_464 = arith.constant dense<true> : vector<16xi1>
        %masked_sort3A_465, %masked_sort3A_466, %masked_sort3A_467 = tpu.sort %add3A_463, %add3A_388 masked %masked_sort3A_464 {descending = true} : (vector<16xf32>, vector<16xi32>, vector<16xi1>) -> (vector<16xi1>, vector<16xf32>, vector<16xi32>)
        %lt3A_468 = arith.cmpf olt, %masked_sort3A_466, %scan3A_372 : vector<16xf32>
        %select_n3A_469 = arith.select %lt3A_468, %masked_sort3A_466, %scan3A_372 : vector<16xi1>, vector<16xf32>
        %select_n3A_470 = arith.select %lt3A_468, %masked_sort3A_467, %scan3A_373 : vector<16xi1>, vector<16xi32>
        %masked_sort3A_471 = arith.constant dense<true> : vector<16xi1>
        %masked_sort3A_472, %masked_sort3A_473, %masked_sort3A_474 = tpu.sort %select_n3A_469, %select_n3A_470 masked %masked_sort3A_471 : (vector<16xf32>, vector<16xi32>, vector<16xi1>) -> (vector<16xi1>, vector<16xf32>, vector<16xi32>)
        %scan3A_475 = arith.constant 1 : i32
        %scan3A_476 = arith.addi %scan3A_365, %scan3A_475 : i32
        %mul3A_477 = arith.constant 16 : i32
        %mul3A_478 = arith.muli %scan3A_476, %mul3A_477 : i32
        %get3A_479 = arith.index_cast %mul3A_478 : i32 to index
        %get3A_480 = tpu.vector_load %arg6[%get3A_479] {strides = array<i32>} : memref<6144xf32, #tpu.memory_space<vmem>>, vector<16xf32>,
        %add3A_481 = arith.constant 2048 : i32
        %add3A_482 = arith.addi %add3A_481, %mul3A_478 : i32
        %get3A_483 = arith.index_cast %add3A_482 : i32 to index
        %get3A_484 = tpu.vector_load %arg6[%get3A_483] {strides = array<i32>} : memref<6144xf32, #tpu.memory_space<vmem>>, vector<16xf32>,
        %add3A_485 = arith.constant 4096 : i32
        %add3A_486 = arith.addi %add3A_485, %mul3A_478 : i32
        %get3A_487 = arith.index_cast %add3A_486 : i32 to index
        %get3A_488 = tpu.vector_load %arg6[%get3A_487] {strides = array<i32>} : memref<6144xf32, #tpu.memory_space<vmem>>, vector<16xf32>,
        %iota3A_489 = tpu.iota {dimensions = array<i32: 0>} : vector<16xi32>
        %add3A_490 = vector.broadcast %mul3A_478 : i32 to vector<16xi32>
        %add3A_491 = arith.addi %add3A_490, %iota3A_489 : vector<16xi32>
        %sub3A_492 = vector.broadcast %squeeze3A_209 : f32 to vector<16xf32>
        %sub3A_493 = arith.subf %get3A_480, %sub3A_492 : vector<16xf32>
        %sub3A_494 = vector.broadcast %squeeze3A_211 : f32 to vector<16xf32>
        %sub3A_495 = arith.subf %get3A_484, %sub3A_494 : vector<16xf32>
        %sub3A_496 = vector.broadcast %squeeze3A_213 : f32 to vector<16xf32>
        %sub3A_497 = arith.subf %get3A_488, %sub3A_496 : vector<16xf32>
        %mul3A_498 = arith.mulf %sub3A_493, %sub3A_493 : vector<16xf32>
        %mul3A_499 = arith.mulf %sub3A_495, %sub3A_495 : vector<16xf32>
        %add3A_500 = arith.addf %mul3A_498, %mul3A_499 : vector<16xf32>
        %mul3A_501 = arith.mulf %sub3A_497, %sub3A_497 : vector<16xf32>
        %add3A_502 = arith.addf %add3A_500, %mul3A_501 : vector<16xf32>
        %masked_sort3A_503 = arith.constant dense<true> : vector<16xi1>
        %masked_sort3A_504, %masked_sort3A_505, %masked_sort3A_506 = tpu.sort %add3A_502, %add3A_491 masked %masked_sort3A_503 {descending = true} : (vector<16xf32>, vector<16xi32>, vector<16xi1>) -> (vector<16xi1>, vector<16xf32>, vector<16xi32>)
        %lt3A_507 = arith.cmpf olt, %masked_sort3A_505, %masked_sort3A_407 : vector<16xf32>
        %select_n3A_508 = arith.select %lt3A_507, %masked_sort3A_505, %masked_sort3A_407 : vector<16xi1>, vector<16xf32>
        %select_n3A_509 = arith.select %lt3A_507, %masked_sort3A_506, %masked_sort3A_408 : vector<16xi1>, vector<16xi32>
        %masked_sort3A_510 = arith.constant dense<true> : vector<16xi1>
        %masked_sort3A_511, %masked_sort3A_512, %masked_sort3A_513 = tpu.sort %select_n3A_508, %select_n3A_509 masked %masked_sort3A_510 : (vector<16xf32>, vector<16xi32>, vector<16xi1>) -> (vector<16xi1>, vector<16xf32>, vector<16xi32>)
        %sub3A_514 = vector.broadcast %squeeze3A_215 : f32 to vector<16xf32>
        %sub3A_515 = arith.subf %get3A_480, %sub3A_514 : vector<16xf32>
        %sub3A_516 = vector.broadcast %squeeze3A_217 : f32 to vector<16xf32>
        %sub3A_517 = arith.subf %get3A_484, %sub3A_516 : vector<16xf32>
        %sub3A_518 = vector.broadcast %squeeze3A_219 : f32 to vector<16xf32>
        %sub3A_519 = arith.subf %get3A_488, %sub3A_518 : vector<16xf32>
        %mul3A_520 = arith.mulf %sub3A_515, %sub3A_515 : vector<16xf32>
        %mul3A_521 = arith.mulf %sub3A_517, %sub3A_517 : vector<16xf32>
        %add3A_522 = arith.addf %mul3A_520, %mul3A_521 : vector<16xf32>
        %mul3A_523 = arith.mulf %sub3A_519, %sub3A_519 : vector<16xf32>
        %add3A_524 = arith.addf %add3A_522, %mul3A_523 : vector<16xf32>
        %masked_sort3A_525 = arith.constant dense<true> : vector<16xi1>
        %masked_sort3A_526, %masked_sort3A_527, %masked_sort3A_528 = tpu.sort %add3A_524, %add3A_491 masked %masked_sort3A_525 {descending = true} : (vector<16xf32>, vector<16xi32>, vector<16xi1>) -> (vector<16xi1>, vector<16xf32>, vector<16xi32>)
        %lt3A_529 = arith.cmpf olt, %masked_sort3A_527, %masked_sort3A_429 : vector<16xf32>
        %select_n3A_530 = arith.select %lt3A_529, %masked_sort3A_527, %masked_sort3A_429 : vector<16xi1>, vector<16xf32>
        %select_n3A_531 = arith.select %lt3A_529, %masked_sort3A_528, %masked_sort3A_430 : vector<16xi1>, vector<16xi32>
        %masked_sort3A_532 = arith.constant dense<true> : vector<16xi1>
        %masked_sort3A_533, %masked_sort3A_534, %masked_sort3A_535 = tpu.sort %select_n3A_530, %select_n3A_531 masked %masked_sort3A_532 : (vector<16xf32>, vector<16xi32>, vector<16xi1>) -> (vector<16xi1>, vector<16xf32>, vector<16xi32>)
        %sub3A_536 = vector.broadcast %squeeze3A_221 : f32 to vector<16xf32>
        %sub3A_537 = arith.subf %get3A_480, %sub3A_536 : vector<16xf32>
        %sub3A_538 = vector.broadcast %squeeze3A_223 : f32 to vector<16xf32>
        %sub3A_539 = arith.subf %get3A_484, %sub3A_538 : vector<16xf32>
        %sub3A_540 = vector.broadcast %squeeze3A_225 : f32 to vector<16xf32>
        %sub3A_541 = arith.subf %get3A_488, %sub3A_540 : vector<16xf32>
        %mul3A_542 = arith.mulf %sub3A_537, %sub3A_537 : vector<16xf32>
        %mul3A_543 = arith.mulf %sub3A_539, %sub3A_539 : vector<16xf32>
        %add3A_544 = arith.addf %mul3A_542, %mul3A_543 : vector<16xf32>
        %mul3A_545 = arith.mulf %sub3A_541, %sub3A_541 : vector<16xf32>
        %add3A_546 = arith.addf %add3A_544, %mul3A_545 : vector<16xf32>
        %masked_sort3A_547 = arith.constant dense<true> : vector<16xi1>
        %masked_sort3A_548, %masked_sort3A_549, %masked_sort3A_550 = tpu.sort %add3A_546, %add3A_491 masked %masked_sort3A_547 {descending = true} : (vector<16xf32>, vector<16xi32>, vector<16xi1>) -> (vector<16xi1>, vector<16xf32>, vector<16xi32>)
        %lt3A_551 = arith.cmpf olt, %masked_sort3A_549, %masked_sort3A_451 : vector<16xf32>
        %select_n3A_552 = arith.select %lt3A_551, %masked_sort3A_549, %masked_sort3A_451 : vector<16xi1>, vector<16xf32>
        %select_n3A_553 = arith.select %lt3A_551, %masked_sort3A_550, %masked_sort3A_452 : vector<16xi1>, vector<16xi32>
        %masked_sort3A_554 = arith.constant dense<true> : vector<16xi1>
        %masked_sort3A_555, %masked_sort3A_556, %masked_sort3A_557 = tpu.sort %select_n3A_552, %select_n3A_553 masked %masked_sort3A_554 : (vector<16xf32>, vector<16xi32>, vector<16xi1>) -> (vector<16xi1>, vector<16xf32>, vector<16xi32>)
        %sub3A_558 = vector.broadcast %squeeze3A_227 : f32 to vector<16xf32>
        %sub3A_559 = arith.subf %get3A_480, %sub3A_558 : vector<16xf32>
        %sub3A_560 = vector.broadcast %squeeze3A_229 : f32 to vector<16xf32>
        %sub3A_561 = arith.subf %get3A_484, %sub3A_560 : vector<16xf32>
        %sub3A_562 = vector.broadcast %squeeze3A_231 : f32 to vector<16xf32>
        %sub3A_563 = arith.subf %get3A_488, %sub3A_562 : vector<16xf32>
        %mul3A_564 = arith.mulf %sub3A_559, %sub3A_559 : vector<16xf32>
        %mul3A_565 = arith.mulf %sub3A_561, %sub3A_561 : vector<16xf32>
        %add3A_566 = arith.addf %mul3A_564, %mul3A_565 : vector<16xf32>
        %mul3A_567 = arith.mulf %sub3A_563, %sub3A_563 : vector<16xf32>
        %add3A_568 = arith.addf %add3A_566, %mul3A_567 : vector<16xf32>
        %masked_sort3A_569 = arith.constant dense<true> : vector<16xi1>
        %masked_sort3A_570, %masked_sort3A_571, %masked_sort3A_572 = tpu.sort %add3A_568, %add3A_491 masked %masked_sort3A_569 {descending = true} : (vector<16xf32>, vector<16xi32>, vector<16xi1>) -> (vector<16xi1>, vector<16xf32>, vector<16xi32>)
        %lt3A_573 = arith.cmpf olt, %masked_sort3A_571, %masked_sort3A_473 : vector<16xf32>
        %select_n3A_574 = arith.select %lt3A_573, %masked_sort3A_571, %masked_sort3A_473 : vector<16xi1>, vector<16xf32>
        %select_n3A_575 = arith.select %lt3A_573, %masked_sort3A_572, %masked_sort3A_474 : vector<16xi1>, vector<16xi32>
        %masked_sort3A_576 = arith.constant dense<true> : vector<16xi1>
        %masked_sort3A_577, %masked_sort3A_578, %masked_sort3A_579 = tpu.sort %select_n3A_574, %select_n3A_575 masked %masked_sort3A_576 : (vector<16xf32>, vector<16xi32>, vector<16xi1>) -> (vector<16xi1>, vector<16xf32>, vector<16xi32>)
        scf.yield %masked_sort3A_512, %masked_sort3A_513, %masked_sort3A_534, %masked_sort3A_535, %masked_sort3A_556, %masked_sort3A_557, %masked_sort3A_578, %masked_sort3A_579 : vector<16xf32>, vector<16xi32>, vector<16xf32>, vector<16xi32>, vector<16xf32>, vector<16xi32>, vector<16xf32>, vector<16xi32>
      }
      %scan3A_241 = arith.constant 128 : i32
      %iota3A_242 = tpu.iota {dimensions = array<i32: 0>} : vector<16xi32>
      %mul3A_243 = arith.constant 64 : i32
      %mul3A_244 = vector.broadcast %mul3A_243 : i32 to vector<16xi32>
      %mul3A_245 = arith.muli %iota3A_242, %mul3A_244 : vector<16xi32>
      %add3A_246 = arith.constant 8 : i32
      %add3A_247 = arith.addi %mul3A_46, %add3A_246 : i32
      %add3A_248 = arith.constant 0 : i32
      %add3A_249 = arith.addi %add3A_247, %add3A_248 : i32
      %add3A_250 = vector.broadcast %add3A_249 : i32 to vector<16xi32>
      %add3A_251 = arith.addi %mul3A_245, %add3A_250 : vector<16xi32>
      %mul3A_252 = arith.constant 2048 : i32
      %mul3A_253 = arith.muli %select_n3A, %mul3A_252 : i32
      %add3A_254 = vector.broadcast %mul3A_253 : i32 to vector<16xi32>
      %add3A_255 = arith.addi %scan3A_240#1, %add3A_254 : vector<16xi32>
      tpu.vector_store_idx %arg8[%add3A_251], %add3A_255 : memref<1024xi32, #tpu.memory_space<vmem>>[vector<16xi32>], vector<16xi32>,
      %add3A_256 = arith.constant 8 : i32
      %add3A_257 = arith.addi %mul3A_46, %add3A_256 : i32
      %add3A_258 = arith.constant 1 : i32
      %add3A_259 = arith.addi %add3A_257, %add3A_258 : i32
      %add3A_260 = vector.broadcast %add3A_259 : i32 to vector<16xi32>
      %add3A_261 = arith.addi %mul3A_245, %add3A_260 : vector<16xi32>
      %mul3A_262 = arith.constant 2048 : i32
      %mul3A_263 = arith.muli %select_n3A, %mul3A_262 : i32
      %add3A_264 = vector.broadcast %mul3A_263 : i32 to vector<16xi32>
      %add3A_265 = arith.addi %scan3A_240#3, %add3A_264 : vector<16xi32>
      tpu.vector_store_idx %arg8[%add3A_261], %add3A_265 : memref<1024xi32, #tpu.memory_space<vmem>>[vector<16xi32>], vector<16xi32>,
      %add3A_266 = arith.constant 8 : i32
      %add3A_267 = arith.addi %mul3A_46, %add3A_266 : i32
      %add3A_268 = arith.constant 2 : i32
      %add3A_269 = arith.addi %add3A_267, %add3A_268 : i32
      %add3A_270 = vector.broadcast %add3A_269 : i32 to vector<16xi32>
      %add3A_271 = arith.addi %mul3A_245, %add3A_270 : vector<16xi32>
      %mul3A_272 = arith.constant 2048 : i32
      %mul3A_273 = arith.muli %select_n3A, %mul3A_272 : i32
      %add3A_274 = vector.broadcast %mul3A_273 : i32 to vector<16xi32>
      %add3A_275 = arith.addi %scan3A_240#5, %add3A_274 : vector<16xi32>
      tpu.vector_store_idx %arg8[%add3A_271], %add3A_275 : memref<1024xi32, #tpu.memory_space<vmem>>[vector<16xi32>], vector<16xi32>,
      %add3A_276 = arith.constant 8 : i32
      %add3A_277 = arith.addi %mul3A_46, %add3A_276 : i32
      %add3A_278 = arith.constant 3 : i32
      %add3A_279 = arith.addi %add3A_277, %add3A_278 : i32
      %add3A_280 = vector.broadcast %add3A_279 : i32 to vector<16xi32>
      %add3A_281 = arith.addi %mul3A_245, %add3A_280 : vector<16xi32>
      %mul3A_282 = arith.constant 2048 : i32
      %mul3A_283 = arith.muli %select_n3A, %mul3A_282 : i32
      %add3A_284 = vector.broadcast %mul3A_283 : i32 to vector<16xi32>
      %add3A_285 = arith.addi %scan3A_240#7, %add3A_284 : vector<16xi32>
      tpu.vector_store_idx %arg8[%add3A_281], %add3A_285 : memref<1024xi32, #tpu.memory_space<vmem>>[vector<16xi32>], vector<16xi32>,
      %slice3A_286 = vector.extract_strided_slice %get3A_47 {offsets = [12], sizes = [1], strides = [1]} : vector<16xf32> to vector<1xf32>
      %squeeze3A_287 = vector.extract %slice3A_286[0] : f32 from vector<1xf32>
      %slice3A_288 = vector.extract_strided_slice %get3A_51 {offsets = [12], sizes = [1], strides = [1]} : vector<16xf32> to vector<1xf32>
      %squeeze3A_289 = vector.extract %slice3A_288[0] : f32 from vector<1xf32>
      %slice3A_290 = vector.extract_strided_slice %get3A_55 {offsets = [12], sizes = [1], strides = [1]} : vector<16xf32> to vector<1xf32>
      %squeeze3A_291 = vector.extract %slice3A_290[0] : f32 from vector<1xf32>
      %slice3A_292 = vector.extract_strided_slice %get3A_47 {offsets = [13], sizes = [1], strides = [1]} : vector<16xf32> to vector<1xf32>
      %squeeze3A_293 = vector.extract %slice3A_292[0] : f32 from vector<1xf32>
      %slice3A_294 = vector.extract_strided_slice %get3A_51 {offsets = [13], sizes = [1], strides = [1]} : vector<16xf32> to vector<1xf32>
      %squeeze3A_295 = vector.extract %slice3A_294[0] : f32 from vector<1xf32>
      %slice3A_296 = vector.extract_strided_slice %get3A_55 {offsets = [13], sizes = [1], strides = [1]} : vector<16xf32> to vector<1xf32>
      %squeeze3A_297 = vector.extract %slice3A_296[0] : f32 from vector<1xf32>
      %slice3A_298 = vector.extract_strided_slice %get3A_47 {offsets = [14], sizes = [1], strides = [1]} : vector<16xf32> to vector<1xf32>
      %squeeze3A_299 = vector.extract %slice3A_298[0] : f32 from vector<1xf32>
      %slice3A_300 = vector.extract_strided_slice %get3A_51 {offsets = [14], sizes = [1], strides = [1]} : vector<16xf32> to vector<1xf32>
      %squeeze3A_301 = vector.extract %slice3A_300[0] : f32 from vector<1xf32>
      %slice3A_302 = vector.extract_strided_slice %get3A_55 {offsets = [14], sizes = [1], strides = [1]} : vector<16xf32> to vector<1xf32>
      %squeeze3A_303 = vector.extract %slice3A_302[0] : f32 from vector<1xf32>
      %slice3A_304 = vector.extract_strided_slice %get3A_47 {offsets = [15], sizes = [1], strides = [1]} : vector<16xf32> to vector<1xf32>
      %squeeze3A_305 = vector.extract %slice3A_304[0] : f32 from vector<1xf32>
      %slice3A_306 = vector.extract_strided_slice %get3A_51 {offsets = [15], sizes = [1], strides = [1]} : vector<16xf32> to vector<1xf32>
      %squeeze3A_307 = vector.extract %slice3A_306[0] : f32 from vector<1xf32>
      %slice3A_308 = vector.extract_strided_slice %get3A_55 {offsets = [15], sizes = [1], strides = [1]} : vector<16xf32> to vector<1xf32>
      %squeeze3A_309 = vector.extract %slice3A_308[0] : f32 from vector<1xf32>
      %broadcast_in_dim3A_310 = arith.constant 0x7F800000 : f32
      %broadcast_in_dim3A_311 = vector.broadcast %broadcast_in_dim3A_310 : f32 to vector<16xf32>
      %broadcast_in_dim3A_312 = arith.constant 0 : i32
      %broadcast_in_dim3A_313 = vector.broadcast %broadcast_in_dim3A_312 : i32 to vector<16xi32>
      %scan3A_314 = arith.constant 0 : i32
      %scan3A_315 = arith.constant 128 : i32
      %scan3A_316 = arith.addi %scan3A_314, %scan3A_315 : i32
      %scan3A_317 = arith.constant 2 : i32
      %scan3A_318:8 = scf.for %scan3A_365 = %scan3A_314 to %scan3A_316 step %scan3A_317 iter_args(%scan3A_366 = %broadcast_in_dim3A_311, %scan3A_367 = %broadcast_in_dim3A_313, %scan3A_368 = %broadcast_in_dim3A_311, %scan3A_369 = %broadcast_in_dim3A_313, %scan3A_370 = %broadcast_in_dim3A_311, %scan3A_371 = %broadcast_in_dim3A_313, %scan3A_372 = %broadcast_in_dim3A_311, %scan3A_373 = %broadcast_in_dim3A_313) -> (vector<16xf32>, vector<16xi32>, vector<16xf32>, vector<16xi32>, vector<16xf32>, vector<16xi32>, vector<16xf32>, vector<16xi32>)  : i32 {
        %mul3A_374 = arith.constant 16 : i32
        %mul3A_375 = arith.muli %scan3A_365, %mul3A_374 : i32
        %get3A_376 = arith.index_cast %mul3A_375 : i32 to index
        %get3A_377 = tpu.vector_load %arg6[%get3A_376] {strides = array<i32>} : memref<6144xf32, #tpu.memory_space<vmem>>, vector<16xf32>,
        %add3A_378 = arith.constant 2048 : i32
        %add3A_379 = arith.addi %add3A_378, %mul3A_375 : i32
        %get3A_380 = arith.index_cast %add3A_379 : i32 to index
        %get3A_381 = tpu.vector_load %arg6[%get3A_380] {strides = array<i32>} : memref<6144xf32, #tpu.memory_space<vmem>>, vector<16xf32>,
        %add3A_382 = arith.constant 4096 : i32
        %add3A_383 = arith.addi %add3A_382, %mul3A_375 : i32
        %get3A_384 = arith.index_cast %add3A_383 : i32 to index
        %get3A_385 = tpu.vector_load %arg6[%get3A_384] {strides = array<i32>} : memref<6144xf32, #tpu.memory_space<vmem>>, vector<16xf32>,
        %iota3A_386 = tpu.iota {dimensions = array<i32: 0>} : vector<16xi32>
        %add3A_387 = vector.broadcast %mul3A_375 : i32 to vector<16xi32>
        %add3A_388 = arith.addi %add3A_387, %iota3A_386 : vector<16xi32>
        %sub3A_389 = vector.broadcast %squeeze3A_287 : f32 to vector<16xf32>
        %sub3A_390 = arith.subf %get3A_377, %sub3A_389 : vector<16xf32>
        %sub3A_391 = vector.broadcast %squeeze3A_289 : f32 to vector<16xf32>
        %sub3A_392 = arith.subf %get3A_381, %sub3A_391 : vector<16xf32>
        %sub3A_393 = vector.broadcast %squeeze3A_291 : f32 to vector<16xf32>
        %sub3A_394 = arith.subf %get3A_385, %sub3A_393 : vector<16xf32>
        %mul3A_395 = arith.mulf %sub3A_390, %sub3A_390 : vector<16xf32>
        %mul3A_396 = arith.mulf %sub3A_392, %sub3A_392 : vector<16xf32>
        %add3A_397 = arith.addf %mul3A_395, %mul3A_396 : vector<16xf32>
        %mul3A_398 = arith.mulf %sub3A_394, %sub3A_394 : vector<16xf32>
        %add3A_399 = arith.addf %add3A_397, %mul3A_398 : vector<16xf32>
        %masked_sort3A = arith.constant dense<true> : vector<16xi1>
        %masked_sort3A_400, %masked_sort3A_401, %masked_sort3A_402 = tpu.sort %add3A_399, %add3A_388 masked %masked_sort3A {descending = true} : (vector<16xf32>, vector<16xi32>, vector<16xi1>) -> (vector<16xi1>, vector<16xf32>, vector<16xi32>)
        %lt3A = arith.cmpf olt, %masked_sort3A_401, %scan3A_366 : vector<16xf32>
        %select_n3A_403 = arith.select %lt3A, %masked_sort3A_401, %scan3A_366 : vector<16xi1>, vector<16xf32>
        %select_n3A_404 = arith.select %lt3A, %masked_sort3A_402, %scan3A_367 : vector<16xi1>, vector<16xi32>
        %masked_sort3A_405 = arith.constant dense<true> : vector<16xi1>
        %masked_sort3A_406, %masked_sort3A_407, %masked_sort3A_408 = tpu.sort %select_n3A_403, %select_n3A_404 masked %masked_sort3A_405 : (vector<16xf32>, vector<16xi32>, vector<16xi1>) -> (vector<16xi1>, vector<16xf32>, vector<16xi32>)
        %sub3A_409 = vector.broadcast %squeeze3A_293 : f32 to vector<16xf32>
        %sub3A_410 = arith.subf %get3A_377, %sub3A_409 : vector<16xf32>
        %sub3A_411 = vector.broadcast %squeeze3A_295 : f32 to vector<16xf32>
        %sub3A_412 = arith.subf %get3A_381, %sub3A_411 : vector<16xf32>
        %sub3A_413 = vector.broadcast %squeeze3A_297 : f32 to vector<16xf32>
        %sub3A_414 = arith.subf %get3A_385, %sub3A_413 : vector<16xf32>
        %mul3A_415 = arith.mulf %sub3A_410, %sub3A_410 : vector<16xf32>
        %mul3A_416 = arith.mulf %sub3A_412, %sub3A_412 : vector<16xf32>
        %add3A_417 = arith.addf %mul3A_415, %mul3A_416 : vector<16xf32>
        %mul3A_418 = arith.mulf %sub3A_414, %sub3A_414 : vector<16xf32>
        %add3A_419 = arith.addf %add3A_417, %mul3A_418 : vector<16xf32>
        %masked_sort3A_420 = arith.constant dense<true> : vector<16xi1>
        %masked_sort3A_421, %masked_sort3A_422, %masked_sort3A_423 = tpu.sort %add3A_419, %add3A_388 masked %masked_sort3A_420 {descending = true} : (vector<16xf32>, vector<16xi32>, vector<16xi1>) -> (vector<16xi1>, vector<16xf32>, vector<16xi32>)
        %lt3A_424 = arith.cmpf olt, %masked_sort3A_422, %scan3A_368 : vector<16xf32>
        %select_n3A_425 = arith.select %lt3A_424, %masked_sort3A_422, %scan3A_368 : vector<16xi1>, vector<16xf32>
        %select_n3A_426 = arith.select %lt3A_424, %masked_sort3A_423, %scan3A_369 : vector<16xi1>, vector<16xi32>
        %masked_sort3A_427 = arith.constant dense<true> : vector<16xi1>
        %masked_sort3A_428, %masked_sort3A_429, %masked_sort3A_430 = tpu.sort %select_n3A_425, %select_n3A_426 masked %masked_sort3A_427 : (vector<16xf32>, vector<16xi32>, vector<16xi1>) -> (vector<16xi1>, vector<16xf32>, vector<16xi32>)
        %sub3A_431 = vector.broadcast %squeeze3A_299 : f32 to vector<16xf32>
        %sub3A_432 = arith.subf %get3A_377, %sub3A_431 : vector<16xf32>
        %sub3A_433 = vector.broadcast %squeeze3A_301 : f32 to vector<16xf32>
        %sub3A_434 = arith.subf %get3A_381, %sub3A_433 : vector<16xf32>
        %sub3A_435 = vector.broadcast %squeeze3A_303 : f32 to vector<16xf32>
        %sub3A_436 = arith.subf %get3A_385, %sub3A_435 : vector<16xf32>
        %mul3A_437 = arith.mulf %sub3A_432, %sub3A_432 : vector<16xf32>
        %mul3A_438 = arith.mulf %sub3A_434, %sub3A_434 : vector<16xf32>
        %add3A_439 = arith.addf %mul3A_437, %mul3A_438 : vector<16xf32>
        %mul3A_440 = arith.mulf %sub3A_436, %sub3A_436 : vector<16xf32>
        %add3A_441 = arith.addf %add3A_439, %mul3A_440 : vector<16xf32>
        %masked_sort3A_442 = arith.constant dense<true> : vector<16xi1>
        %masked_sort3A_443, %masked_sort3A_444, %masked_sort3A_445 = tpu.sort %add3A_441, %add3A_388 masked %masked_sort3A_442 {descending = true} : (vector<16xf32>, vector<16xi32>, vector<16xi1>) -> (vector<16xi1>, vector<16xf32>, vector<16xi32>)
        %lt3A_446 = arith.cmpf olt, %masked_sort3A_444, %scan3A_370 : vector<16xf32>
        %select_n3A_447 = arith.select %lt3A_446, %masked_sort3A_444, %scan3A_370 : vector<16xi1>, vector<16xf32>
        %select_n3A_448 = arith.select %lt3A_446, %masked_sort3A_445, %scan3A_371 : vector<16xi1>, vector<16xi32>
        %masked_sort3A_449 = arith.constant dense<true> : vector<16xi1>
        %masked_sort3A_450, %masked_sort3A_451, %masked_sort3A_452 = tpu.sort %select_n3A_447, %select_n3A_448 masked %masked_sort3A_449 : (vector<16xf32>, vector<16xi32>, vector<16xi1>) -> (vector<16xi1>, vector<16xf32>, vector<16xi32>)
        %sub3A_453 = vector.broadcast %squeeze3A_305 : f32 to vector<16xf32>
        %sub3A_454 = arith.subf %get3A_377, %sub3A_453 : vector<16xf32>
        %sub3A_455 = vector.broadcast %squeeze3A_307 : f32 to vector<16xf32>
        %sub3A_456 = arith.subf %get3A_381, %sub3A_455 : vector<16xf32>
        %sub3A_457 = vector.broadcast %squeeze3A_309 : f32 to vector<16xf32>
        %sub3A_458 = arith.subf %get3A_385, %sub3A_457 : vector<16xf32>
        %mul3A_459 = arith.mulf %sub3A_454, %sub3A_454 : vector<16xf32>
        %mul3A_460 = arith.mulf %sub3A_456, %sub3A_456 : vector<16xf32>
        %add3A_461 = arith.addf %mul3A_459, %mul3A_460 : vector<16xf32>
        %mul3A_462 = arith.mulf %sub3A_458, %sub3A_458 : vector<16xf32>
        %add3A_463 = arith.addf %add3A_461, %mul3A_462 : vector<16xf32>
        %masked_sort3A_464 = arith.constant dense<true> : vector<16xi1>
        %masked_sort3A_465, %masked_sort3A_466, %masked_sort3A_467 = tpu.sort %add3A_463, %add3A_388 masked %masked_sort3A_464 {descending = true} : (vector<16xf32>, vector<16xi32>, vector<16xi1>) -> (vector<16xi1>, vector<16xf32>, vector<16xi32>)
        %lt3A_468 = arith.cmpf olt, %masked_sort3A_466, %scan3A_372 : vector<16xf32>
        %select_n3A_469 = arith.select %lt3A_468, %masked_sort3A_466, %scan3A_372 : vector<16xi1>, vector<16xf32>
        %select_n3A_470 = arith.select %lt3A_468, %masked_sort3A_467, %scan3A_373 : vector<16xi1>, vector<16xi32>
        %masked_sort3A_471 = arith.constant dense<true> : vector<16xi1>
        %masked_sort3A_472, %masked_sort3A_473, %masked_sort3A_474 = tpu.sort %select_n3A_469, %select_n3A_470 masked %masked_sort3A_471 : (vector<16xf32>, vector<16xi32>, vector<16xi1>) -> (vector<16xi1>, vector<16xf32>, vector<16xi32>)
        %scan3A_475 = arith.constant 1 : i32
        %scan3A_476 = arith.addi %scan3A_365, %scan3A_475 : i32
        %mul3A_477 = arith.constant 16 : i32
        %mul3A_478 = arith.muli %scan3A_476, %mul3A_477 : i32
        %get3A_479 = arith.index_cast %mul3A_478 : i32 to index
        %get3A_480 = tpu.vector_load %arg6[%get3A_479] {strides = array<i32>} : memref<6144xf32, #tpu.memory_space<vmem>>, vector<16xf32>,
        %add3A_481 = arith.constant 2048 : i32
        %add3A_482 = arith.addi %add3A_481, %mul3A_478 : i32
        %get3A_483 = arith.index_cast %add3A_482 : i32 to index
        %get3A_484 = tpu.vector_load %arg6[%get3A_483] {strides = array<i32>} : memref<6144xf32, #tpu.memory_space<vmem>>, vector<16xf32>,
        %add3A_485 = arith.constant 4096 : i32
        %add3A_486 = arith.addi %add3A_485, %mul3A_478 : i32
        %get3A_487 = arith.index_cast %add3A_486 : i32 to index
        %get3A_488 = tpu.vector_load %arg6[%get3A_487] {strides = array<i32>} : memref<6144xf32, #tpu.memory_space<vmem>>, vector<16xf32>,
        %iota3A_489 = tpu.iota {dimensions = array<i32: 0>} : vector<16xi32>
        %add3A_490 = vector.broadcast %mul3A_478 : i32 to vector<16xi32>
        %add3A_491 = arith.addi %add3A_490, %iota3A_489 : vector<16xi32>
        %sub3A_492 = vector.broadcast %squeeze3A_287 : f32 to vector<16xf32>
        %sub3A_493 = arith.subf %get3A_480, %sub3A_492 : vector<16xf32>
        %sub3A_494 = vector.broadcast %squeeze3A_289 : f32 to vector<16xf32>
        %sub3A_495 = arith.subf %get3A_484, %sub3A_494 : vector<16xf32>
        %sub3A_496 = vector.broadcast %squeeze3A_291 : f32 to vector<16xf32>
        %sub3A_497 = arith.subf %get3A_488, %sub3A_496 : vector<16xf32>
        %mul3A_498 = arith.mulf %sub3A_493, %sub3A_493 : vector<16xf32>
        %mul3A_499 = arith.mulf %sub3A_495, %sub3A_495 : vector<16xf32>
        %add3A_500 = arith.addf %mul3A_498, %mul3A_499 : vector<16xf32>
        %mul3A_501 = arith.mulf %sub3A_497, %sub3A_497 : vector<16xf32>
        %add3A_502 = arith.addf %add3A_500, %mul3A_501 : vector<16xf32>
        %masked_sort3A_503 = arith.constant dense<true> : vector<16xi1>
        %masked_sort3A_504, %masked_sort3A_505, %masked_sort3A_506 = tpu.sort %add3A_502, %add3A_491 masked %masked_sort3A_503 {descending = true} : (vector<16xf32>, vector<16xi32>, vector<16xi1>) -> (vector<16xi1>, vector<16xf32>, vector<16xi32>)
        %lt3A_507 = arith.cmpf olt, %masked_sort3A_505, %masked_sort3A_407 : vector<16xf32>
        %select_n3A_508 = arith.select %lt3A_507, %masked_sort3A_505, %masked_sort3A_407 : vector<16xi1>, vector<16xf32>
        %select_n3A_509 = arith.select %lt3A_507, %masked_sort3A_506, %masked_sort3A_408 : vector<16xi1>, vector<16xi32>
        %masked_sort3A_510 = arith.constant dense<true> : vector<16xi1>
        %masked_sort3A_511, %masked_sort3A_512, %masked_sort3A_513 = tpu.sort %select_n3A_508, %select_n3A_509 masked %masked_sort3A_510 : (vector<16xf32>, vector<16xi32>, vector<16xi1>) -> (vector<16xi1>, vector<16xf32>, vector<16xi32>)
        %sub3A_514 = vector.broadcast %squeeze3A_293 : f32 to vector<16xf32>
        %sub3A_515 = arith.subf %get3A_480, %sub3A_514 : vector<16xf32>
        %sub3A_516 = vector.broadcast %squeeze3A_295 : f32 to vector<16xf32>
        %sub3A_517 = arith.subf %get3A_484, %sub3A_516 : vector<16xf32>
        %sub3A_518 = vector.broadcast %squeeze3A_297 : f32 to vector<16xf32>
        %sub3A_519 = arith.subf %get3A_488, %sub3A_518 : vector<16xf32>
        %mul3A_520 = arith.mulf %sub3A_515, %sub3A_515 : vector<16xf32>
        %mul3A_521 = arith.mulf %sub3A_517, %sub3A_517 : vector<16xf32>
        %add3A_522 = arith.addf %mul3A_520, %mul3A_521 : vector<16xf32>
        %mul3A_523 = arith.mulf %sub3A_519, %sub3A_519 : vector<16xf32>
        %add3A_524 = arith.addf %add3A_522, %mul3A_523 : vector<16xf32>
        %masked_sort3A_525 = arith.constant dense<true> : vector<16xi1>
        %masked_sort3A_526, %masked_sort3A_527, %masked_sort3A_528 = tpu.sort %add3A_524, %add3A_491 masked %masked_sort3A_525 {descending = true} : (vector<16xf32>, vector<16xi32>, vector<16xi1>) -> (vector<16xi1>, vector<16xf32>, vector<16xi32>)
        %lt3A_529 = arith.cmpf olt, %masked_sort3A_527, %masked_sort3A_429 : vector<16xf32>
        %select_n3A_530 = arith.select %lt3A_529, %masked_sort3A_527, %masked_sort3A_429 : vector<16xi1>, vector<16xf32>
        %select_n3A_531 = arith.select %lt3A_529, %masked_sort3A_528, %masked_sort3A_430 : vector<16xi1>, vector<16xi32>
        %masked_sort3A_532 = arith.constant dense<true> : vector<16xi1>
        %masked_sort3A_533, %masked_sort3A_534, %masked_sort3A_535 = tpu.sort %select_n3A_530, %select_n3A_531 masked %masked_sort3A_532 : (vector<16xf32>, vector<16xi32>, vector<16xi1>) -> (vector<16xi1>, vector<16xf32>, vector<16xi32>)
        %sub3A_536 = vector.broadcast %squeeze3A_299 : f32 to vector<16xf32>
        %sub3A_537 = arith.subf %get3A_480, %sub3A_536 : vector<16xf32>
        %sub3A_538 = vector.broadcast %squeeze3A_301 : f32 to vector<16xf32>
        %sub3A_539 = arith.subf %get3A_484, %sub3A_538 : vector<16xf32>
        %sub3A_540 = vector.broadcast %squeeze3A_303 : f32 to vector<16xf32>
        %sub3A_541 = arith.subf %get3A_488, %sub3A_540 : vector<16xf32>
        %mul3A_542 = arith.mulf %sub3A_537, %sub3A_537 : vector<16xf32>
        %mul3A_543 = arith.mulf %sub3A_539, %sub3A_539 : vector<16xf32>
        %add3A_544 = arith.addf %mul3A_542, %mul3A_543 : vector<16xf32>
        %mul3A_545 = arith.mulf %sub3A_541, %sub3A_541 : vector<16xf32>
        %add3A_546 = arith.addf %add3A_544, %mul3A_545 : vector<16xf32>
        %masked_sort3A_547 = arith.constant dense<true> : vector<16xi1>
        %masked_sort3A_548, %masked_sort3A_549, %masked_sort3A_550 = tpu.sort %add3A_546, %add3A_491 masked %masked_sort3A_547 {descending = true} : (vector<16xf32>, vector<16xi32>, vector<16xi1>) -> (vector<16xi1>, vector<16xf32>, vector<16xi32>)
        %lt3A_551 = arith.cmpf olt, %masked_sort3A_549, %masked_sort3A_451 : vector<16xf32>
        %select_n3A_552 = arith.select %lt3A_551, %masked_sort3A_549, %masked_sort3A_451 : vector<16xi1>, vector<16xf32>
        %select_n3A_553 = arith.select %lt3A_551, %masked_sort3A_550, %masked_sort3A_452 : vector<16xi1>, vector<16xi32>
        %masked_sort3A_554 = arith.constant dense<true> : vector<16xi1>
        %masked_sort3A_555, %masked_sort3A_556, %masked_sort3A_557 = tpu.sort %select_n3A_552, %select_n3A_553 masked %masked_sort3A_554 : (vector<16xf32>, vector<16xi32>, vector<16xi1>) -> (vector<16xi1>, vector<16xf32>, vector<16xi32>)
        %sub3A_558 = vector.broadcast %squeeze3A_305 : f32 to vector<16xf32>
        %sub3A_559 = arith.subf %get3A_480, %sub3A_558 : vector<16xf32>
        %sub3A_560 = vector.broadcast %squeeze3A_307 : f32 to vector<16xf32>
        %sub3A_561 = arith.subf %get3A_484, %sub3A_560 : vector<16xf32>
        %sub3A_562 = vector.broadcast %squeeze3A_309 : f32 to vector<16xf32>
        %sub3A_563 = arith.subf %get3A_488, %sub3A_562 : vector<16xf32>
        %mul3A_564 = arith.mulf %sub3A_559, %sub3A_559 : vector<16xf32>
        %mul3A_565 = arith.mulf %sub3A_561, %sub3A_561 : vector<16xf32>
        %add3A_566 = arith.addf %mul3A_564, %mul3A_565 : vector<16xf32>
        %mul3A_567 = arith.mulf %sub3A_563, %sub3A_563 : vector<16xf32>
        %add3A_568 = arith.addf %add3A_566, %mul3A_567 : vector<16xf32>
        %masked_sort3A_569 = arith.constant dense<true> : vector<16xi1>
        %masked_sort3A_570, %masked_sort3A_571, %masked_sort3A_572 = tpu.sort %add3A_568, %add3A_491 masked %masked_sort3A_569 {descending = true} : (vector<16xf32>, vector<16xi32>, vector<16xi1>) -> (vector<16xi1>, vector<16xf32>, vector<16xi32>)
        %lt3A_573 = arith.cmpf olt, %masked_sort3A_571, %masked_sort3A_473 : vector<16xf32>
        %select_n3A_574 = arith.select %lt3A_573, %masked_sort3A_571, %masked_sort3A_473 : vector<16xi1>, vector<16xf32>
        %select_n3A_575 = arith.select %lt3A_573, %masked_sort3A_572, %masked_sort3A_474 : vector<16xi1>, vector<16xi32>
        %masked_sort3A_576 = arith.constant dense<true> : vector<16xi1>
        %masked_sort3A_577, %masked_sort3A_578, %masked_sort3A_579 = tpu.sort %select_n3A_574, %select_n3A_575 masked %masked_sort3A_576 : (vector<16xf32>, vector<16xi32>, vector<16xi1>) -> (vector<16xi1>, vector<16xf32>, vector<16xi32>)
        scf.yield %masked_sort3A_512, %masked_sort3A_513, %masked_sort3A_534, %masked_sort3A_535, %masked_sort3A_556, %masked_sort3A_557, %masked_sort3A_578, %masked_sort3A_579 : vector<16xf32>, vector<16xi32>, vector<16xf32>, vector<16xi32>, vector<16xf32>, vector<16xi32>, vector<16xf32>, vector<16xi32>
      }
      %scan3A_319 = arith.constant 128 : i32
      %iota3A_320 = tpu.iota {dimensions = array<i32: 0>} : vector<16xi32>
      %mul3A_321 = arith.constant 64 : i32
      %mul3A_322 = vector.broadcast %mul3A_321 : i32 to vector<16xi32>
      %mul3A_323 = arith.muli %iota3A_320, %mul3A_322 : vector<16xi32>
      %add3A_324 = arith.constant 12 : i32
      %add3A_325 = arith.addi %mul3A_46, %add3A_324 : i32
      %add3A_326 = arith.constant 0 : i32
      %add3A_327 = arith.addi %add3A_325, %add3A_326 : i32
      %add3A_328 = vector.broadcast %add3A_327 : i32 to vector<16xi32>
      %add3A_329 = arith.addi %mul3A_323, %add3A_328 : vector<16xi32>
      %mul3A_330 = arith.constant 2048 : i32
      %mul3A_331 = arith.muli %select_n3A, %mul3A_330 : i32
      %add3A_332 = vector.broadcast %mul3A_331 : i32 to vector<16xi32>
      %add3A_333 = arith.addi %scan3A_318#1, %add3A_332 : vector<16xi32>
      tpu.vector_store_idx %arg8[%add3A_329], %add3A_333 : memref<1024xi32, #tpu.memory_space<vmem>>[vector<16xi32>], vector<16xi32>,
      %add3A_334 = arith.constant 12 : i32
      %add3A_335 = arith.addi %mul3A_46, %add3A_334 : i32
      %add3A_336 = arith.constant 1 : i32
      %add3A_337 = arith.addi %add3A_335, %add3A_336 : i32
      %add3A_338 = vector.broadcast %add3A_337 : i32 to vector<16xi32>
      %add3A_339 = arith.addi %mul3A_323, %add3A_338 : vector<16xi32>
      %mul3A_340 = arith.constant 2048 : i32
      %mul3A_341 = arith.muli %select_n3A, %mul3A_340 : i32
      %add3A_342 = vector.broadcast %mul3A_341 : i32 to vector<16xi32>
      %add3A_343 = arith.addi %scan3A_318#3, %add3A_342 : vector<16xi32>
      tpu.vector_store_idx %arg8[%add3A_339], %add3A_343 : memref<1024xi32, #tpu.memory_space<vmem>>[vector<16xi32>], vector<16xi32>,
      %add3A_344 = arith.constant 12 : i32
      %add3A_345 = arith.addi %mul3A_46, %add3A_344 : i32
      %add3A_346 = arith.constant 2 : i32
      %add3A_347 = arith.addi %add3A_345, %add3A_346 : i32
      %add3A_348 = vector.broadcast %add3A_347 : i32 to vector<16xi32>
      %add3A_349 = arith.addi %mul3A_323, %add3A_348 : vector<16xi32>
      %mul3A_350 = arith.constant 2048 : i32
      %mul3A_351 = arith.muli %select_n3A, %mul3A_350 : i32
      %add3A_352 = vector.broadcast %mul3A_351 : i32 to vector<16xi32>
      %add3A_353 = arith.addi %scan3A_318#5, %add3A_352 : vector<16xi32>
      tpu.vector_store_idx %arg8[%add3A_349], %add3A_353 : memref<1024xi32, #tpu.memory_space<vmem>>[vector<16xi32>], vector<16xi32>,
      %add3A_354 = arith.constant 12 : i32
      %add3A_355 = arith.addi %mul3A_46, %add3A_354 : i32
      %add3A_356 = arith.constant 3 : i32
      %add3A_357 = arith.addi %add3A_355, %add3A_356 : i32
      %add3A_358 = vector.broadcast %add3A_357 : i32 to vector<16xi32>
      %add3A_359 = arith.addi %mul3A_323, %add3A_358 : vector<16xi32>
      %mul3A_360 = arith.constant 2048 : i32
      %mul3A_361 = arith.muli %select_n3A, %mul3A_360 : i32
      %add3A_362 = vector.broadcast %mul3A_361 : i32 to vector<16xi32>
      %add3A_363 = arith.addi %scan3A_318#7, %add3A_362 : vector<16xi32>
      tpu.vector_store_idx %arg8[%add3A_359], %add3A_363 : memref<1024xi32, #tpu.memory_space<vmem>>[vector<16xi32>], vector<16xi32>,
      %scan3A_364 = arith.constant 0 : i32
      scf.yield %scan3A_364 : i32
    }
    %scan3A_22 = arith.constant 4 : i32
    %dma_start3A = arith.constant 0 : i32
    %dma_start3A_23 = tpu.memref_slice %arg8[%dma_start3A] : memref<1024xi32, #tpu.memory_space<vmem>> -> memref<64xi32, #tpu.memory_space<vmem>>
    %dma_start3A_24 = arith.constant 0 : i32
    %dma_start3A_25 = arith.constant 0 : i32
    %dma_start3A_26 = tpu.memref_slice %arg4[%dma_start3A_24, %dma_start3A_25] : memref<4096x128xf32, #tpu.memory_space<hbm>> -> memref<4096x128xf32, #tpu.memory_space<hbm>>
    tpu.enqueue_indirect_dma source(%dma_start3A_26 : memref<4096x128xf32, #tpu.memory_space<hbm>>) target(%arg9 : memref<64x128xf32, #tpu.memory_space<vmem>>) offsets(%dma_start3A_23 : memref<64xi32, #tpu.memory_space<vmem>>) semaphore(%arg11 : memref<!tpu.dma_semaphore, #tpu.memory_space<semaphore_mem>>)
    %scan3A_27 = arith.constant 0 : i32
    %scan3A_28 = arith.constant 0 : i32
    %scan3A_29 = arith.constant 8 : i32
    %scan3A_30 = arith.addi %scan3A_28, %scan3A_29 : i32
    %scan3A_31 = arith.constant 1 : i32
    %scan3A_32 = scf.for %scan3A_43 = %scan3A_28 to %scan3A_30 step %scan3A_31 iter_args(%scan3A_44 = %scan3A_27) -> (i32)  : i32 {
      %mul3A_45 = arith.constant 2 : i32
      %mul3A_46 = arith.muli %mul3A_45, %scan3A_43 : i32
      %mul3A_47 = arith.constant 2 : i32
      %mul3A_48 = arith.muli %mul3A_47, %scan3A_43 : i32
      %add3A_49 = arith.constant 1 : i32
      %add3A_50 = arith.addi %mul3A_48, %add3A_49 : i32
      %mul3A_51 = arith.constant 2 : i32
      %mul3A_52 = arith.muli %mul3A_51, %scan3A_43 : i32
      %add3A_53 = arith.constant 2 : i32
      %add3A_54 = arith.addi %mul3A_52, %add3A_53 : i32
      %rem3A_55 = arith.constant 16 : i32
      %rem3A_56 = arith.remsi %add3A_54, %rem3A_55 : i32
      %mul3A_57 = arith.constant 64 : i32
      %mul3A_58 = arith.muli %add3A_50, %mul3A_57 : i32
      %dma_start3A_59 = tpu.memref_slice %arg8[%mul3A_58] : memref<1024xi32, #tpu.memory_space<vmem>> -> memref<64xi32, #tpu.memory_space<vmem>>
      %dma_start3A_60 = arith.constant 0 : i32
      %dma_start3A_61 = arith.constant 0 : i32
      %dma_start3A_62 = tpu.memref_slice %arg4[%dma_start3A_60, %dma_start3A_61] : memref<4096x128xf32, #tpu.memory_space<hbm>> -> memref<4096x128xf32, #tpu.memory_space<hbm>>
      tpu.enqueue_indirect_dma source(%dma_start3A_62 : memref<4096x128xf32, #tpu.memory_space<hbm>>) target(%arg10 : memref<64x128xf32, #tpu.memory_space<vmem>>) offsets(%dma_start3A_59 : memref<64xi32, #tpu.memory_space<vmem>>) semaphore(%arg12 : memref<!tpu.dma_semaphore, #tpu.memory_space<semaphore_mem>>)
      %dma_wait3A_63 = arith.constant 0 : i32
      %dma_wait3A_64 = arith.constant 0 : i32
      %dma_wait3A_65 = tpu.memref_slice %arg4[%dma_wait3A_63, %dma_wait3A_64] : memref<4096x128xf32, #tpu.memory_space<hbm>> -> memref<64x128xf32, #tpu.memory_space<hbm>>
      %dma_wait3A_66 = arith.constant 0 : i32
      %dma_wait3A_67 = arith.constant 0 : i32
      %dma_wait3A_68 = tpu.memref_slice %arg4[%dma_wait3A_66, %dma_wait3A_67] : memref<4096x128xf32, #tpu.memory_space<hbm>> -> memref<64x128xf32, #tpu.memory_space<hbm>>
      tpu.wait_dma2 semaphore(%arg11 : memref<!tpu.dma_semaphore, #tpu.memory_space<semaphore_mem>>) src(%dma_wait3A_68 : memref<64x128xf32, #tpu.memory_space<hbm>>) dst(%arg9 : memref<64x128xf32, #tpu.memory_space<vmem>>)
      %mul3A_69 = arith.constant 2048 : i32
      %mul3A_70 = arith.muli %mul3A_46, %mul3A_69 : i32
      %mul3A_71 = arith.constant 64 : i32
      %mul3A_72 = arith.muli %add3A, %mul3A_71 : i32
      %add3A_73 = arith.addi %mul3A_70, %mul3A_72 : i32
      "tpu.region"() ({
        %run_scoped3A = tpu.sem_alloc : memref<!tpu.dma_semaphore, #tpu.memory_space<semaphore_mem>>
        %dma_start3A_92 = arith.constant 0 : i32
        %dma_start3A_93 = tpu.memref_slice %arg5[%add3A_73, %dma_start3A_92] : memref<32768x128xf32, #tpu.memory_space<hbm>> -> memref<64x128xf32, #tpu.memory_space<hbm>>
        %dma_start3A_94 = arith.constant 0 : i32
        %dma_start3A_95 = tpu.memref_slice %arg5[%add3A_73, %dma_start3A_94] : memref<32768x128xf32, #tpu.memory_space<hbm>> -> memref<64x128xf32, #tpu.memory_space<hbm>>
        tpu.enqueue_dma source(%arg9 : memref<64x128xf32, #tpu.memory_space<vmem>>) target(%dma_start3A_95 : memref<64x128xf32, #tpu.memory_space<hbm>>) target_semaphore(%run_scoped3A : memref<!tpu.dma_semaphore, #tpu.memory_space<semaphore_mem>>)
        %dma_wait3A_96 = arith.constant 0 : i32
        %dma_wait3A_97 = tpu.memref_slice %arg5[%add3A_73, %dma_wait3A_96] : memref<32768x128xf32, #tpu.memory_space<hbm>> -> memref<64x128xf32, #tpu.memory_space<hbm>>
        %dma_wait3A_98 = arith.constant 0 : i32
        %dma_wait3A_99 = tpu.memref_slice %arg5[%add3A_73, %dma_wait3A_98] : memref<32768x128xf32, #tpu.memory_space<hbm>> -> memref<64x128xf32, #tpu.memory_space<hbm>>
        tpu.wait_dma2 semaphore(%run_scoped3A : memref<!tpu.dma_semaphore, #tpu.memory_space<semaphore_mem>>) src(%arg9 : memref<64x128xf32, #tpu.memory_space<vmem>>) dst(%dma_wait3A_99 : memref<64x128xf32, #tpu.memory_space<hbm>>)
        tpu.yield
      }) : () -> ()
      %mul3A_74 = arith.constant 64 : i32
      %mul3A_75 = arith.muli %rem3A_56, %mul3A_74 : i32
      %dma_start3A_76 = tpu.memref_slice %arg8[%mul3A_75] : memref<1024xi32, #tpu.memory_space<vmem>> -> memref<64xi32, #tpu.memory_space<vmem>>
      %dma_start3A_77 = arith.constant 0 : i32
      %dma_start3A_78 = arith.constant 0 : i32
      %dma_start3A_79 = tpu.memref_slice %arg4[%dma_start3A_77, %dma_start3A_78] : memref<4096x128xf32, #tpu.memory_space<hbm>> -> memref<4096x128xf32, #tpu.memory_space<hbm>>
      tpu.enqueue_indirect_dma source(%dma_start3A_79 : memref<4096x128xf32, #tpu.memory_space<hbm>>) target(%arg9 : memref<64x128xf32, #tpu.memory_space<vmem>>) offsets(%dma_start3A_76 : memref<64xi32, #tpu.memory_space<vmem>>) semaphore(%arg11 : memref<!tpu.dma_semaphore, #tpu.memory_space<semaphore_mem>>)
      %dma_wait3A_80 = arith.constant 0 : i32
      %dma_wait3A_81 = arith.constant 0 : i32
      %dma_wait3A_82 = tpu.memref_slice %arg4[%dma_wait3A_80, %dma_wait3A_81] : memref<4096x128xf32, #tpu.memory_space<hbm>> -> memref<64x128xf32, #tpu.memory_space<hbm>>
      %dma_wait3A_83 = arith.constant 0 : i32
      %dma_wait3A_84 = arith.constant 0 : i32
      %dma_wait3A_85 = tpu.memref_slice %arg4[%dma_wait3A_83, %dma_wait3A_84] : memref<4096x128xf32, #tpu.memory_space<hbm>> -> memref<64x128xf32, #tpu.memory_space<hbm>>
      tpu.wait_dma2 semaphore(%arg12 : memref<!tpu.dma_semaphore, #tpu.memory_space<semaphore_mem>>) src(%dma_wait3A_85 : memref<64x128xf32, #tpu.memory_space<hbm>>) dst(%arg10 : memref<64x128xf32, #tpu.memory_space<vmem>>)
      %mul3A_86 = arith.constant 2048 : i32
      %mul3A_87 = arith.muli %add3A_50, %mul3A_86 : i32
      %mul3A_88 = arith.constant 64 : i32
      %mul3A_89 = arith.muli %add3A, %mul3A_88 : i32
      %add3A_90 = arith.addi %mul3A_87, %mul3A_89 : i32
      "tpu.region"() ({
        %run_scoped3A = tpu.sem_alloc : memref<!tpu.dma_semaphore, #tpu.memory_space<semaphore_mem>>
        %dma_start3A_92 = arith.constant 0 : i32
        %dma_start3A_93 = tpu.memref_slice %arg5[%add3A_90, %dma_start3A_92] : memref<32768x128xf32, #tpu.memory_space<hbm>> -> memref<64x128xf32, #tpu.memory_space<hbm>>
        %dma_start3A_94 = arith.constant 0 : i32
        %dma_start3A_95 = tpu.memref_slice %arg5[%add3A_90, %dma_start3A_94] : memref<32768x128xf32, #tpu.memory_space<hbm>> -> memref<64x128xf32, #tpu.memory_space<hbm>>
        tpu.enqueue_dma source(%arg10 : memref<64x128xf32, #tpu.memory_space<vmem>>) target(%dma_start3A_95 : memref<64x128xf32, #tpu.memory_space<hbm>>) target_semaphore(%run_scoped3A : memref<!tpu.dma_semaphore, #tpu.memory_space<semaphore_mem>>)
        %dma_wait3A_96 = arith.constant 0 : i32
        %dma_wait3A_97 = tpu.memref_slice %arg5[%add3A_90, %dma_wait3A_96] : memref<32768x128xf32, #tpu.memory_space<hbm>> -> memref<64x128xf32, #tpu.memory_space<hbm>>
        %dma_wait3A_98 = arith.constant 0 : i32
        %dma_wait3A_99 = tpu.memref_slice %arg5[%add3A_90, %dma_wait3A_98] : memref<32768x128xf32, #tpu.memory_space<hbm>> -> memref<64x128xf32, #tpu.memory_space<hbm>>
        tpu.wait_dma2 semaphore(%run_scoped3A : memref<!tpu.dma_semaphore, #tpu.memory_space<semaphore_mem>>) src(%arg10 : memref<64x128xf32, #tpu.memory_space<vmem>>) dst(%dma_wait3A_99 : memref<64x128xf32, #tpu.memory_space<hbm>>)
        tpu.yield
      }) : () -> ()
      %scan3A_91 = arith.constant 0 : i32
      scf.yield %scan3A_91 : i32
    }
    %scan3A_33 = arith.constant 8 : i32
    %dma_wait3A = arith.constant 0 : i32
    %dma_wait3A_34 = arith.constant 0 : i32
    %dma_wait3A_35 = tpu.memref_slice %arg4[%dma_wait3A, %dma_wait3A_34] : memref<4096x128xf32, #tpu.memory_space<hbm>> -> memref<64x128xf32, #tpu.memory_space<hbm>>
    %dma_wait3A_36 = arith.constant 0 : i32
    %dma_wait3A_37 = arith.constant 0 : i32
    %dma_wait3A_38 = tpu.memref_slice %arg4[%dma_wait3A_36, %dma_wait3A_37] : memref<4096x128xf32, #tpu.memory_space<hbm>> -> memref<64x128xf32, #tpu.memory_space<hbm>>
    tpu.wait_dma2 semaphore(%arg11 : memref<!tpu.dma_semaphore, #tpu.memory_space<semaphore_mem>>) src(%dma_wait3A_38 : memref<64x128xf32, #tpu.memory_space<hbm>>) dst(%arg9 : memref<64x128xf32, #tpu.memory_space<vmem>>)
    %mul3A_39 = arith.constant 64 : i32
    %mul3A_40 = arith.muli %add3A, %mul3A_39 : i32
    %add3A_41 = arith.constant 0 : i32
    %add3A_42 = arith.addi %add3A_41, %mul3A_40 : i32
    "tpu.region"() ({
      %run_scoped3A = tpu.sem_alloc : memref<!tpu.dma_semaphore, #tpu.memory_space<semaphore_mem>>
      %dma_start3A_43 = arith.constant 0 : i32
      %dma_start3A_44 = tpu.memref_slice %arg5[%add3A_42, %dma_start3A_43] : memref<32768x128xf32, #tpu.memory_space<hbm>> -> memref<64x128xf32, #tpu.memory_space<hbm>>
      %dma_start3A_45 = arith.constant 0 : i32
      %dma_start3A_46 = tpu.memref_slice %arg5[%add3A_42, %dma_start3A_45] : memref<32768x128xf32, #tpu.memory_space<hbm>> -> memref<64x128xf32, #tpu.memory_space<hbm>>
      tpu.enqueue_dma source(%arg9 : memref<64x128xf32, #tpu.memory_space<vmem>>) target(%dma_start3A_46 : memref<64x128xf32, #tpu.memory_space<hbm>>) target_semaphore(%run_scoped3A : memref<!tpu.dma_semaphore, #tpu.memory_space<semaphore_mem>>)
      %dma_wait3A_47 = arith.constant 0 : i32
      %dma_wait3A_48 = tpu.memref_slice %arg5[%add3A_42, %dma_wait3A_47] : memref<32768x128xf32, #tpu.memory_space<hbm>> -> memref<64x128xf32, #tpu.memory_space<hbm>>
      %dma_wait3A_49 = arith.constant 0 : i32
      %dma_wait3A_50 = tpu.memref_slice %arg5[%add3A_42, %dma_wait3A_49] : memref<32768x128xf32, #tpu.memory_space<hbm>> -> memref<64x128xf32, #tpu.memory_space<hbm>>
      tpu.wait_dma2 semaphore(%run_scoped3A : memref<!tpu.dma_semaphore, #tpu.memory_space<semaphore_mem>>) src(%arg9 : memref<64x128xf32, #tpu.memory_space<vmem>>) dst(%dma_wait3A_50 : memref<64x128xf32, #tpu.memory_space<hbm>>)
      tpu.yield
    }) : () -> ()
    return
  }
}

module attributes {stable_mosaic.version = 14 : i64} {
  func.func @_mlp_body(%arg0: i32, %arg1: memref<16x256x128xf32, #tpu.memory_space<vmem>>, %arg2: memref<256x8xf32, #tpu.memory_space<vmem>>, %arg3: memref<128x256xf32, #tpu.memory_space<vmem>>, %arg4: memref<8x256xf32, #tpu.memory_space<vmem>>, %arg5: memref<1x256xf32, #tpu.memory_space<vmem>>, %arg6: memref<256x256xf32, #tpu.memory_space<vmem>>, %arg7: memref<1x256xf32, #tpu.memory_space<vmem>>, %arg8: memref<256x256xf32, #tpu.memory_space<vmem>>, %arg9: memref<1x256xf32, #tpu.memory_space<vmem>>, %arg10: memref<256x256xf32, #tpu.memory_space<vmem>>) attributes {dimension_semantics = [#tpu.dimension_semantics<arbitrary>], iteration_bounds = array<i64: 8>, scalar_prefetch = 0 : i64, scratch_operands = 0 : i64, tpu.core_type = #tpu.core_type<tc>, window_params = [{transform_indices = @transform_0, window_bounds = array<i64: 16, 256, 128>}, {transform_indices = @transform_1, window_bounds = array<i64: 256, 8>}, {pipeline_mode = #tpu.pipeline_mode<synchronous>, transform_indices = @transform_2, window_bounds = array<i64: 128, 256>}, {pipeline_mode = #tpu.pipeline_mode<synchronous>, transform_indices = @transform_3, window_bounds = array<i64: 8, 256>}, {pipeline_mode = #tpu.pipeline_mode<synchronous>, transform_indices = @transform_4, window_bounds = array<i64: 1, 256>}, {pipeline_mode = #tpu.pipeline_mode<synchronous>, transform_indices = @transform_5, window_bounds = array<i64: 256, 256>}, {pipeline_mode = #tpu.pipeline_mode<synchronous>, transform_indices = @transform_6, window_bounds = array<i64: 1, 256>}, {pipeline_mode = #tpu.pipeline_mode<synchronous>, transform_indices = @transform_7, window_bounds = array<i64: 256, 256>}, {pipeline_mode = #tpu.pipeline_mode<synchronous>, transform_indices = @transform_8, window_bounds = array<i64: 1, 256>}, {transform_indices = @transform_9, window_bounds = array<i64: 256, 256>}]} {
    %get3A = arith.constant 0 : index
    %get3A_0 = arith.constant 0 : index
    %get3A_1 = vector.load %arg2[%get3A, %get3A_0] : memref<256x8xf32, #tpu.memory_space<vmem>>, vector<256x8xf32>
    %get3A_2 = arith.constant 0 : index
    %get3A_3 = arith.constant 0 : index
    %get3A_4 = vector.load %arg4[%get3A_2, %get3A_3] : memref<8x256xf32, #tpu.memory_space<vmem>>, vector<8x256xf32>
    %dot_general3A = arith.constant dense<0.000000e+00> : vector<256x256xf32>
    %dot_general3A_5 = tpu.matmul %get3A_1, %get3A_4, %dot_general3A {dimension_numbers = #tpu.dot_dimension_numbers<[1], [0], [0], [1], [0, 0, 1, 1], [], []>, transpose_lhs_hint = false} : vector<256x8xf32>, vector<8x256xf32>, vector<256x256xf32> -> vector<256x256xf32>
    %get3A_6 = arith.constant 0 : index
    %get3A_7 = arith.constant 0 : index
    %get3A_8 = vector.load %arg5[%get3A_6, %get3A_7] : memref<1x256xf32, #tpu.memory_space<vmem>>, vector<1x256xf32>
    %add3A = vector.broadcast %get3A_8 : vector<1x256xf32> to vector<256x256xf32>
    %add3A_9 = arith.addf %dot_general3A_5, %add3A : vector<256x256xf32>
    %broadcast_in_dim3A = arith.constant 0xFF800000 : f32
    %broadcast_in_dim3A_10 = vector.broadcast %broadcast_in_dim3A : f32 to vector<256x256xf32>
    %get3A_11 = arith.constant 0 : index
    %get3A_12 = arith.constant 0 : index
    %get3A_13 = arith.constant 0 : index
    %get3A_14 = vector.load %arg1[%get3A_11, %get3A_12, %get3A_13] : memref<16x256x128xf32, #tpu.memory_space<vmem>>, vector<1x256x128xf32>
    %get3A_15 = vector.shape_cast %get3A_14 : vector<1x256x128xf32> to vector<256x128xf32>
    %get3A_16 = arith.constant 0 : index
    %get3A_17 = arith.constant 0 : index
    %get3A_18 = vector.load %arg3[%get3A_16, %get3A_17] : memref<128x256xf32, #tpu.memory_space<vmem>>, vector<128x256xf32>
    %dot_general3A_19 = arith.constant dense<0.000000e+00> : vector<256x256xf32>
    %dot_general3A_20 = tpu.matmul %get3A_15, %get3A_18, %dot_general3A_19 {dimension_numbers = #tpu.dot_dimension_numbers<[1], [0], [0], [1], [0, 0, 1, 1], [], []>, transpose_lhs_hint = false} : vector<256x128xf32>, vector<128x256xf32>, vector<256x256xf32> -> vector<256x256xf32>
    %add3A_21 = arith.addf %dot_general3A_20, %add3A_9 : vector<256x256xf32>
    %max3A = arith.constant 0.000000e+00 : f32
    %max3A_22 = vector.broadcast %max3A : f32 to vector<256x256xf32>
    %max3A_23 = arith.maximumf %add3A_21, %max3A_22 : vector<256x256xf32>
    %get3A_24 = arith.constant 0 : index
    %get3A_25 = arith.constant 0 : index
    %get3A_26 = vector.load %arg6[%get3A_24, %get3A_25] : memref<256x256xf32, #tpu.memory_space<vmem>>, vector<256x256xf32>
    %dot_general3A_27 = arith.constant dense<0.000000e+00> : vector<256x256xf32>
    %dot_general3A_28 = tpu.matmul %max3A_23, %get3A_26, %dot_general3A_27 {dimension_numbers = #tpu.dot_dimension_numbers<[1], [0], [0], [1], [0, 0, 1, 1], [], []>, transpose_lhs_hint = false} : vector<256x256xf32>, vector<256x256xf32>, vector<256x256xf32> -> vector<256x256xf32>
    %get3A_29 = arith.constant 0 : index
    %get3A_30 = arith.constant 0 : index
    %get3A_31 = vector.load %arg7[%get3A_29, %get3A_30] : memref<1x256xf32, #tpu.memory_space<vmem>>, vector<1x256xf32>
    %add3A_32 = vector.broadcast %get3A_31 : vector<1x256xf32> to vector<256x256xf32>
    %add3A_33 = arith.addf %dot_general3A_28, %add3A_32 : vector<256x256xf32>
    %max3A_34 = arith.constant 0.000000e+00 : f32
    %max3A_35 = vector.broadcast %max3A_34 : f32 to vector<256x256xf32>
    %max3A_36 = arith.maximumf %add3A_33, %max3A_35 : vector<256x256xf32>
    %get3A_37 = arith.constant 0 : index
    %get3A_38 = arith.constant 0 : index
    %get3A_39 = vector.load %arg8[%get3A_37, %get3A_38] : memref<256x256xf32, #tpu.memory_space<vmem>>, vector<256x256xf32>
    %dot_general3A_40 = arith.constant dense<0.000000e+00> : vector<256x256xf32>
    %dot_general3A_41 = tpu.matmul %max3A_36, %get3A_39, %dot_general3A_40 {dimension_numbers = #tpu.dot_dimension_numbers<[1], [0], [0], [1], [0, 0, 1, 1], [], []>, transpose_lhs_hint = false} : vector<256x256xf32>, vector<256x256xf32>, vector<256x256xf32> -> vector<256x256xf32>
    %max3A_42 = arith.maximumf %broadcast_in_dim3A_10, %dot_general3A_41 : vector<256x256xf32>
    %get3A_43 = arith.constant 1 : index
    %get3A_44 = arith.constant 0 : index
    %get3A_45 = arith.constant 0 : index
    %get3A_46 = vector.load %arg1[%get3A_43, %get3A_44, %get3A_45] : memref<16x256x128xf32, #tpu.memory_space<vmem>>, vector<1x256x128xf32>
    %get3A_47 = vector.shape_cast %get3A_46 : vector<1x256x128xf32> to vector<256x128xf32>
    %get3A_48 = arith.constant 0 : index
    %get3A_49 = arith.constant 0 : index
    %get3A_50 = vector.load %arg3[%get3A_48, %get3A_49] : memref<128x256xf32, #tpu.memory_space<vmem>>, vector<128x256xf32>
    %dot_general3A_51 = arith.constant dense<0.000000e+00> : vector<256x256xf32>
    %dot_general3A_52 = tpu.matmul %get3A_47, %get3A_50, %dot_general3A_51 {dimension_numbers = #tpu.dot_dimension_numbers<[1], [0], [0], [1], [0, 0, 1, 1], [], []>, transpose_lhs_hint = false} : vector<256x128xf32>, vector<128x256xf32>, vector<256x256xf32> -> vector<256x256xf32>
    %add3A_53 = arith.addf %dot_general3A_52, %add3A_9 : vector<256x256xf32>
    %max3A_54 = arith.constant 0.000000e+00 : f32
    %max3A_55 = vector.broadcast %max3A_54 : f32 to vector<256x256xf32>
    %max3A_56 = arith.maximumf %add3A_53, %max3A_55 : vector<256x256xf32>
    %get3A_57 = arith.constant 0 : index
    %get3A_58 = arith.constant 0 : index
    %get3A_59 = vector.load %arg6[%get3A_57, %get3A_58] : memref<256x256xf32, #tpu.memory_space<vmem>>, vector<256x256xf32>
    %dot_general3A_60 = arith.constant dense<0.000000e+00> : vector<256x256xf32>
    %dot_general3A_61 = tpu.matmul %max3A_56, %get3A_59, %dot_general3A_60 {dimension_numbers = #tpu.dot_dimension_numbers<[1], [0], [0], [1], [0, 0, 1, 1], [], []>, transpose_lhs_hint = false} : vector<256x256xf32>, vector<256x256xf32>, vector<256x256xf32> -> vector<256x256xf32>
    %get3A_62 = arith.constant 0 : index
    %get3A_63 = arith.constant 0 : index
    %get3A_64 = vector.load %arg7[%get3A_62, %get3A_63] : memref<1x256xf32, #tpu.memory_space<vmem>>, vector<1x256xf32>
    %add3A_65 = vector.broadcast %get3A_64 : vector<1x256xf32> to vector<256x256xf32>
    %add3A_66 = arith.addf %dot_general3A_61, %add3A_65 : vector<256x256xf32>
    %max3A_67 = arith.constant 0.000000e+00 : f32
    %max3A_68 = vector.broadcast %max3A_67 : f32 to vector<256x256xf32>
    %max3A_69 = arith.maximumf %add3A_66, %max3A_68 : vector<256x256xf32>
    %get3A_70 = arith.constant 0 : index
    %get3A_71 = arith.constant 0 : index
    %get3A_72 = vector.load %arg8[%get3A_70, %get3A_71] : memref<256x256xf32, #tpu.memory_space<vmem>>, vector<256x256xf32>
    %dot_general3A_73 = arith.constant dense<0.000000e+00> : vector<256x256xf32>
    %dot_general3A_74 = tpu.matmul %max3A_69, %get3A_72, %dot_general3A_73 {dimension_numbers = #tpu.dot_dimension_numbers<[1], [0], [0], [1], [0, 0, 1, 1], [], []>, transpose_lhs_hint = false} : vector<256x256xf32>, vector<256x256xf32>, vector<256x256xf32> -> vector<256x256xf32>
    %max3A_75 = arith.maximumf %max3A_42, %dot_general3A_74 : vector<256x256xf32>
    %get3A_76 = arith.constant 2 : index
    %get3A_77 = arith.constant 0 : index
    %get3A_78 = arith.constant 0 : index
    %get3A_79 = vector.load %arg1[%get3A_76, %get3A_77, %get3A_78] : memref<16x256x128xf32, #tpu.memory_space<vmem>>, vector<1x256x128xf32>
    %get3A_80 = vector.shape_cast %get3A_79 : vector<1x256x128xf32> to vector<256x128xf32>
    %get3A_81 = arith.constant 0 : index
    %get3A_82 = arith.constant 0 : index
    %get3A_83 = vector.load %arg3[%get3A_81, %get3A_82] : memref<128x256xf32, #tpu.memory_space<vmem>>, vector<128x256xf32>
    %dot_general3A_84 = arith.constant dense<0.000000e+00> : vector<256x256xf32>
    %dot_general3A_85 = tpu.matmul %get3A_80, %get3A_83, %dot_general3A_84 {dimension_numbers = #tpu.dot_dimension_numbers<[1], [0], [0], [1], [0, 0, 1, 1], [], []>, transpose_lhs_hint = false} : vector<256x128xf32>, vector<128x256xf32>, vector<256x256xf32> -> vector<256x256xf32>
    %add3A_86 = arith.addf %dot_general3A_85, %add3A_9 : vector<256x256xf32>
    %max3A_87 = arith.constant 0.000000e+00 : f32
    %max3A_88 = vector.broadcast %max3A_87 : f32 to vector<256x256xf32>
    %max3A_89 = arith.maximumf %add3A_86, %max3A_88 : vector<256x256xf32>
    %get3A_90 = arith.constant 0 : index
    %get3A_91 = arith.constant 0 : index
    %get3A_92 = vector.load %arg6[%get3A_90, %get3A_91] : memref<256x256xf32, #tpu.memory_space<vmem>>, vector<256x256xf32>
    %dot_general3A_93 = arith.constant dense<0.000000e+00> : vector<256x256xf32>
    %dot_general3A_94 = tpu.matmul %max3A_89, %get3A_92, %dot_general3A_93 {dimension_numbers = #tpu.dot_dimension_numbers<[1], [0], [0], [1], [0, 0, 1, 1], [], []>, transpose_lhs_hint = false} : vector<256x256xf32>, vector<256x256xf32>, vector<256x256xf32> -> vector<256x256xf32>
    %get3A_95 = arith.constant 0 : index
    %get3A_96 = arith.constant 0 : index
    %get3A_97 = vector.load %arg7[%get3A_95, %get3A_96] : memref<1x256xf32, #tpu.memory_space<vmem>>, vector<1x256xf32>
    %add3A_98 = vector.broadcast %get3A_97 : vector<1x256xf32> to vector<256x256xf32>
    %add3A_99 = arith.addf %dot_general3A_94, %add3A_98 : vector<256x256xf32>
    %max3A_100 = arith.constant 0.000000e+00 : f32
    %max3A_101 = vector.broadcast %max3A_100 : f32 to vector<256x256xf32>
    %max3A_102 = arith.maximumf %add3A_99, %max3A_101 : vector<256x256xf32>
    %get3A_103 = arith.constant 0 : index
    %get3A_104 = arith.constant 0 : index
    %get3A_105 = vector.load %arg8[%get3A_103, %get3A_104] : memref<256x256xf32, #tpu.memory_space<vmem>>, vector<256x256xf32>
    %dot_general3A_106 = arith.constant dense<0.000000e+00> : vector<256x256xf32>
    %dot_general3A_107 = tpu.matmul %max3A_102, %get3A_105, %dot_general3A_106 {dimension_numbers = #tpu.dot_dimension_numbers<[1], [0], [0], [1], [0, 0, 1, 1], [], []>, transpose_lhs_hint = false} : vector<256x256xf32>, vector<256x256xf32>, vector<256x256xf32> -> vector<256x256xf32>
    %max3A_108 = arith.maximumf %max3A_75, %dot_general3A_107 : vector<256x256xf32>
    %get3A_109 = arith.constant 3 : index
    %get3A_110 = arith.constant 0 : index
    %get3A_111 = arith.constant 0 : index
    %get3A_112 = vector.load %arg1[%get3A_109, %get3A_110, %get3A_111] : memref<16x256x128xf32, #tpu.memory_space<vmem>>, vector<1x256x128xf32>
    %get3A_113 = vector.shape_cast %get3A_112 : vector<1x256x128xf32> to vector<256x128xf32>
    %get3A_114 = arith.constant 0 : index
    %get3A_115 = arith.constant 0 : index
    %get3A_116 = vector.load %arg3[%get3A_114, %get3A_115] : memref<128x256xf32, #tpu.memory_space<vmem>>, vector<128x256xf32>
    %dot_general3A_117 = arith.constant dense<0.000000e+00> : vector<256x256xf32>
    %dot_general3A_118 = tpu.matmul %get3A_113, %get3A_116, %dot_general3A_117 {dimension_numbers = #tpu.dot_dimension_numbers<[1], [0], [0], [1], [0, 0, 1, 1], [], []>, transpose_lhs_hint = false} : vector<256x128xf32>, vector<128x256xf32>, vector<256x256xf32> -> vector<256x256xf32>
    %add3A_119 = arith.addf %dot_general3A_118, %add3A_9 : vector<256x256xf32>
    %max3A_120 = arith.constant 0.000000e+00 : f32
    %max3A_121 = vector.broadcast %max3A_120 : f32 to vector<256x256xf32>
    %max3A_122 = arith.maximumf %add3A_119, %max3A_121 : vector<256x256xf32>
    %get3A_123 = arith.constant 0 : index
    %get3A_124 = arith.constant 0 : index
    %get3A_125 = vector.load %arg6[%get3A_123, %get3A_124] : memref<256x256xf32, #tpu.memory_space<vmem>>, vector<256x256xf32>
    %dot_general3A_126 = arith.constant dense<0.000000e+00> : vector<256x256xf32>
    %dot_general3A_127 = tpu.matmul %max3A_122, %get3A_125, %dot_general3A_126 {dimension_numbers = #tpu.dot_dimension_numbers<[1], [0], [0], [1], [0, 0, 1, 1], [], []>, transpose_lhs_hint = false} : vector<256x256xf32>, vector<256x256xf32>, vector<256x256xf32> -> vector<256x256xf32>
    %get3A_128 = arith.constant 0 : index
    %get3A_129 = arith.constant 0 : index
    %get3A_130 = vector.load %arg7[%get3A_128, %get3A_129] : memref<1x256xf32, #tpu.memory_space<vmem>>, vector<1x256xf32>
    %add3A_131 = vector.broadcast %get3A_130 : vector<1x256xf32> to vector<256x256xf32>
    %add3A_132 = arith.addf %dot_general3A_127, %add3A_131 : vector<256x256xf32>
    %max3A_133 = arith.constant 0.000000e+00 : f32
    %max3A_134 = vector.broadcast %max3A_133 : f32 to vector<256x256xf32>
    %max3A_135 = arith.maximumf %add3A_132, %max3A_134 : vector<256x256xf32>
    %get3A_136 = arith.constant 0 : index
    %get3A_137 = arith.constant 0 : index
    %get3A_138 = vector.load %arg8[%get3A_136, %get3A_137] : memref<256x256xf32, #tpu.memory_space<vmem>>, vector<256x256xf32>
    %dot_general3A_139 = arith.constant dense<0.000000e+00> : vector<256x256xf32>
    %dot_general3A_140 = tpu.matmul %max3A_135, %get3A_138, %dot_general3A_139 {dimension_numbers = #tpu.dot_dimension_numbers<[1], [0], [0], [1], [0, 0, 1, 1], [], []>, transpose_lhs_hint = false} : vector<256x256xf32>, vector<256x256xf32>, vector<256x256xf32> -> vector<256x256xf32>
    %max3A_141 = arith.maximumf %max3A_108, %dot_general3A_140 : vector<256x256xf32>
    %get3A_142 = arith.constant 4 : index
    %get3A_143 = arith.constant 0 : index
    %get3A_144 = arith.constant 0 : index
    %get3A_145 = vector.load %arg1[%get3A_142, %get3A_143, %get3A_144] : memref<16x256x128xf32, #tpu.memory_space<vmem>>, vector<1x256x128xf32>
    %get3A_146 = vector.shape_cast %get3A_145 : vector<1x256x128xf32> to vector<256x128xf32>
    %get3A_147 = arith.constant 0 : index
    %get3A_148 = arith.constant 0 : index
    %get3A_149 = vector.load %arg3[%get3A_147, %get3A_148] : memref<128x256xf32, #tpu.memory_space<vmem>>, vector<128x256xf32>
    %dot_general3A_150 = arith.constant dense<0.000000e+00> : vector<256x256xf32>
    %dot_general3A_151 = tpu.matmul %get3A_146, %get3A_149, %dot_general3A_150 {dimension_numbers = #tpu.dot_dimension_numbers<[1], [0], [0], [1], [0, 0, 1, 1], [], []>, transpose_lhs_hint = false} : vector<256x128xf32>, vector<128x256xf32>, vector<256x256xf32> -> vector<256x256xf32>
    %add3A_152 = arith.addf %dot_general3A_151, %add3A_9 : vector<256x256xf32>
    %max3A_153 = arith.constant 0.000000e+00 : f32
    %max3A_154 = vector.broadcast %max3A_153 : f32 to vector<256x256xf32>
    %max3A_155 = arith.maximumf %add3A_152, %max3A_154 : vector<256x256xf32>
    %get3A_156 = arith.constant 0 : index
    %get3A_157 = arith.constant 0 : index
    %get3A_158 = vector.load %arg6[%get3A_156, %get3A_157] : memref<256x256xf32, #tpu.memory_space<vmem>>, vector<256x256xf32>
    %dot_general3A_159 = arith.constant dense<0.000000e+00> : vector<256x256xf32>
    %dot_general3A_160 = tpu.matmul %max3A_155, %get3A_158, %dot_general3A_159 {dimension_numbers = #tpu.dot_dimension_numbers<[1], [0], [0], [1], [0, 0, 1, 1], [], []>, transpose_lhs_hint = false} : vector<256x256xf32>, vector<256x256xf32>, vector<256x256xf32> -> vector<256x256xf32>
    %get3A_161 = arith.constant 0 : index
    %get3A_162 = arith.constant 0 : index
    %get3A_163 = vector.load %arg7[%get3A_161, %get3A_162] : memref<1x256xf32, #tpu.memory_space<vmem>>, vector<1x256xf32>
    %add3A_164 = vector.broadcast %get3A_163 : vector<1x256xf32> to vector<256x256xf32>
    %add3A_165 = arith.addf %dot_general3A_160, %add3A_164 : vector<256x256xf32>
    %max3A_166 = arith.constant 0.000000e+00 : f32
    %max3A_167 = vector.broadcast %max3A_166 : f32 to vector<256x256xf32>
    %max3A_168 = arith.maximumf %add3A_165, %max3A_167 : vector<256x256xf32>
    %get3A_169 = arith.constant 0 : index
    %get3A_170 = arith.constant 0 : index
    %get3A_171 = vector.load %arg8[%get3A_169, %get3A_170] : memref<256x256xf32, #tpu.memory_space<vmem>>, vector<256x256xf32>
    %dot_general3A_172 = arith.constant dense<0.000000e+00> : vector<256x256xf32>
    %dot_general3A_173 = tpu.matmul %max3A_168, %get3A_171, %dot_general3A_172 {dimension_numbers = #tpu.dot_dimension_numbers<[1], [0], [0], [1], [0, 0, 1, 1], [], []>, transpose_lhs_hint = false} : vector<256x256xf32>, vector<256x256xf32>, vector<256x256xf32> -> vector<256x256xf32>
    %max3A_174 = arith.maximumf %max3A_141, %dot_general3A_173 : vector<256x256xf32>
    %get3A_175 = arith.constant 5 : index
    %get3A_176 = arith.constant 0 : index
    %get3A_177 = arith.constant 0 : index
    %get3A_178 = vector.load %arg1[%get3A_175, %get3A_176, %get3A_177] : memref<16x256x128xf32, #tpu.memory_space<vmem>>, vector<1x256x128xf32>
    %get3A_179 = vector.shape_cast %get3A_178 : vector<1x256x128xf32> to vector<256x128xf32>
    %get3A_180 = arith.constant 0 : index
    %get3A_181 = arith.constant 0 : index
    %get3A_182 = vector.load %arg3[%get3A_180, %get3A_181] : memref<128x256xf32, #tpu.memory_space<vmem>>, vector<128x256xf32>
    %dot_general3A_183 = arith.constant dense<0.000000e+00> : vector<256x256xf32>
    %dot_general3A_184 = tpu.matmul %get3A_179, %get3A_182, %dot_general3A_183 {dimension_numbers = #tpu.dot_dimension_numbers<[1], [0], [0], [1], [0, 0, 1, 1], [], []>, transpose_lhs_hint = false} : vector<256x128xf32>, vector<128x256xf32>, vector<256x256xf32> -> vector<256x256xf32>
    %add3A_185 = arith.addf %dot_general3A_184, %add3A_9 : vector<256x256xf32>
    %max3A_186 = arith.constant 0.000000e+00 : f32
    %max3A_187 = vector.broadcast %max3A_186 : f32 to vector<256x256xf32>
    %max3A_188 = arith.maximumf %add3A_185, %max3A_187 : vector<256x256xf32>
    %get3A_189 = arith.constant 0 : index
    %get3A_190 = arith.constant 0 : index
    %get3A_191 = vector.load %arg6[%get3A_189, %get3A_190] : memref<256x256xf32, #tpu.memory_space<vmem>>, vector<256x256xf32>
    %dot_general3A_192 = arith.constant dense<0.000000e+00> : vector<256x256xf32>
    %dot_general3A_193 = tpu.matmul %max3A_188, %get3A_191, %dot_general3A_192 {dimension_numbers = #tpu.dot_dimension_numbers<[1], [0], [0], [1], [0, 0, 1, 1], [], []>, transpose_lhs_hint = false} : vector<256x256xf32>, vector<256x256xf32>, vector<256x256xf32> -> vector<256x256xf32>
    %get3A_194 = arith.constant 0 : index
    %get3A_195 = arith.constant 0 : index
    %get3A_196 = vector.load %arg7[%get3A_194, %get3A_195] : memref<1x256xf32, #tpu.memory_space<vmem>>, vector<1x256xf32>
    %add3A_197 = vector.broadcast %get3A_196 : vector<1x256xf32> to vector<256x256xf32>
    %add3A_198 = arith.addf %dot_general3A_193, %add3A_197 : vector<256x256xf32>
    %max3A_199 = arith.constant 0.000000e+00 : f32
    %max3A_200 = vector.broadcast %max3A_199 : f32 to vector<256x256xf32>
    %max3A_201 = arith.maximumf %add3A_198, %max3A_200 : vector<256x256xf32>
    %get3A_202 = arith.constant 0 : index
    %get3A_203 = arith.constant 0 : index
    %get3A_204 = vector.load %arg8[%get3A_202, %get3A_203] : memref<256x256xf32, #tpu.memory_space<vmem>>, vector<256x256xf32>
    %dot_general3A_205 = arith.constant dense<0.000000e+00> : vector<256x256xf32>
    %dot_general3A_206 = tpu.matmul %max3A_201, %get3A_204, %dot_general3A_205 {dimension_numbers = #tpu.dot_dimension_numbers<[1], [0], [0], [1], [0, 0, 1, 1], [], []>, transpose_lhs_hint = false} : vector<256x256xf32>, vector<256x256xf32>, vector<256x256xf32> -> vector<256x256xf32>
    %max3A_207 = arith.maximumf %max3A_174, %dot_general3A_206 : vector<256x256xf32>
    %get3A_208 = arith.constant 6 : index
    %get3A_209 = arith.constant 0 : index
    %get3A_210 = arith.constant 0 : index
    %get3A_211 = vector.load %arg1[%get3A_208, %get3A_209, %get3A_210] : memref<16x256x128xf32, #tpu.memory_space<vmem>>, vector<1x256x128xf32>
    %get3A_212 = vector.shape_cast %get3A_211 : vector<1x256x128xf32> to vector<256x128xf32>
    %get3A_213 = arith.constant 0 : index
    %get3A_214 = arith.constant 0 : index
    %get3A_215 = vector.load %arg3[%get3A_213, %get3A_214] : memref<128x256xf32, #tpu.memory_space<vmem>>, vector<128x256xf32>
    %dot_general3A_216 = arith.constant dense<0.000000e+00> : vector<256x256xf32>
    %dot_general3A_217 = tpu.matmul %get3A_212, %get3A_215, %dot_general3A_216 {dimension_numbers = #tpu.dot_dimension_numbers<[1], [0], [0], [1], [0, 0, 1, 1], [], []>, transpose_lhs_hint = false} : vector<256x128xf32>, vector<128x256xf32>, vector<256x256xf32> -> vector<256x256xf32>
    %add3A_218 = arith.addf %dot_general3A_217, %add3A_9 : vector<256x256xf32>
    %max3A_219 = arith.constant 0.000000e+00 : f32
    %max3A_220 = vector.broadcast %max3A_219 : f32 to vector<256x256xf32>
    %max3A_221 = arith.maximumf %add3A_218, %max3A_220 : vector<256x256xf32>
    %get3A_222 = arith.constant 0 : index
    %get3A_223 = arith.constant 0 : index
    %get3A_224 = vector.load %arg6[%get3A_222, %get3A_223] : memref<256x256xf32, #tpu.memory_space<vmem>>, vector<256x256xf32>
    %dot_general3A_225 = arith.constant dense<0.000000e+00> : vector<256x256xf32>
    %dot_general3A_226 = tpu.matmul %max3A_221, %get3A_224, %dot_general3A_225 {dimension_numbers = #tpu.dot_dimension_numbers<[1], [0], [0], [1], [0, 0, 1, 1], [], []>, transpose_lhs_hint = false} : vector<256x256xf32>, vector<256x256xf32>, vector<256x256xf32> -> vector<256x256xf32>
    %get3A_227 = arith.constant 0 : index
    %get3A_228 = arith.constant 0 : index
    %get3A_229 = vector.load %arg7[%get3A_227, %get3A_228] : memref<1x256xf32, #tpu.memory_space<vmem>>, vector<1x256xf32>
    %add3A_230 = vector.broadcast %get3A_229 : vector<1x256xf32> to vector<256x256xf32>
    %add3A_231 = arith.addf %dot_general3A_226, %add3A_230 : vector<256x256xf32>
    %max3A_232 = arith.constant 0.000000e+00 : f32
    %max3A_233 = vector.broadcast %max3A_232 : f32 to vector<256x256xf32>
    %max3A_234 = arith.maximumf %add3A_231, %max3A_233 : vector<256x256xf32>
    %get3A_235 = arith.constant 0 : index
    %get3A_236 = arith.constant 0 : index
    %get3A_237 = vector.load %arg8[%get3A_235, %get3A_236] : memref<256x256xf32, #tpu.memory_space<vmem>>, vector<256x256xf32>
    %dot_general3A_238 = arith.constant dense<0.000000e+00> : vector<256x256xf32>
    %dot_general3A_239 = tpu.matmul %max3A_234, %get3A_237, %dot_general3A_238 {dimension_numbers = #tpu.dot_dimension_numbers<[1], [0], [0], [1], [0, 0, 1, 1], [], []>, transpose_lhs_hint = false} : vector<256x256xf32>, vector<256x256xf32>, vector<256x256xf32> -> vector<256x256xf32>
    %max3A_240 = arith.maximumf %max3A_207, %dot_general3A_239 : vector<256x256xf32>
    %get3A_241 = arith.constant 7 : index
    %get3A_242 = arith.constant 0 : index
    %get3A_243 = arith.constant 0 : index
    %get3A_244 = vector.load %arg1[%get3A_241, %get3A_242, %get3A_243] : memref<16x256x128xf32, #tpu.memory_space<vmem>>, vector<1x256x128xf32>
    %get3A_245 = vector.shape_cast %get3A_244 : vector<1x256x128xf32> to vector<256x128xf32>
    %get3A_246 = arith.constant 0 : index
    %get3A_247 = arith.constant 0 : index
    %get3A_248 = vector.load %arg3[%get3A_246, %get3A_247] : memref<128x256xf32, #tpu.memory_space<vmem>>, vector<128x256xf32>
    %dot_general3A_249 = arith.constant dense<0.000000e+00> : vector<256x256xf32>
    %dot_general3A_250 = tpu.matmul %get3A_245, %get3A_248, %dot_general3A_249 {dimension_numbers = #tpu.dot_dimension_numbers<[1], [0], [0], [1], [0, 0, 1, 1], [], []>, transpose_lhs_hint = false} : vector<256x128xf32>, vector<128x256xf32>, vector<256x256xf32> -> vector<256x256xf32>
    %add3A_251 = arith.addf %dot_general3A_250, %add3A_9 : vector<256x256xf32>
    %max3A_252 = arith.constant 0.000000e+00 : f32
    %max3A_253 = vector.broadcast %max3A_252 : f32 to vector<256x256xf32>
    %max3A_254 = arith.maximumf %add3A_251, %max3A_253 : vector<256x256xf32>
    %get3A_255 = arith.constant 0 : index
    %get3A_256 = arith.constant 0 : index
    %get3A_257 = vector.load %arg6[%get3A_255, %get3A_256] : memref<256x256xf32, #tpu.memory_space<vmem>>, vector<256x256xf32>
    %dot_general3A_258 = arith.constant dense<0.000000e+00> : vector<256x256xf32>
    %dot_general3A_259 = tpu.matmul %max3A_254, %get3A_257, %dot_general3A_258 {dimension_numbers = #tpu.dot_dimension_numbers<[1], [0], [0], [1], [0, 0, 1, 1], [], []>, transpose_lhs_hint = false} : vector<256x256xf32>, vector<256x256xf32>, vector<256x256xf32> -> vector<256x256xf32>
    %get3A_260 = arith.constant 0 : index
    %get3A_261 = arith.constant 0 : index
    %get3A_262 = vector.load %arg7[%get3A_260, %get3A_261] : memref<1x256xf32, #tpu.memory_space<vmem>>, vector<1x256xf32>
    %add3A_263 = vector.broadcast %get3A_262 : vector<1x256xf32> to vector<256x256xf32>
    %add3A_264 = arith.addf %dot_general3A_259, %add3A_263 : vector<256x256xf32>
    %max3A_265 = arith.constant 0.000000e+00 : f32
    %max3A_266 = vector.broadcast %max3A_265 : f32 to vector<256x256xf32>
    %max3A_267 = arith.maximumf %add3A_264, %max3A_266 : vector<256x256xf32>
    %get3A_268 = arith.constant 0 : index
    %get3A_269 = arith.constant 0 : index
    %get3A_270 = vector.load %arg8[%get3A_268, %get3A_269] : memref<256x256xf32, #tpu.memory_space<vmem>>, vector<256x256xf32>
    %dot_general3A_271 = arith.constant dense<0.000000e+00> : vector<256x256xf32>
    %dot_general3A_272 = tpu.matmul %max3A_267, %get3A_270, %dot_general3A_271 {dimension_numbers = #tpu.dot_dimension_numbers<[1], [0], [0], [1], [0, 0, 1, 1], [], []>, transpose_lhs_hint = false} : vector<256x256xf32>, vector<256x256xf32>, vector<256x256xf32> -> vector<256x256xf32>
    %max3A_273 = arith.maximumf %max3A_240, %dot_general3A_272 : vector<256x256xf32>
    %get3A_274 = arith.constant 8 : index
    %get3A_275 = arith.constant 0 : index
    %get3A_276 = arith.constant 0 : index
    %get3A_277 = vector.load %arg1[%get3A_274, %get3A_275, %get3A_276] : memref<16x256x128xf32, #tpu.memory_space<vmem>>, vector<1x256x128xf32>
    %get3A_278 = vector.shape_cast %get3A_277 : vector<1x256x128xf32> to vector<256x128xf32>
    %get3A_279 = arith.constant 0 : index
    %get3A_280 = arith.constant 0 : index
    %get3A_281 = vector.load %arg3[%get3A_279, %get3A_280] : memref<128x256xf32, #tpu.memory_space<vmem>>, vector<128x256xf32>
    %dot_general3A_282 = arith.constant dense<0.000000e+00> : vector<256x256xf32>
    %dot_general3A_283 = tpu.matmul %get3A_278, %get3A_281, %dot_general3A_282 {dimension_numbers = #tpu.dot_dimension_numbers<[1], [0], [0], [1], [0, 0, 1, 1], [], []>, transpose_lhs_hint = false} : vector<256x128xf32>, vector<128x256xf32>, vector<256x256xf32> -> vector<256x256xf32>
    %add3A_284 = arith.addf %dot_general3A_283, %add3A_9 : vector<256x256xf32>
    %max3A_285 = arith.constant 0.000000e+00 : f32
    %max3A_286 = vector.broadcast %max3A_285 : f32 to vector<256x256xf32>
    %max3A_287 = arith.maximumf %add3A_284, %max3A_286 : vector<256x256xf32>
    %get3A_288 = arith.constant 0 : index
    %get3A_289 = arith.constant 0 : index
    %get3A_290 = vector.load %arg6[%get3A_288, %get3A_289] : memref<256x256xf32, #tpu.memory_space<vmem>>, vector<256x256xf32>
    %dot_general3A_291 = arith.constant dense<0.000000e+00> : vector<256x256xf32>
    %dot_general3A_292 = tpu.matmul %max3A_287, %get3A_290, %dot_general3A_291 {dimension_numbers = #tpu.dot_dimension_numbers<[1], [0], [0], [1], [0, 0, 1, 1], [], []>, transpose_lhs_hint = false} : vector<256x256xf32>, vector<256x256xf32>, vector<256x256xf32> -> vector<256x256xf32>
    %get3A_293 = arith.constant 0 : index
    %get3A_294 = arith.constant 0 : index
    %get3A_295 = vector.load %arg7[%get3A_293, %get3A_294] : memref<1x256xf32, #tpu.memory_space<vmem>>, vector<1x256xf32>
    %add3A_296 = vector.broadcast %get3A_295 : vector<1x256xf32> to vector<256x256xf32>
    %add3A_297 = arith.addf %dot_general3A_292, %add3A_296 : vector<256x256xf32>
    %max3A_298 = arith.constant 0.000000e+00 : f32
    %max3A_299 = vector.broadcast %max3A_298 : f32 to vector<256x256xf32>
    %max3A_300 = arith.maximumf %add3A_297, %max3A_299 : vector<256x256xf32>
    %get3A_301 = arith.constant 0 : index
    %get3A_302 = arith.constant 0 : index
    %get3A_303 = vector.load %arg8[%get3A_301, %get3A_302] : memref<256x256xf32, #tpu.memory_space<vmem>>, vector<256x256xf32>
    %dot_general3A_304 = arith.constant dense<0.000000e+00> : vector<256x256xf32>
    %dot_general3A_305 = tpu.matmul %max3A_300, %get3A_303, %dot_general3A_304 {dimension_numbers = #tpu.dot_dimension_numbers<[1], [0], [0], [1], [0, 0, 1, 1], [], []>, transpose_lhs_hint = false} : vector<256x256xf32>, vector<256x256xf32>, vector<256x256xf32> -> vector<256x256xf32>
    %max3A_306 = arith.maximumf %max3A_273, %dot_general3A_305 : vector<256x256xf32>
    %get3A_307 = arith.constant 9 : index
    %get3A_308 = arith.constant 0 : index
    %get3A_309 = arith.constant 0 : index
    %get3A_310 = vector.load %arg1[%get3A_307, %get3A_308, %get3A_309] : memref<16x256x128xf32, #tpu.memory_space<vmem>>, vector<1x256x128xf32>
    %get3A_311 = vector.shape_cast %get3A_310 : vector<1x256x128xf32> to vector<256x128xf32>
    %get3A_312 = arith.constant 0 : index
    %get3A_313 = arith.constant 0 : index
    %get3A_314 = vector.load %arg3[%get3A_312, %get3A_313] : memref<128x256xf32, #tpu.memory_space<vmem>>, vector<128x256xf32>
    %dot_general3A_315 = arith.constant dense<0.000000e+00> : vector<256x256xf32>
    %dot_general3A_316 = tpu.matmul %get3A_311, %get3A_314, %dot_general3A_315 {dimension_numbers = #tpu.dot_dimension_numbers<[1], [0], [0], [1], [0, 0, 1, 1], [], []>, transpose_lhs_hint = false} : vector<256x128xf32>, vector<128x256xf32>, vector<256x256xf32> -> vector<256x256xf32>
    %add3A_317 = arith.addf %dot_general3A_316, %add3A_9 : vector<256x256xf32>
    %max3A_318 = arith.constant 0.000000e+00 : f32
    %max3A_319 = vector.broadcast %max3A_318 : f32 to vector<256x256xf32>
    %max3A_320 = arith.maximumf %add3A_317, %max3A_319 : vector<256x256xf32>
    %get3A_321 = arith.constant 0 : index
    %get3A_322 = arith.constant 0 : index
    %get3A_323 = vector.load %arg6[%get3A_321, %get3A_322] : memref<256x256xf32, #tpu.memory_space<vmem>>, vector<256x256xf32>
    %dot_general3A_324 = arith.constant dense<0.000000e+00> : vector<256x256xf32>
    %dot_general3A_325 = tpu.matmul %max3A_320, %get3A_323, %dot_general3A_324 {dimension_numbers = #tpu.dot_dimension_numbers<[1], [0], [0], [1], [0, 0, 1, 1], [], []>, transpose_lhs_hint = false} : vector<256x256xf32>, vector<256x256xf32>, vector<256x256xf32> -> vector<256x256xf32>
    %get3A_326 = arith.constant 0 : index
    %get3A_327 = arith.constant 0 : index
    %get3A_328 = vector.load %arg7[%get3A_326, %get3A_327] : memref<1x256xf32, #tpu.memory_space<vmem>>, vector<1x256xf32>
    %add3A_329 = vector.broadcast %get3A_328 : vector<1x256xf32> to vector<256x256xf32>
    %add3A_330 = arith.addf %dot_general3A_325, %add3A_329 : vector<256x256xf32>
    %max3A_331 = arith.constant 0.000000e+00 : f32
    %max3A_332 = vector.broadcast %max3A_331 : f32 to vector<256x256xf32>
    %max3A_333 = arith.maximumf %add3A_330, %max3A_332 : vector<256x256xf32>
    %get3A_334 = arith.constant 0 : index
    %get3A_335 = arith.constant 0 : index
    %get3A_336 = vector.load %arg8[%get3A_334, %get3A_335] : memref<256x256xf32, #tpu.memory_space<vmem>>, vector<256x256xf32>
    %dot_general3A_337 = arith.constant dense<0.000000e+00> : vector<256x256xf32>
    %dot_general3A_338 = tpu.matmul %max3A_333, %get3A_336, %dot_general3A_337 {dimension_numbers = #tpu.dot_dimension_numbers<[1], [0], [0], [1], [0, 0, 1, 1], [], []>, transpose_lhs_hint = false} : vector<256x256xf32>, vector<256x256xf32>, vector<256x256xf32> -> vector<256x256xf32>
    %max3A_339 = arith.maximumf %max3A_306, %dot_general3A_338 : vector<256x256xf32>
    %get3A_340 = arith.constant 10 : index
    %get3A_341 = arith.constant 0 : index
    %get3A_342 = arith.constant 0 : index
    %get3A_343 = vector.load %arg1[%get3A_340, %get3A_341, %get3A_342] : memref<16x256x128xf32, #tpu.memory_space<vmem>>, vector<1x256x128xf32>
    %get3A_344 = vector.shape_cast %get3A_343 : vector<1x256x128xf32> to vector<256x128xf32>
    %get3A_345 = arith.constant 0 : index
    %get3A_346 = arith.constant 0 : index
    %get3A_347 = vector.load %arg3[%get3A_345, %get3A_346] : memref<128x256xf32, #tpu.memory_space<vmem>>, vector<128x256xf32>
    %dot_general3A_348 = arith.constant dense<0.000000e+00> : vector<256x256xf32>
    %dot_general3A_349 = tpu.matmul %get3A_344, %get3A_347, %dot_general3A_348 {dimension_numbers = #tpu.dot_dimension_numbers<[1], [0], [0], [1], [0, 0, 1, 1], [], []>, transpose_lhs_hint = false} : vector<256x128xf32>, vector<128x256xf32>, vector<256x256xf32> -> vector<256x256xf32>
    %add3A_350 = arith.addf %dot_general3A_349, %add3A_9 : vector<256x256xf32>
    %max3A_351 = arith.constant 0.000000e+00 : f32
    %max3A_352 = vector.broadcast %max3A_351 : f32 to vector<256x256xf32>
    %max3A_353 = arith.maximumf %add3A_350, %max3A_352 : vector<256x256xf32>
    %get3A_354 = arith.constant 0 : index
    %get3A_355 = arith.constant 0 : index
    %get3A_356 = vector.load %arg6[%get3A_354, %get3A_355] : memref<256x256xf32, #tpu.memory_space<vmem>>, vector<256x256xf32>
    %dot_general3A_357 = arith.constant dense<0.000000e+00> : vector<256x256xf32>
    %dot_general3A_358 = tpu.matmul %max3A_353, %get3A_356, %dot_general3A_357 {dimension_numbers = #tpu.dot_dimension_numbers<[1], [0], [0], [1], [0, 0, 1, 1], [], []>, transpose_lhs_hint = false} : vector<256x256xf32>, vector<256x256xf32>, vector<256x256xf32> -> vector<256x256xf32>
    %get3A_359 = arith.constant 0 : index
    %get3A_360 = arith.constant 0 : index
    %get3A_361 = vector.load %arg7[%get3A_359, %get3A_360] : memref<1x256xf32, #tpu.memory_space<vmem>>, vector<1x256xf32>
    %add3A_362 = vector.broadcast %get3A_361 : vector<1x256xf32> to vector<256x256xf32>
    %add3A_363 = arith.addf %dot_general3A_358, %add3A_362 : vector<256x256xf32>
    %max3A_364 = arith.constant 0.000000e+00 : f32
    %max3A_365 = vector.broadcast %max3A_364 : f32 to vector<256x256xf32>
    %max3A_366 = arith.maximumf %add3A_363, %max3A_365 : vector<256x256xf32>
    %get3A_367 = arith.constant 0 : index
    %get3A_368 = arith.constant 0 : index
    %get3A_369 = vector.load %arg8[%get3A_367, %get3A_368] : memref<256x256xf32, #tpu.memory_space<vmem>>, vector<256x256xf32>
    %dot_general3A_370 = arith.constant dense<0.000000e+00> : vector<256x256xf32>
    %dot_general3A_371 = tpu.matmul %max3A_366, %get3A_369, %dot_general3A_370 {dimension_numbers = #tpu.dot_dimension_numbers<[1], [0], [0], [1], [0, 0, 1, 1], [], []>, transpose_lhs_hint = false} : vector<256x256xf32>, vector<256x256xf32>, vector<256x256xf32> -> vector<256x256xf32>
    %max3A_372 = arith.maximumf %max3A_339, %dot_general3A_371 : vector<256x256xf32>
    %get3A_373 = arith.constant 11 : index
    %get3A_374 = arith.constant 0 : index
    %get3A_375 = arith.constant 0 : index
    %get3A_376 = vector.load %arg1[%get3A_373, %get3A_374, %get3A_375] : memref<16x256x128xf32, #tpu.memory_space<vmem>>, vector<1x256x128xf32>
    %get3A_377 = vector.shape_cast %get3A_376 : vector<1x256x128xf32> to vector<256x128xf32>
    %get3A_378 = arith.constant 0 : index
    %get3A_379 = arith.constant 0 : index
    %get3A_380 = vector.load %arg3[%get3A_378, %get3A_379] : memref<128x256xf32, #tpu.memory_space<vmem>>, vector<128x256xf32>
    %dot_general3A_381 = arith.constant dense<0.000000e+00> : vector<256x256xf32>
    %dot_general3A_382 = tpu.matmul %get3A_377, %get3A_380, %dot_general3A_381 {dimension_numbers = #tpu.dot_dimension_numbers<[1], [0], [0], [1], [0, 0, 1, 1], [], []>, transpose_lhs_hint = false} : vector<256x128xf32>, vector<128x256xf32>, vector<256x256xf32> -> vector<256x256xf32>
    %add3A_383 = arith.addf %dot_general3A_382, %add3A_9 : vector<256x256xf32>
    %max3A_384 = arith.constant 0.000000e+00 : f32
    %max3A_385 = vector.broadcast %max3A_384 : f32 to vector<256x256xf32>
    %max3A_386 = arith.maximumf %add3A_383, %max3A_385 : vector<256x256xf32>
    %get3A_387 = arith.constant 0 : index
    %get3A_388 = arith.constant 0 : index
    %get3A_389 = vector.load %arg6[%get3A_387, %get3A_388] : memref<256x256xf32, #tpu.memory_space<vmem>>, vector<256x256xf32>
    %dot_general3A_390 = arith.constant dense<0.000000e+00> : vector<256x256xf32>
    %dot_general3A_391 = tpu.matmul %max3A_386, %get3A_389, %dot_general3A_390 {dimension_numbers = #tpu.dot_dimension_numbers<[1], [0], [0], [1], [0, 0, 1, 1], [], []>, transpose_lhs_hint = false} : vector<256x256xf32>, vector<256x256xf32>, vector<256x256xf32> -> vector<256x256xf32>
    %get3A_392 = arith.constant 0 : index
    %get3A_393 = arith.constant 0 : index
    %get3A_394 = vector.load %arg7[%get3A_392, %get3A_393] : memref<1x256xf32, #tpu.memory_space<vmem>>, vector<1x256xf32>
    %add3A_395 = vector.broadcast %get3A_394 : vector<1x256xf32> to vector<256x256xf32>
    %add3A_396 = arith.addf %dot_general3A_391, %add3A_395 : vector<256x256xf32>
    %max3A_397 = arith.constant 0.000000e+00 : f32
    %max3A_398 = vector.broadcast %max3A_397 : f32 to vector<256x256xf32>
    %max3A_399 = arith.maximumf %add3A_396, %max3A_398 : vector<256x256xf32>
    %get3A_400 = arith.constant 0 : index
    %get3A_401 = arith.constant 0 : index
    %get3A_402 = vector.load %arg8[%get3A_400, %get3A_401] : memref<256x256xf32, #tpu.memory_space<vmem>>, vector<256x256xf32>
    %dot_general3A_403 = arith.constant dense<0.000000e+00> : vector<256x256xf32>
    %dot_general3A_404 = tpu.matmul %max3A_399, %get3A_402, %dot_general3A_403 {dimension_numbers = #tpu.dot_dimension_numbers<[1], [0], [0], [1], [0, 0, 1, 1], [], []>, transpose_lhs_hint = false} : vector<256x256xf32>, vector<256x256xf32>, vector<256x256xf32> -> vector<256x256xf32>
    %max3A_405 = arith.maximumf %max3A_372, %dot_general3A_404 : vector<256x256xf32>
    %get3A_406 = arith.constant 12 : index
    %get3A_407 = arith.constant 0 : index
    %get3A_408 = arith.constant 0 : index
    %get3A_409 = vector.load %arg1[%get3A_406, %get3A_407, %get3A_408] : memref<16x256x128xf32, #tpu.memory_space<vmem>>, vector<1x256x128xf32>
    %get3A_410 = vector.shape_cast %get3A_409 : vector<1x256x128xf32> to vector<256x128xf32>
    %get3A_411 = arith.constant 0 : index
    %get3A_412 = arith.constant 0 : index
    %get3A_413 = vector.load %arg3[%get3A_411, %get3A_412] : memref<128x256xf32, #tpu.memory_space<vmem>>, vector<128x256xf32>
    %dot_general3A_414 = arith.constant dense<0.000000e+00> : vector<256x256xf32>
    %dot_general3A_415 = tpu.matmul %get3A_410, %get3A_413, %dot_general3A_414 {dimension_numbers = #tpu.dot_dimension_numbers<[1], [0], [0], [1], [0, 0, 1, 1], [], []>, transpose_lhs_hint = false} : vector<256x128xf32>, vector<128x256xf32>, vector<256x256xf32> -> vector<256x256xf32>
    %add3A_416 = arith.addf %dot_general3A_415, %add3A_9 : vector<256x256xf32>
    %max3A_417 = arith.constant 0.000000e+00 : f32
    %max3A_418 = vector.broadcast %max3A_417 : f32 to vector<256x256xf32>
    %max3A_419 = arith.maximumf %add3A_416, %max3A_418 : vector<256x256xf32>
    %get3A_420 = arith.constant 0 : index
    %get3A_421 = arith.constant 0 : index
    %get3A_422 = vector.load %arg6[%get3A_420, %get3A_421] : memref<256x256xf32, #tpu.memory_space<vmem>>, vector<256x256xf32>
    %dot_general3A_423 = arith.constant dense<0.000000e+00> : vector<256x256xf32>
    %dot_general3A_424 = tpu.matmul %max3A_419, %get3A_422, %dot_general3A_423 {dimension_numbers = #tpu.dot_dimension_numbers<[1], [0], [0], [1], [0, 0, 1, 1], [], []>, transpose_lhs_hint = false} : vector<256x256xf32>, vector<256x256xf32>, vector<256x256xf32> -> vector<256x256xf32>
    %get3A_425 = arith.constant 0 : index
    %get3A_426 = arith.constant 0 : index
    %get3A_427 = vector.load %arg7[%get3A_425, %get3A_426] : memref<1x256xf32, #tpu.memory_space<vmem>>, vector<1x256xf32>
    %add3A_428 = vector.broadcast %get3A_427 : vector<1x256xf32> to vector<256x256xf32>
    %add3A_429 = arith.addf %dot_general3A_424, %add3A_428 : vector<256x256xf32>
    %max3A_430 = arith.constant 0.000000e+00 : f32
    %max3A_431 = vector.broadcast %max3A_430 : f32 to vector<256x256xf32>
    %max3A_432 = arith.maximumf %add3A_429, %max3A_431 : vector<256x256xf32>
    %get3A_433 = arith.constant 0 : index
    %get3A_434 = arith.constant 0 : index
    %get3A_435 = vector.load %arg8[%get3A_433, %get3A_434] : memref<256x256xf32, #tpu.memory_space<vmem>>, vector<256x256xf32>
    %dot_general3A_436 = arith.constant dense<0.000000e+00> : vector<256x256xf32>
    %dot_general3A_437 = tpu.matmul %max3A_432, %get3A_435, %dot_general3A_436 {dimension_numbers = #tpu.dot_dimension_numbers<[1], [0], [0], [1], [0, 0, 1, 1], [], []>, transpose_lhs_hint = false} : vector<256x256xf32>, vector<256x256xf32>, vector<256x256xf32> -> vector<256x256xf32>
    %max3A_438 = arith.maximumf %max3A_405, %dot_general3A_437 : vector<256x256xf32>
    %get3A_439 = arith.constant 13 : index
    %get3A_440 = arith.constant 0 : index
    %get3A_441 = arith.constant 0 : index
    %get3A_442 = vector.load %arg1[%get3A_439, %get3A_440, %get3A_441] : memref<16x256x128xf32, #tpu.memory_space<vmem>>, vector<1x256x128xf32>
    %get3A_443 = vector.shape_cast %get3A_442 : vector<1x256x128xf32> to vector<256x128xf32>
    %get3A_444 = arith.constant 0 : index
    %get3A_445 = arith.constant 0 : index
    %get3A_446 = vector.load %arg3[%get3A_444, %get3A_445] : memref<128x256xf32, #tpu.memory_space<vmem>>, vector<128x256xf32>
    %dot_general3A_447 = arith.constant dense<0.000000e+00> : vector<256x256xf32>
    %dot_general3A_448 = tpu.matmul %get3A_443, %get3A_446, %dot_general3A_447 {dimension_numbers = #tpu.dot_dimension_numbers<[1], [0], [0], [1], [0, 0, 1, 1], [], []>, transpose_lhs_hint = false} : vector<256x128xf32>, vector<128x256xf32>, vector<256x256xf32> -> vector<256x256xf32>
    %add3A_449 = arith.addf %dot_general3A_448, %add3A_9 : vector<256x256xf32>
    %max3A_450 = arith.constant 0.000000e+00 : f32
    %max3A_451 = vector.broadcast %max3A_450 : f32 to vector<256x256xf32>
    %max3A_452 = arith.maximumf %add3A_449, %max3A_451 : vector<256x256xf32>
    %get3A_453 = arith.constant 0 : index
    %get3A_454 = arith.constant 0 : index
    %get3A_455 = vector.load %arg6[%get3A_453, %get3A_454] : memref<256x256xf32, #tpu.memory_space<vmem>>, vector<256x256xf32>
    %dot_general3A_456 = arith.constant dense<0.000000e+00> : vector<256x256xf32>
    %dot_general3A_457 = tpu.matmul %max3A_452, %get3A_455, %dot_general3A_456 {dimension_numbers = #tpu.dot_dimension_numbers<[1], [0], [0], [1], [0, 0, 1, 1], [], []>, transpose_lhs_hint = false} : vector<256x256xf32>, vector<256x256xf32>, vector<256x256xf32> -> vector<256x256xf32>
    %get3A_458 = arith.constant 0 : index
    %get3A_459 = arith.constant 0 : index
    %get3A_460 = vector.load %arg7[%get3A_458, %get3A_459] : memref<1x256xf32, #tpu.memory_space<vmem>>, vector<1x256xf32>
    %add3A_461 = vector.broadcast %get3A_460 : vector<1x256xf32> to vector<256x256xf32>
    %add3A_462 = arith.addf %dot_general3A_457, %add3A_461 : vector<256x256xf32>
    %max3A_463 = arith.constant 0.000000e+00 : f32
    %max3A_464 = vector.broadcast %max3A_463 : f32 to vector<256x256xf32>
    %max3A_465 = arith.maximumf %add3A_462, %max3A_464 : vector<256x256xf32>
    %get3A_466 = arith.constant 0 : index
    %get3A_467 = arith.constant 0 : index
    %get3A_468 = vector.load %arg8[%get3A_466, %get3A_467] : memref<256x256xf32, #tpu.memory_space<vmem>>, vector<256x256xf32>
    %dot_general3A_469 = arith.constant dense<0.000000e+00> : vector<256x256xf32>
    %dot_general3A_470 = tpu.matmul %max3A_465, %get3A_468, %dot_general3A_469 {dimension_numbers = #tpu.dot_dimension_numbers<[1], [0], [0], [1], [0, 0, 1, 1], [], []>, transpose_lhs_hint = false} : vector<256x256xf32>, vector<256x256xf32>, vector<256x256xf32> -> vector<256x256xf32>
    %max3A_471 = arith.maximumf %max3A_438, %dot_general3A_470 : vector<256x256xf32>
    %get3A_472 = arith.constant 14 : index
    %get3A_473 = arith.constant 0 : index
    %get3A_474 = arith.constant 0 : index
    %get3A_475 = vector.load %arg1[%get3A_472, %get3A_473, %get3A_474] : memref<16x256x128xf32, #tpu.memory_space<vmem>>, vector<1x256x128xf32>
    %get3A_476 = vector.shape_cast %get3A_475 : vector<1x256x128xf32> to vector<256x128xf32>
    %get3A_477 = arith.constant 0 : index
    %get3A_478 = arith.constant 0 : index
    %get3A_479 = vector.load %arg3[%get3A_477, %get3A_478] : memref<128x256xf32, #tpu.memory_space<vmem>>, vector<128x256xf32>
    %dot_general3A_480 = arith.constant dense<0.000000e+00> : vector<256x256xf32>
    %dot_general3A_481 = tpu.matmul %get3A_476, %get3A_479, %dot_general3A_480 {dimension_numbers = #tpu.dot_dimension_numbers<[1], [0], [0], [1], [0, 0, 1, 1], [], []>, transpose_lhs_hint = false} : vector<256x128xf32>, vector<128x256xf32>, vector<256x256xf32> -> vector<256x256xf32>
    %add3A_482 = arith.addf %dot_general3A_481, %add3A_9 : vector<256x256xf32>
    %max3A_483 = arith.constant 0.000000e+00 : f32
    %max3A_484 = vector.broadcast %max3A_483 : f32 to vector<256x256xf32>
    %max3A_485 = arith.maximumf %add3A_482, %max3A_484 : vector<256x256xf32>
    %get3A_486 = arith.constant 0 : index
    %get3A_487 = arith.constant 0 : index
    %get3A_488 = vector.load %arg6[%get3A_486, %get3A_487] : memref<256x256xf32, #tpu.memory_space<vmem>>, vector<256x256xf32>
    %dot_general3A_489 = arith.constant dense<0.000000e+00> : vector<256x256xf32>
    %dot_general3A_490 = tpu.matmul %max3A_485, %get3A_488, %dot_general3A_489 {dimension_numbers = #tpu.dot_dimension_numbers<[1], [0], [0], [1], [0, 0, 1, 1], [], []>, transpose_lhs_hint = false} : vector<256x256xf32>, vector<256x256xf32>, vector<256x256xf32> -> vector<256x256xf32>
    %get3A_491 = arith.constant 0 : index
    %get3A_492 = arith.constant 0 : index
    %get3A_493 = vector.load %arg7[%get3A_491, %get3A_492] : memref<1x256xf32, #tpu.memory_space<vmem>>, vector<1x256xf32>
    %add3A_494 = vector.broadcast %get3A_493 : vector<1x256xf32> to vector<256x256xf32>
    %add3A_495 = arith.addf %dot_general3A_490, %add3A_494 : vector<256x256xf32>
    %max3A_496 = arith.constant 0.000000e+00 : f32
    %max3A_497 = vector.broadcast %max3A_496 : f32 to vector<256x256xf32>
    %max3A_498 = arith.maximumf %add3A_495, %max3A_497 : vector<256x256xf32>
    %get3A_499 = arith.constant 0 : index
    %get3A_500 = arith.constant 0 : index
    %get3A_501 = vector.load %arg8[%get3A_499, %get3A_500] : memref<256x256xf32, #tpu.memory_space<vmem>>, vector<256x256xf32>
    %dot_general3A_502 = arith.constant dense<0.000000e+00> : vector<256x256xf32>
    %dot_general3A_503 = tpu.matmul %max3A_498, %get3A_501, %dot_general3A_502 {dimension_numbers = #tpu.dot_dimension_numbers<[1], [0], [0], [1], [0, 0, 1, 1], [], []>, transpose_lhs_hint = false} : vector<256x256xf32>, vector<256x256xf32>, vector<256x256xf32> -> vector<256x256xf32>
    %max3A_504 = arith.maximumf %max3A_471, %dot_general3A_503 : vector<256x256xf32>
    %get3A_505 = arith.constant 15 : index
    %get3A_506 = arith.constant 0 : index
    %get3A_507 = arith.constant 0 : index
    %get3A_508 = vector.load %arg1[%get3A_505, %get3A_506, %get3A_507] : memref<16x256x128xf32, #tpu.memory_space<vmem>>, vector<1x256x128xf32>
    %get3A_509 = vector.shape_cast %get3A_508 : vector<1x256x128xf32> to vector<256x128xf32>
    %get3A_510 = arith.constant 0 : index
    %get3A_511 = arith.constant 0 : index
    %get3A_512 = vector.load %arg3[%get3A_510, %get3A_511] : memref<128x256xf32, #tpu.memory_space<vmem>>, vector<128x256xf32>
    %dot_general3A_513 = arith.constant dense<0.000000e+00> : vector<256x256xf32>
    %dot_general3A_514 = tpu.matmul %get3A_509, %get3A_512, %dot_general3A_513 {dimension_numbers = #tpu.dot_dimension_numbers<[1], [0], [0], [1], [0, 0, 1, 1], [], []>, transpose_lhs_hint = false} : vector<256x128xf32>, vector<128x256xf32>, vector<256x256xf32> -> vector<256x256xf32>
    %add3A_515 = arith.addf %dot_general3A_514, %add3A_9 : vector<256x256xf32>
    %max3A_516 = arith.constant 0.000000e+00 : f32
    %max3A_517 = vector.broadcast %max3A_516 : f32 to vector<256x256xf32>
    %max3A_518 = arith.maximumf %add3A_515, %max3A_517 : vector<256x256xf32>
    %get3A_519 = arith.constant 0 : index
    %get3A_520 = arith.constant 0 : index
    %get3A_521 = vector.load %arg6[%get3A_519, %get3A_520] : memref<256x256xf32, #tpu.memory_space<vmem>>, vector<256x256xf32>
    %dot_general3A_522 = arith.constant dense<0.000000e+00> : vector<256x256xf32>
    %dot_general3A_523 = tpu.matmul %max3A_518, %get3A_521, %dot_general3A_522 {dimension_numbers = #tpu.dot_dimension_numbers<[1], [0], [0], [1], [0, 0, 1, 1], [], []>, transpose_lhs_hint = false} : vector<256x256xf32>, vector<256x256xf32>, vector<256x256xf32> -> vector<256x256xf32>
    %get3A_524 = arith.constant 0 : index
    %get3A_525 = arith.constant 0 : index
    %get3A_526 = vector.load %arg7[%get3A_524, %get3A_525] : memref<1x256xf32, #tpu.memory_space<vmem>>, vector<1x256xf32>
    %add3A_527 = vector.broadcast %get3A_526 : vector<1x256xf32> to vector<256x256xf32>
    %add3A_528 = arith.addf %dot_general3A_523, %add3A_527 : vector<256x256xf32>
    %max3A_529 = arith.constant 0.000000e+00 : f32
    %max3A_530 = vector.broadcast %max3A_529 : f32 to vector<256x256xf32>
    %max3A_531 = arith.maximumf %add3A_528, %max3A_530 : vector<256x256xf32>
    %get3A_532 = arith.constant 0 : index
    %get3A_533 = arith.constant 0 : index
    %get3A_534 = vector.load %arg8[%get3A_532, %get3A_533] : memref<256x256xf32, #tpu.memory_space<vmem>>, vector<256x256xf32>
    %dot_general3A_535 = arith.constant dense<0.000000e+00> : vector<256x256xf32>
    %dot_general3A_536 = tpu.matmul %max3A_531, %get3A_534, %dot_general3A_535 {dimension_numbers = #tpu.dot_dimension_numbers<[1], [0], [0], [1], [0, 0, 1, 1], [], []>, transpose_lhs_hint = false} : vector<256x256xf32>, vector<256x256xf32>, vector<256x256xf32> -> vector<256x256xf32>
    %max3A_537 = arith.maximumf %max3A_504, %dot_general3A_536 : vector<256x256xf32>
    %get3A_538 = arith.constant 0 : index
    %get3A_539 = arith.constant 0 : index
    %get3A_540 = vector.load %arg9[%get3A_538, %get3A_539] : memref<1x256xf32, #tpu.memory_space<vmem>>, vector<1x256xf32>
    %add3A_541 = vector.broadcast %get3A_540 : vector<1x256xf32> to vector<256x256xf32>
    %add3A_542 = arith.addf %max3A_537, %add3A_541 : vector<256x256xf32>
    %swap3A = arith.constant 0 : index
    %swap3A_543 = arith.constant 0 : index
    %swap3A_544 = vector.load %arg10[%swap3A, %swap3A_543] : memref<256x256xf32, #tpu.memory_space<vmem>>, vector<256x256xf32>
    tpu.vector_store %arg10[%swap3A, %swap3A_543], %add3A_542 {strides = array<i32>} : memref<256x256xf32, #tpu.memory_space<vmem>>, vector<256x256xf32>,
    return
  }
  func.func @transform_0(%arg0: i32) -> (i32, i32, i32) {
    %c0_i32 = arith.constant 0 : i32
    %c0_i32_0 = arith.constant 0 : i32
    %c0_i32_1 = arith.constant 0 : i32
    return %c0_i32, %arg0, %c0_i32_0 : i32, i32, i32
  }
  func.func @transform_1(%arg0: i32) -> (i32, i32) {
    %c0_i32 = arith.constant 0 : i32
    %c0_i32_0 = arith.constant 0 : i32
    return %arg0, %c0_i32 : i32, i32
  }
  func.func @transform_2(%arg0: i32) -> (i32, i32) {
    %c0_i32 = arith.constant 0 : i32
    %c0_i32_0 = arith.constant 0 : i32
    %c0_i32_1 = arith.constant 0 : i32
    return %c0_i32, %c0_i32_0 : i32, i32
  }
  func.func @transform_3(%arg0: i32) -> (i32, i32) {
    %c0_i32 = arith.constant 0 : i32
    %c0_i32_0 = arith.constant 0 : i32
    %c0_i32_1 = arith.constant 0 : i32
    return %c0_i32, %c0_i32_0 : i32, i32
  }
  func.func @transform_4(%arg0: i32) -> (i32, i32) {
    %c0_i32 = arith.constant 0 : i32
    %c0_i32_0 = arith.constant 0 : i32
    %c0_i32_1 = arith.constant 0 : i32
    return %c0_i32, %c0_i32_0 : i32, i32
  }
  func.func @transform_5(%arg0: i32) -> (i32, i32) {
    %c0_i32 = arith.constant 0 : i32
    %c0_i32_0 = arith.constant 0 : i32
    %c0_i32_1 = arith.constant 0 : i32
    return %c0_i32, %c0_i32_0 : i32, i32
  }
  func.func @transform_6(%arg0: i32) -> (i32, i32) {
    %c0_i32 = arith.constant 0 : i32
    %c0_i32_0 = arith.constant 0 : i32
    %c0_i32_1 = arith.constant 0 : i32
    return %c0_i32, %c0_i32_0 : i32, i32
  }
  func.func @transform_7(%arg0: i32) -> (i32, i32) {
    %c0_i32 = arith.constant 0 : i32
    %c0_i32_0 = arith.constant 0 : i32
    %c0_i32_1 = arith.constant 0 : i32
    return %c0_i32, %c0_i32_0 : i32, i32
  }
  func.func @transform_8(%arg0: i32) -> (i32, i32) {
    %c0_i32 = arith.constant 0 : i32
    %c0_i32_0 = arith.constant 0 : i32
    %c0_i32_1 = arith.constant 0 : i32
    return %c0_i32, %c0_i32_0 : i32, i32
  }
  func.func @transform_9(%arg0: i32) -> (i32, i32) {
    %c0_i32 = arith.constant 0 : i32
    %c0_i32_0 = arith.constant 0 : i32
    return %arg0, %c0_i32 : i32, i32
  }
}

</mosaic_0001>

<sc_bundles>
// kernel: kernel.6.cloned.1.call-start
scs
__scs_entry_jumppad:
0x0: {  	(pc) =	sbr.rel $0x88, $3  }
0x1: {  	(tag) =	ssettag $0x0;
	lr =	simm.s32 $0x1  }
0x2: {  	[smem:$0x3F98] =	sst lr;
	_ =	strace $0xD0000000  }
0x3: {  	_ = 	snop  }
0x4: {  	_ = 	snop  }
0x5: {  	_ = 	snop  }
0x6: {  	_ = 	snop  }
0x7: {  	_ = 	snop  }
__scs_overlays_trampoline_lowered:
0x8: {  	[smem:$0x3FA7] =	sst s0  }
0x9: {  	[smem:$0x3FA8] =	sst s1  }
0xa: {  	[smem:$0x3FA9] =	sst s2  }
0xb: {  	[smem:$0x3FAA] =	sst s3  }
0xc: {  	[smem:$0x3FAB] =	sst s4  }
0xd: {  	[smem:$0x3FAC] =	sst s5  }
0xe: {  	[smem:$0x3FAD] =	sst s6  }
0xf: {  	[smem:$0x3FAE] =	sst s7  }
0x10: {  	[smem:$0x3FAF] =	sst s8  }
0x11: {  	[smem:$0x3FB0] =	sst s9;
	s0 =	simm.s32 @!p0 $0x0  }
0x12: {  	s1 =	sld [smem:$0x3F96];
	s0 =	simm.s32 @p0 $0x1  }
0x13: {  	[smem:$0x3FB1] =	sst s0;
	s0 =	simm.s32 @!p1 $0x0  }
0x14: {  	s2 =	sld [smem:$0x3F95];
	s0 =	simm.s32 @p1 $0x1  }
0x15: {  	[smem:$0x3FB2] =	sst s0;
	s0 =	simm.s32 @!p2 $0x0  }
0x16: {  	s3 =	sld [smem:$0x3FDB];
	s0 =	simm.s32 @p2 $0x1  }
0x17: {  	s4 =	simm.s32 $0x1BF5;
	[smem:$0x3FB4] =	sst s0  }
0x18: {  	s0 =	sld [smem:$0x3F97];
	_ =	swait.ge [sflag:s4], $0x0  }
0x19: {  	s7 =	sld [smem:$0x3F98]  }
0x1a: {  	s8 =	sadd.s32 $0xFFFFE003, lr  }
0x1b: {  	s9 =	sadd.s32 $0xFFFFFEF7, lr;
	s5 =	simm.s32 $0xFFFFFFFF;
	p2 =	slt.u32 s8, $0xFFFFF086  }
0x1c: {  	p1 =	slt.u32 s9, $0xF7A;
	s5 =	simm.s32 @!p2 $0x0  }
0x1d: {  	s5 =	simm.s32 @p1 $0x1;
	p0 =	seq.s32 s7, s2  }
0x1e: {  	s7 =	smul.u32 @!p0 $0xF7A, s2;
	p2 =	seq.s32 @!p0 s5, $0x0  }
0x1f: {  	s9 =	smul.u32 $0xF7A, s1;
	s8 =	simm.s32 @!p0 $0x1BF5;
	p2 =	por !p2, p0  }
0x20: {  	[sflag:s8] =	ssyncset.s32 @!p0 $0xFFFFF086;
	s6 =	sadd.s32 @!p0 s3, s7;
	s7 =	simm.s32 @!p0 $0x108  }
0x21: {  	s3 =	sadd.s32 s3, s9;
	s6 =	sadd.s32 @!p0 $0x88, s6;
	s7 =	simm.s32 @p2 $0x1082  }
0x22: {  	[simem:s7], [sflag:s8] =	dma.local @!p0 [hbm:s6], $0xF7A  }
0x23: {  	s9 =	sor.u32 $0xD0000000, s2;
	s6 =	simm.s32 $0x108;
	_ =	swait.ge @!p0 [sflag:s8], $0x0  }
0x24: {  	s3 =	sadd.s32 $0x88, s3;
	s6 =	simm.s32 @!p1 $0x1082;
	[sflag:s4] =	ssyncset.s32 $0xFFFFF086  }
0x25: {  	[simem:s6], [sflag:s4] =	dma.local [hbm:s3], $0xF7A  }
0x26: {  	[smem:$0x3F98] =	sst s1;
	(tag) =	ssettag s2;
	_ =	strace s9  }
0x27: {  	s1 =	sld [smem:$0x3FA8]  }
0x28: {  	s2 =	sld [smem:$0x3FA9]  }
0x29: {  	s4 =	sld [smem:$0x3FAB]  }
0x2a: {  	p0 =	seq.s32 s5, $0x0;
	s5 =	sld [smem:$0x3FAC]  }
0x2b: {  	s6 =	sld [smem:$0x3FAD]  }
0x2c: {  	s7 =	sld [smem:$0x3FAE]  }
0x2d: {  	s3 =	simm.s32 $0x108;
	s8 =	sld [smem:$0x3FAF]  }
0x2e: {  	s3 =	simm.s32 @!p0 $0x1082;
	s9 =	sld [smem:$0x3FB0]  }
0x2f: {  	lr =	sadd.s32 s0, s3;
	s0 =	sld [smem:$0x3FA7]  }
0x30: {  	s3 =	sld [smem:$0x3FAA]  }
0x31: {  	[smem:$0x3FB3] =	sst s10  }
0x32: {  	s10 =	sld [smem:$0x3FB1];
	_ =	sdelay $0x3  }
0x33: {  	p0 =	seq.s32 s10, $0x1;
	s10 =	sld [smem:$0x3FB3];
	_ =	sdelay $0x3  }
0x34: {  	[smem:$0x3FB3] =	sst s10  }
0x35: {  	s10 =	sld [smem:$0x3FB2];
	_ =	sdelay $0x3  }
0x36: {  	p1 =	seq.s32 s10, $0x1;
	s10 =	sld [smem:$0x3FB3];
	_ =	sdelay $0x3  }
0x37: {  	[smem:$0x3FB3] =	sst s10  }
0x38: {  	s10 =	sld [smem:$0x3FB4]  }
0x39: {  	_ = 	snop;
	(pc) =	sbr.ind lr, $3  }
0x3a: {  	_ = 	snop  }
0x3b: {  	_ = 	snop  }
0x3c: {  	p2 =	seq.s32 s10, $0x1;
	s10 =	sld [smem:$0x3FB3]  }
0x3d: {  	_ =	shalt  }
0x3e: {  	_ =	shalt  }
0x3f: {  	_ =	shalt  }
0x40: {  	_ =	shalt  }
0x41: {  	_ =	shalt  }
0x42: {  	_ =	shalt  }
0x43: {  	_ =	shalt  }
0x44: {  	_ =	shalt  }
0x45: {  	_ =	shalt  }
0x46: {  	_ =	shalt  }
0x47: {  	_ =	shalt  }
0x48: {  	_ =	shalt  }
0x49: {  	_ =	shalt  }
0x4a: {  	_ =	shalt  }
0x4b: {  	_ =	shalt  }
0x4c: {  	_ =	shalt  }
0x4d: {  	_ =	shalt  }
0x4e: {  	_ =	shalt  }
0x4f: {  	_ =	shalt  }
0x50: {  	_ =	shalt  }
0x51: {  	_ =	shalt  }
0x52: {  	_ =	shalt  }
0x53: {  	_ =	shalt  }
0x54: {  	_ =	shalt  }
0x55: {  	_ =	shalt  }
0x56: {  	_ =	shalt  }
0x57: {  	_ =	shalt  }
0x58: {  	_ =	shalt  }
0x59: {  	_ =	shalt  }
0x5a: {  	_ =	shalt  }
0x5b: {  	_ =	shalt  }
0x5c: {  	_ =	shalt  }
0x5d: {  	_ =	shalt  }
0x5e: {  	_ =	shalt  }
0x5f: {  	_ =	shalt  }
0x60: {  	_ =	shalt  }
0x61: {  	_ =	shalt  }
0x62: {  	_ =	shalt  }
0x63: {  	_ =	shalt  }
0x64: {  	_ =	shalt  }
0x65: {  	_ =	shalt  }
0x66: {  	_ =	shalt  }
0x67: {  	_ =	shalt  }
0x68: {  	_ =	shalt  }
0x69: {  	_ =	shalt  }
0x6a: {  	_ =	shalt  }
0x6b: {  	_ =	shalt  }
0x6c: {  	_ =	shalt  }
0x6d: {  	_ =	shalt  }
0x6e: {  	_ =	shalt  }
0x6f: {  	_ =	shalt  }
0x70: {  	_ =	shalt  }
0x71: {  	_ =	shalt  }
0x72: {  	_ =	shalt  }
0x73: {  	_ =	shalt  }
0x74: {  	_ =	shalt  }
0x75: {  	_ =	shalt  }
0x76: {  	_ =	shalt  }
0x77: {  	_ =	shalt  }
0x78: {  	_ =	shalt  }
0x79: {  	_ =	shalt  }
0x7a: {  	_ =	shalt  }
0x7b: {  	_ =	shalt  }
0x7c: {  	_ =	shalt  }
0x7d: {  	_ =	shalt  }
0x7e: {  	_ =	shalt  }
0x7f: {  	_ =	shalt  }
0x80: {  	_ =	shalt  }
0x81: {  	_ =	shalt  }
0x82: {  	_ =	shalt  }
0x83: {  	_ =	shalt  }
0x84: {  	_ =	shalt  }
0x85: {  	_ =	shalt  }
0x86: {  	_ =	shalt  }
0x87: {  	_ =	shalt  }
.Lfunc_end0:
.L_simem_size_0:
called_computation_lowered:
.L_overlay_start_0:
0x88: {  	s2 =	sld [smem:$0x3FD9]  }
0x89: {  	s3 =	sld [smem:$0x3FFE];
	_ =	sdelay $0x1  }
0x8a: {  	s1 =	srdreg.scid  }
0x8b: {  	s0 =	sand.u32 $0x1, s1  }
0x8c: {  	s16 =	sshll.u32 s0, $0xA;
	s2 =	sadd.s32 s3, s2  }
0x8d: {  	s2 =	sadd.s32 s2, s16  }
0x8e: {  	[smem:$0x3FBF] =	sst s2  }
0x8f: {  	_ = 	snop  }
0x90: {  	(tm) =	ssettm $0x1  }
0x91: {  	s17 =	sld [smem:$0x3FFB];
	_ =	sdelay $0x3  }
0x92: {  	_ =	strace s17  }
0x93: {  	s2 =	sld [smem:$0x3FFC];
	_ =	sdelay $0x3  }
0x94: {  	_ =	strace s2  }
0x95: {  	s2 =	sld [smem:$0x3FFD];
	_ =	sdelay $0x3  }
0x96: {  	_ =	strace s2  }
0x97: {  	_ =	strace $0x8FFFFFFF  }
0x98: {  	s18 =	sld [smem:$0x3FDB];
	_ =	sdelay $0x1  }
0x99: {  	s19 =	simm.s32 $_scs_section_size  }
0x9a: {  	s4 =	simm.s32 $_size__tile_overlayer_lowered;
	s5 =	simm.s32 $_tile_overlayer_lowered  }
0x9b: {  	s22 =	simm.s32 $0x1BFF;
	s21 =	sshll.u32 s5, $0x1;
	s2 =	sadd.s32 s19, s18  }
0x9c: {  	s6 =	simm.s32 $0x0;
	s20 =	sshll.u32 s4, $0x1;
	s4 =	sadd.s32 s21, s2  }
0x9d: {  	[timem:s6], [sflag:s22] =	dma.local [hbm:s4], s20  }
0x9e: {  	_ =	swait.ge [sflag:s22], s20  }
0x9f: {  	s3 =	ssub.s32 $0x0, s20;
	[sflag:s22] =	ssyncset.done $0x0  }
0xa0: {  	[sflag:s22] =	ssyncadd.s32 s3;
	_ =	sdelay $0x1  }
0xa1: {  	s23 =	simm.s32 $0x1B8B  }
0xa2: {  	_ =	swait.ge [sflag:s23], $0x1  }
0xa3: {  	[sflag:s23] =	ssyncset.done $0x0  }
0xa4: {  	s25 =	simm.s32 $0x1B8E;
	s24 =	sld [smem:$0x3FFE];
	[sflag:s23] =	ssyncadd.s32 $0xFFFFFFFF  }
0xa5: {  	s26 =	simm.s32 $execute0_lowered;
	[smem:$0x3FD2] =	sst s25  }
0xa6: {  	s4 =	sshll.u32 s26, $0x1;
	_ =	strace $0x80000046;
	[dreg:$0x1] =	wrdreg $0xFFFFFFFF  }
0xa7: {  	s28 =	simm.s32 $_size_execute0_lowered;
	s2 =	sadd.s32 s2, s4;
	[dreg:$0x0] =	wrdreg $0x0  }
0xa8: {  	s4 =	sshll.u32 s28, $0x1;
	[dreg:$0x2] =	wrdreg s2  }
0xa9: {  	[dreg:$0x3] =	wrdreg s4  }
0xaa: {  	[dreg:$0x4] =	wrdreg $0xC0  }
0xab: {  	_ =	task [dreg:s6], $0x5FFFF  }
0xac: {  	[dreg:$0x1] =	wrdreg $0xFFFFFFFF  }
0xad: {  	[dreg:$0x0] =	wrdreg $0x60  }
0xae: {  	[dreg:$0x2] =	wrdreg s24  }
0xaf: {  	[dreg:$0x3] =	wrdreg $0x9  }
0xb0: {  	_ =	task.clear_ibuf [dreg:s6], $0x4FFFF;
	_ =	strace $0x90000046  }
0xb1: {  	s29 =	simm.s32 $0x9;
	_ =	strace $0x80000048  }
0xb2: {  	_ =	swait.ge [sflag:s29], $0x1  }
0xb3: {  	[sflag:s29] =	ssyncadd.s32 $0xFFFFFFFF  }
0xb4: {  	_ =	strace $0x90000048  }
0xb5: {  	_ =	sfence  }
0xb6: {  	s30 =	sld [smem:$0x0];
	_ =	sdelay $0x2  }
0xb7: {  	s31 =	sshll.u32 s1, $0xD;
	s1 =	sshrl.u32 s1, $0x2  }
0xb8: {  	s3 =	sand.u32 $0x4000, s31;
	s1 =	sadd.s32 s1, s30  }
0xb9: {  	s0 =	sor.u32 s3, s0;
	s1 =	sshll.u32 s1, $0x11  }
0xba: {  	s0 =	sor.u32 s1, s0  }
0xbb: {  	s0 =	sadd.s32 $0x8F2B, s0  }
0xbc: {  	[sflag:s0] =	ssyncadd.remote.s32 $0x1  }
0xbd: {  	_ =	sfence.sel $0xFFFF  }
0xbe: {  	[dreg:$0x0] =	wrdreg $0xFFFFFFFF;
	(pc) =	sbr.abs _section_cstart, $3  }
0xbf: {  	[dreg:$0x1] =	wrdreg $0xFFFFFFFF  }
0xc0: {  	_ =	task.clear_ibuf [dreg:s6], $0x2FFFF;
	_ =	strace $0x9FFFFFFF  }
0xc1: {  	(tm) =	ssettm $0x7FFFFFFF  }
tec
execute0_lowered:
.L_overlay_start_1:
0x0: {  	(tag) =	ssettag $0x1  }
0x1: {  	s0 =	rddreg [dreg:$0x0];
	s2 =	simm.s32 $0x0;
	s6 =	stileid.u32  }
0x2: {  	s4 =	srdreg.scid;
	s29 =	simm.s32 $0x1900;
	s30 =	simm.s32 $0x40  }
0x3: {  	s31 =	simm.s32 $0x1D00;
	s28 =	simm.s32 $0x2;
	[smem:$0x7FF] =	sst s2  }
0x4: {  	s1 =	sshrl.u32 s6, $0x3;
	s5 =	sshll.u32 s6, $0x6;
	s4 =	sand.u32 $0x1, s4  }
0x5: {  	s6 =	sshll.u32 s6, $0x1;
	_ =	strace $0x80000047;
	s3 =	sshll.u32 s1, $0x4  }
0x6: {  	s17 =	sand.u32 $0x300, s5;
	s18 =	sor.u32 s4, s6;
	s4 =	ssub.s32 $0x2, s4  }
0x7: {  	s23 =	sshll.u32 s1, $0xB;
	s1 =	simm.s32 $0x3D00;
	s7 =	sadd.s32 s3, s0  }
0x8: {  	s19 =	sadd.s32 s17, s0;
	s3 =	sadd.s32 $0x3600, s0;
	s8 =	sshll.u32 s18, $0x4  }
0x9: {  	s5 =	sshll.u32 s18, $0xA;
	s20 =	sshrl.u32 s4, $0x1;
	s8 =	sand.u32 $0x70, s8  }
0xa: {  	s0 =	sadd.s32 s5, s0;
	s4 =	ssub.s32 s4, s20;
	s21 =	sadd.s32 $0x3000, s7  }
0xb: {  	s6 =	sadd.s32 s8, s19;
	[dreg:$0x2] =	wrdreg s21;
	s24 =	smax.u32 s4, $0x1  }
0xc: {  	s25 =	sadd.s32 $0x1BA00, s0;
	s26 =	sadd.s32 $0x23A00, s0;
	s10 =	sadd.s32 $0x2BA00, s0  }
0xd: {  	s11 =	sadd.s32 $0x33A00, s0;
	s12 =	sadd.s32 $0x3BA00, s0;
	s13 =	sadd.s32 $0x43A00, s0  }
0xe: {  	s14 =	sadd.s32 $0x4BA00, s0;
	s15 =	sadd.s32 $0x53A00, s0;
	s16 =	sadd.s32 $0x5BA00, s0  }
0xf: {  	s17 =	sadd.s32 $0x63A00, s0;
	s18 =	sadd.s32 $0x6BA00, s0;
	s19 =	sadd.s32 $0x73A00, s0  }
0x10: {  	s20 =	sadd.s32 $0x7BA00, s0;
	s21 =	sadd.s32 $0x83A00, s0;
	[dreg:$0x4] =	wrdreg s24  }
0x11: {  	s22 =	sadd.s32 $0x13600, s6;
	s6 =	sadd.s32 $0x13A00, s0;
	[dreg:$0x5] =	wrdreg s25  }
0x12: {  	[dreg:$0x6] =	wrdreg s26;
	s25 =	simm.s32 $0x3;
	s24 =	simm.s32 $0x1  }
0x13: {  	v1 =	vlaneseq.u32;
	v0 =	vmov s23;
	s26 =	simm.s32 $0x0;
	[dreg:$0x3] =	wrdreg s22;
	s22 =	sadd.s32 $0x8BA00, s0  }
.LBB2_1:
0x14: {  	s0 =	rddreg [dreg:$0x2];
	s4 =	simm.s32 $0x80;
	s5 =	simm.s32 $0x100  }
0x15: {  	[tilespmem:s2], [sflag:$0x3] =	stream.strided.gather [hbm4b:s0+s4], $0x1800, s5, s4, $0x38;
	[tilespmem:$0x5D00] =	vst v63  }
0x16: {  	_ =	swait.ge [sflag:s25], $0x1800  }
0x17: {  	s23 =	simm.s32 $0x400;
	[sflag:s25] =	ssyncset.done $0x0  }
0x18: {  	s7 =	simm.s32 $0x1800;
	s9 =	rddreg [dreg:$0x3];
	[sflag:s25] =	ssyncadd.s32 $0xFFFFE800  }
0x19: {  	[tilespmem:s7], [sflag:$0x3] =	stream.strided.gather [hbm4b:s9+s4], $0x100, s23, s4, $0x38;
	[tilespmem:$0x5D00] =	vst v63  }
0x1a: {  	_ =	swait.ge [sflag:s25], $0x100  }
0x1b: {  	[sflag:s25] =	ssyncset.done $0x0  }
0x1c: {  	s0 =	simm.s32 $0x0;
	[sflag:s25] =	ssyncadd.s32 $0xFFFFFF00  }
.LBB2_2:
0x1d: {  	s23 =	sshll.u32 s0, $0x4  }
0x1e: {  	v4 =	vld [tilespmem:s23+$0x1800]  }
0x1f: {  	v3 =	vld [tilespmem:s23+$0x1840]  }
0x20: {  	v2 =	vld [tilespmem:s23+$0x1880]  }
0x21: {  	s4 =	simm.s32 $0x0  }
0x22: {  	s5 =	simm.s32 $0x0;
	v17 =	vld [tilespmem:s4+$0x1010]  }
0x23: {  	v18 =	vld [tilespmem:s4+$0x0];
	s7 =	sand.u32 $0x7E0, s5  }
0x24: {  	v19 =	vld [tilespmem:s7+$0x800];
	v5 =	vbroadcast v4, $0x0  }
0x25: {  	v20 =	vld [tilespmem:s7+$0x1000];
	v6 =	vbroadcast v3, $0x0;
	v7 =	vbroadcast v2, $0x0  }
0x26: {  	v28 =	vor.u32 s5, v1;
	v8 =	vbroadcast v4, $0x1;
	v9 =	vbroadcast v3, $0x1  }
0x27: {  	v11 =	vbroadcast v4, $0x2;
	v15 =	vbroadcast v4, $0x3;
	v21 =	vsub.f32 v17, v7  }
0x28: {  	v10 =	vbroadcast v2, $0x1;
	v24 =	vsub.f32 v18, v5;
	v25 =	vsub.f32 v18, v8  }
0x29: {  	v12 =	vbroadcast v2, $0x2;
	v26 =	vsub.f32 v18, v11;
	v18 =	vsub.f32 v18, v15  }
0x2a: {  	v13 =	vbroadcast v3, $0x2;
	v27 =	vsub.f32 v19, v6;
	v29 =	vsub.f32 v20, v7  }
0x2b: {  	v14 =	vbroadcast v3, $0x3;
	v30 =	vsub.f32 v19, v9;
	v31 =	vsub.f32 v20, v10  }
0x2c: {  	v16 =	vbroadcast v2, $0x3;
	v32 =	vsub.f32 v19, v13;
	v33 =	vsub.f32 v20, v12  }
0x2d: {  	v19 =	vsub.f32 v19, v14;
	v24 =	vmul.f32 v24, v24;
	v27 =	vmul.f32 v27, v27  }
0x2e: {  	v20 =	vsub.f32 v20, v16;
	v25 =	vmul.f32 v25, v25;
	v30 =	vmul.f32 v30, v30  }
0x2f: {  	v18 =	vmul.f32 v18, v18;
	v24 =	vadd.f32 v27, v24;
	v27 =	vmul.f32 v29, v29  }
0x30: {  	v19 =	vmul.f32 v19, v19;
	v25 =	vadd.f32 v30, v25;
	v30 =	vmul.f32 v31, v31  }
0x31: {  	v56 =	vld [tilespmem:s4+$0x10];
	v26 =	vmul.f32 v26, v26;
	v29 =	vmul.f32 v32, v32;
	v24 =	vadd.f32 v27, v24  }
0x32: {  	v20 =	vmul.f32 v20, v20;
	v18 =	vadd.f32 v19, v18;
	v27 =	vld [tilespmem:s4+$0x810];
	v25 =	vadd.f32 v30, v25  }
0x33: {  	v26 =	vadd.f32 v29, v26;
	v29 =	vmul.f32 v33, v33;
	(xrf1) =	vsort.dscd.msk.f32 $0xffff, v24, v28  }
0x34: {  	v22 =	vsub.f32 v17, v10;
	v23 =	vsub.f32 v17, v12;
	(xrf1) =	vsort.dscd.msk.f32 $0xffff, v25, v28  }
0x35: {  	v18 =	vadd.f32 v20, v18;
	v19 =	vadd.f32 v29, v26  }
0x36: {  	v20 =	vsub.f32 v56, v8;
	v24 =	vsub.f32 v56, v5  }
0x37: {  	v29 =	vsub.f32 v56, v11;
	(xrf1) =	vsort.dscd.msk.f32 $0xffff, v19, v28;
	v19 =	vsub.f32 v27, v6  }
0x38: {  	v24 =	vmul.f32 v24, v24;
	(xrf1) =	vsort.dscd.msk.f32 $0xffff, v18, v28;
	v18 =	vmul.f32 v21, v21  }
0x39: {  	v21 =	vmul.f32 v22, v22;
	v22 =	vsub.f32 v27, v13;
	v19 =	vmul.f32 v19, v19  }
0x3a: {  	v17 =	vsub.f32 v17, v16;
	v20 =	vmul.f32 v20, v20;
	v26 =	vsub.f32 v27, v9  }
0x3b: {  	s4 =	simm.s32 $0x20;
	v22 =	vmul.f32 v22, v22;
	v19 =	vadd.f32 v19, v24;
	v24 =	vmul.f32 v29, v29  }
0x3c: {  	v30 =	vld [tilespmem:s4+$0x1010];
	v28 =	vsub.f32 v56, v15;
	v27 =	vsub.f32 v27, v14;
	v26 =	vmul.f32 v26, v26  }
0x3d: {  	v18 =	vadd.f32 v18, v19;
	v19 =	vadd.f32 v22, v24;
	v22 =	vmul.f32 v23, v23  }
0x3e: {  	v27 =	vmul.f32 v27, v27;
	v20 =	vadd.f32 v26, v20;
	v26 =	vmul.f32 v28, v28  }
0x3f: {  	s7 =	simm.s32 $0x10;
	v17 =	vmul.f32 v17, v17  }
0x40: {  	v25 =	vor.u32 s7, v1;
	v20 =	vadd.f32 v21, v20;
	v21 =	vadd.f32 v27, v26  }
0x41: {  	s8 =	simm.s32 $0x20;
	v28 =	vld [tilespmem:s4+$0x0];
	v23 =	vsub.f32 v30, v7;
	v19 =	vadd.f32 v22, v19;
	(xrf1) =	vsort.dscd.msk.f32 $0xffff, v18, v25;
	v22, v24, _ =	vpop (xrf1)  }
0x42: {  	s9 =	sand.u32 $0x7E0, s8;
	v27 =	vsub.f32 v30, v10;
	v21 =	vadd.f32 v17, v21;
	(xrf1) =	vsort.dscd.msk.f32 $0xffff, v20, v25;
	v20 =	vimm.f32 $+Inf;
	v26, v29, _ =	vpop (xrf1)  }
0x43: {  	v57 =	vld [tilespmem:s9+$0x800];
	v18 =	vsub.f32 v30, v12;
	(xrf1) =	vsort.dscd.msk.f32 $0xffff, v19, v25;
	vm9 =	vlt.f32 v26, v20  }
0x44: {  	v19 =	vimm.s32 $0x0;
	vm0 =	vlt.f32 v22, v20;
	(xrf1) =	vsort.dscd.msk.f32 $0xffff, v21, v25;
	v21 =	vld [tilespmem:s9+$0x1000];
	v26 =	vsel vm9, v26, v20  }
0x45: {  	v17 =	vsub.f32 v30, v16;
	v22 =	vsel vm0, v22, v20;
	v24 =	vsel vm0, v24, v19  }
0x46: {  	v30 =	vsub.f32 v28, v5;
	v25, v31, _ =	vpop (xrf1);
	v29 =	vsel vm9, v29, v19;
	(xrf1) =	vsort.ascd.msk.f32 $0xffff, v22, v24  }
0x47: {  	v22 =	vsub.f32 v28, v8;
	vm10 =	vlt.f32 v25, v20;
	(xrf1) =	vsort.ascd.msk.f32 $0xffff, v26, v29  }
0x48: {  	v25 =	vsel vm10, v25, v20;
	v29 =	vsel vm10, v31, v19;
	v31 =	vsub.f32 v57, v13;
	v24, v26, _ =	vpop (xrf1)  }
0x49: {  	v58 =	vsub.f32 v21, v12;
	(xrf1) =	vsort.ascd.msk.f32 $0xffff, v25, v29;
	vm11 =	vlt.f32 v24, v20  }
0x4a: {  	v25 =	vsub.f32 v28, v15;
	v20 =	vsel vm11, v24, v20;
	v19 =	vsel vm11, v26, v19  }
0x4b: {  	v29 =	vsub.f32 v57, v9;
	(xrf1) =	vsort.ascd.msk.f32 $0xffff, v20, v19;
	v20 =	vsub.f32 v57, v6  }
0x4c: {  	v22 =	vmul.f32 v22, v22;
	v24 =	vsub.f32 v28, v11;
	v26 =	vsub.f32 v21, v7  }
0x4d: {  	v28 =	vmul.f32 v30, v30;
	v30 =	vsub.f32 v21, v10;
	v20 =	vmul.f32 v20, v20  }
0x4e: {  	v29 =	vmul.f32 v29, v29;
	v21 =	vsub.f32 v21, v16;
	v24 =	vmul.f32 v24, v24  }
0x4f: {  	v26 =	vmul.f32 v26, v26;
	v20 =	vadd.f32 v20, v28;
	v28 =	vmul.f32 v31, v31  }
0x50: {  	v22 =	vadd.f32 v29, v22;
	v29 =	vmul.f32 v30, v30;
	v30 =	vsub.f32 v57, v14  }
0x51: {  	v34, v35, _ =	vpop (xrf1);
	v20 =	vadd.f32 v26, v20;
	v24 =	vadd.f32 v28, v24;
	v26 =	vmul.f32 v58, v58  }
0x52: {  	v59, v36, _ =	vpop (xrf1)  }
0x53: {  	v25 =	vmul.f32 v25, v25;
	v31 =	vld [tilespmem:s4+$0x10];
	v28, v60, _ =	vpop (xrf1);
	v24 =	vadd.f32 v26, v24;
	v26 =	vmul.f32 v30, v30  }
0x54: {  	v19 =	vor.u32 s8, v1;
	v22 =	vadd.f32 v29, v22;
	v29, v37, _ =	vpop (xrf1)  }
0x55: {  	(xrf1) =	vsort.dscd.msk.f32 $0xffff, v20, v19;
	v20 =	vmul.f32 v21, v21;
	v21, v38, _ =	vpop (xrf1);
	v25 =	vadd.f32 v26, v25  }
0x56: {  	vm12 =	vlt.f32 v34, v21  }
0x57: {  	v23 =	vmul.f32 v23, v23;
	(xrf1) =	vsort.dscd.msk.f32 $0xffff, v22, v19;
	v21 =	vsel vm12, v34, v21  }
0x58: {  	v30 =	vsub.f32 v31, v5;
	v22 =	vld [tilespmem:s4+$0x810];
	(xrf1) =	vsort.dscd.msk.f32 $0xffff, v24, v19;
	v61 =	vsel vm12, v35, v38;
	v24, v26, _ =	vpop (xrf1)  }
0x59: {  	v20 =	vadd.f32 v20, v25;
	(xrf1) =	vsort.ascd.msk.f32 $0xffff, v21, v61;
	vm13 =	vlt.f32 v59, v24;
	v63, v62, _ =	vpop (xrf1)  }
0x5a: {  	v24 =	vsel vm13, v59, v24;
	v26 =	vsel vm13, v36, v26;
	vm14 =	vlt.f32 v28, v63;
	v21, v25, _ =	vpop (xrf1)  }
0x5b: {  	(xrf1) =	vsort.ascd.msk.f32 $0xffff, v24, v26;
	v24 =	vsel vm14, v28, v63;
	vm15 =	vlt.f32 v29, v21  }
0x5c: {  	v26 =	vsel vm14, v60, v62;
	v28 =	vmul.f32 v30, v30;
	v21 =	vsel vm15, v29, v21  }
0x5d: {  	v25 =	vsel vm15, v37, v25;
	(xrf1) =	vsort.ascd.msk.f32 $0xffff, v24, v26;
	v29 =	vsub.f32 v22, v6  }
0x5e: {  	s4 =	simm.s32 $0x30;
	v24 =	vsub.f32 v31, v8;
	v26 =	vsub.f32 v22, v9;
	(xrf1) =	vsort.ascd.msk.f32 $0xffff, v21, v25  }
0x5f: {  	v21 =	vor.u32 s4, v1;
	v25 =	vsub.f32 v31, v11;
	(xrf1) =	vsort.dscd.msk.f32 $0xffff, v20, v19;
	v19 =	vmul.f32 v27, v27  }
0x60: {  	s5 =	simm.s32 $0x2;
	s7 =	simm.s32 $0x40;
	v20 =	vsub.f32 v22, v13;
	v29 =	vmul.f32 v29, v29;
	v27 =	vsub.f32 v31, v15  }
.LBB2_3:
0x61: {  	v24 =	vmul.f32 v24, v24;
	v26 =	vmul.f32 v26, v26  }
0x62: {  	v30 =	vld [tilespmem:s7+$0x1010];
	v22 =	vsub.f32 v22, v14;
	v34 =	vadd.f32 v29, v28  }
0x63: {  	v35 =	vmul.f32 v25, v25;
	v20 =	vmul.f32 v20, v20;
	v24 =	vadd.f32 v26, v24  }
0x64: {  	v33 =	vmul.f32 v27, v27;
	v22 =	vmul.f32 v22, v22;
	v27, v29, _ =	vpop (xrf1);
	v23 =	vadd.f32 v23, v34  }
0x65: {  	v18 =	vmul.f32 v18, v18;
	v20 =	vadd.f32 v20, v35;
	v31 =	vld [tilespmem:s7+$0x0];
	v25, v28, _ =	vpop (xrf1)  }
0x66: {  	v17 =	vmul.f32 v17, v17;
	v34 =	vadd.f32 v19, v24;
	v22 =	vadd.f32 v22, v33;
	v26, v32, _ =	vpop (xrf1)  }
0x67: {  	v35 =	vadd.f32 v18, v20;
	v19 =	vsub.f32 v30, v7;
	(xrf1) =	vsort.dscd.msk.f32 $0xffff, v23, v21  }
0x68: {  	s4 =	sadd.s32 $0x20, s4;
	v20 =	vsub.f32 v30, v10;
	v22 =	vadd.f32 v17, v22;
	(xrf1) =	vsort.dscd.msk.f32 $0xffff, v34, v21;
	v23, v24, _ =	vpop (xrf1)  }
0x69: {  	s8 =	sadd.s32 $0xFFFFFFF0, s4;
	v18 =	vsub.f32 v30, v12;
	v17 =	vsub.f32 v30, v16;
	(xrf1) =	vsort.dscd.msk.f32 $0xffff, v35, v21;
	v30, v33, _ =	vpop (xrf1)  }
0x6a: {  	s9 =	sand.u32 $0x7E0, s8;
	v34 =	vsub.f32 v31, v5;
	vm0 =	vlt.f32 v27, v23;
	(xrf1) =	vsort.dscd.msk.f32 $0xffff, v22, v21  }
0x6b: {  	v36 =	vsel vm0, v27, v23;
	v35 =	vsel vm0, v29, v24;
	vm0 =	vlt.f32 v25, v30;
	v21 =	vld [tilespmem:s9+$0x1000];
	v24, v27, _ =	vpop (xrf1)  }
0x6c: {  	v37 =	vsel vm0, v25, v30;
	v33 =	vsel vm0, v28, v33;
	v29 =	vld [tilespmem:s9+$0x800];
	(xrf1) =	vsort.ascd.msk.f32 $0xffff, v36, v35;
	v22, v23, _ =	vpop (xrf1)  }
0x6d: {  	v30 =	vsub.f32 v31, v8;
	vm0 =	vlt.f32 v26, v24;
	(xrf1) =	vsort.ascd.msk.f32 $0xffff, v37, v33;
	v25, v28, _ =	vpop (xrf1)  }
0x6e: {  	v24 =	vsel vm0, v26, v24;
	v26 =	vsel vm0, v32, v27;
	vm0 =	vlt.f32 v25, v22  }
0x6f: {  	v22 =	vsel vm0, v25, v22;
	v23 =	vsel vm0, v28, v23;
	(xrf1) =	vsort.ascd.msk.f32 $0xffff, v24, v26  }
0x70: {  	v24 =	vsub.f32 v31, v11;
	v25 =	vsub.f32 v31, v15;
	(xrf1) =	vsort.ascd.msk.f32 $0xffff, v22, v23  }
0x71: {  	v23 =	vor.u32 s8, v1;
	v26 =	vsub.f32 v21, v7;
	v22 =	vsub.f32 v29, v6  }
0x72: {  	v27 =	vmul.f32 v34, v34;
	v31 =	vsub.f32 v21, v10;
	v28 =	vsub.f32 v29, v9  }
0x73: {  	s5 =	sadd.s32 $0x2, s5;
	v30 =	vmul.f32 v30, v30;
	v32 =	vsub.f32 v29, v13;
	v22 =	vmul.f32 v22, v22  }
0x74: {  	p0 =	slt.u32 s5, $0x7E;
	v39 =	vsub.f32 v21, v12;
	v24 =	vmul.f32 v24, v24;
	v28 =	vmul.f32 v28, v28  }
0x75: {  	v26 =	vmul.f32 v26, v26;
	v40 =	vmul.f32 v32, v32;
	v22 =	vadd.f32 v22, v27;
	v32 =	vld [tilespmem:s7+$0x10];
	v34, v35, _ =	vpop (xrf1)  }
0x76: {  	v29 =	vsub.f32 v29, v14;
	v41 =	vmul.f32 v31, v31;
	v28 =	vadd.f32 v28, v30;
	v31, v36, _ =	vpop (xrf1)  }
0x77: {  	v42 =	vmul.f32 v39, v39;
	v24 =	vadd.f32 v40, v24;
	v22 =	vadd.f32 v26, v22;
	v27, v33, _ =	vpop (xrf1)  }
0x78: {  	v21 =	vsub.f32 v21, v16;
	v25 =	vmul.f32 v25, v25;
	v39 =	vadd.f32 v41, v28;
	v30, v37, _ =	vpop (xrf1)  }
0x79: {  	v40 =	vmul.f32 v29, v29;
	v41 =	vadd.f32 v42, v24;
	(xrf1) =	vsort.dscd.msk.f32 $0xffff, v22, v23  }
0x7a: {  	v21 =	vmul.f32 v21, v21;
	v29 =	vsub.f32 v32, v5;
	(xrf1) =	vsort.dscd.msk.f32 $0xffff, v39, v23;
	v28, v38, _ =	vpop (xrf1)  }
0x7b: {  	v39 =	vadd.f32 v40, v25;
	(xrf1) =	vsort.dscd.msk.f32 $0xffff, v41, v23;
	vm0 =	vlt.f32 v34, v28;
	v24, v26, _ =	vpop (xrf1)  }
0x7c: {  	v22 =	vld [tilespmem:s7+$0x810];
	v28 =	vsel vm0, v34, v28;
	v34 =	vsel vm0, v35, v38;
	vm0 =	vlt.f32 v31, v24  }
0x7d: {  	v24 =	vsel vm0, v31, v24;
	v26 =	vsel vm0, v36, v26;
	v31, v35, _ =	vpop (xrf1);
	(xrf1) =	vsort.ascd.msk.f32 $0xffff, v28, v34  }
0x7e: {  	v28 =	vadd.f32 v21, v39;
	vm0 =	vlt.f32 v27, v31;
	v21, v25, _ =	vpop (xrf1);
	(xrf1) =	vsort.ascd.msk.f32 $0xffff, v24, v26  }
0x7f: {  	v24 =	vsel vm0, v27, v31;
	v26 =	vsel vm0, v33, v35;
	vm0 =	vlt.f32 v30, v21  }
.Ltmp0:
0x80: {  	v21 =	vsel vm0, v30, v21;
	v25 =	vsel vm0, v37, v25;
	(xrf1) =	vsort.ascd.msk.f32 $0xffff, v24, v26;
	(pc) =	sbr.rel @p0 .LBB2_3-.Ltmp0, $4  }
0x81: {  	v24 =	vsub.f32 v32, v8;
	v27 =	vsub.f32 v22, v6;
	(xrf1) =	vsort.ascd.msk.f32 $0xffff, v21, v25  }
0x82: {  	v21 =	vor.u32 s4, v1;
	v26 =	vsub.f32 v22, v9;
	v25 =	vsub.f32 v32, v11;
	(xrf1) =	vsort.dscd.msk.f32 $0xffff, v28, v23  }
0x83: {  	v23 =	vmul.f32 v19, v19;
	v19 =	vmul.f32 v20, v20;
	v20 =	vsub.f32 v22, v13  }
0x84: {  	s7 =	sadd.s32 $0x20, s7;
	v28 =	vmul.f32 v29, v29;
	v29 =	vmul.f32 v27, v27;
	v27 =	vsub.f32 v32, v15  }
0x85: {  	v5 =	vmul.f32 v24, v24;
	v6 =	vmul.f32 v26, v26;
	v7 =	vsub.f32 v22, v14  }
0x86: {  	v9 =	vmul.f32 v25, v25;
	v10 =	vmul.f32 v20, v20;
	v8 =	vadd.f32 v29, v28  }
0x87: {  	v5 =	vadd.f32 v6, v5;
	v6 =	vmul.f32 v27, v27;
	v7 =	vmul.f32 v7, v7  }
0x88: {  	v9 =	vadd.f32 v10, v9;
	v10 =	vmul.f32 v18, v18  }
0x89: {  	v8 =	vadd.f32 v23, v8;
	v6 =	vadd.f32 v7, v6;
	v7 =	vmul.f32 v17, v17  }
0x8a: {  	v5 =	vadd.f32 v19, v5  }
0x8b: {  	v11, v12, _ =	vpop (xrf1);
	v9 =	vadd.f32 v10, v9  }
0x8c: {  	v13, v14, _ =	vpop (xrf1)  }
0x8d: {  	(xrf1) =	vsort.dscd.msk.f32 $0xffff, v8, v21;
	v8, v10, _ =	vpop (xrf1)  }
0x8e: {  	v6 =	vadd.f32 v7, v6;
	(xrf1) =	vsort.dscd.msk.f32 $0xffff, v5, v21;
	v5, v7, _ =	vpop (xrf1)  }
0x8f: {  	(xrf1) =	vsort.dscd.msk.f32 $0xffff, v9, v21;
	v9, v15, _ =	vpop (xrf1);
	vm0 =	vlt.f32 v11, v5  }
0x90: {  	(xrf1) =	vsort.dscd.msk.f32 $0xffff, v6, v21;
	v6 =	vsel vm0, v12, v7;
	vm13 =	vlt.f32 v13, v9  }
0x91: {  	v5 =	vsel vm0, v11, v5;
	v12 =	vsel vm13, v14, v15  }
0x92: {  	v7, v11, _ =	vpop (xrf1);
	v9 =	vsel vm13, v13, v9;
	(xrf1) =	vsort.ascd.msk.f32 $0xffff, v5, v6;
	_ =	sdelay $0x1  }
0x93: {  	vm14 =	vlt.f32 v8, v7;
	v5, v6, _ =	vpop (xrf1)  }
0x94: {  	v7 =	vsel vm14, v8, v7;
	v8 =	vsel vm14, v10, v11;
	(xrf1) =	vsort.ascd.msk.f32 $0xffff, v9, v12;
	v9, v12, _ =	vpop (xrf1)  }
0x95: {  	(xrf1) =	vsort.ascd.msk.f32 $0xffff, v7, v8;
	vm15 =	vlt.f32 v9, v5  }
0x96: {  	v5 =	vsel vm15, v9, v5;
	v6 =	vsel vm15, v12, v6  }
0x97: {  	(xrf1) =	vsort.ascd.msk.f32 $0xffff, v5, v6;
	_ =	sdelay $0x3  }
0x98: {  	v5, v6, _ =	vpop (xrf1)  }
0x99: {  	v7, v8, _ =	vpop (xrf1)  }
0x9a: {  	v9, v10, _ =	vpop (xrf1)  }
0x9b: {  	v11, v12, _ =	vpop (xrf1)  }
0x9c: {  	v13, v14, _ =	vpop (xrf1)  }
0x9d: {  	vm4 =	vlt.f32 v5, v13  }
0x9e: {  	v6 =	vsel vm4, v6, v14  }
0x9f: {  	v5 =	vsel vm4, v5, v13;
	v15, v16, _ =	vpop (xrf1)  }
0xa0: {  	(xrf1) =	vsort.ascd.msk.f32 $0xffff, v5, v6;
	vm5 =	vlt.f32 v7, v15;
	v13, v14, _ =	vpop (xrf1)  }
0xa1: {  	v7 =	vsel vm5, v7, v15;
	v8 =	vsel vm5, v8, v16;
	vm6 =	vlt.f32 v9, v13  }
0xa2: {  	(xrf1) =	vsort.ascd.msk.f32 $0xffff, v7, v8;
	v7 =	vsel vm6, v9, v13;
	v8 =	vsel vm6, v10, v14;
	v5, v6, _ =	vpop (xrf1)  }
0xa3: {  	(xrf1) =	vsort.ascd.msk.f32 $0xffff, v7, v8;
	vm7 =	vlt.f32 v11, v5  }
0xa4: {  	v5 =	vsel vm7, v11, v5;
	v6 =	vsel vm7, v12, v6  }
0xa5: {  	(xrf1) =	vsort.ascd.msk.f32 $0xffff, v5, v6;
	_ =	sdelay $0x5  }
0xa6: {  	v5 =	vmul.u32 $0x40, v1;
	_ =	sdelay $0x1  }
0xa7: {  	s4 =	sor.u32 $0x1, s23;
	v6 =	vor.u32 s23, v5  }
0xa8: {  	s7 =	sor.u32 $0x2, s23;
	v7 =	vor.u32 s4, v5  }
0xa9: {  	s8 =	sor.u32 $0x3, s23;
	v8 =	vor.u32 s7, v5;
	v9, v10, _ =	vpop (xrf1)  }
0xaa: {  	v9 =	vor.u32 s8, v5;
	v10 =	vadd.s32 v0, v10;
	v11, v12, _ =	vpop (xrf1)  }
0xab: {  	v11, v13, _ =	vpop (xrf1)  }
0xac: {  	[tilespmem:v6+s29+$0x0] =	vst.idx.msk $0xffff, v10;
	v6 =	vadd.s32 v0, v12  }
0xad: {  	[tilespmem:v7+s29+$0x0] =	vst.idx.msk $0xffff, v6;
	v6 =	vadd.s32 v0, v13;
	v10, v11, _ =	vpop (xrf1)  }
0xae: {  	[tilespmem:v8+s29+$0x0] =	vst.idx.msk $0xffff, v6;
	v6 =	vadd.s32 v0, v11  }
0xaf: {  	s9 =	simm.s32 $0x0;
	[tilespmem:v9+s29+$0x0] =	vst.idx.msk $0xffff, v6  }
0xb0: {  	s5 =	simm.s32 $0x0;
	v18 =	vld [tilespmem:s9+$0x1010]  }
0xb1: {  	s7 =	sand.u32 $0x7E0, s5;
	v19 =	vld [tilespmem:s9+$0x0]  }
0xb2: {  	v16 =	vbroadcast v4, $0x7;
	v20 =	vld [tilespmem:s7+$0x800]  }
0xb3: {  	v14 =	vbroadcast v3, $0x6;
	v8 =	vbroadcast v2, $0x4;
	v21 =	vld [tilespmem:s7+$0x1000]  }
0xb4: {  	v29 =	vor.u32 s5, v1;
	v6 =	vbroadcast v4, $0x4;
	v9 =	vbroadcast v4, $0x5  }
0xb5: {  	v12 =	vbroadcast v4, $0x6;
	v7 =	vbroadcast v3, $0x4;
	v22 =	vsub.f32 v18, v8  }
0xb6: {  	v10 =	vbroadcast v3, $0x5;
	v25 =	vsub.f32 v19, v6;
	v26 =	vsub.f32 v19, v9  }
0xb7: {  	v11 =	vbroadcast v2, $0x5;
	v27 =	vsub.f32 v19, v12;
	v19 =	vsub.f32 v19, v16  }
0xb8: {  	v13 =	vbroadcast v2, $0x6;
	v28 =	vsub.f32 v20, v7;
	v30 =	vsub.f32 v21, v8  }
0xb9: {  	v15 =	vbroadcast v3, $0x7;
	v31 =	vsub.f32 v20, v10;
	v32 =	vsub.f32 v21, v11  }
0xba: {  	v17 =	vbroadcast v2, $0x7;
	v33 =	vsub.f32 v20, v14;
	v34 =	vsub.f32 v21, v13  }
0xbb: {  	v20 =	vsub.f32 v20, v15;
	v25 =	vmul.f32 v25, v25;
	v28 =	vmul.f32 v28, v28  }
0xbc: {  	v21 =	vsub.f32 v21, v17;
	v26 =	vmul.f32 v26, v26;
	v31 =	vmul.f32 v31, v31  }
0xbd: {  	v19 =	vmul.f32 v19, v19;
	v25 =	vadd.f32 v28, v25;
	v28 =	vmul.f32 v30, v30  }
0xbe: {  	v20 =	vmul.f32 v20, v20;
	v26 =	vadd.f32 v31, v26;
	v31 =	vmul.f32 v32, v32  }
0xbf: {  	v53 =	vld [tilespmem:s9+$0x10];
	v27 =	vmul.f32 v27, v27;
	v30 =	vmul.f32 v33, v33;
	v25 =	vadd.f32 v28, v25  }
0xc0: {  	v21 =	vmul.f32 v21, v21;
	v19 =	vadd.f32 v20, v19;
	v28 =	vld [tilespmem:s9+$0x810];
	v26 =	vadd.f32 v31, v26  }
0xc1: {  	v27 =	vadd.f32 v30, v27;
	v30 =	vmul.f32 v34, v34;
	(xrf1) =	vsort.dscd.msk.f32 $0xffff, v25, v29  }
0xc2: {  	v23 =	vsub.f32 v18, v11;
	v24 =	vsub.f32 v18, v13;
	(xrf1) =	vsort.dscd.msk.f32 $0xffff, v26, v29  }
0xc3: {  	v19 =	vadd.f32 v21, v19;
	v20 =	vadd.f32 v30, v27  }
0xc4: {  	v21 =	vsub.f32 v53, v9;
	v25 =	vsub.f32 v53, v6  }
0xc5: {  	v30 =	vsub.f32 v53, v12;
	(xrf1) =	vsort.dscd.msk.f32 $0xffff, v20, v29;
	v20 =	vsub.f32 v28, v7  }
0xc6: {  	v25 =	vmul.f32 v25, v25;
	(xrf1) =	vsort.dscd.msk.f32 $0xffff, v19, v29;
	v19 =	vmul.f32 v22, v22  }
0xc7: {  	s8 =	simm.s32 $0x20;
	v22 =	vmul.f32 v23, v23;
	v23 =	vsub.f32 v28, v14;
	v20 =	vmul.f32 v20, v20  }
0xc8: {  	v18 =	vsub.f32 v18, v17;
	s9 =	sand.u32 $0x7E0, s8;
	v21 =	vmul.f32 v21, v21;
	v27 =	vsub.f32 v28, v10  }
0xc9: {  	v55 =	vld [tilespmem:s9+$0x800];
	v23 =	vmul.f32 v23, v23;
	v20 =	vadd.f32 v20, v25;
	v25 =	vmul.f32 v30, v30  }
0xca: {  	s4 =	simm.s32 $0x20;
	v29 =	vsub.f32 v53, v16;
	v28 =	vsub.f32 v28, v15;
	v27 =	vmul.f32 v27, v27  }
0xcb: {  	v31 =	vld [tilespmem:s4+$0x1010];
	v19 =	vadd.f32 v19, v20;
	v20 =	vadd.f32 v23, v25;
	v23 =	vmul.f32 v24, v24  }
0xcc: {  	v21 =	vadd.f32 v27, v21;
	v27 =	vmul.f32 v29, v29  }
0xcd: {  	s7 =	simm.s32 $0x10;
	v18 =	vmul.f32 v18, v18;
	v28 =	vmul.f32 v28, v28  }
0xce: {  	v26 =	vor.u32 s7, v1;
	v56 =	vsub.f32 v55, v14;
	v29 =	vld [tilespmem:s4+$0x0];
	v21 =	vadd.f32 v22, v21  }
0xcf: {  	v22 =	vadd.f32 v28, v27;
	v20 =	vadd.f32 v23, v20;
	(xrf1) =	vsort.dscd.msk.f32 $0xffff, v19, v26;
	v23, v25, _ =	vpop (xrf1)  }
0xd0: {  	v24 =	vsub.f32 v31, v8;
	v28 =	vsub.f32 v31, v11;
	(xrf1) =	vsort.dscd.msk.f32 $0xffff, v21, v26;
	v21 =	vimm.f32 $+Inf;
	v27, v30, _ =	vpop (xrf1)  }
0xd1: {  	v22 =	vadd.f32 v18, v22;
	v19 =	vsub.f32 v31, v13;
	vm9 =	vlt.f32 v27, v21  }
0xd2: {  	(xrf1) =	vsort.dscd.msk.f32 $0xffff, v20, v26;
	v20 =	vimm.s32 $0x0;
	vm8 =	vlt.f32 v23, v21;
	v27 =	vsel vm9, v27, v21  }
0xd3: {  	v18 =	vsub.f32 v31, v17;
	v31 =	vsub.f32 v29, v6;
	v25 =	vsel vm8, v25, v20  }
0xd4: {  	(xrf1) =	vsort.dscd.msk.f32 $0xffff, v22, v26;
	v23 =	vsel vm8, v23, v21;
	v26, v54, _ =	vpop (xrf1);
	v30 =	vsel vm9, v30, v20  }
0xd5: {  	v22 =	vld [tilespmem:s9+$0x1000];
	(xrf1) =	vsort.ascd.msk.f32 $0xffff, v23, v25;
	v23 =	vsub.f32 v29, v9;
	vm10 =	vlt.f32 v26, v21  }
0xd6: {  	(xrf1) =	vsort.ascd.msk.f32 $0xffff, v27, v30;
	v26 =	vsel vm10, v26, v21;
	v30 =	vsel vm10, v54, v20;
	v25, v27, _ =	vpop (xrf1)  }
0xd7: {  	(xrf1) =	vsort.ascd.msk.f32 $0xffff, v26, v30;
	v26 =	vsub.f32 v29, v16;
	vm11 =	vlt.f32 v25, v21  }
0xd8: {  	v30 =	vsub.f32 v55, v10;
	v21 =	vsel vm11, v25, v21;
	v20 =	vsel vm11, v27, v20  }
0xd9: {  	v23 =	vmul.f32 v23, v23;
	(xrf1) =	vsort.ascd.msk.f32 $0xffff, v21, v20;
	v21 =	vsub.f32 v55, v7  }
0xda: {  	v57 =	vsub.f32 v22, v13;
	v30 =	vmul.f32 v30, v30;
	v25 =	vsub.f32 v29, v12  }
0xdb: {  	v27 =	vsub.f32 v22, v8;
	v29 =	vmul.f32 v31, v31;
	v21 =	vmul.f32 v21, v21  }
0xdc: {  	v31 =	vsub.f32 v22, v11;
	v23 =	vadd.f32 v30, v23;
	v25 =	vmul.f32 v25, v25  }
0xdd: {  	v27 =	vmul.f32 v27, v27;
	v21 =	vadd.f32 v21, v29;
	v29 =	vmul.f32 v56, v56  }
0xde: {  	v22 =	vsub.f32 v22, v17;
	v30 =	vmul.f32 v31, v31;
	v31 =	vsub.f32 v55, v15  }
0xdf: {  	v35, v36, _ =	vpop (xrf1);
	v21 =	vadd.f32 v27, v21;
	v25 =	vadd.f32 v29, v25;
	v27 =	vmul.f32 v57, v57  }
0xe0: {  	v59, v37, _ =	vpop (xrf1)  }
0xe1: {  	v58 =	vld [tilespmem:s4+$0x10];
	v26 =	vmul.f32 v26, v26;
	v29, v60, _ =	vpop (xrf1);
	v25 =	vadd.f32 v27, v25;
	v27 =	vmul.f32 v31, v31  }
0xe2: {  	v20 =	vor.u32 s8, v1;
	v23 =	vadd.f32 v30, v23;
	v30, v38, _ =	vpop (xrf1)  }
0xe3: {  	(xrf1) =	vsort.dscd.msk.f32 $0xffff, v21, v20;
	v21 =	vmul.f32 v22, v22;
	v22, v39, _ =	vpop (xrf1);
	v26 =	vadd.f32 v27, v26  }
0xe4: {  	vm12 =	vlt.f32 v35, v22  }
0xe5: {  	v24 =	vmul.f32 v24, v24;
	(xrf1) =	vsort.dscd.msk.f32 $0xffff, v23, v20;
	v22 =	vsel vm12, v35, v22  }
0xe6: {  	v31 =	vsub.f32 v58, v6;
	v23 =	vld [tilespmem:s4+$0x810];
	(xrf1) =	vsort.dscd.msk.f32 $0xffff, v25, v20;
	v61 =	vsel vm12, v36, v39;
	v25, v27, _ =	vpop (xrf1)  }
0xe7: {  	v21 =	vadd.f32 v21, v26;
	(xrf1) =	vsort.ascd.msk.f32 $0xffff, v22, v61;
	vm13 =	vlt.f32 v59, v25;
	v63, v62, _ =	vpop (xrf1)  }
0xe8: {  	v25 =	vsel vm13, v59, v25;
	v27 =	vsel vm13, v37, v27;
	vm14 =	vlt.f32 v29, v63;
	v22, v26, _ =	vpop (xrf1)  }
0xe9: {  	(xrf1) =	vsort.ascd.msk.f32 $0xffff, v25, v27;
	v25 =	vsel vm14, v29, v63;
	vm15 =	vlt.f32 v30, v22  }
0xea: {  	v27 =	vsel vm14, v60, v62;
	v29 =	vmul.f32 v31, v31;
	v22 =	vsel vm15, v30, v22  }
0xeb: {  	v26 =	vsel vm15, v38, v26;
	(xrf1) =	vsort.ascd.msk.f32 $0xffff, v25, v27;
	v30 =	vsub.f32 v23, v7  }
0xec: {  	s4 =	simm.s32 $0x30;
	v25 =	vsub.f32 v58, v9;
	v27 =	vsub.f32 v23, v10;
	(xrf1) =	vsort.ascd.msk.f32 $0xffff, v22, v26  }
0xed: {  	v22 =	vor.u32 s4, v1;
	v26 =	vsub.f32 v58, v12;
	(xrf1) =	vsort.dscd.msk.f32 $0xffff, v21, v20;
	v20 =	vmul.f32 v28, v28  }
0xee: {  	s5 =	simm.s32 $0x2;
	s7 =	simm.s32 $0x40;
	v21 =	vsub.f32 v23, v14;
	v30 =	vmul.f32 v30, v30;
	v28 =	vsub.f32 v58, v16  }
.LBB2_5:
0xef: {  	v25 =	vmul.f32 v25, v25;
	v27 =	vmul.f32 v27, v27  }
0xf0: {  	v31 =	vld [tilespmem:s7+$0x1010];
	v23 =	vsub.f32 v23, v15;
	v35 =	vadd.f32 v30, v29  }
0xf1: {  	v36 =	vmul.f32 v26, v26;
	v21 =	vmul.f32 v21, v21;
	v25 =	vadd.f32 v27, v25  }
0xf2: {  	v34 =	vmul.f32 v28, v28;
	v23 =	vmul.f32 v23, v23;
	v28, v30, _ =	vpop (xrf1);
	v24 =	vadd.f32 v24, v35  }
0xf3: {  	v19 =	vmul.f32 v19, v19;
	v21 =	vadd.f32 v21, v36;
	v32 =	vld [tilespmem:s7+$0x0];
	v26, v29, _ =	vpop (xrf1)  }
0xf4: {  	v18 =	vmul.f32 v18, v18;
	v35 =	vadd.f32 v20, v25;
	v23 =	vadd.f32 v23, v34;
	v27, v33, _ =	vpop (xrf1)  }
0xf5: {  	v36 =	vadd.f32 v19, v21;
	v20 =	vsub.f32 v31, v8;
	(xrf1) =	vsort.dscd.msk.f32 $0xffff, v24, v22  }
0xf6: {  	s4 =	sadd.s32 $0x20, s4;
	v21 =	vsub.f32 v31, v11;
	v23 =	vadd.f32 v18, v23;
	(xrf1) =	vsort.dscd.msk.f32 $0xffff, v35, v22;
	v24, v25, _ =	vpop (xrf1)  }
0xf7: {  	s8 =	sadd.s32 $0xFFFFFFF0, s4;
	v19 =	vsub.f32 v31, v13;
	v18 =	vsub.f32 v31, v17;
	(xrf1) =	vsort.dscd.msk.f32 $0xffff, v36, v22;
	v31, v34, _ =	vpop (xrf1)  }
0xf8: {  	s9 =	sand.u32 $0x7E0, s8;
	v35 =	vsub.f32 v32, v6;
	vm0 =	vlt.f32 v28, v24;
	(xrf1) =	vsort.dscd.msk.f32 $0xffff, v23, v22  }
0xf9: {  	v37 =	vsel vm0, v28, v24;
	v36 =	vsel vm0, v30, v25;
	vm0 =	vlt.f32 v26, v31;
	v22 =	vld [tilespmem:s9+$0x1000];
	v25, v28, _ =	vpop (xrf1)  }
0xfa: {  	v38 =	vsel vm0, v26, v31;
	v34 =	vsel vm0, v29, v34;
	v30 =	vld [tilespmem:s9+$0x800];
	(xrf1) =	vsort.ascd.msk.f32 $0xffff, v37, v36;
	v23, v24, _ =	vpop (xrf1)  }
0xfb: {  	v31 =	vsub.f32 v32, v9;
	vm0 =	vlt.f32 v27, v25;
	(xrf1) =	vsort.ascd.msk.f32 $0xffff, v38, v34;
	v26, v29, _ =	vpop (xrf1)  }
0xfc: {  	v25 =	vsel vm0, v27, v25;
	v27 =	vsel vm0, v33, v28;
	vm0 =	vlt.f32 v26, v23  }
0xfd: {  	v23 =	vsel vm0, v26, v23;
	v24 =	vsel vm0, v29, v24;
	(xrf1) =	vsort.ascd.msk.f32 $0xffff, v25, v27  }
0xfe: {  	v25 =	vsub.f32 v32, v12;
	v26 =	vsub.f32 v32, v16;
	(xrf1) =	vsort.ascd.msk.f32 $0xffff, v23, v24  }
0xff: {  	v24 =	vor.u32 s8, v1;
	v27 =	vsub.f32 v22, v8;
	v23 =	vsub.f32 v30, v7  }
0x100: {  	v28 =	vmul.f32 v35, v35;
	v32 =	vsub.f32 v22, v11;
	v29 =	vsub.f32 v30, v10  }
0x101: {  	s5 =	sadd.s32 $0x2, s5;
	v31 =	vmul.f32 v31, v31;
	v33 =	vsub.f32 v30, v14;
	v23 =	vmul.f32 v23, v23  }
0x102: {  	p0 =	slt.u32 s5, $0x7E;
	v40 =	vsub.f32 v22, v13;
	v25 =	vmul.f32 v25, v25;
	v29 =	vmul.f32 v29, v29  }
0x103: {  	v27 =	vmul.f32 v27, v27;
	v41 =	vmul.f32 v33, v33;
	v23 =	vadd.f32 v23, v28;
	v33 =	vld [tilespmem:s7+$0x10];
	v35, v36, _ =	vpop (xrf1)  }
0x104: {  	v30 =	vsub.f32 v30, v15;
	v42 =	vmul.f32 v32, v32;
	v29 =	vadd.f32 v29, v31;
	v32, v37, _ =	vpop (xrf1)  }
0x105: {  	v43 =	vmul.f32 v40, v40;
	v25 =	vadd.f32 v41, v25;
	v23 =	vadd.f32 v27, v23;
	v28, v34, _ =	vpop (xrf1)  }
0x106: {  	v22 =	vsub.f32 v22, v17;
	v26 =	vmul.f32 v26, v26;
	v40 =	vadd.f32 v42, v29;
	v31, v38, _ =	vpop (xrf1)  }
0x107: {  	v41 =	vmul.f32 v30, v30;
	v42 =	vadd.f32 v43, v25;
	(xrf1) =	vsort.dscd.msk.f32 $0xffff, v23, v24  }
0x108: {  	v22 =	vmul.f32 v22, v22;
	v30 =	vsub.f32 v33, v6;
	(xrf1) =	vsort.dscd.msk.f32 $0xffff, v40, v24;
	v29, v39, _ =	vpop (xrf1)  }
0x109: {  	v40 =	vadd.f32 v41, v26;
	(xrf1) =	vsort.dscd.msk.f32 $0xffff, v42, v24;
	vm0 =	vlt.f32 v35, v29;
	v25, v27, _ =	vpop (xrf1)  }
0x10a: {  	v23 =	vld [tilespmem:s7+$0x810];
	v29 =	vsel vm0, v35, v29;
	v35 =	vsel vm0, v36, v39;
	vm0 =	vlt.f32 v32, v25  }
0x10b: {  	v25 =	vsel vm0, v32, v25;
	v27 =	vsel vm0, v37, v27;
	v32, v36, _ =	vpop (xrf1);
	(xrf1) =	vsort.ascd.msk.f32 $0xffff, v29, v35  }
0x10c: {  	v29 =	vadd.f32 v22, v40;
	vm0 =	vlt.f32 v28, v32;
	v22, v26, _ =	vpop (xrf1);
	(xrf1) =	vsort.ascd.msk.f32 $0xffff, v25, v27  }
0x10d: {  	v25 =	vsel vm0, v28, v32;
	v27 =	vsel vm0, v34, v36;
	vm0 =	vlt.f32 v31, v22  }
.Ltmp1:
0x10e: {  	v22 =	vsel vm0, v31, v22;
	v26 =	vsel vm0, v38, v26;
	(xrf1) =	vsort.ascd.msk.f32 $0xffff, v25, v27;
	(pc) =	sbr.rel @p0 .LBB2_5-.Ltmp1, $4  }
0x10f: {  	v25 =	vsub.f32 v33, v9;
	v28 =	vsub.f32 v23, v7;
	(xrf1) =	vsort.ascd.msk.f32 $0xffff, v22, v26  }
0x110: {  	v22 =	vor.u32 s4, v1;
	v27 =	vsub.f32 v23, v10;
	v26 =	vsub.f32 v33, v12;
	(xrf1) =	vsort.dscd.msk.f32 $0xffff, v29, v24  }
0x111: {  	v24 =	vmul.f32 v20, v20;
	v20 =	vmul.f32 v21, v21;
	v21 =	vsub.f32 v23, v14  }
0x112: {  	s7 =	sadd.s32 $0x20, s7;
	v29 =	vmul.f32 v30, v30;
	v30 =	vmul.f32 v28, v28;
	v28 =	vsub.f32 v33, v16  }
0x113: {  	v6 =	vmul.f32 v25, v25;
	v7 =	vmul.f32 v27, v27;
	v8 =	vsub.f32 v23, v15  }
0x114: {  	v10 =	vmul.f32 v26, v26;
	v11 =	vmul.f32 v21, v21;
	v9 =	vadd.f32 v30, v29  }
0x115: {  	v6 =	vadd.f32 v7, v6;
	v7 =	vmul.f32 v28, v28;
	v8 =	vmul.f32 v8, v8  }
0x116: {  	v10 =	vadd.f32 v11, v10;
	v11 =	vmul.f32 v19, v19  }
0x117: {  	v9 =	vadd.f32 v24, v9;
	v7 =	vadd.f32 v8, v7;
	v8 =	vmul.f32 v18, v18  }
0x118: {  	v6 =	vadd.f32 v20, v6  }
0x119: {  	v12, v13, _ =	vpop (xrf1);
	v10 =	vadd.f32 v11, v10  }
0x11a: {  	v14, v15, _ =	vpop (xrf1)  }
0x11b: {  	(xrf1) =	vsort.dscd.msk.f32 $0xffff, v9, v22;
	v9, v11, _ =	vpop (xrf1)  }
0x11c: {  	v7 =	vadd.f32 v8, v7;
	(xrf1) =	vsort.dscd.msk.f32 $0xffff, v6, v22;
	v6, v8, _ =	vpop (xrf1)  }
0x11d: {  	(xrf1) =	vsort.dscd.msk.f32 $0xffff, v10, v22;
	v10, v16, _ =	vpop (xrf1);
	vm0 =	vlt.f32 v12, v6  }
0x11e: {  	(xrf1) =	vsort.dscd.msk.f32 $0xffff, v7, v22;
	v7 =	vsel vm0, v13, v8;
	vm13 =	vlt.f32 v14, v10  }
0x11f: {  	v6 =	vsel vm0, v12, v6;
	v13 =	vsel vm13, v15, v16  }
0x120: {  	v8, v12, _ =	vpop (xrf1);
	v10 =	vsel vm13, v14, v10;
	(xrf1) =	vsort.ascd.msk.f32 $0xffff, v6, v7;
	_ =	sdelay $0x1  }
0x121: {  	vm14 =	vlt.f32 v9, v8;
	v6, v7, _ =	vpop (xrf1)  }
0x122: {  	v8 =	vsel vm14, v9, v8;
	v9 =	vsel vm14, v11, v12;
	(xrf1) =	vsort.ascd.msk.f32 $0xffff, v10, v13;
	v10, v13, _ =	vpop (xrf1)  }
0x123: {  	(xrf1) =	vsort.ascd.msk.f32 $0xffff, v8, v9;
	vm15 =	vlt.f32 v10, v6  }
0x124: {  	v6 =	vsel vm15, v10, v6;
	v7 =	vsel vm15, v13, v7  }
0x125: {  	(xrf1) =	vsort.ascd.msk.f32 $0xffff, v6, v7;
	_ =	sdelay $0x3  }
0x126: {  	v6, v7, _ =	vpop (xrf1)  }
0x127: {  	v8, v9, _ =	vpop (xrf1)  }
0x128: {  	v10, v11, _ =	vpop (xrf1)  }
0x129: {  	v12, v13, _ =	vpop (xrf1)  }
0x12a: {  	v14, v15, _ =	vpop (xrf1)  }
0x12b: {  	vm4 =	vlt.f32 v6, v14  }
0x12c: {  	v7 =	vsel vm4, v7, v15  }
0x12d: {  	v6 =	vsel vm4, v6, v14;
	v16, v17, _ =	vpop (xrf1)  }
0x12e: {  	(xrf1) =	vsort.ascd.msk.f32 $0xffff, v6, v7;
	vm5 =	vlt.f32 v8, v16;
	v14, v15, _ =	vpop (xrf1)  }
0x12f: {  	v8 =	vsel vm5, v8, v16;
	v9 =	vsel vm5, v9, v17;
	vm6 =	vlt.f32 v10, v14  }
0x130: {  	(xrf1) =	vsort.ascd.msk.f32 $0xffff, v8, v9;
	v8 =	vsel vm6, v10, v14;
	v9 =	vsel vm6, v11, v15;
	v6, v7, _ =	vpop (xrf1)  }
0x131: {  	(xrf1) =	vsort.ascd.msk.f32 $0xffff, v8, v9;
	vm7 =	vlt.f32 v12, v6  }
0x132: {  	v6 =	vsel vm7, v12, v6;
	v7 =	vsel vm7, v13, v7  }
0x133: {  	(xrf1) =	vsort.ascd.msk.f32 $0xffff, v6, v7;
	_ =	sdelay $0x6  }
0x134: {  	s4 =	sor.u32 $0x4, s23  }
0x135: {  	s5 =	sor.u32 $0x5, s23;
	v6 =	vor.u32 s4, v5  }
0x136: {  	s7 =	sor.u32 $0x6, s23;
	v7 =	vor.u32 s5, v5  }
0x137: {  	s8 =	sor.u32 $0x7, s23;
	v8 =	vor.u32 s7, v5;
	v9, v10, _ =	vpop (xrf1)  }
0x138: {  	v9 =	vor.u32 s8, v5;
	v10 =	vadd.s32 v0, v10;
	v11, v12, _ =	vpop (xrf1)  }
0x139: {  	v11, v13, _ =	vpop (xrf1)  }
0x13a: {  	[tilespmem:v6+s29+$0x0] =	vst.idx.msk $0xffff, v10;
	v6 =	vadd.s32 v0, v12  }
0x13b: {  	[tilespmem:v7+s29+$0x0] =	vst.idx.msk $0xffff, v6;
	v6 =	vadd.s32 v0, v13;
	v10, v11, _ =	vpop (xrf1)  }
0x13c: {  	[tilespmem:v8+s29+$0x0] =	vst.idx.msk $0xffff, v6;
	v6 =	vadd.s32 v0, v11  }
0x13d: {  	s9 =	simm.s32 $0x0;
	[tilespmem:v9+s29+$0x0] =	vst.idx.msk $0xffff, v6  }
0x13e: {  	s5 =	simm.s32 $0x0;
	v18 =	vld [tilespmem:s9+$0x1010]  }
0x13f: {  	s7 =	sand.u32 $0x7E0, s5;
	v19 =	vld [tilespmem:s9+$0x0]  }
0x140: {  	v16 =	vbroadcast v4, $0xB;
	v17 =	vbroadcast v2, $0xB;
	v20 =	vld [tilespmem:s7+$0x800]  }
0x141: {  	v14 =	vbroadcast v3, $0xA;
	v8 =	vbroadcast v2, $0x8;
	v21 =	vld [tilespmem:s7+$0x1000]  }
0x142: {  	v6 =	vbroadcast v4, $0x8;
	v9 =	vbroadcast v4, $0x9  }
0x143: {  	v12 =	vbroadcast v4, $0xA;
	v7 =	vbroadcast v3, $0x8;
	v22 =	vsub.f32 v18, v8  }
0x144: {  	v10 =	vbroadcast v3, $0x9;
	v25 =	vsub.f32 v19, v6;
	v26 =	vsub.f32 v19, v9  }
0x145: {  	v11 =	vbroadcast v2, $0x9;
	v27 =	vsub.f32 v19, v12;
	v19 =	vsub.f32 v19, v16  }
0x146: {  	v13 =	vbroadcast v2, $0xA;
	v28 =	vsub.f32 v20, v7;
	v30 =	vsub.f32 v21, v8  }
0x147: {  	v15 =	vbroadcast v3, $0xB;
	v31 =	vsub.f32 v20, v10;
	v32 =	vsub.f32 v21, v11  }
0x148: {  	v29 =	vor.u32 s5, v1;
	v33 =	vsub.f32 v20, v14;
	v34 =	vsub.f32 v21, v13  }
0x149: {  	v20 =	vsub.f32 v20, v15;
	v25 =	vmul.f32 v25, v25;
	v28 =	vmul.f32 v28, v28  }
0x14a: {  	v21 =	vsub.f32 v21, v17;
	v26 =	vmul.f32 v26, v26;
	v31 =	vmul.f32 v31, v31  }
0x14b: {  	v19 =	vmul.f32 v19, v19;
	v25 =	vadd.f32 v28, v25;
	v28 =	vmul.f32 v30, v30  }
0x14c: {  	v20 =	vmul.f32 v20, v20;
	v26 =	vadd.f32 v31, v26;
	v31 =	vmul.f32 v32, v32  }
0x14d: {  	v53 =	vld [tilespmem:s9+$0x10];
	v27 =	vmul.f32 v27, v27;
	v30 =	vmul.f32 v33, v33;
	v25 =	vadd.f32 v28, v25  }
0x14e: {  	v21 =	vmul.f32 v21, v21;
	v19 =	vadd.f32 v20, v19;
	v28 =	vld [tilespmem:s9+$0x810];
	v26 =	vadd.f32 v31, v26  }
0x14f: {  	v27 =	vadd.f32 v30, v27;
	v30 =	vmul.f32 v34, v34;
	(xrf1) =	vsort.dscd.msk.f32 $0xffff, v25, v29  }
0x150: {  	v23 =	vsub.f32 v18, v11;
	v24 =	vsub.f32 v18, v13;
	(xrf1) =	vsort.dscd.msk.f32 $0xffff, v26, v29  }
0x151: {  	v19 =	vadd.f32 v21, v19;
	v20 =	vadd.f32 v30, v27  }
0x152: {  	v21 =	vsub.f32 v53, v9;
	v25 =	vsub.f32 v53, v6  }
0x153: {  	v30 =	vsub.f32 v53, v12;
	(xrf1) =	vsort.dscd.msk.f32 $0xffff, v20, v29;
	v20 =	vsub.f32 v28, v7  }
0x154: {  	v25 =	vmul.f32 v25, v25;
	(xrf1) =	vsort.dscd.msk.f32 $0xffff, v19, v29;
	v19 =	vmul.f32 v22, v22  }
0x155: {  	s8 =	simm.s32 $0x20;
	v22 =	vmul.f32 v23, v23;
	v23 =	vsub.f32 v28, v14;
	v20 =	vmul.f32 v20, v20  }
0x156: {  	v18 =	vsub.f32 v18, v17;
	s9 =	sand.u32 $0x7E0, s8;
	v21 =	vmul.f32 v21, v21;
	v27 =	vsub.f32 v28, v10  }
0x157: {  	v55 =	vld [tilespmem:s9+$0x800];
	v23 =	vmul.f32 v23, v23;
	v20 =	vadd.f32 v20, v25;
	v25 =	vmul.f32 v30, v30  }
0x158: {  	s4 =	simm.s32 $0x20;
	v29 =	vsub.f32 v53, v16;
	v28 =	vsub.f32 v28, v15;
	v27 =	vmul.f32 v27, v27  }
0x159: {  	v31 =	vld [tilespmem:s4+$0x1010];
	v19 =	vadd.f32 v19, v20;
	v20 =	vadd.f32 v23, v25;
	v23 =	vmul.f32 v24, v24  }
0x15a: {  	v21 =	vadd.f32 v27, v21;
	v27 =	vmul.f32 v29, v29  }
0x15b: {  	s7 =	simm.s32 $0x10;
	v18 =	vmul.f32 v18, v18;
	v28 =	vmul.f32 v28, v28  }
0x15c: {  	v26 =	vor.u32 s7, v1;
	v56 =	vsub.f32 v55, v14;
	v29 =	vld [tilespmem:s4+$0x0];
	v21 =	vadd.f32 v22, v21  }
0x15d: {  	v22 =	vadd.f32 v28, v27;
	v20 =	vadd.f32 v23, v20;
	(xrf1) =	vsort.dscd.msk.f32 $0xffff, v19, v26;
	v23, v25, _ =	vpop (xrf1)  }
0x15e: {  	v24 =	vsub.f32 v31, v8;
	v28 =	vsub.f32 v31, v11;
	(xrf1) =	vsort.dscd.msk.f32 $0xffff, v21, v26;
	v21 =	vimm.f32 $+Inf;
	v27, v30, _ =	vpop (xrf1)  }
0x15f: {  	v22 =	vadd.f32 v18, v22;
	v19 =	vsub.f32 v31, v13;
	vm9 =	vlt.f32 v27, v21  }
0x160: {  	(xrf1) =	vsort.dscd.msk.f32 $0xffff, v20, v26;
	v20 =	vimm.s32 $0x0;
	vm8 =	vlt.f32 v23, v21;
	v27 =	vsel vm9, v27, v21  }
0x161: {  	v18 =	vsub.f32 v31, v17;
	v31 =	vsub.f32 v29, v6;
	v25 =	vsel vm8, v25, v20  }
0x162: {  	(xrf1) =	vsort.dscd.msk.f32 $0xffff, v22, v26;
	v23 =	vsel vm8, v23, v21;
	v26, v54, _ =	vpop (xrf1);
	v30 =	vsel vm9, v30, v20  }
0x163: {  	v22 =	vld [tilespmem:s9+$0x1000];
	(xrf1) =	vsort.ascd.msk.f32 $0xffff, v23, v25;
	v23 =	vsub.f32 v29, v9;
	vm10 =	vlt.f32 v26, v21  }
0x164: {  	(xrf1) =	vsort.ascd.msk.f32 $0xffff, v27, v30;
	v26 =	vsel vm10, v26, v21;
	v30 =	vsel vm10, v54, v20;
	v25, v27, _ =	vpop (xrf1)  }
0x165: {  	(xrf1) =	vsort.ascd.msk.f32 $0xffff, v26, v30;
	v26 =	vsub.f32 v29, v16;
	vm11 =	vlt.f32 v25, v21  }
0x166: {  	v30 =	vsub.f32 v55, v10;
	v21 =	vsel vm11, v25, v21;
	v20 =	vsel vm11, v27, v20  }
0x167: {  	v23 =	vmul.f32 v23, v23;
	(xrf1) =	vsort.ascd.msk.f32 $0xffff, v21, v20;
	v21 =	vsub.f32 v55, v7  }
0x168: {  	v57 =	vsub.f32 v22, v13;
	v30 =	vmul.f32 v30, v30;
	v25 =	vsub.f32 v29, v12  }
0x169: {  	v27 =	vsub.f32 v22, v8;
	v29 =	vmul.f32 v31, v31;
	v21 =	vmul.f32 v21, v21  }
0x16a: {  	v31 =	vsub.f32 v22, v11;
	v23 =	vadd.f32 v30, v23;
	v25 =	vmul.f32 v25, v25  }
0x16b: {  	v27 =	vmul.f32 v27, v27;
	v21 =	vadd.f32 v21, v29;
	v29 =	vmul.f32 v56, v56  }
0x16c: {  	v22 =	vsub.f32 v22, v17;
	v30 =	vmul.f32 v31, v31;
	v31 =	vsub.f32 v55, v15  }
0x16d: {  	v35, v36, _ =	vpop (xrf1);
	v21 =	vadd.f32 v27, v21;
	v25 =	vadd.f32 v29, v25;
	v27 =	vmul.f32 v57, v57  }
0x16e: {  	v59, v37, _ =	vpop (xrf1)  }
0x16f: {  	v58 =	vld [tilespmem:s4+$0x10];
	v26 =	vmul.f32 v26, v26;
	v29, v60, _ =	vpop (xrf1);
	v25 =	vadd.f32 v27, v25;
	v27 =	vmul.f32 v31, v31  }
0x170: {  	v20 =	vor.u32 s8, v1;
	v23 =	vadd.f32 v30, v23;
	v30, v38, _ =	vpop (xrf1)  }
0x171: {  	(xrf1) =	vsort.dscd.msk.f32 $0xffff, v21, v20;
	v21 =	vmul.f32 v22, v22;
	v22, v39, _ =	vpop (xrf1);
	v26 =	vadd.f32 v27, v26  }
0x172: {  	vm12 =	vlt.f32 v35, v22  }
0x173: {  	v24 =	vmul.f32 v24, v24;
	(xrf1) =	vsort.dscd.msk.f32 $0xffff, v23, v20;
	v22 =	vsel vm12, v35, v22  }
0x174: {  	v31 =	vsub.f32 v58, v6;
	v23 =	vld [tilespmem:s4+$0x810];
	(xrf1) =	vsort.dscd.msk.f32 $0xffff, v25, v20;
	v61 =	vsel vm12, v36, v39;
	v25, v27, _ =	vpop (xrf1)  }
0x175: {  	v21 =	vadd.f32 v21, v26;
	(xrf1) =	vsort.ascd.msk.f32 $0xffff, v22, v61;
	vm13 =	vlt.f32 v59, v25;
	v63, v62, _ =	vpop (xrf1)  }
0x176: {  	v25 =	vsel vm13, v59, v25;
	v27 =	vsel vm13, v37, v27;
	vm14 =	vlt.f32 v29, v63;
	v22, v26, _ =	vpop (xrf1)  }
0x177: {  	(xrf1) =	vsort.ascd.msk.f32 $0xffff, v25, v27;
	v25 =	vsel vm14, v29, v63;
	vm15 =	vlt.f32 v30, v22  }
0x178: {  	v27 =	vsel vm14, v60, v62;
	v29 =	vmul.f32 v31, v31;
	v22 =	vsel vm15, v30, v22  }
0x179: {  	v26 =	vsel vm15, v38, v26;
	(xrf1) =	vsort.ascd.msk.f32 $0xffff, v25, v27;
	v30 =	vsub.f32 v23, v7  }
0x17a: {  	s4 =	simm.s32 $0x30;
	v25 =	vsub.f32 v58, v9;
	v27 =	vsub.f32 v23, v10;
	(xrf1) =	vsort.ascd.msk.f32 $0xffff, v22, v26  }
0x17b: {  	v22 =	vor.u32 s4, v1;
	v26 =	vsub.f32 v58, v12;
	(xrf1) =	vsort.dscd.msk.f32 $0xffff, v21, v20;
	v20 =	vmul.f32 v28, v28  }
0x17c: {  	s5 =	simm.s32 $0x2;
	s7 =	simm.s32 $0x40;
	v21 =	vsub.f32 v23, v14;
	v30 =	vmul.f32 v30, v30;
	v28 =	vsub.f32 v58, v16  }
.LBB2_7:
0x17d: {  	v25 =	vmul.f32 v25, v25;
	v27 =	vmul.f32 v27, v27  }
0x17e: {  	v31 =	vld [tilespmem:s7+$0x1010];
	v23 =	vsub.f32 v23, v15;
	v35 =	vadd.f32 v30, v29  }
0x17f: {  	v36 =	vmul.f32 v26, v26;
	v21 =	vmul.f32 v21, v21;
	v25 =	vadd.f32 v27, v25  }
0x180: {  	v34 =	vmul.f32 v28, v28;
	v23 =	vmul.f32 v23, v23;
	v28, v30, _ =	vpop (xrf1);
	v24 =	vadd.f32 v24, v35  }
0x181: {  	v19 =	vmul.f32 v19, v19;
	v21 =	vadd.f32 v21, v36;
	v32 =	vld [tilespmem:s7+$0x0];
	v26, v29, _ =	vpop (xrf1)  }
0x182: {  	v18 =	vmul.f32 v18, v18;
	v35 =	vadd.f32 v20, v25;
	v23 =	vadd.f32 v23, v34;
	v27, v33, _ =	vpop (xrf1)  }
0x183: {  	v36 =	vadd.f32 v19, v21;
	v20 =	vsub.f32 v31, v8;
	(xrf1) =	vsort.dscd.msk.f32 $0xffff, v24, v22  }
0x184: {  	s4 =	sadd.s32 $0x20, s4;
	v21 =	vsub.f32 v31, v11;
	v23 =	vadd.f32 v18, v23;
	(xrf1) =	vsort.dscd.msk.f32 $0xffff, v35, v22;
	v24, v25, _ =	vpop (xrf1)  }
0x185: {  	s8 =	sadd.s32 $0xFFFFFFF0, s4;
	v19 =	vsub.f32 v31, v13;
	v18 =	vsub.f32 v31, v17;
	(xrf1) =	vsort.dscd.msk.f32 $0xffff, v36, v22;
	v31, v34, _ =	vpop (xrf1)  }
0x186: {  	s9 =	sand.u32 $0x7E0, s8;
	v35 =	vsub.f32 v32, v6;
	vm0 =	vlt.f32 v28, v24;
	(xrf1) =	vsort.dscd.msk.f32 $0xffff, v23, v22  }
0x187: {  	v37 =	vsel vm0, v28, v24;
	v36 =	vsel vm0, v30, v25;
	vm0 =	vlt.f32 v26, v31;
	v22 =	vld [tilespmem:s9+$0x1000];
	v25, v28, _ =	vpop (xrf1)  }
0x188: {  	v38 =	vsel vm0, v26, v31;
	v34 =	vsel vm0, v29, v34;
	v30 =	vld [tilespmem:s9+$0x800];
	(xrf1) =	vsort.ascd.msk.f32 $0xffff, v37, v36;
	v23, v24, _ =	vpop (xrf1)  }
0x189: {  	v31 =	vsub.f32 v32, v9;
	vm0 =	vlt.f32 v27, v25;
	(xrf1) =	vsort.ascd.msk.f32 $0xffff, v38, v34;
	v26, v29, _ =	vpop (xrf1)  }
0x18a: {  	v25 =	vsel vm0, v27, v25;
	v27 =	vsel vm0, v33, v28;
	vm0 =	vlt.f32 v26, v23  }
0x18b: {  	v23 =	vsel vm0, v26, v23;
	v24 =	vsel vm0, v29, v24;
	(xrf1) =	vsort.ascd.msk.f32 $0xffff, v25, v27  }
0x18c: {  	v25 =	vsub.f32 v32, v12;
	v26 =	vsub.f32 v32, v16;
	(xrf1) =	vsort.ascd.msk.f32 $0xffff, v23, v24  }
0x18d: {  	v24 =	vor.u32 s8, v1;
	v27 =	vsub.f32 v22, v8;
	v23 =	vsub.f32 v30, v7  }
0x18e: {  	v28 =	vmul.f32 v35, v35;
	v32 =	vsub.f32 v22, v11;
	v29 =	vsub.f32 v30, v10  }
0x18f: {  	s5 =	sadd.s32 $0x2, s5;
	v31 =	vmul.f32 v31, v31;
	v33 =	vsub.f32 v30, v14;
	v23 =	vmul.f32 v23, v23  }
0x190: {  	p0 =	slt.u32 s5, $0x7E;
	v40 =	vsub.f32 v22, v13;
	v25 =	vmul.f32 v25, v25;
	v29 =	vmul.f32 v29, v29  }
0x191: {  	v27 =	vmul.f32 v27, v27;
	v41 =	vmul.f32 v33, v33;
	v23 =	vadd.f32 v23, v28;
	v33 =	vld [tilespmem:s7+$0x10];
	v35, v36, _ =	vpop (xrf1)  }
0x192: {  	v30 =	vsub.f32 v30, v15;
	v42 =	vmul.f32 v32, v32;
	v29 =	vadd.f32 v29, v31;
	v32, v37, _ =	vpop (xrf1)  }
0x193: {  	v43 =	vmul.f32 v40, v40;
	v25 =	vadd.f32 v41, v25;
	v23 =	vadd.f32 v27, v23;
	v28, v34, _ =	vpop (xrf1)  }
0x194: {  	v22 =	vsub.f32 v22, v17;
	v26 =	vmul.f32 v26, v26;
	v40 =	vadd.f32 v42, v29;
	v31, v38, _ =	vpop (xrf1)  }
0x195: {  	v41 =	vmul.f32 v30, v30;
	v42 =	vadd.f32 v43, v25;
	(xrf1) =	vsort.dscd.msk.f32 $0xffff, v23, v24  }
0x196: {  	v22 =	vmul.f32 v22, v22;
	v30 =	vsub.f32 v33, v6;
	(xrf1) =	vsort.dscd.msk.f32 $0xffff, v40, v24;
	v29, v39, _ =	vpop (xrf1)  }
0x197: {  	v40 =	vadd.f32 v41, v26;
	(xrf1) =	vsort.dscd.msk.f32 $0xffff, v42, v24;
	vm0 =	vlt.f32 v35, v29;
	v25, v27, _ =	vpop (xrf1)  }
0x198: {  	v23 =	vld [tilespmem:s7+$0x810];
	v29 =	vsel vm0, v35, v29;
	v35 =	vsel vm0, v36, v39;
	vm0 =	vlt.f32 v32, v25  }
0x199: {  	v25 =	vsel vm0, v32, v25;
	v27 =	vsel vm0, v37, v27;
	v32, v36, _ =	vpop (xrf1);
	(xrf1) =	vsort.ascd.msk.f32 $0xffff, v29, v35  }
0x19a: {  	v29 =	vadd.f32 v22, v40;
	vm0 =	vlt.f32 v28, v32;
	v22, v26, _ =	vpop (xrf1);
	(xrf1) =	vsort.ascd.msk.f32 $0xffff, v25, v27  }
0x19b: {  	v25 =	vsel vm0, v28, v32;
	v27 =	vsel vm0, v34, v36;
	vm0 =	vlt.f32 v31, v22  }
.Ltmp2:
0x19c: {  	v22 =	vsel vm0, v31, v22;
	v26 =	vsel vm0, v38, v26;
	(xrf1) =	vsort.ascd.msk.f32 $0xffff, v25, v27;
	(pc) =	sbr.rel @p0 .LBB2_7-.Ltmp2, $4  }
0x19d: {  	v25 =	vsub.f32 v33, v9;
	v28 =	vsub.f32 v23, v7;
	(xrf1) =	vsort.ascd.msk.f32 $0xffff, v22, v26  }
0x19e: {  	v22 =	vor.u32 s4, v1;
	v27 =	vsub.f32 v23, v10;
	v26 =	vsub.f32 v33, v12;
	(xrf1) =	vsort.dscd.msk.f32 $0xffff, v29, v24  }
0x19f: {  	v24 =	vmul.f32 v20, v20;
	v20 =	vmul.f32 v21, v21;
	v21 =	vsub.f32 v23, v14  }
0x1a0: {  	s7 =	sadd.s32 $0x20, s7;
	v29 =	vmul.f32 v30, v30;
	v30 =	vmul.f32 v28, v28;
	v28 =	vsub.f32 v33, v16  }
0x1a1: {  	v6 =	vmul.f32 v25, v25;
	v7 =	vmul.f32 v27, v27;
	v8 =	vsub.f32 v23, v15  }
0x1a2: {  	v10 =	vmul.f32 v26, v26;
	v11 =	vmul.f32 v21, v21;
	v9 =	vadd.f32 v30, v29  }
0x1a3: {  	v6 =	vadd.f32 v7, v6;
	v7 =	vmul.f32 v28, v28;
	v8 =	vmul.f32 v8, v8  }
0x1a4: {  	v10 =	vadd.f32 v11, v10;
	v11 =	vmul.f32 v19, v19  }
0x1a5: {  	v9 =	vadd.f32 v24, v9;
	v7 =	vadd.f32 v8, v7;
	v8 =	vmul.f32 v18, v18  }
0x1a6: {  	v6 =	vadd.f32 v20, v6  }
0x1a7: {  	v12, v13, _ =	vpop (xrf1);
	v10 =	vadd.f32 v11, v10  }
0x1a8: {  	v14, v15, _ =	vpop (xrf1)  }
0x1a9: {  	(xrf1) =	vsort.dscd.msk.f32 $0xffff, v9, v22;
	v9, v11, _ =	vpop (xrf1)  }
0x1aa: {  	v7 =	vadd.f32 v8, v7;
	(xrf1) =	vsort.dscd.msk.f32 $0xffff, v6, v22;
	v6, v8, _ =	vpop (xrf1)  }
0x1ab: {  	(xrf1) =	vsort.dscd.msk.f32 $0xffff, v10, v22;
	v10, v16, _ =	vpop (xrf1);
	vm0 =	vlt.f32 v12, v6  }
0x1ac: {  	(xrf1) =	vsort.dscd.msk.f32 $0xffff, v7, v22;
	v7 =	vsel vm0, v13, v8;
	vm13 =	vlt.f32 v14, v10  }
0x1ad: {  	v6 =	vsel vm0, v12, v6;
	v13 =	vsel vm13, v15, v16  }
0x1ae: {  	v8, v12, _ =	vpop (xrf1);
	v10 =	vsel vm13, v14, v10;
	(xrf1) =	vsort.ascd.msk.f32 $0xffff, v6, v7;
	_ =	sdelay $0x1  }
0x1af: {  	vm14 =	vlt.f32 v9, v8;
	v6, v7, _ =	vpop (xrf1)  }
0x1b0: {  	v8 =	vsel vm14, v9, v8;
	v9 =	vsel vm14, v11, v12;
	(xrf1) =	vsort.ascd.msk.f32 $0xffff, v10, v13;
	v10, v13, _ =	vpop (xrf1)  }
0x1b1: {  	(xrf1) =	vsort.ascd.msk.f32 $0xffff, v8, v9;
	vm15 =	vlt.f32 v10, v6  }
0x1b2: {  	v6 =	vsel vm15, v10, v6;
	v7 =	vsel vm15, v13, v7  }
0x1b3: {  	(xrf1) =	vsort.ascd.msk.f32 $0xffff, v6, v7;
	_ =	sdelay $0x3  }
0x1b4: {  	v6, v7, _ =	vpop (xrf1)  }
0x1b5: {  	v8, v9, _ =	vpop (xrf1)  }
0x1b6: {  	v10, v11, _ =	vpop (xrf1)  }
0x1b7: {  	v12, v13, _ =	vpop (xrf1)  }
0x1b8: {  	v14, v15, _ =	vpop (xrf1)  }
0x1b9: {  	vm4 =	vlt.f32 v6, v14  }
0x1ba: {  	v7 =	vsel vm4, v7, v15  }
0x1bb: {  	v6 =	vsel vm4, v6, v14;
	v16, v17, _ =	vpop (xrf1)  }
0x1bc: {  	(xrf1) =	vsort.ascd.msk.f32 $0xffff, v6, v7;
	vm5 =	vlt.f32 v8, v16;
	v14, v15, _ =	vpop (xrf1)  }
0x1bd: {  	v8 =	vsel vm5, v8, v16;
	v9 =	vsel vm5, v9, v17;
	vm6 =	vlt.f32 v10, v14  }
0x1be: {  	(xrf1) =	vsort.ascd.msk.f32 $0xffff, v8, v9;
	v8 =	vsel vm6, v10, v14;
	v9 =	vsel vm6, v11, v15;
	v6, v7, _ =	vpop (xrf1)  }
0x1bf: {  	(xrf1) =	vsort.ascd.msk.f32 $0xffff, v8, v9;
	vm7 =	vlt.f32 v12, v6  }
0x1c0: {  	v6 =	vsel vm7, v12, v6;
	v7 =	vsel vm7, v13, v7  }
0x1c1: {  	(xrf1) =	vsort.ascd.msk.f32 $0xffff, v6, v7;
	_ =	sdelay $0x6  }
0x1c2: {  	s4 =	sor.u32 $0x8, s23  }
0x1c3: {  	s5 =	sor.u32 $0x9, s23;
	v6 =	vor.u32 s4, v5  }
0x1c4: {  	s7 =	sor.u32 $0xA, s23;
	v7 =	vor.u32 s5, v5  }
0x1c5: {  	s8 =	sor.u32 $0xB, s23;
	v8 =	vor.u32 s7, v5;
	v9, v10, _ =	vpop (xrf1)  }
0x1c6: {  	v9 =	vor.u32 s8, v5;
	v10 =	vadd.s32 v0, v10;
	v11, v12, _ =	vpop (xrf1)  }
0x1c7: {  	v11, v13, _ =	vpop (xrf1)  }
0x1c8: {  	[tilespmem:v6+s29+$0x0] =	vst.idx.msk $0xffff, v10;
	v6 =	vadd.s32 v0, v12  }
0x1c9: {  	[tilespmem:v7+s29+$0x0] =	vst.idx.msk $0xffff, v6;
	v6 =	vadd.s32 v0, v13;
	v10, v11, _ =	vpop (xrf1)  }
0x1ca: {  	[tilespmem:v8+s29+$0x0] =	vst.idx.msk $0xffff, v6;
	v6 =	vadd.s32 v0, v11  }
0x1cb: {  	s9 =	simm.s32 $0x0;
	[tilespmem:v9+s29+$0x0] =	vst.idx.msk $0xffff, v6  }
0x1cc: {  	s5 =	simm.s32 $0x0;
	v15 =	vld [tilespmem:s9+$0x1010]  }
0x1cd: {  	s7 =	sand.u32 $0x7E0, s5;
	v16 =	vld [tilespmem:s9+$0x0]  }
0x1ce: {  	v14 =	vbroadcast v3, $0xE;
	v17 =	vld [tilespmem:s7+$0x800]  }
0x1cf: {  	v12 =	vbroadcast v4, $0xE;
	v8 =	vbroadcast v2, $0xC;
	v18 =	vld [tilespmem:s7+$0x1000]  }
0x1d0: {  	v26 =	vor.u32 s5, v1;
	v6 =	vbroadcast v4, $0xC;
	v9 =	vbroadcast v4, $0xD  }
0x1d1: {  	v7 =	vbroadcast v3, $0xC;
	v4 =	vbroadcast v4, $0xF;
	v19 =	vsub.f32 v15, v8  }
0x1d2: {  	v10 =	vbroadcast v3, $0xD;
	v22 =	vsub.f32 v16, v6;
	v23 =	vsub.f32 v16, v9  }
0x1d3: {  	v11 =	vbroadcast v2, $0xD;
	v24 =	vsub.f32 v16, v12;
	v16 =	vsub.f32 v16, v4  }
0x1d4: {  	v13 =	vbroadcast v2, $0xE;
	v25 =	vsub.f32 v17, v7;
	v27 =	vsub.f32 v18, v8  }
0x1d5: {  	v3 =	vbroadcast v3, $0xF;
	v28 =	vsub.f32 v17, v10;
	v29 =	vsub.f32 v18, v11  }
0x1d6: {  	v2 =	vbroadcast v2, $0xF;
	v55 =	vsub.f32 v17, v14;
	v31 =	vsub.f32 v18, v13  }
0x1d7: {  	v17 =	vsub.f32 v17, v3;
	v22 =	vmul.f32 v22, v22;
	v25 =	vmul.f32 v25, v25  }
0x1d8: {  	v18 =	vsub.f32 v18, v2;
	v23 =	vmul.f32 v23, v23;
	v28 =	vmul.f32 v28, v28  }
0x1d9: {  	v16 =	vmul.f32 v16, v16;
	v22 =	vadd.f32 v25, v22;
	v25 =	vmul.f32 v27, v27  }
0x1da: {  	v17 =	vmul.f32 v17, v17;
	v23 =	vadd.f32 v28, v23;
	v28 =	vmul.f32 v29, v29  }
0x1db: {  	v56 =	vld [tilespmem:s9+$0x10];
	v24 =	vmul.f32 v24, v24;
	v27 =	vmul.f32 v55, v55;
	v22 =	vadd.f32 v25, v22  }
0x1dc: {  	v18 =	vmul.f32 v18, v18;
	v16 =	vadd.f32 v17, v16;
	v25 =	vld [tilespmem:s9+$0x810];
	v23 =	vadd.f32 v28, v23  }
0x1dd: {  	v24 =	vadd.f32 v27, v24;
	v27 =	vmul.f32 v31, v31;
	(xrf1) =	vsort.dscd.msk.f32 $0xffff, v22, v26  }
0x1de: {  	v20 =	vsub.f32 v15, v11;
	v21 =	vsub.f32 v15, v13;
	(xrf1) =	vsort.dscd.msk.f32 $0xffff, v23, v26  }
0x1df: {  	v16 =	vadd.f32 v18, v16;
	v17 =	vadd.f32 v27, v24  }
0x1e0: {  	v18 =	vsub.f32 v56, v9;
	v22 =	vsub.f32 v56, v6  }
0x1e1: {  	v27 =	vsub.f32 v56, v12;
	(xrf1) =	vsort.dscd.msk.f32 $0xffff, v17, v26;
	v17 =	vsub.f32 v25, v7  }
0x1e2: {  	v22 =	vmul.f32 v22, v22;
	(xrf1) =	vsort.dscd.msk.f32 $0xffff, v16, v26;
	v16 =	vmul.f32 v19, v19  }
0x1e3: {  	v19 =	vmul.f32 v20, v20;
	v20 =	vsub.f32 v25, v14;
	v17 =	vmul.f32 v17, v17  }
0x1e4: {  	v15 =	vsub.f32 v15, v2;
	v18 =	vmul.f32 v18, v18;
	v24 =	vsub.f32 v25, v10  }
0x1e5: {  	s4 =	simm.s32 $0x20;
	v20 =	vmul.f32 v20, v20;
	v17 =	vadd.f32 v17, v22;
	v22 =	vmul.f32 v27, v27  }
0x1e6: {  	v28 =	vld [tilespmem:s4+$0x1010];
	v26 =	vsub.f32 v56, v4;
	v25 =	vsub.f32 v25, v3;
	v24 =	vmul.f32 v24, v24  }
0x1e7: {  	v16 =	vadd.f32 v16, v17;
	v17 =	vadd.f32 v20, v22;
	v20 =	vmul.f32 v21, v21  }
0x1e8: {  	v25 =	vmul.f32 v25, v25;
	v18 =	vadd.f32 v24, v18;
	v24 =	vmul.f32 v26, v26  }
0x1e9: {  	s7 =	simm.s32 $0x10;
	v15 =	vmul.f32 v15, v15  }
0x1ea: {  	v23 =	vor.u32 s7, v1;
	v18 =	vadd.f32 v19, v18;
	v19 =	vadd.f32 v25, v24  }
0x1eb: {  	s8 =	simm.s32 $0x20;
	v26 =	vld [tilespmem:s4+$0x0];
	v21 =	vsub.f32 v28, v8;
	v17 =	vadd.f32 v20, v17;
	(xrf1) =	vsort.dscd.msk.f32 $0xffff, v16, v23;
	v20, v22, _ =	vpop (xrf1)  }
0x1ec: {  	s9 =	sand.u32 $0x7E0, s8;
	v25 =	vsub.f32 v28, v11;
	v19 =	vadd.f32 v15, v19;
	(xrf1) =	vsort.dscd.msk.f32 $0xffff, v18, v23;
	v18 =	vimm.f32 $+Inf;
	v24, v27, _ =	vpop (xrf1)  }
0x1ed: {  	v57 =	vld [tilespmem:s9+$0x800];
	v16 =	vsub.f32 v28, v13;
	v15 =	vsub.f32 v28, v2;
	vm9 =	vlt.f32 v24, v18  }
0x1ee: {  	(xrf1) =	vsort.dscd.msk.f32 $0xffff, v17, v23;
	v17 =	vimm.s32 $0x0;
	vm8 =	vlt.f32 v20, v18;
	v24 =	vsel vm9, v24, v18  }
0x1ef: {  	(xrf1) =	vsort.dscd.msk.f32 $0xffff, v19, v23;
	v20 =	vsel vm8, v20, v18;
	v22 =	vsel vm8, v22, v17  }
0x1f0: {  	v28 =	vsub.f32 v26, v6;
	v23, v29, _ =	vpop (xrf1);
	v27 =	vsel vm9, v27, v17;
	(xrf1) =	vsort.ascd.msk.f32 $0xffff, v20, v22  }
0x1f1: {  	v19 =	vld [tilespmem:s9+$0x1000];
	v20 =	vsub.f32 v26, v9;
	vm10 =	vlt.f32 v23, v18;
	(xrf1) =	vsort.ascd.msk.f32 $0xffff, v24, v27  }
0x1f2: {  	v23 =	vsel vm10, v23, v18;
	v27 =	vsel vm10, v29, v17;
	v29 =	vsub.f32 v57, v14;
	v22, v24, _ =	vpop (xrf1)  }
0x1f3: {  	(xrf1) =	vsort.ascd.msk.f32 $0xffff, v23, v27;
	v23 =	vsub.f32 v26, v4;
	vm11 =	vlt.f32 v22, v18  }
0x1f4: {  	v27 =	vsub.f32 v57, v10;
	v18 =	vsel vm11, v22, v18;
	v17 =	vsel vm11, v24, v17  }
0x1f5: {  	v20 =	vmul.f32 v20, v20;
	(xrf1) =	vsort.ascd.msk.f32 $0xffff, v18, v17;
	v18 =	vsub.f32 v57, v7  }
0x1f6: {  	v58 =	vsub.f32 v19, v13;
	v27 =	vmul.f32 v27, v27;
	v22 =	vsub.f32 v26, v12  }
0x1f7: {  	v24 =	vsub.f32 v19, v8;
	v26 =	vmul.f32 v28, v28;
	v18 =	vmul.f32 v18, v18  }
0x1f8: {  	v28 =	vsub.f32 v19, v11;
	v20 =	vadd.f32 v27, v20;
	v22 =	vmul.f32 v22, v22  }
0x1f9: {  	v24 =	vmul.f32 v24, v24;
	v18 =	vadd.f32 v18, v26;
	v26 =	vmul.f32 v29, v29  }
0x1fa: {  	v19 =	vsub.f32 v19, v2;
	v27 =	vmul.f32 v28, v28;
	v28 =	vsub.f32 v57, v3  }
0x1fb: {  	v32, v33, _ =	vpop (xrf1);
	v18 =	vadd.f32 v24, v18;
	v22 =	vadd.f32 v26, v22;
	v24 =	vmul.f32 v58, v58  }
0x1fc: {  	v59, v34, _ =	vpop (xrf1)  }
0x1fd: {  	v23 =	vmul.f32 v23, v23;
	v29 =	vld [tilespmem:s4+$0x10];
	v26, v60, _ =	vpop (xrf1);
	v22 =	vadd.f32 v24, v22;
	v24 =	vmul.f32 v28, v28  }
0x1fe: {  	v17 =	vor.u32 s8, v1;
	v20 =	vadd.f32 v27, v20;
	v27, v35, _ =	vpop (xrf1)  }
0x1ff: {  	(xrf1) =	vsort.dscd.msk.f32 $0xffff, v18, v17;
	v18 =	vmul.f32 v19, v19;
	v19, v36, _ =	vpop (xrf1);
	v23 =	vadd.f32 v24, v23  }
0x200: {  	vm12 =	vlt.f32 v32, v19  }
0x201: {  	v21 =	vmul.f32 v21, v21;
	(xrf1) =	vsort.dscd.msk.f32 $0xffff, v20, v17;
	v19 =	vsel vm12, v32, v19  }
0x202: {  	v28 =	vsub.f32 v29, v6;
	v20 =	vld [tilespmem:s4+$0x810];
	(xrf1) =	vsort.dscd.msk.f32 $0xffff, v22, v17;
	v61 =	vsel vm12, v33, v36;
	v22, v24, _ =	vpop (xrf1)  }
0x203: {  	v18 =	vadd.f32 v18, v23;
	(xrf1) =	vsort.ascd.msk.f32 $0xffff, v19, v61;
	vm13 =	vlt.f32 v59, v22;
	v63, v62, _ =	vpop (xrf1)  }
0x204: {  	v22 =	vsel vm13, v59, v22;
	v24 =	vsel vm13, v34, v24;
	vm14 =	vlt.f32 v26, v63;
	v19, v23, _ =	vpop (xrf1)  }
0x205: {  	(xrf1) =	vsort.ascd.msk.f32 $0xffff, v22, v24;
	v22 =	vsel vm14, v26, v63;
	vm15 =	vlt.f32 v27, v19  }
0x206: {  	v24 =	vsel vm14, v60, v62;
	v26 =	vmul.f32 v28, v28;
	v19 =	vsel vm15, v27, v19  }
0x207: {  	v23 =	vsel vm15, v35, v23;
	(xrf1) =	vsort.ascd.msk.f32 $0xffff, v22, v24;
	v27 =	vsub.f32 v20, v7  }
0x208: {  	s4 =	simm.s32 $0x30;
	v22 =	vsub.f32 v29, v9;
	v24 =	vsub.f32 v20, v10;
	(xrf1) =	vsort.ascd.msk.f32 $0xffff, v19, v23  }
0x209: {  	v19 =	vor.u32 s4, v1;
	v23 =	vsub.f32 v29, v12;
	(xrf1) =	vsort.dscd.msk.f32 $0xffff, v18, v17;
	v17 =	vmul.f32 v25, v25  }
0x20a: {  	s5 =	simm.s32 $0x2;
	s7 =	simm.s32 $0x40;
	v18 =	vsub.f32 v20, v14;
	v27 =	vmul.f32 v27, v27;
	v25 =	vsub.f32 v29, v4  }
.LBB2_9:
0x20b: {  	v22 =	vmul.f32 v22, v22;
	v24 =	vmul.f32 v24, v24  }
0x20c: {  	v28 =	vld [tilespmem:s7+$0x1010];
	v20 =	vsub.f32 v20, v3;
	v32 =	vadd.f32 v27, v26  }
0x20d: {  	v33 =	vmul.f32 v23, v23;
	v18 =	vmul.f32 v18, v18;
	v22 =	vadd.f32 v24, v22  }
0x20e: {  	v31 =	vmul.f32 v25, v25;
	v20 =	vmul.f32 v20, v20;
	v25, v27, _ =	vpop (xrf1);
	v21 =	vadd.f32 v21, v32  }
0x20f: {  	v16 =	vmul.f32 v16, v16;
	v18 =	vadd.f32 v18, v33;
	v29 =	vld [tilespmem:s7+$0x0];
	v23, v26, _ =	vpop (xrf1)  }
0x210: {  	v15 =	vmul.f32 v15, v15;
	v32 =	vadd.f32 v17, v22;
	v20 =	vadd.f32 v20, v31;
	v24, v30, _ =	vpop (xrf1)  }
0x211: {  	v33 =	vadd.f32 v16, v18;
	v17 =	vsub.f32 v28, v8;
	(xrf1) =	vsort.dscd.msk.f32 $0xffff, v21, v19  }
0x212: {  	s4 =	sadd.s32 $0x20, s4;
	v18 =	vsub.f32 v28, v11;
	v20 =	vadd.f32 v15, v20;
	(xrf1) =	vsort.dscd.msk.f32 $0xffff, v32, v19;
	v21, v22, _ =	vpop (xrf1)  }
0x213: {  	s8 =	sadd.s32 $0xFFFFFFF0, s4;
	v16 =	vsub.f32 v28, v13;
	v15 =	vsub.f32 v28, v2;
	(xrf1) =	vsort.dscd.msk.f32 $0xffff, v33, v19;
	v28, v31, _ =	vpop (xrf1)  }
0x214: {  	s9 =	sand.u32 $0x7E0, s8;
	v32 =	vsub.f32 v29, v6;
	vm0 =	vlt.f32 v25, v21;
	(xrf1) =	vsort.dscd.msk.f32 $0xffff, v20, v19  }
0x215: {  	v34 =	vsel vm0, v25, v21;
	v33 =	vsel vm0, v27, v22;
	vm0 =	vlt.f32 v23, v28;
	v19 =	vld [tilespmem:s9+$0x1000];
	v22, v25, _ =	vpop (xrf1)  }
0x216: {  	v35 =	vsel vm0, v23, v28;
	v31 =	vsel vm0, v26, v31;
	v27 =	vld [tilespmem:s9+$0x800];
	(xrf1) =	vsort.ascd.msk.f32 $0xffff, v34, v33;
	v20, v21, _ =	vpop (xrf1)  }
0x217: {  	v28 =	vsub.f32 v29, v9;
	vm0 =	vlt.f32 v24, v22;
	(xrf1) =	vsort.ascd.msk.f32 $0xffff, v35, v31;
	v23, v26, _ =	vpop (xrf1)  }
0x218: {  	v22 =	vsel vm0, v24, v22;
	v24 =	vsel vm0, v30, v25;
	vm0 =	vlt.f32 v23, v20  }
0x219: {  	v20 =	vsel vm0, v23, v20;
	v21 =	vsel vm0, v26, v21;
	(xrf1) =	vsort.ascd.msk.f32 $0xffff, v22, v24  }
0x21a: {  	v22 =	vsub.f32 v29, v12;
	v23 =	vsub.f32 v29, v4;
	(xrf1) =	vsort.ascd.msk.f32 $0xffff, v20, v21  }
0x21b: {  	v21 =	vor.u32 s8, v1;
	v24 =	vsub.f32 v19, v8;
	v20 =	vsub.f32 v27, v7  }
0x21c: {  	v25 =	vmul.f32 v32, v32;
	v29 =	vsub.f32 v19, v11;
	v26 =	vsub.f32 v27, v10  }
0x21d: {  	s5 =	sadd.s32 $0x2, s5;
	v28 =	vmul.f32 v28, v28;
	v30 =	vsub.f32 v27, v14;
	v20 =	vmul.f32 v20, v20  }
0x21e: {  	p0 =	slt.u32 s5, $0x7E;
	v37 =	vsub.f32 v19, v13;
	v22 =	vmul.f32 v22, v22;
	v26 =	vmul.f32 v26, v26  }
0x21f: {  	v24 =	vmul.f32 v24, v24;
	v38 =	vmul.f32 v30, v30;
	v20 =	vadd.f32 v20, v25;
	v30 =	vld [tilespmem:s7+$0x10];
	v32, v33, _ =	vpop (xrf1)  }
0x220: {  	v27 =	vsub.f32 v27, v3;
	v39 =	vmul.f32 v29, v29;
	v26 =	vadd.f32 v26, v28;
	v29, v34, _ =	vpop (xrf1)  }
0x221: {  	v40 =	vmul.f32 v37, v37;
	v22 =	vadd.f32 v38, v22;
	v20 =	vadd.f32 v24, v20;
	v25, v31, _ =	vpop (xrf1)  }
0x222: {  	v19 =	vsub.f32 v19, v2;
	v23 =	vmul.f32 v23, v23;
	v37 =	vadd.f32 v39, v26;
	v28, v35, _ =	vpop (xrf1)  }
0x223: {  	v38 =	vmul.f32 v27, v27;
	v39 =	vadd.f32 v40, v22;
	(xrf1) =	vsort.dscd.msk.f32 $0xffff, v20, v21  }
0x224: {  	v19 =	vmul.f32 v19, v19;
	v27 =	vsub.f32 v30, v6;
	(xrf1) =	vsort.dscd.msk.f32 $0xffff, v37, v21;
	v26, v36, _ =	vpop (xrf1)  }
0x225: {  	v37 =	vadd.f32 v38, v23;
	(xrf1) =	vsort.dscd.msk.f32 $0xffff, v39, v21;
	vm0 =	vlt.f32 v32, v26;
	v22, v24, _ =	vpop (xrf1)  }
0x226: {  	v20 =	vld [tilespmem:s7+$0x810];
	v26 =	vsel vm0, v32, v26;
	v32 =	vsel vm0, v33, v36;
	vm0 =	vlt.f32 v29, v22  }
0x227: {  	v22 =	vsel vm0, v29, v22;
	v24 =	vsel vm0, v34, v24;
	v29, v33, _ =	vpop (xrf1);
	(xrf1) =	vsort.ascd.msk.f32 $0xffff, v26, v32  }
0x228: {  	v26 =	vadd.f32 v19, v37;
	vm0 =	vlt.f32 v25, v29;
	v19, v23, _ =	vpop (xrf1);
	(xrf1) =	vsort.ascd.msk.f32 $0xffff, v22, v24  }
0x229: {  	v22 =	vsel vm0, v25, v29;
	v24 =	vsel vm0, v31, v33;
	vm0 =	vlt.f32 v28, v19  }
.Ltmp3:
0x22a: {  	v19 =	vsel vm0, v28, v19;
	v23 =	vsel vm0, v35, v23;
	(xrf1) =	vsort.ascd.msk.f32 $0xffff, v22, v24;
	(pc) =	sbr.rel @p0 .LBB2_9-.Ltmp3, $4  }
0x22b: {  	v22 =	vsub.f32 v30, v9;
	v25 =	vsub.f32 v20, v7;
	(xrf1) =	vsort.ascd.msk.f32 $0xffff, v19, v23  }
0x22c: {  	v19 =	vor.u32 s4, v1;
	v24 =	vsub.f32 v20, v10;
	v23 =	vsub.f32 v30, v12;
	(xrf1) =	vsort.dscd.msk.f32 $0xffff, v26, v21  }
0x22d: {  	v21 =	vmul.f32 v17, v17;
	v17 =	vmul.f32 v18, v18;
	v18 =	vsub.f32 v20, v14  }
0x22e: {  	s7 =	sadd.s32 $0x20, s7;
	v26 =	vmul.f32 v27, v27;
	v27 =	vmul.f32 v25, v25;
	v25 =	vsub.f32 v30, v4  }
0x22f: {  	v2 =	vmul.f32 v22, v22;
	v4 =	vmul.f32 v24, v24;
	_ =	sdelay $0x1  }
0x230: {  	v3 =	vsub.f32 v20, v3;
	v2 =	vadd.f32 v4, v2  }
0x231: {  	v7 =	vmul.f32 v23, v23;
	v8 =	vmul.f32 v18, v18;
	v6 =	vadd.f32 v27, v26  }
0x232: {  	v34 =	vmul.f32 v25, v25;
	v3 =	vmul.f32 v3, v3;
	v2 =	vadd.f32 v17, v2  }
0x233: {  	v35 =	vmul.f32 v16, v16;
	v7 =	vadd.f32 v8, v7;
	v9, v10, _ =	vpop (xrf1);
	v6 =	vadd.f32 v21, v6  }
0x234: {  	v36 =	vmul.f32 v15, v15;
	v11, v12, _ =	vpop (xrf1);
	v3 =	vadd.f32 v3, v34  }
0x235: {  	v7 =	vadd.f32 v35, v7;
	v38, v37, _ =	vpop (xrf1);
	(xrf1) =	vsort.dscd.msk.f32 $0xffff, v6, v19  }
0x236: {  	v3 =	vadd.f32 v36, v3;
	(xrf1) =	vsort.dscd.msk.f32 $0xffff, v2, v19;
	v2, v39, _ =	vpop (xrf1)  }
0x237: {  	(xrf1) =	vsort.dscd.msk.f32 $0xffff, v7, v19;
	vm0 =	vlt.f32 v9, v2  }
0x238: {  	(xrf1) =	vsort.dscd.msk.f32 $0xffff, v3, v19;
	v40, v13, _ =	vpop (xrf1);
	v3 =	vsel vm0, v10, v39  }
0x239: {  	v2 =	vsel vm0, v9, v2;
	vm9 =	vlt.f32 v11, v40  }
0x23a: {  	v42, v41, _ =	vpop (xrf1);
	v7 =	vsel vm9, v11, v40;
	(xrf1) =	vsort.ascd.msk.f32 $0xffff, v2, v3;
	_ =	sdelay $0x1  }
0x23b: {  	v43 =	vsel vm9, v12, v13;
	v2, v3, _ =	vpop (xrf1)  }
0x23c: {  	vm10 =	vlt.f32 v38, v42;
	(xrf1) =	vsort.ascd.msk.f32 $0xffff, v7, v43;
	v7, v10, _ =	vpop (xrf1)  }
0x23d: {  	v4 =	vsel vm10, v38, v42;
	v44 =	vsel vm10, v37, v41;
	vm11 =	vlt.f32 v7, v2  }
0x23e: {  	(xrf1) =	vsort.ascd.msk.f32 $0xffff, v4, v44;
	v2 =	vsel vm11, v7, v2;
	v3 =	vsel vm11, v10, v3  }
0x23f: {  	(xrf1) =	vsort.ascd.msk.f32 $0xffff, v2, v3;
	_ =	sdelay $0x3  }
0x240: {  	v2, v3, _ =	vpop (xrf1)  }
0x241: {  	v4, v6, _ =	vpop (xrf1)  }
0x242: {  	v46, v45, _ =	vpop (xrf1)  }
0x243: {  	v47, v48, _ =	vpop (xrf1)  }
0x244: {  	v49, v50, _ =	vpop (xrf1)  }
0x245: {  	vm12 =	vlt.f32 v2, v49  }
0x246: {  	v3 =	vsel vm12, v3, v50  }
0x247: {  	v2 =	vsel vm12, v2, v49;
	v51, v14, _ =	vpop (xrf1)  }
0x248: {  	vm13 =	vlt.f32 v4, v51  }
0x249: {  	(xrf1) =	vsort.ascd.msk.f32 $0xffff, v2, v3;
	v52, v53, _ =	vpop (xrf1);
	v4 =	vsel vm13, v4, v51;
	v6 =	vsel vm13, v6, v14  }
0x24a: {  	vm14 =	vlt.f32 v46, v52;
	(xrf1) =	vsort.ascd.msk.f32 $0xffff, v4, v6;
	v2, v3, _ =	vpop (xrf1)  }
0x24b: {  	v54 =	vsel vm14, v46, v52;
	v55 =	vsel vm14, v45, v53;
	vm15 =	vlt.f32 v47, v2  }
0x24c: {  	(xrf1) =	vsort.ascd.msk.f32 $0xffff, v54, v55;
	v2 =	vsel vm15, v47, v2;
	v3 =	vsel vm15, v48, v3  }
0x24d: {  	(xrf1) =	vsort.ascd.msk.f32 $0xffff, v2, v3;
	_ =	sdelay $0x6  }
0x24e: {  	s4 =	sor.u32 $0xC, s23  }
0x24f: {  	s8 =	sor.u32 $0xD, s23;
	v2 =	vor.u32 s4, v5  }
0x250: {  	s9 =	sor.u32 $0xE, s23;
	v3 =	vor.u32 s8, v5  }
0x251: {  	s23 =	sor.u32 $0xF, s23;
	s0 =	sadd.s32 $0x1, s0;
	v56 =	vor.u32 s9, v5  }
0x252: {  	v59 =	vor.u32 s23, v5;
	p0 =	sne.s32 s0, $0x4;
	v58, v57, _ =	vpop (xrf1)  }
.Ltmp4:
0x253: {  	v6 =	vadd.s32 v0, v57;
	v60, v8, _ =	vpop (xrf1);
	(pc) =	sbr.rel @p0 .LBB2_2-.Ltmp4, $4  }
0x254: {  	[tilespmem:v2+s29+$0x0] =	vst.idx.msk $0xffff, v6;
	v62, v61, _ =	vpop (xrf1);
	v2 =	vadd.s32 v0, v8  }
0x255: {  	[tilespmem:v3+s29+$0x0] =	vst.idx.msk $0xffff, v2;
	v2 =	vadd.s32 v0, v61;
	v63, v7, _ =	vpop (xrf1)  }
0x256: {  	[tilespmem:v56+s29+$0x0] =	vst.idx.msk $0xffff, v2;
	v2 =	vadd.s32 v0, v7  }
0x257: {  	[tilespmem:v59+s29+$0x0] =	vst.idx.msk $0xffff, v2  }
0x258: {  	[tilespmem:s31], [sflag:$0x1] =	stream.indirect.gather [hbm4b:s3+s30], $0x80, s29, s30, $0xb8;
	[tilespmem:$0x5D00] =	vst v63  }
0x259: {  	s0 =	simm.s32 $0x1940  }
0x25a: {  	[tilespmem:s1], [sflag:$0x2] =	stream.indirect.gather [hbm4b:s3+s30], $0x80, s0, s30, $0xb8;
	[tilespmem:$0x5D00] =	vst v63  }
0x25b: {  	_ =	swait.ge [sflag:s24], $0x2000  }
0x25c: {  	[sflag:s24] =	ssyncset.done $0x0  }
0x25d: {  	[sflag:s24] =	ssyncadd.s32 $0xFFFFE000  }
0x25e: {  	[hbm4b:s6+s2] =	stream.linear.scatter [tilespmem:s31], [sflag:$0x3], $0x2000, $0x38;
	[tilespmem:$0x5D00] =	vst v63  }
0x25f: {  	_ =	swait.ge [sflag:s25], $0x2000  }
0x260: {  	[sflag:s25] =	ssyncset.done $0x0  }
0x261: {  	s5 =	simm.s32 $0x1980;
	[sflag:s25] =	ssyncadd.s32 $0xFFFFE000  }
0x262: {  	[tilespmem:s31], [sflag:$0x1] =	stream.indirect.gather [hbm4b:s3+s30], $0x80, s5, s30, $0xb8;
	[tilespmem:$0x5D00] =	vst v63  }
0x263: {  	_ =	swait.ge [sflag:s28], $0x2000  }
0x264: {  	[sflag:s28] =	ssyncset.done $0x0  }
0x265: {  	s7 =	rddreg [dreg:$0x5];
	[sflag:s28] =	ssyncadd.s32 $0xFFFFE000  }
0x266: {  	[hbm4b:s7+s2] =	stream.linear.scatter [tilespmem:s1], [sflag:$0x3], $0x2000, $0x38;
	[tilespmem:$0x5D00] =	vst v63  }
0x267: {  	_ =	swait.ge [sflag:s25], $0x2000  }
0x268: {  	[sflag:s25] =	ssyncset.done $0x0  }
0x269: {  	s8 =	simm.s32 $0x19C0;
	[sflag:s25] =	ssyncadd.s32 $0xFFFFE000  }
0x26a: {  	[tilespmem:s1], [sflag:$0x2] =	stream.indirect.gather [hbm4b:s3+s30], $0x80, s8, s30, $0xb8;
	[tilespmem:$0x5D00] =	vst v63  }
0x26b: {  	_ =	swait.ge [sflag:s24], $0x2000  }
0x26c: {  	[sflag:s24] =	ssyncset.done $0x0  }
0x26d: {  	s9 =	rddreg [dreg:$0x6];
	[sflag:s24] =	ssyncadd.s32 $0xFFFFE000  }
0x26e: {  	[hbm4b:s9+s2] =	stream.linear.scatter [tilespmem:s31], [sflag:$0x3], $0x2000, $0x38;
	[tilespmem:$0x5D00] =	vst v63  }
0x26f: {  	_ =	swait.ge [sflag:s25], $0x2000  }
0x270: {  	[sflag:s25] =	ssyncset.done $0x0  }
0x271: {  	s23 =	simm.s32 $0x1A00;
	[sflag:s25] =	ssyncadd.s32 $0xFFFFE000  }
0x272: {  	[tilespmem:s31], [sflag:$0x1] =	stream.indirect.gather [hbm4b:s3+s30], $0x80, s23, s30, $0xb8;
	[tilespmem:$0x5D00] =	vst v63  }
0x273: {  	_ =	swait.ge [sflag:s28], $0x2000  }
0x274: {  	[sflag:s28] =	ssyncset.done $0x0  }
0x275: {  	[sflag:s28] =	ssyncadd.s32 $0xFFFFE000  }
0x276: {  	[hbm4b:s10+s2] =	stream.linear.scatter [tilespmem:s1], [sflag:$0x3], $0x2000, $0x38;
	[tilespmem:$0x5D00] =	vst v63  }
0x277: {  	_ =	swait.ge [sflag:s25], $0x2000  }
0x278: {  	[sflag:s25] =	ssyncset.done $0x0  }
0x279: {  	s4 =	simm.s32 $0x1A40;
	[sflag:s25] =	ssyncadd.s32 $0xFFFFE000  }
0x27a: {  	[tilespmem:s1], [sflag:$0x2] =	stream.indirect.gather [hbm4b:s3+s30], $0x80, s4, s30, $0xb8;
	[tilespmem:$0x5D00] =	vst v63  }
0x27b: {  	_ =	swait.ge [sflag:s24], $0x2000  }
0x27c: {  	[sflag:s24] =	ssyncset.done $0x0  }
0x27d: {  	[sflag:s24] =	ssyncadd.s32 $0xFFFFE000  }
0x27e: {  	[hbm4b:s11+s2] =	stream.linear.scatter [tilespmem:s31], [sflag:$0x3], $0x2000, $0x38;
	[tilespmem:$0x5D00] =	vst v63  }
0x27f: {  	_ =	swait.ge [sflag:s25], $0x2000  }
0x280: {  	[sflag:s25] =	ssyncset.done $0x0  }
0x281: {  	s5 =	simm.s32 $0x1A80;
	[sflag:s25] =	ssyncadd.s32 $0xFFFFE000  }
0x282: {  	[tilespmem:s31], [sflag:$0x1] =	stream.indirect.gather [hbm4b:s3+s30], $0x80, s5, s30, $0xb8;
	[tilespmem:$0x5D00] =	vst v63  }
0x283: {  	_ =	swait.ge [sflag:s28], $0x2000  }
0x284: {  	[sflag:s28] =	ssyncset.done $0x0  }
0x285: {  	[sflag:s28] =	ssyncadd.s32 $0xFFFFE000  }
0x286: {  	[hbm4b:s12+s2] =	stream.linear.scatter [tilespmem:s1], [sflag:$0x3], $0x2000, $0x38;
	[tilespmem:$0x5D00] =	vst v63  }
0x287: {  	_ =	swait.ge [sflag:s25], $0x2000  }
0x288: {  	[sflag:s25] =	ssyncset.done $0x0  }
0x289: {  	s7 =	simm.s32 $0x1AC0;
	[sflag:s25] =	ssyncadd.s32 $0xFFFFE000  }
0x28a: {  	[tilespmem:s1], [sflag:$0x2] =	stream.indirect.gather [hbm4b:s3+s30], $0x80, s7, s30, $0xb8;
	[tilespmem:$0x5D00] =	vst v63  }
0x28b: {  	_ =	swait.ge [sflag:s24], $0x2000  }
0x28c: {  	[sflag:s24] =	ssyncset.done $0x0  }
0x28d: {  	[sflag:s24] =	ssyncadd.s32 $0xFFFFE000  }
0x28e: {  	[hbm4b:s13+s2] =	stream.linear.scatter [tilespmem:s31], [sflag:$0x3], $0x2000, $0x38;
	[tilespmem:$0x5D00] =	vst v63  }
0x28f: {  	_ =	swait.ge [sflag:s25], $0x2000  }
0x290: {  	[sflag:s25] =	ssyncset.done $0x0  }
0x291: {  	s8 =	simm.s32 $0x1B00;
	[sflag:s25] =	ssyncadd.s32 $0xFFFFE000  }
0x292: {  	[tilespmem:s31], [sflag:$0x1] =	stream.indirect.gather [hbm4b:s3+s30], $0x80, s8, s30, $0xb8;
	[tilespmem:$0x5D00] =	vst v63  }
0x293: {  	_ =	swait.ge [sflag:s28], $0x2000  }
0x294: {  	[sflag:s28] =	ssyncset.done $0x0  }
0x295: {  	[sflag:s28] =	ssyncadd.s32 $0xFFFFE000  }
0x296: {  	[hbm4b:s14+s2] =	stream.linear.scatter [tilespmem:s1], [sflag:$0x3], $0x2000, $0x38;
	[tilespmem:$0x5D00] =	vst v63  }
0x297: {  	_ =	swait.ge [sflag:s25], $0x2000  }
0x298: {  	[sflag:s25] =	ssyncset.done $0x0  }
0x299: {  	s9 =	simm.s32 $0x1B40;
	[sflag:s25] =	ssyncadd.s32 $0xFFFFE000  }
0x29a: {  	[tilespmem:s1], [sflag:$0x2] =	stream.indirect.gather [hbm4b:s3+s30], $0x80, s9, s30, $0xb8;
	[tilespmem:$0x5D00] =	vst v63  }
0x29b: {  	_ =	swait.ge [sflag:s24], $0x2000  }
0x29c: {  	[sflag:s24] =	ssyncset.done $0x0  }
0x29d: {  	[sflag:s24] =	ssyncadd.s32 $0xFFFFE000  }
0x29e: {  	[hbm4b:s15+s2] =	stream.linear.scatter [tilespmem:s31], [sflag:$0x3], $0x2000, $0x38;
	[tilespmem:$0x5D00] =	vst v63  }
0x29f: {  	_ =	swait.ge [sflag:s25], $0x2000  }
0x2a0: {  	[sflag:s25] =	ssyncset.done $0x0  }
0x2a1: {  	s23 =	simm.s32 $0x1B80;
	[sflag:s25] =	ssyncadd.s32 $0xFFFFE000  }
0x2a2: {  	[tilespmem:s31], [sflag:$0x1] =	stream.indirect.gather [hbm4b:s3+s30], $0x80, s23, s30, $0xb8;
	[tilespmem:$0x5D00] =	vst v63  }
0x2a3: {  	_ =	swait.ge [sflag:s28], $0x2000  }
0x2a4: {  	[sflag:s28] =	ssyncset.done $0x0  }
0x2a5: {  	[sflag:s28] =	ssyncadd.s32 $0xFFFFE000  }
0x2a6: {  	[hbm4b:s16+s2] =	stream.linear.scatter [tilespmem:s1], [sflag:$0x3], $0x2000, $0x38;
	[tilespmem:$0x5D00] =	vst v63  }
0x2a7: {  	_ =	swait.ge [sflag:s25], $0x2000  }
0x2a8: {  	[sflag:s25] =	ssyncset.done $0x0  }
0x2a9: {  	s4 =	simm.s32 $0x1BC0;
	[sflag:s25] =	ssyncadd.s32 $0xFFFFE000  }
0x2aa: {  	[tilespmem:s1], [sflag:$0x2] =	stream.indirect.gather [hbm4b:s3+s30], $0x80, s4, s30, $0xb8;
	[tilespmem:$0x5D00] =	vst v63  }
0x2ab: {  	_ =	swait.ge [sflag:s24], $0x2000  }
0x2ac: {  	[sflag:s24] =	ssyncset.done $0x0  }
0x2ad: {  	[sflag:s24] =	ssyncadd.s32 $0xFFFFE000  }
0x2ae: {  	[hbm4b:s17+s2] =	stream.linear.scatter [tilespmem:s31], [sflag:$0x3], $0x2000, $0x38;
	[tilespmem:$0x5D00] =	vst v63  }
0x2af: {  	_ =	swait.ge [sflag:s25], $0x2000  }
0x2b0: {  	[sflag:s25] =	ssyncset.done $0x0  }
0x2b1: {  	s5 =	simm.s32 $0x1C00;
	[sflag:s25] =	ssyncadd.s32 $0xFFFFE000  }
0x2b2: {  	[tilespmem:s31], [sflag:$0x1] =	stream.indirect.gather [hbm4b:s3+s30], $0x80, s5, s30, $0xb8;
	[tilespmem:$0x5D00] =	vst v63  }
0x2b3: {  	_ =	swait.ge [sflag:s28], $0x2000  }
0x2b4: {  	[sflag:s28] =	ssyncset.done $0x0  }
0x2b5: {  	[sflag:s28] =	ssyncadd.s32 $0xFFFFE000  }
0x2b6: {  	[hbm4b:s18+s2] =	stream.linear.scatter [tilespmem:s1], [sflag:$0x3], $0x2000, $0x38;
	[tilespmem:$0x5D00] =	vst v63  }
0x2b7: {  	_ =	swait.ge [sflag:s25], $0x2000  }
0x2b8: {  	[sflag:s25] =	ssyncset.done $0x0  }
0x2b9: {  	s7 =	simm.s32 $0x1C40;
	[sflag:s25] =	ssyncadd.s32 $0xFFFFE000  }
0x2ba: {  	[tilespmem:s1], [sflag:$0x2] =	stream.indirect.gather [hbm4b:s3+s30], $0x80, s7, s30, $0xb8;
	[tilespmem:$0x5D00] =	vst v63  }
0x2bb: {  	_ =	swait.ge [sflag:s24], $0x2000  }
0x2bc: {  	[sflag:s24] =	ssyncset.done $0x0  }
0x2bd: {  	[sflag:s24] =	ssyncadd.s32 $0xFFFFE000  }
0x2be: {  	[hbm4b:s19+s2] =	stream.linear.scatter [tilespmem:s31], [sflag:$0x3], $0x2000, $0x38;
	[tilespmem:$0x5D00] =	vst v63  }
0x2bf: {  	_ =	swait.ge [sflag:s25], $0x2000  }
0x2c0: {  	[sflag:s25] =	ssyncset.done $0x0  }
0x2c1: {  	s8 =	simm.s32 $0x1C80;
	[sflag:s25] =	ssyncadd.s32 $0xFFFFE000  }
0x2c2: {  	[tilespmem:s31], [sflag:$0x1] =	stream.indirect.gather [hbm4b:s3+s30], $0x80, s8, s30, $0xb8;
	[tilespmem:$0x5D00] =	vst v63  }
0x2c3: {  	_ =	swait.ge [sflag:s28], $0x2000  }
0x2c4: {  	[sflag:s28] =	ssyncset.done $0x0  }
0x2c5: {  	[sflag:s28] =	ssyncadd.s32 $0xFFFFE000  }
0x2c6: {  	[hbm4b:s20+s2] =	stream.linear.scatter [tilespmem:s1], [sflag:$0x3], $0x2000, $0x38;
	[tilespmem:$0x5D00] =	vst v63  }
0x2c7: {  	_ =	swait.ge [sflag:s25], $0x2000  }
0x2c8: {  	[sflag:s25] =	ssyncset.done $0x0  }
0x2c9: {  	s9 =	simm.s32 $0x1CC0;
	[sflag:s25] =	ssyncadd.s32 $0xFFFFE000  }
0x2ca: {  	[tilespmem:s1], [sflag:$0x2] =	stream.indirect.gather [hbm4b:s3+s30], $0x80, s9, s30, $0xb8;
	[tilespmem:$0x5D00] =	vst v63  }
0x2cb: {  	_ =	swait.ge [sflag:s24], $0x2000  }
0x2cc: {  	[sflag:s24] =	ssyncset.done $0x0  }
0x2cd: {  	[sflag:s24] =	ssyncadd.s32 $0xFFFFE000  }
0x2ce: {  	[hbm4b:s21+s2] =	stream.linear.scatter [tilespmem:s31], [sflag:$0x3], $0x2000, $0x38;
	[tilespmem:$0x5D00] =	vst v63  }
0x2cf: {  	_ =	swait.ge [sflag:s25], $0x2000  }
0x2d0: {  	[sflag:s25] =	ssyncset.done $0x0  }
0x2d1: {  	[sflag:s25] =	ssyncadd.s32 $0xFFFFE000  }
0x2d2: {  	[tilespmem:s31], [sflag:$0x1] =	stream.indirect.gather [hbm4b:s3+s30], $0x80, s29, s30, $0xb8;
	[tilespmem:$0x5D00] =	vst v63  }
0x2d3: {  	_ =	swait.ge [sflag:s28], $0x2000  }
0x2d4: {  	[sflag:s28] =	ssyncset.done $0x0  }
0x2d5: {  	[sflag:s28] =	ssyncadd.s32 $0xFFFFE000  }
0x2d6: {  	[hbm4b:s22+s2] =	stream.linear.scatter [tilespmem:s1], [sflag:$0x3], $0x2000, $0x38;
	[tilespmem:$0x5D00] =	vst v63  }
0x2d7: {  	_ =	swait.ge [sflag:s25], $0x2000  }
0x2d8: {  	[sflag:s25] =	ssyncset.done $0x0  }
0x2d9: {  	[sflag:s25] =	ssyncadd.s32 $0xFFFFE000  }
0x2da: {  	_ =	swait.ge [sflag:s24], $0x2000  }
0x2db: {  	[sflag:s24] =	ssyncset.done $0x0  }
0x2dc: {  	[sflag:s24] =	ssyncadd.s32 $0xFFFFE000  }
0x2dd: {  	[hbm4b:s6+s2] =	stream.linear.scatter [tilespmem:s31], [sflag:$0x3], $0x2000, $0x38;
	[tilespmem:$0x5D00] =	vst v63  }
0x2de: {  	_ =	swait.ge [sflag:s25], $0x2000  }
0x2df: {  	s26 =	sadd.s32 $0x1, s26;
	s23 =	rddreg [dreg:$0x4]  }
0x2e0: {  	p0 =	sne.s32 s26, s23  }
.Ltmp5:
0x2e1: {  	_ = 	snop;
	(pc) =	sbr.rel @p0 .LBB2_1-.Ltmp5, $3  }
0x2e2: {  	_ =	sdelay $0x1  }
0x2e3: {  	[sflag:s25] =	ssyncset.done $0x0  }
0x2e4: {  	[sflag:s25] =	ssyncadd.s32 $0xFFFFE000  }
0x2e5: {  	_ =	sfence.sel $0x180000  }
0x2e6: {  	[bflag:$0x0] =	sbarrier.arrive $0xFFFF  }
0x2e7: {  	_ =	strace $0x90000047  }
0x2e8: {  	s0 =	stileid.u32;
	[bflag:$0x2] =	sbarrier.arrive $0xFFFF  }
0x2e9: {  	p0 =	sne.s32 s0, $0x0;
	s0 =	rddreg [dreg:$0x1]  }
0x2ea: {  	s0 =	sadd.s32 @!p0 $0x100000, s0  }
0x2eb: {  	[sflag:s0] =	ssyncadd.tile.s32 @!p0 $0x1;
	_ =	shalt  }
.Lfunc_end2:
_tile_overlayer_lowered:
.L_overlay_start_2:
0x2ec: {  	(tag) =	ssettag $0x2  }
0x2ed: {  	s0 =	rddreg [dreg:$0x0];
	s2 =	stileid.u32  }
0x2ee: {  	s1 =	rddreg [dreg:$0x1];
	p0 =	sne.s32 s2, $0x0  }
0x2ef: {  	s3 =	rddreg [dreg:$0x2];
	[bflag:$0x3] =	sbarrier.arrive $0xFFFF;
	s2 =	simm.s32 @!p0 $0x1C03  }
0x2f0: {  	[timem:s3], [sflag:s2] =	dma.local @!p0 [hbm:s0], s1  }
0x2f1: {  	s0 =	simm.s32 @!p0 $0x3  }
0x2f2: {  	_ =	swait.ge @!p0 [sflag:s0], s1  }
0x2f3: {  	s1 =	ssub.s32 @!p0 $0x0, s1;
	[sflag:s0] =	ssyncset.done @!p0 $0x0  }
0x2f4: {  	[sflag:s0] =	ssyncadd.s32 @!p0 s1  }
0x2f5: {  	[bflag:$0x3] =	sbarrier.arrive $0xFFFF  }
0x2f6: {  	_ =	shalt  }

// kernel: kernel.9.cloned.1.call-start
scs
__scs_entry_jumppad:
0x0: {  	(pc) =	sbr.rel $0x88, $3  }
0x1: {  	(tag) =	ssettag $0x0;
	lr =	simm.s32 $0x1  }
0x2: {  	[smem:$0x3F98] =	sst lr;
	_ =	strace $0xD0000000  }
0x3: {  	_ = 	snop  }
0x4: {  	_ = 	snop  }
0x5: {  	_ = 	snop  }
0x6: {  	_ = 	snop  }
0x7: {  	_ = 	snop  }
__scs_overlays_trampoline_lowered:
0x8: {  	[smem:$0x3FA7] =	sst s0  }
0x9: {  	[smem:$0x3FA8] =	sst s1  }
0xa: {  	[smem:$0x3FA9] =	sst s2  }
0xb: {  	[smem:$0x3FAA] =	sst s3  }
0xc: {  	[smem:$0x3FAB] =	sst s4  }
0xd: {  	[smem:$0x3FAC] =	sst s5  }
0xe: {  	[smem:$0x3FAD] =	sst s6  }
0xf: {  	[smem:$0x3FAE] =	sst s7  }
0x10: {  	[smem:$0x3FAF] =	sst s8  }
0x11: {  	[smem:$0x3FB0] =	sst s9;
	s0 =	simm.s32 @!p0 $0x0  }
0x12: {  	s1 =	sld [smem:$0x3F96];
	s0 =	simm.s32 @p0 $0x1  }
0x13: {  	[smem:$0x3FB1] =	sst s0;
	s0 =	simm.s32 @!p1 $0x0  }
0x14: {  	s2 =	sld [smem:$0x3F95];
	s0 =	simm.s32 @p1 $0x1  }
0x15: {  	[smem:$0x3FB2] =	sst s0;
	s0 =	simm.s32 @!p2 $0x0  }
0x16: {  	s3 =	sld [smem:$0x3FDB];
	s0 =	simm.s32 @p2 $0x1  }
0x17: {  	s4 =	simm.s32 $0x1BF5;
	[smem:$0x3FB4] =	sst s0  }
0x18: {  	s0 =	sld [smem:$0x3F97];
	_ =	swait.ge [sflag:s4], $0x0  }
0x19: {  	s7 =	sld [smem:$0x3F98]  }
0x1a: {  	s8 =	sadd.s32 $0xFFFFE003, lr  }
0x1b: {  	s9 =	sadd.s32 $0xFFFFFEF7, lr;
	s5 =	simm.s32 $0xFFFFFFFF;
	p2 =	slt.u32 s8, $0xFFFFF086  }
0x1c: {  	p1 =	slt.u32 s9, $0xF7A;
	s5 =	simm.s32 @!p2 $0x0  }
0x1d: {  	s5 =	simm.s32 @p1 $0x1;
	p0 =	seq.s32 s7, s2  }
0x1e: {  	s7 =	smul.u32 @!p0 $0xF7A, s2;
	p2 =	seq.s32 @!p0 s5, $0x0  }
0x1f: {  	s9 =	smul.u32 $0xF7A, s1;
	s8 =	simm.s32 @!p0 $0x1BF5;
	p2 =	por !p2, p0  }
0x20: {  	[sflag:s8] =	ssyncset.s32 @!p0 $0xFFFFF086;
	s6 =	sadd.s32 @!p0 s3, s7;
	s7 =	simm.s32 @!p0 $0x108  }
0x21: {  	s3 =	sadd.s32 s3, s9;
	s6 =	sadd.s32 @!p0 $0x88, s6;
	s7 =	simm.s32 @p2 $0x1082  }
0x22: {  	[simem:s7], [sflag:s8] =	dma.local @!p0 [hbm:s6], $0xF7A  }
0x23: {  	s9 =	sor.u32 $0xD0000000, s2;
	s6 =	simm.s32 $0x108;
	_ =	swait.ge @!p0 [sflag:s8], $0x0  }
0x24: {  	s3 =	sadd.s32 $0x88, s3;
	s6 =	simm.s32 @!p1 $0x1082;
	[sflag:s4] =	ssyncset.s32 $0xFFFFF086  }
0x25: {  	[simem:s6], [sflag:s4] =	dma.local [hbm:s3], $0xF7A  }
0x26: {  	[smem:$0x3F98] =	sst s1;
	(tag) =	ssettag s2;
	_ =	strace s9  }
0x27: {  	s1 =	sld [smem:$0x3FA8]  }
0x28: {  	s2 =	sld [smem:$0x3FA9]  }
0x29: {  	s4 =	sld [smem:$0x3FAB]  }
0x2a: {  	p0 =	seq.s32 s5, $0x0;
	s5 =	sld [smem:$0x3FAC]  }
0x2b: {  	s6 =	sld [smem:$0x3FAD]  }
0x2c: {  	s7 =	sld [smem:$0x3FAE]  }
0x2d: {  	s3 =	simm.s32 $0x108;
	s8 =	sld [smem:$0x3FAF]  }
0x2e: {  	s3 =	simm.s32 @!p0 $0x1082;
	s9 =	sld [smem:$0x3FB0]  }
0x2f: {  	lr =	sadd.s32 s0, s3;
	s0 =	sld [smem:$0x3FA7]  }
0x30: {  	s3 =	sld [smem:$0x3FAA]  }
0x31: {  	[smem:$0x3FB3] =	sst s10  }
0x32: {  	s10 =	sld [smem:$0x3FB1];
	_ =	sdelay $0x3  }
0x33: {  	p0 =	seq.s32 s10, $0x1;
	s10 =	sld [smem:$0x3FB3];
	_ =	sdelay $0x3  }
0x34: {  	[smem:$0x3FB3] =	sst s10  }
0x35: {  	s10 =	sld [smem:$0x3FB2];
	_ =	sdelay $0x3  }
0x36: {  	p1 =	seq.s32 s10, $0x1;
	s10 =	sld [smem:$0x3FB3];
	_ =	sdelay $0x3  }
0x37: {  	[smem:$0x3FB3] =	sst s10  }
0x38: {  	s10 =	sld [smem:$0x3FB4]  }
0x39: {  	_ = 	snop;
	(pc) =	sbr.ind lr, $3  }
0x3a: {  	_ = 	snop  }
0x3b: {  	_ = 	snop  }
0x3c: {  	p2 =	seq.s32 s10, $0x1;
	s10 =	sld [smem:$0x3FB3]  }
0x3d: {  	_ =	shalt  }
0x3e: {  	_ =	shalt  }
0x3f: {  	_ =	shalt  }
0x40: {  	_ =	shalt  }
0x41: {  	_ =	shalt  }
0x42: {  	_ =	shalt  }
0x43: {  	_ =	shalt  }
0x44: {  	_ =	shalt  }
0x45: {  	_ =	shalt  }
0x46: {  	_ =	shalt  }
0x47: {  	_ =	shalt  }
0x48: {  	_ =	shalt  }
0x49: {  	_ =	shalt  }
0x4a: {  	_ =	shalt  }
0x4b: {  	_ =	shalt  }
0x4c: {  	_ =	shalt  }
0x4d: {  	_ =	shalt  }
0x4e: {  	_ =	shalt  }
0x4f: {  	_ =	shalt  }
0x50: {  	_ =	shalt  }
0x51: {  	_ =	shalt  }
0x52: {  	_ =	shalt  }
0x53: {  	_ =	shalt  }
0x54: {  	_ =	shalt  }
0x55: {  	_ =	shalt  }
0x56: {  	_ =	shalt  }
0x57: {  	_ =	shalt  }
0x58: {  	_ =	shalt  }
0x59: {  	_ =	shalt  }
0x5a: {  	_ =	shalt  }
0x5b: {  	_ =	shalt  }
0x5c: {  	_ =	shalt  }
0x5d: {  	_ =	shalt  }
0x5e: {  	_ =	shalt  }
0x5f: {  	_ =	shalt  }
0x60: {  	_ =	shalt  }
0x61: {  	_ =	shalt  }
0x62: {  	_ =	shalt  }
0x63: {  	_ =	shalt  }
0x64: {  	_ =	shalt  }
0x65: {  	_ =	shalt  }
0x66: {  	_ =	shalt  }
0x67: {  	_ =	shalt  }
0x68: {  	_ =	shalt  }
0x69: {  	_ =	shalt  }
0x6a: {  	_ =	shalt  }
0x6b: {  	_ =	shalt  }
0x6c: {  	_ =	shalt  }
0x6d: {  	_ =	shalt  }
0x6e: {  	_ =	shalt  }
0x6f: {  	_ =	shalt  }
0x70: {  	_ =	shalt  }
0x71: {  	_ =	shalt  }
0x72: {  	_ =	shalt  }
0x73: {  	_ =	shalt  }
0x74: {  	_ =	shalt  }
0x75: {  	_ =	shalt  }
0x76: {  	_ =	shalt  }
0x77: {  	_ =	shalt  }
0x78: {  	_ =	shalt  }
0x79: {  	_ =	shalt  }
0x7a: {  	_ =	shalt  }
0x7b: {  	_ =	shalt  }
0x7c: {  	_ =	shalt  }
0x7d: {  	_ =	shalt  }
0x7e: {  	_ =	shalt  }
0x7f: {  	_ =	shalt  }
0x80: {  	_ =	shalt  }
0x81: {  	_ =	shalt  }
0x82: {  	_ =	shalt  }
0x83: {  	_ =	shalt  }
0x84: {  	_ =	shalt  }
0x85: {  	_ =	shalt  }
0x86: {  	_ =	shalt  }
0x87: {  	_ =	shalt  }
.Lfunc_end0:
.L_simem_size_0:
called_computation.1_lowered:
.L_overlay_start_0:
0x88: {  	s2 =	sld [smem:$0x3FD9]  }
0x89: {  	s3 =	sld [smem:$0x3FFE];
	_ =	sdelay $0x1  }
0x8a: {  	s1 =	srdreg.scid  }
0x8b: {  	s0 =	sand.u32 $0x1, s1  }
0x8c: {  	s17 =	sshll.u32 s0, $0xA;
	s2 =	sadd.s32 s3, s2  }
0x8d: {  	s2 =	sadd.s32 s2, s17  }
0x8e: {  	[smem:$0x3FBF] =	sst s2  }
0x8f: {  	_ = 	snop  }
0x90: {  	s18 =	sld [smem:$0x3FD0];
	(tm) =	ssettm $0x1  }
0x91: {  	s19 =	sld [smem:$0x3FFB];
	_ =	sdelay $0x3  }
0x92: {  	_ =	strace s19  }
0x93: {  	s2 =	sld [smem:$0x3FFC];
	_ =	sdelay $0x3  }
0x94: {  	_ =	strace s2  }
0x95: {  	s2 =	sld [smem:$0x3FFD];
	_ =	sdelay $0x3  }
0x96: {  	_ =	strace s2  }
0x97: {  	_ =	strace $0x8FFFFFFF  }
0x98: {  	s20 =	sld [smem:$0x3FDB];
	_ =	sdelay $0x1  }
0x99: {  	s4 =	simm.s32 $_scs_section_size  }
0x9a: {  	s5 =	simm.s32 $_size__tile_overlayer_lowered;
	s6 =	simm.s32 $_tile_overlayer_lowered  }
0x9b: {  	s7 =	simm.s32 $0x1BFF;
	s21 =	sshll.u32 s6, $0x1;
	s4 =	sadd.s32 s4, s20  }
0x9c: {  	s22 =	simm.s32 $0x0;
	s5 =	sshll.u32 s5, $0x1;
	s6 =	sadd.s32 s21, s4  }
0x9d: {  	[timem:s22], [sflag:s7] =	dma.local [hbm:s6], s5  }
0x9e: {  	_ =	swait.ge [sflag:s7], s5  }
0x9f: {  	s5 =	ssub.s32 $0x0, s5;
	[sflag:s7] =	ssyncset.done $0x0  }
0xa0: {  	[sflag:s7] =	ssyncadd.s32 s5;
	_ =	sdelay $0x1  }
0xa1: {  	s23 =	simm.s32 $0x1B8B  }
0xa2: {  	_ =	swait.ge [sflag:s23], $0x1  }
0xa3: {  	[sflag:s23] =	ssyncset.done $0x0  }
0xa4: {  	[sflag:s23] =	ssyncadd.s32 $0xFFFFFFFF  }
0xa5: {  	s5 =	sld [smem:$0x0]  }
0xa6: {  	s6 =	sand.u32 $0xFFFFFFFE, s1  }
0xa7: {  	p0 =	sne.s32 s1, s6  }
0xa8: {  	s6 =	sshll.u32 @p0 s6, $0xE  }
0xa9: {  	s6 =	sadd.s32 @p0 $0x11B8D, s6;
	s7 =	sshll.u32 @p0 s5, $0x11  }
0xaa: {  	s6 =	sor.u32 @p0 s7, s6  }
0xab: {  	[sflag:s6] =	ssyncadd.remote.s32 @p0 $0x1;
	_ =	sdelay $0x1  }
0xac: {  	s6 =	simm.s32 @p0 $0x1B8D  }
0xad: {  	_ =	swait.eq @p0 [sflag:s6], $0x1  }
0xae: {  	[sflag:s6] =	ssyncadd.s32 @p0 $0xFFFFFFFF  }
0xaf: {  	s7 =	sshll.u32 @!p0 s1, $0xE  }
0xb0: {  	s7 =	sor.u32 @!p0 $0x4000, s7;
	s6 =	simm.s32 @!p0 $0x1B8D  }
0xb1: {  	s5 =	sshll.u32 @!p0 s5, $0x11;
	s7 =	sadd.s32 @!p0 $0x11B8D, s7;
	_ =	swait.eq @!p0 [sflag:s6], $0x1  }
0xb2: {  	s5 =	sor.u32 @!p0 s5, s7;
	[sflag:s6] =	ssyncadd.s32 @!p0 $0xFFFFFFFF  }
0xb3: {  	s25 =	simm.s32 $0x1B8E;
	s24 =	sld [smem:$0x3FFE];
	[sflag:s5] =	ssyncadd.remote.s32 @!p0 $0x1  }
0xb4: {  	s26 =	simm.s32 $execute0_lowered;
	[smem:$0x3FD2] =	sst s25  }
0xb5: {  	s6 =	sshll.u32 s26, $0x1;
	_ =	strace $0x80000049;
	[dreg:$0x1] =	wrdreg $0xFFFFFFFF  }
0xb6: {  	s28 =	simm.s32 $_size_execute0_lowered;
	s4 =	sadd.s32 s4, s6;
	[dreg:$0x0] =	wrdreg $0x0  }
0xb7: {  	s6 =	sshll.u32 s28, $0x1;
	[dreg:$0x2] =	wrdreg s4  }
0xb8: {  	[dreg:$0x3] =	wrdreg s6  }
0xb9: {  	[dreg:$0x4] =	wrdreg $0xC0  }
0xba: {  	_ =	task [dreg:s22], $0x5FFFF  }
0xbb: {  	[dreg:$0x1] =	wrdreg $0xFFFFFFFF  }
0xbc: {  	[dreg:$0x0] =	wrdreg $0x60  }
0xbd: {  	[dreg:$0x2] =	wrdreg s24  }
0xbe: {  	[dreg:$0x3] =	wrdreg s18  }
0xbf: {  	[dreg:$0x4] =	wrdreg $0xA  }
0xc0: {  	_ =	task.clear_ibuf [dreg:s22], $0x5FFFF;
	_ =	strace $0x90000049  }
0xc1: {  	s29 =	simm.s32 $0xA;
	_ =	strace $0x8000004B  }
0xc2: {  	_ =	swait.ge [sflag:s29], $0x1  }
0xc3: {  	[sflag:s29] =	ssyncadd.s32 $0xFFFFFFFF  }
0xc4: {  	_ =	strace $0x9000004B  }
0xc5: {  	_ =	sfence  }
0xc6: {  	s30 =	sld [smem:$0x0];
	_ =	sdelay $0x2  }
0xc7: {  	s31 =	sshll.u32 s1, $0xD;
	s1 =	sshrl.u32 s1, $0x2  }
0xc8: {  	s4 =	sand.u32 $0x4000, s31;
	s1 =	sadd.s32 s1, s30  }
0xc9: {  	s0 =	sor.u32 s4, s0;
	s1 =	sshll.u32 s1, $0x11  }
0xca: {  	s0 =	sor.u32 s1, s0  }
0xcb: {  	s0 =	sadd.s32 $0x8F2B, s0  }
0xcc: {  	[sflag:s0] =	ssyncadd.remote.s32 $0x1  }
0xcd: {  	_ =	sfence.sel $0xFFFF  }
0xce: {  	[dreg:$0x0] =	wrdreg $0xFFFFFFFF;
	(pc) =	sbr.abs _section_cstart, $3  }
0xcf: {  	[dreg:$0x1] =	wrdreg $0xFFFFFFFF  }
0xd0: {  	_ =	task.clear_ibuf [dreg:s22], $0x2FFFF;
	_ =	strace $0x9FFFFFFF  }
0xd1: {  	(tm) =	ssettm $0x7FFFFFFF  }
tec
execute0_lowered:
.L_overlay_start_1:
0x0: {  	(tag) =	ssettag $0x1  }
0x1: {  	s0 =	rddreg [dreg:$0x0]  }
0x2: {  	s2 =	rddreg [dreg:$0x1];
	s3 =	simm.s32 $0x0  }
0x3: {  	s6 =	stileid.u32;
	s4 =	srdreg.scid;
	s29 =	simm.s32 $0x1900  }
0x4: {  	s30 =	simm.s32 $0x40;
	s31 =	simm.s32 $0x1D00;
	s28 =	simm.s32 $0x2  }
0x5: {  	[smem:$0x7FF] =	sst s3;
	s1 =	sshrl.u32 s6, $0x3;
	s5 =	sshll.u32 s6, $0x6  }
0x6: {  	s4 =	sand.u32 $0x1, s4;
	s6 =	sshll.u32 s6, $0x1;
	_ =	strace $0x8000004A  }
0x7: {  	s7 =	sshll.u32 s1, $0x4;
	s5 =	sand.u32 $0x300, s5;
	s6 =	sor.u32 s4, s6  }
0x8: {  	s4 =	ssub.s32 $0x2, s4;
	s23 =	sshll.u32 s1, $0xB;
	s1 =	simm.s32 $0x3D00  }
0x9: {  	s7 =	sadd.s32 s7, s0;
	s5 =	sadd.s32 s5, s0;
	s8 =	sshll.u32 s6, $0x4  }
0xa: {  	s6 =	sshll.u32 s6, $0xA;
	s21 =	sshrl.u32 s4, $0x1;
	s8 =	sand.u32 $0x70, s8  }
0xb: {  	s0 =	sadd.s32 s6, s0;
	s4 =	ssub.s32 s4, s21;
	s22 =	sadd.s32 $0x2A00, s7  }
0xc: {  	s5 =	sadd.s32 s8, s5;
	[dreg:$0x3] =	wrdreg s22;
	s6 =	sadd.s32 $0x93E00, s0  }
0xd: {  	s24 =	sadd.s32 $0x9BE00, s0;
	s25 =	sadd.s32 $0xA3E00, s0;
	s26 =	sadd.s32 $0xABE00, s0  }
0xe: {  	s10 =	sadd.s32 $0xB3E00, s0;
	s11 =	sadd.s32 $0xBBE00, s0;
	s12 =	sadd.s32 $0xC3E00, s0  }
0xf: {  	s13 =	sadd.s32 $0xCBE00, s0;
	s14 =	sadd.s32 $0xD3E00, s0;
	s15 =	sadd.s32 $0xDBE00, s0  }
0x10: {  	s16 =	sadd.s32 $0xE3E00, s0;
	s17 =	sadd.s32 $0xEBE00, s0;
	s18 =	sadd.s32 $0xF3E00, s0  }
0x11: {  	s19 =	sadd.s32 $0xFBE00, s0;
	s20 =	smax.u32 s4, $0x1;
	[dreg:$0x5] =	wrdreg s24  }
0x12: {  	s21 =	sadd.s32 $0x103E00, s0;
	s22 =	sadd.s32 $0x10BE00, s0;
	[dreg:$0x6] =	wrdreg s25  }
0x13: {  	s5 =	sadd.s32 $0x93A00, s5;
	[dreg:$0x7] =	wrdreg s26;
	s25 =	simm.s32 $0x3  }
0x14: {  	v1 =	vlaneseq.u32;
	v0 =	vmov s23;
	s24 =	simm.s32 $0x1;
	s26 =	simm.s32 $0x0;
	[dreg:$0x4] =	wrdreg s5  }
.LBB2_1:
0x15: {  	s0 =	rddreg [dreg:$0x3];
	s4 =	simm.s32 $0x80;
	s5 =	simm.s32 $0x100  }
0x16: {  	[tilespmem:s3], [sflag:$0x3] =	stream.strided.gather [hbm4b:s0+s4], $0x1800, s5, s4, $0x38;
	[tilespmem:$0x5D00] =	vst v63  }
0x17: {  	_ =	swait.ge [sflag:s25], $0x1800  }
0x18: {  	s23 =	simm.s32 $0x400;
	[sflag:s25] =	ssyncset.done $0x0  }
0x19: {  	s7 =	simm.s32 $0x1800;
	s9 =	rddreg [dreg:$0x4];
	[sflag:s25] =	ssyncadd.s32 $0xFFFFE800  }
0x1a: {  	[tilespmem:s7], [sflag:$0x3] =	stream.strided.gather [hbm4b:s9+s4], $0x100, s23, s4, $0x38;
	[tilespmem:$0x5D00] =	vst v63  }
0x1b: {  	_ =	swait.ge [sflag:s25], $0x100  }
0x1c: {  	[sflag:s25] =	ssyncset.done $0x0  }
0x1d: {  	s0 =	simm.s32 $0x0;
	[sflag:s25] =	ssyncadd.s32 $0xFFFFFF00  }
.LBB2_2:
0x1e: {  	s23 =	sshll.u32 s0, $0x4  }
0x1f: {  	v4 =	vld [tilespmem:s23+$0x1800]  }
0x20: {  	v3 =	vld [tilespmem:s23+$0x1840]  }
0x21: {  	v2 =	vld [tilespmem:s23+$0x1880]  }
0x22: {  	s4 =	simm.s32 $0x0  }
0x23: {  	s5 =	simm.s32 $0x0;
	v17 =	vld [tilespmem:s4+$0x1010]  }
0x24: {  	v18 =	vld [tilespmem:s4+$0x0];
	s7 =	sand.u32 $0x7E0, s5  }
0x25: {  	v19 =	vld [tilespmem:s7+$0x800];
	v5 =	vbroadcast v4, $0x0  }
0x26: {  	v20 =	vld [tilespmem:s7+$0x1000];
	v6 =	vbroadcast v3, $0x0;
	v7 =	vbroadcast v2, $0x0  }
0x27: {  	v28 =	vor.u32 s5, v1;
	v8 =	vbroadcast v4, $0x1;
	v9 =	vbroadcast v3, $0x1  }
0x28: {  	v11 =	vbroadcast v4, $0x2;
	v15 =	vbroadcast v4, $0x3;
	v21 =	vsub.f32 v17, v7  }
0x29: {  	v10 =	vbroadcast v2, $0x1;
	v24 =	vsub.f32 v18, v5;
	v25 =	vsub.f32 v18, v8  }
0x2a: {  	v12 =	vbroadcast v2, $0x2;
	v26 =	vsub.f32 v18, v11;
	v18 =	vsub.f32 v18, v15  }
0x2b: {  	v13 =	vbroadcast v3, $0x2;
	v27 =	vsub.f32 v19, v6;
	v29 =	vsub.f32 v20, v7  }
0x2c: {  	v14 =	vbroadcast v3, $0x3;
	v30 =	vsub.f32 v19, v9;
	v31 =	vsub.f32 v20, v10  }
0x2d: {  	v16 =	vbroadcast v2, $0x3;
	v32 =	vsub.f32 v19, v13;
	v33 =	vsub.f32 v20, v12  }
0x2e: {  	v19 =	vsub.f32 v19, v14;
	v24 =	vmul.f32 v24, v24;
	v27 =	vmul.f32 v27, v27  }
0x2f: {  	v20 =	vsub.f32 v20, v16;
	v25 =	vmul.f32 v25, v25;
	v30 =	vmul.f32 v30, v30  }
0x30: {  	v18 =	vmul.f32 v18, v18;
	v24 =	vadd.f32 v27, v24;
	v27 =	vmul.f32 v29, v29  }
0x31: {  	v19 =	vmul.f32 v19, v19;
	v25 =	vadd.f32 v30, v25;
	v30 =	vmul.f32 v31, v31  }
0x32: {  	v56 =	vld [tilespmem:s4+$0x10];
	v26 =	vmul.f32 v26, v26;
	v29 =	vmul.f32 v32, v32;
	v24 =	vadd.f32 v27, v24  }
0x33: {  	v20 =	vmul.f32 v20, v20;
	v18 =	vadd.f32 v19, v18;
	v27 =	vld [tilespmem:s4+$0x810];
	v25 =	vadd.f32 v30, v25  }
0x34: {  	v26 =	vadd.f32 v29, v26;
	v29 =	vmul.f32 v33, v33;
	(xrf1) =	vsort.dscd.msk.f32 $0xffff, v24, v28  }
0x35: {  	v22 =	vsub.f32 v17, v10;
	v23 =	vsub.f32 v17, v12;
	(xrf1) =	vsort.dscd.msk.f32 $0xffff, v25, v28  }
0x36: {  	v18 =	vadd.f32 v20, v18;
	v19 =	vadd.f32 v29, v26  }
0x37: {  	v20 =	vsub.f32 v56, v8;
	v24 =	vsub.f32 v56, v5  }
0x38: {  	v29 =	vsub.f32 v56, v11;
	(xrf1) =	vsort.dscd.msk.f32 $0xffff, v19, v28;
	v19 =	vsub.f32 v27, v6  }
0x39: {  	v24 =	vmul.f32 v24, v24;
	(xrf1) =	vsort.dscd.msk.f32 $0xffff, v18, v28;
	v18 =	vmul.f32 v21, v21  }
0x3a: {  	v21 =	vmul.f32 v22, v22;
	v22 =	vsub.f32 v27, v13;
	v19 =	vmul.f32 v19, v19  }
0x3b: {  	v17 =	vsub.f32 v17, v16;
	v20 =	vmul.f32 v20, v20;
	v26 =	vsub.f32 v27, v9  }
0x3c: {  	s4 =	simm.s32 $0x20;
	v22 =	vmul.f32 v22, v22;
	v19 =	vadd.f32 v19, v24;
	v24 =	vmul.f32 v29, v29  }
0x3d: {  	v30 =	vld [tilespmem:s4+$0x1010];
	v28 =	vsub.f32 v56, v15;
	v27 =	vsub.f32 v27, v14;
	v26 =	vmul.f32 v26, v26  }
0x3e: {  	v18 =	vadd.f32 v18, v19;
	v19 =	vadd.f32 v22, v24;
	v22 =	vmul.f32 v23, v23  }
0x3f: {  	v27 =	vmul.f32 v27, v27;
	v20 =	vadd.f32 v26, v20;
	v26 =	vmul.f32 v28, v28  }
0x40: {  	s7 =	simm.s32 $0x10;
	v17 =	vmul.f32 v17, v17  }
0x41: {  	v25 =	vor.u32 s7, v1;
	v20 =	vadd.f32 v21, v20;
	v21 =	vadd.f32 v27, v26  }
0x42: {  	s8 =	simm.s32 $0x20;
	v28 =	vld [tilespmem:s4+$0x0];
	v23 =	vsub.f32 v30, v7;
	v19 =	vadd.f32 v22, v19;
	(xrf1) =	vsort.dscd.msk.f32 $0xffff, v18, v25;
	v22, v24, _ =	vpop (xrf1)  }
0x43: {  	s9 =	sand.u32 $0x7E0, s8;
	v27 =	vsub.f32 v30, v10;
	v21 =	vadd.f32 v17, v21;
	(xrf1) =	vsort.dscd.msk.f32 $0xffff, v20, v25;
	v20 =	vimm.f32 $+Inf;
	v26, v29, _ =	vpop (xrf1)  }
0x44: {  	v57 =	vld [tilespmem:s9+$0x800];
	v18 =	vsub.f32 v30, v12;
	(xrf1) =	vsort.dscd.msk.f32 $0xffff, v19, v25;
	vm9 =	vlt.f32 v26, v20  }
0x45: {  	v19 =	vimm.s32 $0x0;
	vm0 =	vlt.f32 v22, v20;
	(xrf1) =	vsort.dscd.msk.f32 $0xffff, v21, v25;
	v21 =	vld [tilespmem:s9+$0x1000];
	v26 =	vsel vm9, v26, v20  }
0x46: {  	v17 =	vsub.f32 v30, v16;
	v22 =	vsel vm0, v22, v20;
	v24 =	vsel vm0, v24, v19  }
0x47: {  	v30 =	vsub.f32 v28, v5;
	v25, v31, _ =	vpop (xrf1);
	v29 =	vsel vm9, v29, v19;
	(xrf1) =	vsort.ascd.msk.f32 $0xffff, v22, v24  }
0x48: {  	v22 =	vsub.f32 v28, v8;
	vm10 =	vlt.f32 v25, v20;
	(xrf1) =	vsort.ascd.msk.f32 $0xffff, v26, v29  }
0x49: {  	v25 =	vsel vm10, v25, v20;
	v29 =	vsel vm10, v31, v19;
	v31 =	vsub.f32 v57, v13;
	v24, v26, _ =	vpop (xrf1)  }
0x4a: {  	v58 =	vsub.f32 v21, v12;
	(xrf1) =	vsort.ascd.msk.f32 $0xffff, v25, v29;
	vm11 =	vlt.f32 v24, v20  }
0x4b: {  	v25 =	vsub.f32 v28, v15;
	v20 =	vsel vm11, v24, v20;
	v19 =	vsel vm11, v26, v19  }
0x4c: {  	v29 =	vsub.f32 v57, v9;
	(xrf1) =	vsort.ascd.msk.f32 $0xffff, v20, v19;
	v20 =	vsub.f32 v57, v6  }
0x4d: {  	v22 =	vmul.f32 v22, v22;
	v24 =	vsub.f32 v28, v11;
	v26 =	vsub.f32 v21, v7  }
0x4e: {  	v28 =	vmul.f32 v30, v30;
	v30 =	vsub.f32 v21, v10;
	v20 =	vmul.f32 v20, v20  }
0x4f: {  	v29 =	vmul.f32 v29, v29;
	v21 =	vsub.f32 v21, v16;
	v24 =	vmul.f32 v24, v24  }
0x50: {  	v26 =	vmul.f32 v26, v26;
	v20 =	vadd.f32 v20, v28;
	v28 =	vmul.f32 v31, v31  }
0x51: {  	v22 =	vadd.f32 v29, v22;
	v29 =	vmul.f32 v30, v30;
	v30 =	vsub.f32 v57, v14  }
0x52: {  	v34, v35, _ =	vpop (xrf1);
	v20 =	vadd.f32 v26, v20;
	v24 =	vadd.f32 v28, v24;
	v26 =	vmul.f32 v58, v58  }
0x53: {  	v59, v36, _ =	vpop (xrf1)  }
0x54: {  	v25 =	vmul.f32 v25, v25;
	v31 =	vld [tilespmem:s4+$0x10];
	v28, v60, _ =	vpop (xrf1);
	v24 =	vadd.f32 v26, v24;
	v26 =	vmul.f32 v30, v30  }
0x55: {  	v19 =	vor.u32 s8, v1;
	v22 =	vadd.f32 v29, v22;
	v29, v37, _ =	vpop (xrf1)  }
0x56: {  	(xrf1) =	vsort.dscd.msk.f32 $0xffff, v20, v19;
	v20 =	vmul.f32 v21, v21;
	v21, v38, _ =	vpop (xrf1);
	v25 =	vadd.f32 v26, v25  }
0x57: {  	vm12 =	vlt.f32 v34, v21  }
0x58: {  	v23 =	vmul.f32 v23, v23;
	(xrf1) =	vsort.dscd.msk.f32 $0xffff, v22, v19;
	v21 =	vsel vm12, v34, v21  }
0x59: {  	v30 =	vsub.f32 v31, v5;
	v22 =	vld [tilespmem:s4+$0x810];
	(xrf1) =	vsort.dscd.msk.f32 $0xffff, v24, v19;
	v61 =	vsel vm12, v35, v38;
	v24, v26, _ =	vpop (xrf1)  }
0x5a: {  	v20 =	vadd.f32 v20, v25;
	(xrf1) =	vsort.ascd.msk.f32 $0xffff, v21, v61;
	vm13 =	vlt.f32 v59, v24;
	v63, v62, _ =	vpop (xrf1)  }
0x5b: {  	v24 =	vsel vm13, v59, v24;
	v26 =	vsel vm13, v36, v26;
	vm14 =	vlt.f32 v28, v63;
	v21, v25, _ =	vpop (xrf1)  }
0x5c: {  	(xrf1) =	vsort.ascd.msk.f32 $0xffff, v24, v26;
	v24 =	vsel vm14, v28, v63;
	vm15 =	vlt.f32 v29, v21  }
0x5d: {  	v26 =	vsel vm14, v60, v62;
	v28 =	vmul.f32 v30, v30;
	v21 =	vsel vm15, v29, v21  }
0x5e: {  	v25 =	vsel vm15, v37, v25;
	(xrf1) =	vsort.ascd.msk.f32 $0xffff, v24, v26;
	v29 =	vsub.f32 v22, v6  }
0x5f: {  	s4 =	simm.s32 $0x30;
	v24 =	vsub.f32 v31, v8;
	v26 =	vsub.f32 v22, v9;
	(xrf1) =	vsort.ascd.msk.f32 $0xffff, v21, v25  }
0x60: {  	v21 =	vor.u32 s4, v1;
	v25 =	vsub.f32 v31, v11;
	(xrf1) =	vsort.dscd.msk.f32 $0xffff, v20, v19;
	v19 =	vmul.f32 v27, v27  }
0x61: {  	s5 =	simm.s32 $0x2;
	s7 =	simm.s32 $0x40;
	v20 =	vsub.f32 v22, v13;
	v29 =	vmul.f32 v29, v29;
	v27 =	vsub.f32 v31, v15  }
.LBB2_3:
0x62: {  	v24 =	vmul.f32 v24, v24;
	v26 =	vmul.f32 v26, v26  }
0x63: {  	v30 =	vld [tilespmem:s7+$0x1010];
	v22 =	vsub.f32 v22, v14;
	v34 =	vadd.f32 v29, v28  }
0x64: {  	v35 =	vmul.f32 v25, v25;
	v20 =	vmul.f32 v20, v20;
	v24 =	vadd.f32 v26, v24  }
0x65: {  	v33 =	vmul.f32 v27, v27;
	v22 =	vmul.f32 v22, v22;
	v27, v29, _ =	vpop (xrf1);
	v23 =	vadd.f32 v23, v34  }
0x66: {  	v18 =	vmul.f32 v18, v18;
	v20 =	vadd.f32 v20, v35;
	v31 =	vld [tilespmem:s7+$0x0];
	v25, v28, _ =	vpop (xrf1)  }
0x67: {  	v17 =	vmul.f32 v17, v17;
	v34 =	vadd.f32 v19, v24;
	v22 =	vadd.f32 v22, v33;
	v26, v32, _ =	vpop (xrf1)  }
0x68: {  	v35 =	vadd.f32 v18, v20;
	v19 =	vsub.f32 v30, v7;
	(xrf1) =	vsort.dscd.msk.f32 $0xffff, v23, v21  }
0x69: {  	s4 =	sadd.s32 $0x20, s4;
	v20 =	vsub.f32 v30, v10;
	v22 =	vadd.f32 v17, v22;
	(xrf1) =	vsort.dscd.msk.f32 $0xffff, v34, v21;
	v23, v24, _ =	vpop (xrf1)  }
0x6a: {  	s8 =	sadd.s32 $0xFFFFFFF0, s4;
	v18 =	vsub.f32 v30, v12;
	v17 =	vsub.f32 v30, v16;
	(xrf1) =	vsort.dscd.msk.f32 $0xffff, v35, v21;
	v30, v33, _ =	vpop (xrf1)  }
0x6b: {  	s9 =	sand.u32 $0x7E0, s8;
	v34 =	vsub.f32 v31, v5;
	vm0 =	vlt.f32 v27, v23;
	(xrf1) =	vsort.dscd.msk.f32 $0xffff, v22, v21  }
0x6c: {  	v36 =	vsel vm0, v27, v23;
	v35 =	vsel vm0, v29, v24;
	vm0 =	vlt.f32 v25, v30;
	v21 =	vld [tilespmem:s9+$0x1000];
	v24, v27, _ =	vpop (xrf1)  }
0x6d: {  	v37 =	vsel vm0, v25, v30;
	v33 =	vsel vm0, v28, v33;
	v29 =	vld [tilespmem:s9+$0x800];
	(xrf1) =	vsort.ascd.msk.f32 $0xffff, v36, v35;
	v22, v23, _ =	vpop (xrf1)  }
0x6e: {  	v30 =	vsub.f32 v31, v8;
	vm0 =	vlt.f32 v26, v24;
	(xrf1) =	vsort.ascd.msk.f32 $0xffff, v37, v33;
	v25, v28, _ =	vpop (xrf1)  }
0x6f: {  	v24 =	vsel vm0, v26, v24;
	v26 =	vsel vm0, v32, v27;
	vm0 =	vlt.f32 v25, v22  }
0x70: {  	v22 =	vsel vm0, v25, v22;
	v23 =	vsel vm0, v28, v23;
	(xrf1) =	vsort.ascd.msk.f32 $0xffff, v24, v26  }
0x71: {  	v24 =	vsub.f32 v31, v11;
	v25 =	vsub.f32 v31, v15;
	(xrf1) =	vsort.ascd.msk.f32 $0xffff, v22, v23  }
0x72: {  	v23 =	vor.u32 s8, v1;
	v26 =	vsub.f32 v21, v7;
	v22 =	vsub.f32 v29, v6  }
0x73: {  	v27 =	vmul.f32 v34, v34;
	v31 =	vsub.f32 v21, v10;
	v28 =	vsub.f32 v29, v9  }
0x74: {  	s5 =	sadd.s32 $0x2, s5;
	v30 =	vmul.f32 v30, v30;
	v32 =	vsub.f32 v29, v13;
	v22 =	vmul.f32 v22, v22  }
0x75: {  	p0 =	slt.u32 s5, $0x7E;
	v39 =	vsub.f32 v21, v12;
	v24 =	vmul.f32 v24, v24;
	v28 =	vmul.f32 v28, v28  }
0x76: {  	v26 =	vmul.f32 v26, v26;
	v40 =	vmul.f32 v32, v32;
	v22 =	vadd.f32 v22, v27;
	v32 =	vld [tilespmem:s7+$0x10];
	v34, v35, _ =	vpop (xrf1)  }
0x77: {  	v29 =	vsub.f32 v29, v14;
	v41 =	vmul.f32 v31, v31;
	v28 =	vadd.f32 v28, v30;
	v31, v36, _ =	vpop (xrf1)  }
0x78: {  	v42 =	vmul.f32 v39, v39;
	v24 =	vadd.f32 v40, v24;
	v22 =	vadd.f32 v26, v22;
	v27, v33, _ =	vpop (xrf1)  }
0x79: {  	v21 =	vsub.f32 v21, v16;
	v25 =	vmul.f32 v25, v25;
	v39 =	vadd.f32 v41, v28;
	v30, v37, _ =	vpop (xrf1)  }
0x7a: {  	v40 =	vmul.f32 v29, v29;
	v41 =	vadd.f32 v42, v24;
	(xrf1) =	vsort.dscd.msk.f32 $0xffff, v22, v23  }
0x7b: {  	v21 =	vmul.f32 v21, v21;
	v29 =	vsub.f32 v32, v5;
	(xrf1) =	vsort.dscd.msk.f32 $0xffff, v39, v23;
	v28, v38, _ =	vpop (xrf1)  }
0x7c: {  	v39 =	vadd.f32 v40, v25;
	(xrf1) =	vsort.dscd.msk.f32 $0xffff, v41, v23;
	vm0 =	vlt.f32 v34, v28;
	v24, v26, _ =	vpop (xrf1)  }
0x7d: {  	v22 =	vld [tilespmem:s7+$0x810];
	v28 =	vsel vm0, v34, v28;
	v34 =	vsel vm0, v35, v38;
	vm0 =	vlt.f32 v31, v24  }
0x7e: {  	v24 =	vsel vm0, v31, v24;
	v26 =	vsel vm0, v36, v26;
	v31, v35, _ =	vpop (xrf1);
	(xrf1) =	vsort.ascd.msk.f32 $0xffff, v28, v34  }
0x7f: {  	v28 =	vadd.f32 v21, v39;
	vm0 =	vlt.f32 v27, v31;
	v21, v25, _ =	vpop (xrf1);
	(xrf1) =	vsort.ascd.msk.f32 $0xffff, v24, v26  }
0x80: {  	v24 =	vsel vm0, v27, v31;
	v26 =	vsel vm0, v33, v35;
	vm0 =	vlt.f32 v30, v21  }
.Ltmp0:
0x81: {  	v21 =	vsel vm0, v30, v21;
	v25 =	vsel vm0, v37, v25;
	(xrf1) =	vsort.ascd.msk.f32 $0xffff, v24, v26;
	(pc) =	sbr.rel @p0 .LBB2_3-.Ltmp0, $4  }
0x82: {  	v24 =	vsub.f32 v32, v8;
	v27 =	vsub.f32 v22, v6;
	(xrf1) =	vsort.ascd.msk.f32 $0xffff, v21, v25  }
0x83: {  	v21 =	vor.u32 s4, v1;
	v26 =	vsub.f32 v22, v9;
	v25 =	vsub.f32 v32, v11;
	(xrf1) =	vsort.dscd.msk.f32 $0xffff, v28, v23  }
0x84: {  	v23 =	vmul.f32 v19, v19;
	v19 =	vmul.f32 v20, v20;
	v20 =	vsub.f32 v22, v13  }
0x85: {  	s7 =	sadd.s32 $0x20, s7;
	v28 =	vmul.f32 v29, v29;
	v29 =	vmul.f32 v27, v27;
	v27 =	vsub.f32 v32, v15  }
0x86: {  	v5 =	vmul.f32 v24, v24;
	v6 =	vmul.f32 v26, v26;
	v7 =	vsub.f32 v22, v14  }
0x87: {  	v9 =	vmul.f32 v25, v25;
	v10 =	vmul.f32 v20, v20;
	v8 =	vadd.f32 v29, v28  }
0x88: {  	v5 =	vadd.f32 v6, v5;
	v6 =	vmul.f32 v27, v27;
	v7 =	vmul.f32 v7, v7  }
0x89: {  	v9 =	vadd.f32 v10, v9;
	v10 =	vmul.f32 v18, v18  }
0x8a: {  	v8 =	vadd.f32 v23, v8;
	v6 =	vadd.f32 v7, v6;
	v7 =	vmul.f32 v17, v17  }
0x8b: {  	v5 =	vadd.f32 v19, v5  }
0x8c: {  	v11, v12, _ =	vpop (xrf1);
	v9 =	vadd.f32 v10, v9  }
0x8d: {  	v13, v14, _ =	vpop (xrf1)  }
0x8e: {  	(xrf1) =	vsort.dscd.msk.f32 $0xffff, v8, v21;
	v8, v10, _ =	vpop (xrf1)  }
0x8f: {  	v6 =	vadd.f32 v7, v6;
	(xrf1) =	vsort.dscd.msk.f32 $0xffff, v5, v21;
	v5, v7, _ =	vpop (xrf1)  }
0x90: {  	(xrf1) =	vsort.dscd.msk.f32 $0xffff, v9, v21;
	v9, v15, _ =	vpop (xrf1);
	vm0 =	vlt.f32 v11, v5  }
0x91: {  	(xrf1) =	vsort.dscd.msk.f32 $0xffff, v6, v21;
	v6 =	vsel vm0, v12, v7;
	vm13 =	vlt.f32 v13, v9  }
0x92: {  	v5 =	vsel vm0, v11, v5;
	v12 =	vsel vm13, v14, v15  }
0x93: {  	v7, v11, _ =	vpop (xrf1);
	v9 =	vsel vm13, v13, v9;
	(xrf1) =	vsort.ascd.msk.f32 $0xffff, v5, v6;
	_ =	sdelay $0x1  }
0x94: {  	vm14 =	vlt.f32 v8, v7;
	v5, v6, _ =	vpop (xrf1)  }
0x95: {  	v7 =	vsel vm14, v8, v7;
	v8 =	vsel vm14, v10, v11;
	(xrf1) =	vsort.ascd.msk.f32 $0xffff, v9, v12;
	v9, v12, _ =	vpop (xrf1)  }
0x96: {  	(xrf1) =	vsort.ascd.msk.f32 $0xffff, v7, v8;
	vm15 =	vlt.f32 v9, v5  }
0x97: {  	v5 =	vsel vm15, v9, v5;
	v6 =	vsel vm15, v12, v6  }
0x98: {  	(xrf1) =	vsort.ascd.msk.f32 $0xffff, v5, v6;
	_ =	sdelay $0x3  }
0x99: {  	v5, v6, _ =	vpop (xrf1)  }
0x9a: {  	v7, v8, _ =	vpop (xrf1)  }
0x9b: {  	v9, v10, _ =	vpop (xrf1)  }
0x9c: {  	v11, v12, _ =	vpop (xrf1)  }
0x9d: {  	v13, v14, _ =	vpop (xrf1)  }
0x9e: {  	vm4 =	vlt.f32 v5, v13  }
0x9f: {  	v6 =	vsel vm4, v6, v14  }
0xa0: {  	v5 =	vsel vm4, v5, v13;
	v15, v16, _ =	vpop (xrf1)  }
0xa1: {  	(xrf1) =	vsort.ascd.msk.f32 $0xffff, v5, v6;
	vm5 =	vlt.f32 v7, v15;
	v13, v14, _ =	vpop (xrf1)  }
0xa2: {  	v7 =	vsel vm5, v7, v15;
	v8 =	vsel vm5, v8, v16;
	vm6 =	vlt.f32 v9, v13  }
0xa3: {  	(xrf1) =	vsort.ascd.msk.f32 $0xffff, v7, v8;
	v7 =	vsel vm6, v9, v13;
	v8 =	vsel vm6, v10, v14;
	v5, v6, _ =	vpop (xrf1)  }
0xa4: {  	(xrf1) =	vsort.ascd.msk.f32 $0xffff, v7, v8;
	vm7 =	vlt.f32 v11, v5  }
0xa5: {  	v5 =	vsel vm7, v11, v5;
	v6 =	vsel vm7, v12, v6  }
0xa6: {  	(xrf1) =	vsort.ascd.msk.f32 $0xffff, v5, v6;
	_ =	sdelay $0x5  }
0xa7: {  	v5 =	vmul.u32 $0x40, v1;
	_ =	sdelay $0x1  }
0xa8: {  	s4 =	sor.u32 $0x1, s23;
	v6 =	vor.u32 s23, v5  }
0xa9: {  	s7 =	sor.u32 $0x2, s23;
	v7 =	vor.u32 s4, v5  }
0xaa: {  	s8 =	sor.u32 $0x3, s23;
	v8 =	vor.u32 s7, v5;
	v9, v10, _ =	vpop (xrf1)  }
0xab: {  	v9 =	vor.u32 s8, v5;
	v10 =	vadd.s32 v0, v10;
	v11, v12, _ =	vpop (xrf1)  }
0xac: {  	v11, v13, _ =	vpop (xrf1)  }
0xad: {  	[tilespmem:v6+s29+$0x0] =	vst.idx.msk $0xffff, v10;
	v6 =	vadd.s32 v0, v12  }
0xae: {  	[tilespmem:v7+s29+$0x0] =	vst.idx.msk $0xffff, v6;
	v6 =	vadd.s32 v0, v13;
	v10, v11, _ =	vpop (xrf1)  }
0xaf: {  	[tilespmem:v8+s29+$0x0] =	vst.idx.msk $0xffff, v6;
	v6 =	vadd.s32 v0, v11  }
0xb0: {  	s9 =	simm.s32 $0x0;
	[tilespmem:v9+s29+$0x0] =	vst.idx.msk $0xffff, v6  }
0xb1: {  	s5 =	simm.s32 $0x0;
	v18 =	vld [tilespmem:s9+$0x1010]  }
0xb2: {  	s7 =	sand.u32 $0x7E0, s5;
	v19 =	vld [tilespmem:s9+$0x0]  }
0xb3: {  	v16 =	vbroadcast v4, $0x7;
	v20 =	vld [tilespmem:s7+$0x800]  }
0xb4: {  	v14 =	vbroadcast v3, $0x6;
	v8 =	vbroadcast v2, $0x4;
	v21 =	vld [tilespmem:s7+$0x1000]  }
0xb5: {  	v29 =	vor.u32 s5, v1;
	v6 =	vbroadcast v4, $0x4;
	v9 =	vbroadcast v4, $0x5  }
0xb6: {  	v12 =	vbroadcast v4, $0x6;
	v7 =	vbroadcast v3, $0x4;
	v22 =	vsub.f32 v18, v8  }
0xb7: {  	v10 =	vbroadcast v3, $0x5;
	v25 =	vsub.f32 v19, v6;
	v26 =	vsub.f32 v19, v9  }
0xb8: {  	v11 =	vbroadcast v2, $0x5;
	v27 =	vsub.f32 v19, v12;
	v19 =	vsub.f32 v19, v16  }
0xb9: {  	v13 =	vbroadcast v2, $0x6;
	v28 =	vsub.f32 v20, v7;
	v30 =	vsub.f32 v21, v8  }
0xba: {  	v15 =	vbroadcast v3, $0x7;
	v31 =	vsub.f32 v20, v10;
	v32 =	vsub.f32 v21, v11  }
0xbb: {  	v17 =	vbroadcast v2, $0x7;
	v33 =	vsub.f32 v20, v14;
	v34 =	vsub.f32 v21, v13  }
0xbc: {  	v20 =	vsub.f32 v20, v15;
	v25 =	vmul.f32 v25, v25;
	v28 =	vmul.f32 v28, v28  }
0xbd: {  	v21 =	vsub.f32 v21, v17;
	v26 =	vmul.f32 v26, v26;
	v31 =	vmul.f32 v31, v31  }
0xbe: {  	v19 =	vmul.f32 v19, v19;
	v25 =	vadd.f32 v28, v25;
	v28 =	vmul.f32 v30, v30  }
0xbf: {  	v20 =	vmul.f32 v20, v20;
	v26 =	vadd.f32 v31, v26;
	v31 =	vmul.f32 v32, v32  }
0xc0: {  	v53 =	vld [tilespmem:s9+$0x10];
	v27 =	vmul.f32 v27, v27;
	v30 =	vmul.f32 v33, v33;
	v25 =	vadd.f32 v28, v25  }
0xc1: {  	v21 =	vmul.f32 v21, v21;
	v19 =	vadd.f32 v20, v19;
	v28 =	vld [tilespmem:s9+$0x810];
	v26 =	vadd.f32 v31, v26  }
0xc2: {  	v27 =	vadd.f32 v30, v27;
	v30 =	vmul.f32 v34, v34;
	(xrf1) =	vsort.dscd.msk.f32 $0xffff, v25, v29  }
0xc3: {  	v23 =	vsub.f32 v18, v11;
	v24 =	vsub.f32 v18, v13;
	(xrf1) =	vsort.dscd.msk.f32 $0xffff, v26, v29  }
0xc4: {  	v19 =	vadd.f32 v21, v19;
	v20 =	vadd.f32 v30, v27  }
0xc5: {  	v21 =	vsub.f32 v53, v9;
	v25 =	vsub.f32 v53, v6  }
0xc6: {  	v30 =	vsub.f32 v53, v12;
	(xrf1) =	vsort.dscd.msk.f32 $0xffff, v20, v29;
	v20 =	vsub.f32 v28, v7  }
0xc7: {  	v25 =	vmul.f32 v25, v25;
	(xrf1) =	vsort.dscd.msk.f32 $0xffff, v19, v29;
	v19 =	vmul.f32 v22, v22  }
0xc8: {  	s8 =	simm.s32 $0x20;
	v22 =	vmul.f32 v23, v23;
	v23 =	vsub.f32 v28, v14;
	v20 =	vmul.f32 v20, v20  }
0xc9: {  	v18 =	vsub.f32 v18, v17;
	s9 =	sand.u32 $0x7E0, s8;
	v21 =	vmul.f32 v21, v21;
	v27 =	vsub.f32 v28, v10  }
0xca: {  	v55 =	vld [tilespmem:s9+$0x800];
	v23 =	vmul.f32 v23, v23;
	v20 =	vadd.f32 v20, v25;
	v25 =	vmul.f32 v30, v30  }
0xcb: {  	s4 =	simm.s32 $0x20;
	v29 =	vsub.f32 v53, v16;
	v28 =	vsub.f32 v28, v15;
	v27 =	vmul.f32 v27, v27  }
0xcc: {  	v31 =	vld [tilespmem:s4+$0x1010];
	v19 =	vadd.f32 v19, v20;
	v20 =	vadd.f32 v23, v25;
	v23 =	vmul.f32 v24, v24  }
0xcd: {  	v21 =	vadd.f32 v27, v21;
	v27 =	vmul.f32 v29, v29  }
0xce: {  	s7 =	simm.s32 $0x10;
	v18 =	vmul.f32 v18, v18;
	v28 =	vmul.f32 v28, v28  }
0xcf: {  	v26 =	vor.u32 s7, v1;
	v56 =	vsub.f32 v55, v14;
	v29 =	vld [tilespmem:s4+$0x0];
	v21 =	vadd.f32 v22, v21  }
0xd0: {  	v22 =	vadd.f32 v28, v27;
	v20 =	vadd.f32 v23, v20;
	(xrf1) =	vsort.dscd.msk.f32 $0xffff, v19, v26;
	v23, v25, _ =	vpop (xrf1)  }
0xd1: {  	v24 =	vsub.f32 v31, v8;
	v28 =	vsub.f32 v31, v11;
	(xrf1) =	vsort.dscd.msk.f32 $0xffff, v21, v26;
	v21 =	vimm.f32 $+Inf;
	v27, v30, _ =	vpop (xrf1)  }
0xd2: {  	v22 =	vadd.f32 v18, v22;
	v19 =	vsub.f32 v31, v13;
	vm9 =	vlt.f32 v27, v21  }
0xd3: {  	(xrf1) =	vsort.dscd.msk.f32 $0xffff, v20, v26;
	v20 =	vimm.s32 $0x0;
	vm8 =	vlt.f32 v23, v21;
	v27 =	vsel vm9, v27, v21  }
0xd4: {  	v18 =	vsub.f32 v31, v17;
	v31 =	vsub.f32 v29, v6;
	v25 =	vsel vm8, v25, v20  }
0xd5: {  	(xrf1) =	vsort.dscd.msk.f32 $0xffff, v22, v26;
	v23 =	vsel vm8, v23, v21;
	v26, v54, _ =	vpop (xrf1);
	v30 =	vsel vm9, v30, v20  }
0xd6: {  	v22 =	vld [tilespmem:s9+$0x1000];
	(xrf1) =	vsort.ascd.msk.f32 $0xffff, v23, v25;
	v23 =	vsub.f32 v29, v9;
	vm10 =	vlt.f32 v26, v21  }
0xd7: {  	(xrf1) =	vsort.ascd.msk.f32 $0xffff, v27, v30;
	v26 =	vsel vm10, v26, v21;
	v30 =	vsel vm10, v54, v20;
	v25, v27, _ =	vpop (xrf1)  }
0xd8: {  	(xrf1) =	vsort.ascd.msk.f32 $0xffff, v26, v30;
	v26 =	vsub.f32 v29, v16;
	vm11 =	vlt.f32 v25, v21  }
0xd9: {  	v30 =	vsub.f32 v55, v10;
	v21 =	vsel vm11, v25, v21;
	v20 =	vsel vm11, v27, v20  }
0xda: {  	v23 =	vmul.f32 v23, v23;
	(xrf1) =	vsort.ascd.msk.f32 $0xffff, v21, v20;
	v21 =	vsub.f32 v55, v7  }
0xdb: {  	v57 =	vsub.f32 v22, v13;
	v30 =	vmul.f32 v30, v30;
	v25 =	vsub.f32 v29, v12  }
0xdc: {  	v27 =	vsub.f32 v22, v8;
	v29 =	vmul.f32 v31, v31;
	v21 =	vmul.f32 v21, v21  }
0xdd: {  	v31 =	vsub.f32 v22, v11;
	v23 =	vadd.f32 v30, v23;
	v25 =	vmul.f32 v25, v25  }
0xde: {  	v27 =	vmul.f32 v27, v27;
	v21 =	vadd.f32 v21, v29;
	v29 =	vmul.f32 v56, v56  }
0xdf: {  	v22 =	vsub.f32 v22, v17;
	v30 =	vmul.f32 v31, v31;
	v31 =	vsub.f32 v55, v15  }
0xe0: {  	v35, v36, _ =	vpop (xrf1);
	v21 =	vadd.f32 v27, v21;
	v25 =	vadd.f32 v29, v25;
	v27 =	vmul.f32 v57, v57  }
0xe1: {  	v59, v37, _ =	vpop (xrf1)  }
0xe2: {  	v58 =	vld [tilespmem:s4+$0x10];
	v26 =	vmul.f32 v26, v26;
	v29, v60, _ =	vpop (xrf1);
	v25 =	vadd.f32 v27, v25;
	v27 =	vmul.f32 v31, v31  }
0xe3: {  	v20 =	vor.u32 s8, v1;
	v23 =	vadd.f32 v30, v23;
	v30, v38, _ =	vpop (xrf1)  }
0xe4: {  	(xrf1) =	vsort.dscd.msk.f32 $0xffff, v21, v20;
	v21 =	vmul.f32 v22, v22;
	v22, v39, _ =	vpop (xrf1);
	v26 =	vadd.f32 v27, v26  }
0xe5: {  	vm12 =	vlt.f32 v35, v22  }
0xe6: {  	v24 =	vmul.f32 v24, v24;
	(xrf1) =	vsort.dscd.msk.f32 $0xffff, v23, v20;
	v22 =	vsel vm12, v35, v22  }
0xe7: {  	v31 =	vsub.f32 v58, v6;
	v23 =	vld [tilespmem:s4+$0x810];
	(xrf1) =	vsort.dscd.msk.f32 $0xffff, v25, v20;
	v61 =	vsel vm12, v36, v39;
	v25, v27, _ =	vpop (xrf1)  }
0xe8: {  	v21 =	vadd.f32 v21, v26;
	(xrf1) =	vsort.ascd.msk.f32 $0xffff, v22, v61;
	vm13 =	vlt.f32 v59, v25;
	v63, v62, _ =	vpop (xrf1)  }
0xe9: {  	v25 =	vsel vm13, v59, v25;
	v27 =	vsel vm13, v37, v27;
	vm14 =	vlt.f32 v29, v63;
	v22, v26, _ =	vpop (xrf1)  }
0xea: {  	(xrf1) =	vsort.ascd.msk.f32 $0xffff, v25, v27;
	v25 =	vsel vm14, v29, v63;
	vm15 =	vlt.f32 v30, v22  }
0xeb: {  	v27 =	vsel vm14, v60, v62;
	v29 =	vmul.f32 v31, v31;
	v22 =	vsel vm15, v30, v22  }
0xec: {  	v26 =	vsel vm15, v38, v26;
	(xrf1) =	vsort.ascd.msk.f32 $0xffff, v25, v27;
	v30 =	vsub.f32 v23, v7  }
0xed: {  	s4 =	simm.s32 $0x30;
	v25 =	vsub.f32 v58, v9;
	v27 =	vsub.f32 v23, v10;
	(xrf1) =	vsort.ascd.msk.f32 $0xffff, v22, v26  }
0xee: {  	v22 =	vor.u32 s4, v1;
	v26 =	vsub.f32 v58, v12;
	(xrf1) =	vsort.dscd.msk.f32 $0xffff, v21, v20;
	v20 =	vmul.f32 v28, v28  }
0xef: {  	s5 =	simm.s32 $0x2;
	s7 =	simm.s32 $0x40;
	v21 =	vsub.f32 v23, v14;
	v30 =	vmul.f32 v30, v30;
	v28 =	vsub.f32 v58, v16  }
.LBB2_5:
0xf0: {  	v25 =	vmul.f32 v25, v25;
	v27 =	vmul.f32 v27, v27  }
0xf1: {  	v31 =	vld [tilespmem:s7+$0x1010];
	v23 =	vsub.f32 v23, v15;
	v35 =	vadd.f32 v30, v29  }
0xf2: {  	v36 =	vmul.f32 v26, v26;
	v21 =	vmul.f32 v21, v21;
	v25 =	vadd.f32 v27, v25  }
0xf3: {  	v34 =	vmul.f32 v28, v28;
	v23 =	vmul.f32 v23, v23;
	v28, v30, _ =	vpop (xrf1);
	v24 =	vadd.f32 v24, v35  }
0xf4: {  	v19 =	vmul.f32 v19, v19;
	v21 =	vadd.f32 v21, v36;
	v32 =	vld [tilespmem:s7+$0x0];
	v26, v29, _ =	vpop (xrf1)  }
0xf5: {  	v18 =	vmul.f32 v18, v18;
	v35 =	vadd.f32 v20, v25;
	v23 =	vadd.f32 v23, v34;
	v27, v33, _ =	vpop (xrf1)  }
0xf6: {  	v36 =	vadd.f32 v19, v21;
	v20 =	vsub.f32 v31, v8;
	(xrf1) =	vsort.dscd.msk.f32 $0xffff, v24, v22  }
0xf7: {  	s4 =	sadd.s32 $0x20, s4;
	v21 =	vsub.f32 v31, v11;
	v23 =	vadd.f32 v18, v23;
	(xrf1) =	vsort.dscd.msk.f32 $0xffff, v35, v22;
	v24, v25, _ =	vpop (xrf1)  }
0xf8: {  	s8 =	sadd.s32 $0xFFFFFFF0, s4;
	v19 =	vsub.f32 v31, v13;
	v18 =	vsub.f32 v31, v17;
	(xrf1) =	vsort.dscd.msk.f32 $0xffff, v36, v22;
	v31, v34, _ =	vpop (xrf1)  }
0xf9: {  	s9 =	sand.u32 $0x7E0, s8;
	v35 =	vsub.f32 v32, v6;
	vm0 =	vlt.f32 v28, v24;
	(xrf1) =	vsort.dscd.msk.f32 $0xffff, v23, v22  }
0xfa: {  	v37 =	vsel vm0, v28, v24;
	v36 =	vsel vm0, v30, v25;
	vm0 =	vlt.f32 v26, v31;
	v22 =	vld [tilespmem:s9+$0x1000];
	v25, v28, _ =	vpop (xrf1)  }
0xfb: {  	v38 =	vsel vm0, v26, v31;
	v34 =	vsel vm0, v29, v34;
	v30 =	vld [tilespmem:s9+$0x800];
	(xrf1) =	vsort.ascd.msk.f32 $0xffff, v37, v36;
	v23, v24, _ =	vpop (xrf1)  }
0xfc: {  	v31 =	vsub.f32 v32, v9;
	vm0 =	vlt.f32 v27, v25;
	(xrf1) =	vsort.ascd.msk.f32 $0xffff, v38, v34;
	v26, v29, _ =	vpop (xrf1)  }
0xfd: {  	v25 =	vsel vm0, v27, v25;
	v27 =	vsel vm0, v33, v28;
	vm0 =	vlt.f32 v26, v23  }
0xfe: {  	v23 =	vsel vm0, v26, v23;
	v24 =	vsel vm0, v29, v24;
	(xrf1) =	vsort.ascd.msk.f32 $0xffff, v25, v27  }
0xff: {  	v25 =	vsub.f32 v32, v12;
	v26 =	vsub.f32 v32, v16;
	(xrf1) =	vsort.ascd.msk.f32 $0xffff, v23, v24  }
0x100: {  	v24 =	vor.u32 s8, v1;
	v27 =	vsub.f32 v22, v8;
	v23 =	vsub.f32 v30, v7  }
0x101: {  	v28 =	vmul.f32 v35, v35;
	v32 =	vsub.f32 v22, v11;
	v29 =	vsub.f32 v30, v10  }
0x102: {  	s5 =	sadd.s32 $0x2, s5;
	v31 =	vmul.f32 v31, v31;
	v33 =	vsub.f32 v30, v14;
	v23 =	vmul.f32 v23, v23  }
0x103: {  	p0 =	slt.u32 s5, $0x7E;
	v40 =	vsub.f32 v22, v13;
	v25 =	vmul.f32 v25, v25;
	v29 =	vmul.f32 v29, v29  }
0x104: {  	v27 =	vmul.f32 v27, v27;
	v41 =	vmul.f32 v33, v33;
	v23 =	vadd.f32 v23, v28;
	v33 =	vld [tilespmem:s7+$0x10];
	v35, v36, _ =	vpop (xrf1)  }
0x105: {  	v30 =	vsub.f32 v30, v15;
	v42 =	vmul.f32 v32, v32;
	v29 =	vadd.f32 v29, v31;
	v32, v37, _ =	vpop (xrf1)  }
0x106: {  	v43 =	vmul.f32 v40, v40;
	v25 =	vadd.f32 v41, v25;
	v23 =	vadd.f32 v27, v23;
	v28, v34, _ =	vpop (xrf1)  }
0x107: {  	v22 =	vsub.f32 v22, v17;
	v26 =	vmul.f32 v26, v26;
	v40 =	vadd.f32 v42, v29;
	v31, v38, _ =	vpop (xrf1)  }
0x108: {  	v41 =	vmul.f32 v30, v30;
	v42 =	vadd.f32 v43, v25;
	(xrf1) =	vsort.dscd.msk.f32 $0xffff, v23, v24  }
0x109: {  	v22 =	vmul.f32 v22, v22;
	v30 =	vsub.f32 v33, v6;
	(xrf1) =	vsort.dscd.msk.f32 $0xffff, v40, v24;
	v29, v39, _ =	vpop (xrf1)  }
0x10a: {  	v40 =	vadd.f32 v41, v26;
	(xrf1) =	vsort.dscd.msk.f32 $0xffff, v42, v24;
	vm0 =	vlt.f32 v35, v29;
	v25, v27, _ =	vpop (xrf1)  }
0x10b: {  	v23 =	vld [tilespmem:s7+$0x810];
	v29 =	vsel vm0, v35, v29;
	v35 =	vsel vm0, v36, v39;
	vm0 =	vlt.f32 v32, v25  }
0x10c: {  	v25 =	vsel vm0, v32, v25;
	v27 =	vsel vm0, v37, v27;
	v32, v36, _ =	vpop (xrf1);
	(xrf1) =	vsort.ascd.msk.f32 $0xffff, v29, v35  }
0x10d: {  	v29 =	vadd.f32 v22, v40;
	vm0 =	vlt.f32 v28, v32;
	v22, v26, _ =	vpop (xrf1);
	(xrf1) =	vsort.ascd.msk.f32 $0xffff, v25, v27  }
0x10e: {  	v25 =	vsel vm0, v28, v32;
	v27 =	vsel vm0, v34, v36;
	vm0 =	vlt.f32 v31, v22  }
.Ltmp1:
0x10f: {  	v22 =	vsel vm0, v31, v22;
	v26 =	vsel vm0, v38, v26;
	(xrf1) =	vsort.ascd.msk.f32 $0xffff, v25, v27;
	(pc) =	sbr.rel @p0 .LBB2_5-.Ltmp1, $4  }
0x110: {  	v25 =	vsub.f32 v33, v9;
	v28 =	vsub.f32 v23, v7;
	(xrf1) =	vsort.ascd.msk.f32 $0xffff, v22, v26  }
0x111: {  	v22 =	vor.u32 s4, v1;
	v27 =	vsub.f32 v23, v10;
	v26 =	vsub.f32 v33, v12;
	(xrf1) =	vsort.dscd.msk.f32 $0xffff, v29, v24  }
0x112: {  	v24 =	vmul.f32 v20, v20;
	v20 =	vmul.f32 v21, v21;
	v21 =	vsub.f32 v23, v14  }
0x113: {  	s7 =	sadd.s32 $0x20, s7;
	v29 =	vmul.f32 v30, v30;
	v30 =	vmul.f32 v28, v28;
	v28 =	vsub.f32 v33, v16  }
0x114: {  	v6 =	vmul.f32 v25, v25;
	v7 =	vmul.f32 v27, v27;
	v8 =	vsub.f32 v23, v15  }
0x115: {  	v10 =	vmul.f32 v26, v26;
	v11 =	vmul.f32 v21, v21;
	v9 =	vadd.f32 v30, v29  }
0x116: {  	v6 =	vadd.f32 v7, v6;
	v7 =	vmul.f32 v28, v28;
	v8 =	vmul.f32 v8, v8  }
0x117: {  	v10 =	vadd.f32 v11, v10;
	v11 =	vmul.f32 v19, v19  }
0x118: {  	v9 =	vadd.f32 v24, v9;
	v7 =	vadd.f32 v8, v7;
	v8 =	vmul.f32 v18, v18  }
0x119: {  	v6 =	vadd.f32 v20, v6  }
0x11a: {  	v12, v13, _ =	vpop (xrf1);
	v10 =	vadd.f32 v11, v10  }
0x11b: {  	v14, v15, _ =	vpop (xrf1)  }
0x11c: {  	(xrf1) =	vsort.dscd.msk.f32 $0xffff, v9, v22;
	v9, v11, _ =	vpop (xrf1)  }
0x11d: {  	v7 =	vadd.f32 v8, v7;
	(xrf1) =	vsort.dscd.msk.f32 $0xffff, v6, v22;
	v6, v8, _ =	vpop (xrf1)  }
0x11e: {  	(xrf1) =	vsort.dscd.msk.f32 $0xffff, v10, v22;
	v10, v16, _ =	vpop (xrf1);
	vm0 =	vlt.f32 v12, v6  }
0x11f: {  	(xrf1) =	vsort.dscd.msk.f32 $0xffff, v7, v22;
	v7 =	vsel vm0, v13, v8;
	vm13 =	vlt.f32 v14, v10  }
0x120: {  	v6 =	vsel vm0, v12, v6;
	v13 =	vsel vm13, v15, v16  }
0x121: {  	v8, v12, _ =	vpop (xrf1);
	v10 =	vsel vm13, v14, v10;
	(xrf1) =	vsort.ascd.msk.f32 $0xffff, v6, v7;
	_ =	sdelay $0x1  }
0x122: {  	vm14 =	vlt.f32 v9, v8;
	v6, v7, _ =	vpop (xrf1)  }
0x123: {  	v8 =	vsel vm14, v9, v8;
	v9 =	vsel vm14, v11, v12;
	(xrf1) =	vsort.ascd.msk.f32 $0xffff, v10, v13;
	v10, v13, _ =	vpop (xrf1)  }
0x124: {  	(xrf1) =	vsort.ascd.msk.f32 $0xffff, v8, v9;
	vm15 =	vlt.f32 v10, v6  }
0x125: {  	v6 =	vsel vm15, v10, v6;
	v7 =	vsel vm15, v13, v7  }
0x126: {  	(xrf1) =	vsort.ascd.msk.f32 $0xffff, v6, v7;
	_ =	sdelay $0x3  }
0x127: {  	v6, v7, _ =	vpop (xrf1)  }
0x128: {  	v8, v9, _ =	vpop (xrf1)  }
0x129: {  	v10, v11, _ =	vpop (xrf1)  }
0x12a: {  	v12, v13, _ =	vpop (xrf1)  }
0x12b: {  	v14, v15, _ =	vpop (xrf1)  }
0x12c: {  	vm4 =	vlt.f32 v6, v14  }
0x12d: {  	v7 =	vsel vm4, v7, v15  }
0x12e: {  	v6 =	vsel vm4, v6, v14;
	v16, v17, _ =	vpop (xrf1)  }
0x12f: {  	(xrf1) =	vsort.ascd.msk.f32 $0xffff, v6, v7;
	vm5 =	vlt.f32 v8, v16;
	v14, v15, _ =	vpop (xrf1)  }
0x130: {  	v8 =	vsel vm5, v8, v16;
	v9 =	vsel vm5, v9, v17;
	vm6 =	vlt.f32 v10, v14  }
0x131: {  	(xrf1) =	vsort.ascd.msk.f32 $0xffff, v8, v9;
	v8 =	vsel vm6, v10, v14;
	v9 =	vsel vm6, v11, v15;
	v6, v7, _ =	vpop (xrf1)  }
0x132: {  	(xrf1) =	vsort.ascd.msk.f32 $0xffff, v8, v9;
	vm7 =	vlt.f32 v12, v6  }
0x133: {  	v6 =	vsel vm7, v12, v6;
	v7 =	vsel vm7, v13, v7  }
0x134: {  	(xrf1) =	vsort.ascd.msk.f32 $0xffff, v6, v7;
	_ =	sdelay $0x6  }
0x135: {  	s4 =	sor.u32 $0x4, s23  }
0x136: {  	s5 =	sor.u32 $0x5, s23;
	v6 =	vor.u32 s4, v5  }
0x137: {  	s7 =	sor.u32 $0x6, s23;
	v7 =	vor.u32 s5, v5  }
0x138: {  	s8 =	sor.u32 $0x7, s23;
	v8 =	vor.u32 s7, v5;
	v9, v10, _ =	vpop (xrf1)  }
0x139: {  	v9 =	vor.u32 s8, v5;
	v10 =	vadd.s32 v0, v10;
	v11, v12, _ =	vpop (xrf1)  }
0x13a: {  	v11, v13, _ =	vpop (xrf1)  }
0x13b: {  	[tilespmem:v6+s29+$0x0] =	vst.idx.msk $0xffff, v10;
	v6 =	vadd.s32 v0, v12  }
0x13c: {  	[tilespmem:v7+s29+$0x0] =	vst.idx.msk $0xffff, v6;
	v6 =	vadd.s32 v0, v13;
	v10, v11, _ =	vpop (xrf1)  }
0x13d: {  	[tilespmem:v8+s29+$0x0] =	vst.idx.msk $0xffff, v6;
	v6 =	vadd.s32 v0, v11  }
0x13e: {  	s9 =	simm.s32 $0x0;
	[tilespmem:v9+s29+$0x0] =	vst.idx.msk $0xffff, v6  }
0x13f: {  	s5 =	simm.s32 $0x0;
	v18 =	vld [tilespmem:s9+$0x1010]  }
0x140: {  	s7 =	sand.u32 $0x7E0, s5;
	v19 =	vld [tilespmem:s9+$0x0]  }
0x141: {  	v16 =	vbroadcast v4, $0xB;
	v17 =	vbroadcast v2, $0xB;
	v20 =	vld [tilespmem:s7+$0x800]  }
0x142: {  	v14 =	vbroadcast v3, $0xA;
	v8 =	vbroadcast v2, $0x8;
	v21 =	vld [tilespmem:s7+$0x1000]  }
0x143: {  	v6 =	vbroadcast v4, $0x8;
	v9 =	vbroadcast v4, $0x9  }
0x144: {  	v12 =	vbroadcast v4, $0xA;
	v7 =	vbroadcast v3, $0x8;
	v22 =	vsub.f32 v18, v8  }
0x145: {  	v10 =	vbroadcast v3, $0x9;
	v25 =	vsub.f32 v19, v6;
	v26 =	vsub.f32 v19, v9  }
0x146: {  	v11 =	vbroadcast v2, $0x9;
	v27 =	vsub.f32 v19, v12;
	v19 =	vsub.f32 v19, v16  }
0x147: {  	v13 =	vbroadcast v2, $0xA;
	v28 =	vsub.f32 v20, v7;
	v30 =	vsub.f32 v21, v8  }
0x148: {  	v15 =	vbroadcast v3, $0xB;
	v31 =	vsub.f32 v20, v10;
	v32 =	vsub.f32 v21, v11  }
0x149: {  	v29 =	vor.u32 s5, v1;
	v33 =	vsub.f32 v20, v14;
	v34 =	vsub.f32 v21, v13  }
0x14a: {  	v20 =	vsub.f32 v20, v15;
	v25 =	vmul.f32 v25, v25;
	v28 =	vmul.f32 v28, v28  }
0x14b: {  	v21 =	vsub.f32 v21, v17;
	v26 =	vmul.f32 v26, v26;
	v31 =	vmul.f32 v31, v31  }
0x14c: {  	v19 =	vmul.f32 v19, v19;
	v25 =	vadd.f32 v28, v25;
	v28 =	vmul.f32 v30, v30  }
0x14d: {  	v20 =	vmul.f32 v20, v20;
	v26 =	vadd.f32 v31, v26;
	v31 =	vmul.f32 v32, v32  }
0x14e: {  	v53 =	vld [tilespmem:s9+$0x10];
	v27 =	vmul.f32 v27, v27;
	v30 =	vmul.f32 v33, v33;
	v25 =	vadd.f32 v28, v25  }
0x14f: {  	v21 =	vmul.f32 v21, v21;
	v19 =	vadd.f32 v20, v19;
	v28 =	vld [tilespmem:s9+$0x810];
	v26 =	vadd.f32 v31, v26  }
0x150: {  	v27 =	vadd.f32 v30, v27;
	v30 =	vmul.f32 v34, v34;
	(xrf1) =	vsort.dscd.msk.f32 $0xffff, v25, v29  }
0x151: {  	v23 =	vsub.f32 v18, v11;
	v24 =	vsub.f32 v18, v13;
	(xrf1) =	vsort.dscd.msk.f32 $0xffff, v26, v29  }
0x152: {  	v19 =	vadd.f32 v21, v19;
	v20 =	vadd.f32 v30, v27  }
0x153: {  	v21 =	vsub.f32 v53, v9;
	v25 =	vsub.f32 v53, v6  }
0x154: {  	v30 =	vsub.f32 v53, v12;
	(xrf1) =	vsort.dscd.msk.f32 $0xffff, v20, v29;
	v20 =	vsub.f32 v28, v7  }
0x155: {  	v25 =	vmul.f32 v25, v25;
	(xrf1) =	vsort.dscd.msk.f32 $0xffff, v19, v29;
	v19 =	vmul.f32 v22, v22  }
0x156: {  	s8 =	simm.s32 $0x20;
	v22 =	vmul.f32 v23, v23;
	v23 =	vsub.f32 v28, v14;
	v20 =	vmul.f32 v20, v20  }
0x157: {  	v18 =	vsub.f32 v18, v17;
	s9 =	sand.u32 $0x7E0, s8;
	v21 =	vmul.f32 v21, v21;
	v27 =	vsub.f32 v28, v10  }
0x158: {  	v55 =	vld [tilespmem:s9+$0x800];
	v23 =	vmul.f32 v23, v23;
	v20 =	vadd.f32 v20, v25;
	v25 =	vmul.f32 v30, v30  }
0x159: {  	s4 =	simm.s32 $0x20;
	v29 =	vsub.f32 v53, v16;
	v28 =	vsub.f32 v28, v15;
	v27 =	vmul.f32 v27, v27  }
0x15a: {  	v31 =	vld [tilespmem:s4+$0x1010];
	v19 =	vadd.f32 v19, v20;
	v20 =	vadd.f32 v23, v25;
	v23 =	vmul.f32 v24, v24  }
0x15b: {  	v21 =	vadd.f32 v27, v21;
	v27 =	vmul.f32 v29, v29  }
0x15c: {  	s7 =	simm.s32 $0x10;
	v18 =	vmul.f32 v18, v18;
	v28 =	vmul.f32 v28, v28  }
0x15d: {  	v26 =	vor.u32 s7, v1;
	v56 =	vsub.f32 v55, v14;
	v29 =	vld [tilespmem:s4+$0x0];
	v21 =	vadd.f32 v22, v21  }
0x15e: {  	v22 =	vadd.f32 v28, v27;
	v20 =	vadd.f32 v23, v20;
	(xrf1) =	vsort.dscd.msk.f32 $0xffff, v19, v26;
	v23, v25, _ =	vpop (xrf1)  }
0x15f: {  	v24 =	vsub.f32 v31, v8;
	v28 =	vsub.f32 v31, v11;
	(xrf1) =	vsort.dscd.msk.f32 $0xffff, v21, v26;
	v21 =	vimm.f32 $+Inf;
	v27, v30, _ =	vpop (xrf1)  }
0x160: {  	v22 =	vadd.f32 v18, v22;
	v19 =	vsub.f32 v31, v13;
	vm9 =	vlt.f32 v27, v21  }
0x161: {  	(xrf1) =	vsort.dscd.msk.f32 $0xffff, v20, v26;
	v20 =	vimm.s32 $0x0;
	vm8 =	vlt.f32 v23, v21;
	v27 =	vsel vm9, v27, v21  }
0x162: {  	v18 =	vsub.f32 v31, v17;
	v31 =	vsub.f32 v29, v6;
	v25 =	vsel vm8, v25, v20  }
0x163: {  	(xrf1) =	vsort.dscd.msk.f32 $0xffff, v22, v26;
	v23 =	vsel vm8, v23, v21;
	v26, v54, _ =	vpop (xrf1);
	v30 =	vsel vm9, v30, v20  }
0x164: {  	v22 =	vld [tilespmem:s9+$0x1000];
	(xrf1) =	vsort.ascd.msk.f32 $0xffff, v23, v25;
	v23 =	vsub.f32 v29, v9;
	vm10 =	vlt.f32 v26, v21  }
0x165: {  	(xrf1) =	vsort.ascd.msk.f32 $0xffff, v27, v30;
	v26 =	vsel vm10, v26, v21;
	v30 =	vsel vm10, v54, v20;
	v25, v27, _ =	vpop (xrf1)  }
0x166: {  	(xrf1) =	vsort.ascd.msk.f32 $0xffff, v26, v30;
	v26 =	vsub.f32 v29, v16;
	vm11 =	vlt.f32 v25, v21  }
0x167: {  	v30 =	vsub.f32 v55, v10;
	v21 =	vsel vm11, v25, v21;
	v20 =	vsel vm11, v27, v20  }
0x168: {  	v23 =	vmul.f32 v23, v23;
	(xrf1) =	vsort.ascd.msk.f32 $0xffff, v21, v20;
	v21 =	vsub.f32 v55, v7  }
0x169: {  	v57 =	vsub.f32 v22, v13;
	v30 =	vmul.f32 v30, v30;
	v25 =	vsub.f32 v29, v12  }
0x16a: {  	v27 =	vsub.f32 v22, v8;
	v29 =	vmul.f32 v31, v31;
	v21 =	vmul.f32 v21, v21  }
0x16b: {  	v31 =	vsub.f32 v22, v11;
	v23 =	vadd.f32 v30, v23;
	v25 =	vmul.f32 v25, v25  }
0x16c: {  	v27 =	vmul.f32 v27, v27;
	v21 =	vadd.f32 v21, v29;
	v29 =	vmul.f32 v56, v56  }
0x16d: {  	v22 =	vsub.f32 v22, v17;
	v30 =	vmul.f32 v31, v31;
	v31 =	vsub.f32 v55, v15  }
0x16e: {  	v35, v36, _ =	vpop (xrf1);
	v21 =	vadd.f32 v27, v21;
	v25 =	vadd.f32 v29, v25;
	v27 =	vmul.f32 v57, v57  }
0x16f: {  	v59, v37, _ =	vpop (xrf1)  }
0x170: {  	v58 =	vld [tilespmem:s4+$0x10];
	v26 =	vmul.f32 v26, v26;
	v29, v60, _ =	vpop (xrf1);
	v25 =	vadd.f32 v27, v25;
	v27 =	vmul.f32 v31, v31  }
0x171: {  	v20 =	vor.u32 s8, v1;
	v23 =	vadd.f32 v30, v23;
	v30, v38, _ =	vpop (xrf1)  }
0x172: {  	(xrf1) =	vsort.dscd.msk.f32 $0xffff, v21, v20;
	v21 =	vmul.f32 v22, v22;
	v22, v39, _ =	vpop (xrf1);
	v26 =	vadd.f32 v27, v26  }
0x173: {  	vm12 =	vlt.f32 v35, v22  }
0x174: {  	v24 =	vmul.f32 v24, v24;
	(xrf1) =	vsort.dscd.msk.f32 $0xffff, v23, v20;
	v22 =	vsel vm12, v35, v22  }
0x175: {  	v31 =	vsub.f32 v58, v6;
	v23 =	vld [tilespmem:s4+$0x810];
	(xrf1) =	vsort.dscd.msk.f32 $0xffff, v25, v20;
	v61 =	vsel vm12, v36, v39;
	v25, v27, _ =	vpop (xrf1)  }
0x176: {  	v21 =	vadd.f32 v21, v26;
	(xrf1) =	vsort.ascd.msk.f32 $0xffff, v22, v61;
	vm13 =	vlt.f32 v59, v25;
	v63, v62, _ =	vpop (xrf1)  }
0x177: {  	v25 =	vsel vm13, v59, v25;
	v27 =	vsel vm13, v37, v27;
	vm14 =	vlt.f32 v29, v63;
	v22, v26, _ =	vpop (xrf1)  }
0x178: {  	(xrf1) =	vsort.ascd.msk.f32 $0xffff, v25, v27;
	v25 =	vsel vm14, v29, v63;
	vm15 =	vlt.f32 v30, v22  }
0x179: {  	v27 =	vsel vm14, v60, v62;
	v29 =	vmul.f32 v31, v31;
	v22 =	vsel vm15, v30, v22  }
0x17a: {  	v26 =	vsel vm15, v38, v26;
	(xrf1) =	vsort.ascd.msk.f32 $0xffff, v25, v27;
	v30 =	vsub.f32 v23, v7  }
0x17b: {  	s4 =	simm.s32 $0x30;
	v25 =	vsub.f32 v58, v9;
	v27 =	vsub.f32 v23, v10;
	(xrf1) =	vsort.ascd.msk.f32 $0xffff, v22, v26  }
0x17c: {  	v22 =	vor.u32 s4, v1;
	v26 =	vsub.f32 v58, v12;
	(xrf1) =	vsort.dscd.msk.f32 $0xffff, v21, v20;
	v20 =	vmul.f32 v28, v28  }
0x17d: {  	s5 =	simm.s32 $0x2;
	s7 =	simm.s32 $0x40;
	v21 =	vsub.f32 v23, v14;
	v30 =	vmul.f32 v30, v30;
	v28 =	vsub.f32 v58, v16  }
.LBB2_7:
0x17e: {  	v25 =	vmul.f32 v25, v25;
	v27 =	vmul.f32 v27, v27  }
0x17f: {  	v31 =	vld [tilespmem:s7+$0x1010];
	v23 =	vsub.f32 v23, v15;
	v35 =	vadd.f32 v30, v29  }
0x180: {  	v36 =	vmul.f32 v26, v26;
	v21 =	vmul.f32 v21, v21;
	v25 =	vadd.f32 v27, v25  }
0x181: {  	v34 =	vmul.f32 v28, v28;
	v23 =	vmul.f32 v23, v23;
	v28, v30, _ =	vpop (xrf1);
	v24 =	vadd.f32 v24, v35  }
0x182: {  	v19 =	vmul.f32 v19, v19;
	v21 =	vadd.f32 v21, v36;
	v32 =	vld [tilespmem:s7+$0x0];
	v26, v29, _ =	vpop (xrf1)  }
0x183: {  	v18 =	vmul.f32 v18, v18;
	v35 =	vadd.f32 v20, v25;
	v23 =	vadd.f32 v23, v34;
	v27, v33, _ =	vpop (xrf1)  }
0x184: {  	v36 =	vadd.f32 v19, v21;
	v20 =	vsub.f32 v31, v8;
	(xrf1) =	vsort.dscd.msk.f32 $0xffff, v24, v22  }
0x185: {  	s4 =	sadd.s32 $0x20, s4;
	v21 =	vsub.f32 v31, v11;
	v23 =	vadd.f32 v18, v23;
	(xrf1) =	vsort.dscd.msk.f32 $0xffff, v35, v22;
	v24, v25, _ =	vpop (xrf1)  }
0x186: {  	s8 =	sadd.s32 $0xFFFFFFF0, s4;
	v19 =	vsub.f32 v31, v13;
	v18 =	vsub.f32 v31, v17;
	(xrf1) =	vsort.dscd.msk.f32 $0xffff, v36, v22;
	v31, v34, _ =	vpop (xrf1)  }
0x187: {  	s9 =	sand.u32 $0x7E0, s8;
	v35 =	vsub.f32 v32, v6;
	vm0 =	vlt.f32 v28, v24;
	(xrf1) =	vsort.dscd.msk.f32 $0xffff, v23, v22  }
0x188: {  	v37 =	vsel vm0, v28, v24;
	v36 =	vsel vm0, v30, v25;
	vm0 =	vlt.f32 v26, v31;
	v22 =	vld [tilespmem:s9+$0x1000];
	v25, v28, _ =	vpop (xrf1)  }
0x189: {  	v38 =	vsel vm0, v26, v31;
	v34 =	vsel vm0, v29, v34;
	v30 =	vld [tilespmem:s9+$0x800];
	(xrf1) =	vsort.ascd.msk.f32 $0xffff, v37, v36;
	v23, v24, _ =	vpop (xrf1)  }
0x18a: {  	v31 =	vsub.f32 v32, v9;
	vm0 =	vlt.f32 v27, v25;
	(xrf1) =	vsort.ascd.msk.f32 $0xffff, v38, v34;
	v26, v29, _ =	vpop (xrf1)  }
0x18b: {  	v25 =	vsel vm0, v27, v25;
	v27 =	vsel vm0, v33, v28;
	vm0 =	vlt.f32 v26, v23  }
0x18c: {  	v23 =	vsel vm0, v26, v23;
	v24 =	vsel vm0, v29, v24;
	(xrf1) =	vsort.ascd.msk.f32 $0xffff, v25, v27  }
0x18d: {  	v25 =	vsub.f32 v32, v12;
	v26 =	vsub.f32 v32, v16;
	(xrf1) =	vsort.ascd.msk.f32 $0xffff, v23, v24  }
0x18e: {  	v24 =	vor.u32 s8, v1;
	v27 =	vsub.f32 v22, v8;
	v23 =	vsub.f32 v30, v7  }
0x18f: {  	v28 =	vmul.f32 v35, v35;
	v32 =	vsub.f32 v22, v11;
	v29 =	vsub.f32 v30, v10  }
0x190: {  	s5 =	sadd.s32 $0x2, s5;
	v31 =	vmul.f32 v31, v31;
	v33 =	vsub.f32 v30, v14;
	v23 =	vmul.f32 v23, v23  }
0x191: {  	p0 =	slt.u32 s5, $0x7E;
	v40 =	vsub.f32 v22, v13;
	v25 =	vmul.f32 v25, v25;
	v29 =	vmul.f32 v29, v29  }
0x192: {  	v27 =	vmul.f32 v27, v27;
	v41 =	vmul.f32 v33, v33;
	v23 =	vadd.f32 v23, v28;
	v33 =	vld [tilespmem:s7+$0x10];
	v35, v36, _ =	vpop (xrf1)  }
0x193: {  	v30 =	vsub.f32 v30, v15;
	v42 =	vmul.f32 v32, v32;
	v29 =	vadd.f32 v29, v31;
	v32, v37, _ =	vpop (xrf1)  }
0x194: {  	v43 =	vmul.f32 v40, v40;
	v25 =	vadd.f32 v41, v25;
	v23 =	vadd.f32 v27, v23;
	v28, v34, _ =	vpop (xrf1)  }
0x195: {  	v22 =	vsub.f32 v22, v17;
	v26 =	vmul.f32 v26, v26;
	v40 =	vadd.f32 v42, v29;
	v31, v38, _ =	vpop (xrf1)  }
0x196: {  	v41 =	vmul.f32 v30, v30;
	v42 =	vadd.f32 v43, v25;
	(xrf1) =	vsort.dscd.msk.f32 $0xffff, v23, v24  }
0x197: {  	v22 =	vmul.f32 v22, v22;
	v30 =	vsub.f32 v33, v6;
	(xrf1) =	vsort.dscd.msk.f32 $0xffff, v40, v24;
	v29, v39, _ =	vpop (xrf1)  }
0x198: {  	v40 =	vadd.f32 v41, v26;
	(xrf1) =	vsort.dscd.msk.f32 $0xffff, v42, v24;
	vm0 =	vlt.f32 v35, v29;
	v25, v27, _ =	vpop (xrf1)  }
0x199: {  	v23 =	vld [tilespmem:s7+$0x810];
	v29 =	vsel vm0, v35, v29;
	v35 =	vsel vm0, v36, v39;
	vm0 =	vlt.f32 v32, v25  }
0x19a: {  	v25 =	vsel vm0, v32, v25;
	v27 =	vsel vm0, v37, v27;
	v32, v36, _ =	vpop (xrf1);
	(xrf1) =	vsort.ascd.msk.f32 $0xffff, v29, v35  }
0x19b: {  	v29 =	vadd.f32 v22, v40;
	vm0 =	vlt.f32 v28, v32;
	v22, v26, _ =	vpop (xrf1);
	(xrf1) =	vsort.ascd.msk.f32 $0xffff, v25, v27  }
0x19c: {  	v25 =	vsel vm0, v28, v32;
	v27 =	vsel vm0, v34, v36;
	vm0 =	vlt.f32 v31, v22  }
.Ltmp2:
0x19d: {  	v22 =	vsel vm0, v31, v22;
	v26 =	vsel vm0, v38, v26;
	(xrf1) =	vsort.ascd.msk.f32 $0xffff, v25, v27;
	(pc) =	sbr.rel @p0 .LBB2_7-.Ltmp2, $4  }
0x19e: {  	v25 =	vsub.f32 v33, v9;
	v28 =	vsub.f32 v23, v7;
	(xrf1) =	vsort.ascd.msk.f32 $0xffff, v22, v26  }
0x19f: {  	v22 =	vor.u32 s4, v1;
	v27 =	vsub.f32 v23, v10;
	v26 =	vsub.f32 v33, v12;
	(xrf1) =	vsort.dscd.msk.f32 $0xffff, v29, v24  }
0x1a0: {  	v24 =	vmul.f32 v20, v20;
	v20 =	vmul.f32 v21, v21;
	v21 =	vsub.f32 v23, v14  }
0x1a1: {  	s7 =	sadd.s32 $0x20, s7;
	v29 =	vmul.f32 v30, v30;
	v30 =	vmul.f32 v28, v28;
	v28 =	vsub.f32 v33, v16  }
0x1a2: {  	v6 =	vmul.f32 v25, v25;
	v7 =	vmul.f32 v27, v27;
	v8 =	vsub.f32 v23, v15  }
0x1a3: {  	v10 =	vmul.f32 v26, v26;
	v11 =	vmul.f32 v21, v21;
	v9 =	vadd.f32 v30, v29  }
0x1a4: {  	v6 =	vadd.f32 v7, v6;
	v7 =	vmul.f32 v28, v28;
	v8 =	vmul.f32 v8, v8  }
0x1a5: {  	v10 =	vadd.f32 v11, v10;
	v11 =	vmul.f32 v19, v19  }
0x1a6: {  	v9 =	vadd.f32 v24, v9;
	v7 =	vadd.f32 v8, v7;
	v8 =	vmul.f32 v18, v18  }
0x1a7: {  	v6 =	vadd.f32 v20, v6  }
0x1a8: {  	v12, v13, _ =	vpop (xrf1);
	v10 =	vadd.f32 v11, v10  }
0x1a9: {  	v14, v15, _ =	vpop (xrf1)  }
0x1aa: {  	(xrf1) =	vsort.dscd.msk.f32 $0xffff, v9, v22;
	v9, v11, _ =	vpop (xrf1)  }
0x1ab: {  	v7 =	vadd.f32 v8, v7;
	(xrf1) =	vsort.dscd.msk.f32 $0xffff, v6, v22;
	v6, v8, _ =	vpop (xrf1)  }
0x1ac: {  	(xrf1) =	vsort.dscd.msk.f32 $0xffff, v10, v22;
	v10, v16, _ =	vpop (xrf1);
	vm0 =	vlt.f32 v12, v6  }
0x1ad: {  	(xrf1) =	vsort.dscd.msk.f32 $0xffff, v7, v22;
	v7 =	vsel vm0, v13, v8;
	vm13 =	vlt.f32 v14, v10  }
0x1ae: {  	v6 =	vsel vm0, v12, v6;
	v13 =	vsel vm13, v15, v16  }
0x1af: {  	v8, v12, _ =	vpop (xrf1);
	v10 =	vsel vm13, v14, v10;
	(xrf1) =	vsort.ascd.msk.f32 $0xffff, v6, v7;
	_ =	sdelay $0x1  }
0x1b0: {  	vm14 =	vlt.f32 v9, v8;
	v6, v7, _ =	vpop (xrf1)  }
0x1b1: {  	v8 =	vsel vm14, v9, v8;
	v9 =	vsel vm14, v11, v12;
	(xrf1) =	vsort.ascd.msk.f32 $0xffff, v10, v13;
	v10, v13, _ =	vpop (xrf1)  }
0x1b2: {  	(xrf1) =	vsort.ascd.msk.f32 $0xffff, v8, v9;
	vm15 =	vlt.f32 v10, v6  }
0x1b3: {  	v6 =	vsel vm15, v10, v6;
	v7 =	vsel vm15, v13, v7  }
0x1b4: {  	(xrf1) =	vsort.ascd.msk.f32 $0xffff, v6, v7;
	_ =	sdelay $0x3  }
0x1b5: {  	v6, v7, _ =	vpop (xrf1)  }
0x1b6: {  	v8, v9, _ =	vpop (xrf1)  }
0x1b7: {  	v10, v11, _ =	vpop (xrf1)  }
0x1b8: {  	v12, v13, _ =	vpop (xrf1)  }
0x1b9: {  	v14, v15, _ =	vpop (xrf1)  }
0x1ba: {  	vm4 =	vlt.f32 v6, v14  }
0x1bb: {  	v7 =	vsel vm4, v7, v15  }
0x1bc: {  	v6 =	vsel vm4, v6, v14;
	v16, v17, _ =	vpop (xrf1)  }
0x1bd: {  	(xrf1) =	vsort.ascd.msk.f32 $0xffff, v6, v7;
	vm5 =	vlt.f32 v8, v16;
	v14, v15, _ =	vpop (xrf1)  }
0x1be: {  	v8 =	vsel vm5, v8, v16;
	v9 =	vsel vm5, v9, v17;
	vm6 =	vlt.f32 v10, v14  }
0x1bf: {  	(xrf1) =	vsort.ascd.msk.f32 $0xffff, v8, v9;
	v8 =	vsel vm6, v10, v14;
	v9 =	vsel vm6, v11, v15;
	v6, v7, _ =	vpop (xrf1)  }
0x1c0: {  	(xrf1) =	vsort.ascd.msk.f32 $0xffff, v8, v9;
	vm7 =	vlt.f32 v12, v6  }
0x1c1: {  	v6 =	vsel vm7, v12, v6;
	v7 =	vsel vm7, v13, v7  }
0x1c2: {  	(xrf1) =	vsort.ascd.msk.f32 $0xffff, v6, v7;
	_ =	sdelay $0x6  }
0x1c3: {  	s4 =	sor.u32 $0x8, s23  }
0x1c4: {  	s5 =	sor.u32 $0x9, s23;
	v6 =	vor.u32 s4, v5  }
0x1c5: {  	s7 =	sor.u32 $0xA, s23;
	v7 =	vor.u32 s5, v5  }
0x1c6: {  	s8 =	sor.u32 $0xB, s23;
	v8 =	vor.u32 s7, v5;
	v9, v10, _ =	vpop (xrf1)  }
0x1c7: {  	v9 =	vor.u32 s8, v5;
	v10 =	vadd.s32 v0, v10;
	v11, v12, _ =	vpop (xrf1)  }
0x1c8: {  	v11, v13, _ =	vpop (xrf1)  }
0x1c9: {  	[tilespmem:v6+s29+$0x0] =	vst.idx.msk $0xffff, v10;
	v6 =	vadd.s32 v0, v12  }
0x1ca: {  	[tilespmem:v7+s29+$0x0] =	vst.idx.msk $0xffff, v6;
	v6 =	vadd.s32 v0, v13;
	v10, v11, _ =	vpop (xrf1)  }
0x1cb: {  	[tilespmem:v8+s29+$0x0] =	vst.idx.msk $0xffff, v6;
	v6 =	vadd.s32 v0, v11  }
0x1cc: {  	s9 =	simm.s32 $0x0;
	[tilespmem:v9+s29+$0x0] =	vst.idx.msk $0xffff, v6  }
0x1cd: {  	s5 =	simm.s32 $0x0;
	v15 =	vld [tilespmem:s9+$0x1010]  }
0x1ce: {  	s7 =	sand.u32 $0x7E0, s5;
	v16 =	vld [tilespmem:s9+$0x0]  }
0x1cf: {  	v14 =	vbroadcast v3, $0xE;
	v17 =	vld [tilespmem:s7+$0x800]  }
0x1d0: {  	v12 =	vbroadcast v4, $0xE;
	v8 =	vbroadcast v2, $0xC;
	v18 =	vld [tilespmem:s7+$0x1000]  }
0x1d1: {  	v26 =	vor.u32 s5, v1;
	v6 =	vbroadcast v4, $0xC;
	v9 =	vbroadcast v4, $0xD  }
0x1d2: {  	v7 =	vbroadcast v3, $0xC;
	v4 =	vbroadcast v4, $0xF;
	v19 =	vsub.f32 v15, v8  }
0x1d3: {  	v10 =	vbroadcast v3, $0xD;
	v22 =	vsub.f32 v16, v6;
	v23 =	vsub.f32 v16, v9  }
0x1d4: {  	v11 =	vbroadcast v2, $0xD;
	v24 =	vsub.f32 v16, v12;
	v16 =	vsub.f32 v16, v4  }
0x1d5: {  	v13 =	vbroadcast v2, $0xE;
	v25 =	vsub.f32 v17, v7;
	v27 =	vsub.f32 v18, v8  }
0x1d6: {  	v3 =	vbroadcast v3, $0xF;
	v28 =	vsub.f32 v17, v10;
	v29 =	vsub.f32 v18, v11  }
0x1d7: {  	v2 =	vbroadcast v2, $0xF;
	v55 =	vsub.f32 v17, v14;
	v31 =	vsub.f32 v18, v13  }
0x1d8: {  	v17 =	vsub.f32 v17, v3;
	v22 =	vmul.f32 v22, v22;
	v25 =	vmul.f32 v25, v25  }
0x1d9: {  	v18 =	vsub.f32 v18, v2;
	v23 =	vmul.f32 v23, v23;
	v28 =	vmul.f32 v28, v28  }
0x1da: {  	v16 =	vmul.f32 v16, v16;
	v22 =	vadd.f32 v25, v22;
	v25 =	vmul.f32 v27, v27  }
0x1db: {  	v17 =	vmul.f32 v17, v17;
	v23 =	vadd.f32 v28, v23;
	v28 =	vmul.f32 v29, v29  }
0x1dc: {  	v56 =	vld [tilespmem:s9+$0x10];
	v24 =	vmul.f32 v24, v24;
	v27 =	vmul.f32 v55, v55;
	v22 =	vadd.f32 v25, v22  }
0x1dd: {  	v18 =	vmul.f32 v18, v18;
	v16 =	vadd.f32 v17, v16;
	v25 =	vld [tilespmem:s9+$0x810];
	v23 =	vadd.f32 v28, v23  }
0x1de: {  	v24 =	vadd.f32 v27, v24;
	v27 =	vmul.f32 v31, v31;
	(xrf1) =	vsort.dscd.msk.f32 $0xffff, v22, v26  }
0x1df: {  	v20 =	vsub.f32 v15, v11;
	v21 =	vsub.f32 v15, v13;
	(xrf1) =	vsort.dscd.msk.f32 $0xffff, v23, v26  }
0x1e0: {  	v16 =	vadd.f32 v18, v16;
	v17 =	vadd.f32 v27, v24  }
0x1e1: {  	v18 =	vsub.f32 v56, v9;
	v22 =	vsub.f32 v56, v6  }
0x1e2: {  	v27 =	vsub.f32 v56, v12;
	(xrf1) =	vsort.dscd.msk.f32 $0xffff, v17, v26;
	v17 =	vsub.f32 v25, v7  }
0x1e3: {  	v22 =	vmul.f32 v22, v22;
	(xrf1) =	vsort.dscd.msk.f32 $0xffff, v16, v26;
	v16 =	vmul.f32 v19, v19  }
0x1e4: {  	v19 =	vmul.f32 v20, v20;
	v20 =	vsub.f32 v25, v14;
	v17 =	vmul.f32 v17, v17  }
0x1e5: {  	v15 =	vsub.f32 v15, v2;
	v18 =	vmul.f32 v18, v18;
	v24 =	vsub.f32 v25, v10  }
0x1e6: {  	s4 =	simm.s32 $0x20;
	v20 =	vmul.f32 v20, v20;
	v17 =	vadd.f32 v17, v22;
	v22 =	vmul.f32 v27, v27  }
0x1e7: {  	v28 =	vld [tilespmem:s4+$0x1010];
	v26 =	vsub.f32 v56, v4;
	v25 =	vsub.f32 v25, v3;
	v24 =	vmul.f32 v24, v24  }
0x1e8: {  	v16 =	vadd.f32 v16, v17;
	v17 =	vadd.f32 v20, v22;
	v20 =	vmul.f32 v21, v21  }
0x1e9: {  	v25 =	vmul.f32 v25, v25;
	v18 =	vadd.f32 v24, v18;
	v24 =	vmul.f32 v26, v26  }
0x1ea: {  	s7 =	simm.s32 $0x10;
	v15 =	vmul.f32 v15, v15  }
0x1eb: {  	v23 =	vor.u32 s7, v1;
	v18 =	vadd.f32 v19, v18;
	v19 =	vadd.f32 v25, v24  }
0x1ec: {  	s8 =	simm.s32 $0x20;
	v26 =	vld [tilespmem:s4+$0x0];
	v21 =	vsub.f32 v28, v8;
	v17 =	vadd.f32 v20, v17;
	(xrf1) =	vsort.dscd.msk.f32 $0xffff, v16, v23;
	v20, v22, _ =	vpop (xrf1)  }
0x1ed: {  	s9 =	sand.u32 $0x7E0, s8;
	v25 =	vsub.f32 v28, v11;
	v19 =	vadd.f32 v15, v19;
	(xrf1) =	vsort.dscd.msk.f32 $0xffff, v18, v23;
	v18 =	vimm.f32 $+Inf;
	v24, v27, _ =	vpop (xrf1)  }
0x1ee: {  	v57 =	vld [tilespmem:s9+$0x800];
	v16 =	vsub.f32 v28, v13;
	v15 =	vsub.f32 v28, v2;
	vm9 =	vlt.f32 v24, v18  }
0x1ef: {  	(xrf1) =	vsort.dscd.msk.f32 $0xffff, v17, v23;
	v17 =	vimm.s32 $0x0;
	vm8 =	vlt.f32 v20, v18;
	v24 =	vsel vm9, v24, v18  }
0x1f0: {  	(xrf1) =	vsort.dscd.msk.f32 $0xffff, v19, v23;
	v20 =	vsel vm8, v20, v18;
	v22 =	vsel vm8, v22, v17  }
0x1f1: {  	v28 =	vsub.f32 v26, v6;
	v23, v29, _ =	vpop (xrf1);
	v27 =	vsel vm9, v27, v17;
	(xrf1) =	vsort.ascd.msk.f32 $0xffff, v20, v22  }
0x1f2: {  	v19 =	vld [tilespmem:s9+$0x1000];
	v20 =	vsub.f32 v26, v9;
	vm10 =	vlt.f32 v23, v18;
	(xrf1) =	vsort.ascd.msk.f32 $0xffff, v24, v27  }
0x1f3: {  	v23 =	vsel vm10, v23, v18;
	v27 =	vsel vm10, v29, v17;
	v29 =	vsub.f32 v57, v14;
	v22, v24, _ =	vpop (xrf1)  }
0x1f4: {  	(xrf1) =	vsort.ascd.msk.f32 $0xffff, v23, v27;
	v23 =	vsub.f32 v26, v4;
	vm11 =	vlt.f32 v22, v18  }
0x1f5: {  	v27 =	vsub.f32 v57, v10;
	v18 =	vsel vm11, v22, v18;
	v17 =	vsel vm11, v24, v17  }
0x1f6: {  	v20 =	vmul.f32 v20, v20;
	(xrf1) =	vsort.ascd.msk.f32 $0xffff, v18, v17;
	v18 =	vsub.f32 v57, v7  }
0x1f7: {  	v58 =	vsub.f32 v19, v13;
	v27 =	vmul.f32 v27, v27;
	v22 =	vsub.f32 v26, v12  }
0x1f8: {  	v24 =	vsub.f32 v19, v8;
	v26 =	vmul.f32 v28, v28;
	v18 =	vmul.f32 v18, v18  }
0x1f9: {  	v28 =	vsub.f32 v19, v11;
	v20 =	vadd.f32 v27, v20;
	v22 =	vmul.f32 v22, v22  }
0x1fa: {  	v24 =	vmul.f32 v24, v24;
	v18 =	vadd.f32 v18, v26;
	v26 =	vmul.f32 v29, v29  }
0x1fb: {  	v19 =	vsub.f32 v19, v2;
	v27 =	vmul.f32 v28, v28;
	v28 =	vsub.f32 v57, v3  }
0x1fc: {  	v32, v33, _ =	vpop (xrf1);
	v18 =	vadd.f32 v24, v18;
	v22 =	vadd.f32 v26, v22;
	v24 =	vmul.f32 v58, v58  }
0x1fd: {  	v59, v34, _ =	vpop (xrf1)  }
0x1fe: {  	v23 =	vmul.f32 v23, v23;
	v29 =	vld [tilespmem:s4+$0x10];
	v26, v60, _ =	vpop (xrf1);
	v22 =	vadd.f32 v24, v22;
	v24 =	vmul.f32 v28, v28  }
0x1ff: {  	v17 =	vor.u32 s8, v1;
	v20 =	vadd.f32 v27, v20;
	v27, v35, _ =	vpop (xrf1)  }
0x200: {  	(xrf1) =	vsort.dscd.msk.f32 $0xffff, v18, v17;
	v18 =	vmul.f32 v19, v19;
	v19, v36, _ =	vpop (xrf1);
	v23 =	vadd.f32 v24, v23  }
0x201: {  	vm12 =	vlt.f32 v32, v19  }
0x202: {  	v21 =	vmul.f32 v21, v21;
	(xrf1) =	vsort.dscd.msk.f32 $0xffff, v20, v17;
	v19 =	vsel vm12, v32, v19  }
0x203: {  	v28 =	vsub.f32 v29, v6;
	v20 =	vld [tilespmem:s4+$0x810];
	(xrf1) =	vsort.dscd.msk.f32 $0xffff, v22, v17;
	v61 =	vsel vm12, v33, v36;
	v22, v24, _ =	vpop (xrf1)  }
0x204: {  	v18 =	vadd.f32 v18, v23;
	(xrf1) =	vsort.ascd.msk.f32 $0xffff, v19, v61;
	vm13 =	vlt.f32 v59, v22;
	v63, v62, _ =	vpop (xrf1)  }
0x205: {  	v22 =	vsel vm13, v59, v22;
	v24 =	vsel vm13, v34, v24;
	vm14 =	vlt.f32 v26, v63;
	v19, v23, _ =	vpop (xrf1)  }
0x206: {  	(xrf1) =	vsort.ascd.msk.f32 $0xffff, v22, v24;
	v22 =	vsel vm14, v26, v63;
	vm15 =	vlt.f32 v27, v19  }
0x207: {  	v24 =	vsel vm14, v60, v62;
	v26 =	vmul.f32 v28, v28;
	v19 =	vsel vm15, v27, v19  }
0x208: {  	v23 =	vsel vm15, v35, v23;
	(xrf1) =	vsort.ascd.msk.f32 $0xffff, v22, v24;
	v27 =	vsub.f32 v20, v7  }
0x209: {  	s4 =	simm.s32 $0x30;
	v22 =	vsub.f32 v29, v9;
	v24 =	vsub.f32 v20, v10;
	(xrf1) =	vsort.ascd.msk.f32 $0xffff, v19, v23  }
0x20a: {  	v19 =	vor.u32 s4, v1;
	v23 =	vsub.f32 v29, v12;
	(xrf1) =	vsort.dscd.msk.f32 $0xffff, v18, v17;
	v17 =	vmul.f32 v25, v25  }
0x20b: {  	s5 =	simm.s32 $0x2;
	s7 =	simm.s32 $0x40;
	v18 =	vsub.f32 v20, v14;
	v27 =	vmul.f32 v27, v27;
	v25 =	vsub.f32 v29, v4  }
.LBB2_9:
0x20c: {  	v22 =	vmul.f32 v22, v22;
	v24 =	vmul.f32 v24, v24  }
0x20d: {  	v28 =	vld [tilespmem:s7+$0x1010];
	v20 =	vsub.f32 v20, v3;
	v32 =	vadd.f32 v27, v26  }
0x20e: {  	v33 =	vmul.f32 v23, v23;
	v18 =	vmul.f32 v18, v18;
	v22 =	vadd.f32 v24, v22  }
0x20f: {  	v31 =	vmul.f32 v25, v25;
	v20 =	vmul.f32 v20, v20;
	v25, v27, _ =	vpop (xrf1);
	v21 =	vadd.f32 v21, v32  }
0x210: {  	v16 =	vmul.f32 v16, v16;
	v18 =	vadd.f32 v18, v33;
	v29 =	vld [tilespmem:s7+$0x0];
	v23, v26, _ =	vpop (xrf1)  }
0x211: {  	v15 =	vmul.f32 v15, v15;
	v32 =	vadd.f32 v17, v22;
	v20 =	vadd.f32 v20, v31;
	v24, v30, _ =	vpop (xrf1)  }
0x212: {  	v33 =	vadd.f32 v16, v18;
	v17 =	vsub.f32 v28, v8;
	(xrf1) =	vsort.dscd.msk.f32 $0xffff, v21, v19  }
0x213: {  	s4 =	sadd.s32 $0x20, s4;
	v18 =	vsub.f32 v28, v11;
	v20 =	vadd.f32 v15, v20;
	(xrf1) =	vsort.dscd.msk.f32 $0xffff, v32, v19;
	v21, v22, _ =	vpop (xrf1)  }
0x214: {  	s8 =	sadd.s32 $0xFFFFFFF0, s4;
	v16 =	vsub.f32 v28, v13;
	v15 =	vsub.f32 v28, v2;
	(xrf1) =	vsort.dscd.msk.f32 $0xffff, v33, v19;
	v28, v31, _ =	vpop (xrf1)  }
0x215: {  	s9 =	sand.u32 $0x7E0, s8;
	v32 =	vsub.f32 v29, v6;
	vm0 =	vlt.f32 v25, v21;
	(xrf1) =	vsort.dscd.msk.f32 $0xffff, v20, v19  }
0x216: {  	v34 =	vsel vm0, v25, v21;
	v33 =	vsel vm0, v27, v22;
	vm0 =	vlt.f32 v23, v28;
	v19 =	vld [tilespmem:s9+$0x1000];
	v22, v25, _ =	vpop (xrf1)  }
0x217: {  	v35 =	vsel vm0, v23, v28;
	v31 =	vsel vm0, v26, v31;
	v27 =	vld [tilespmem:s9+$0x800];
	(xrf1) =	vsort.ascd.msk.f32 $0xffff, v34, v33;
	v20, v21, _ =	vpop (xrf1)  }
0x218: {  	v28 =	vsub.f32 v29, v9;
	vm0 =	vlt.f32 v24, v22;
	(xrf1) =	vsort.ascd.msk.f32 $0xffff, v35, v31;
	v23, v26, _ =	vpop (xrf1)  }
0x219: {  	v22 =	vsel vm0, v24, v22;
	v24 =	vsel vm0, v30, v25;
	vm0 =	vlt.f32 v23, v20  }
0x21a: {  	v20 =	vsel vm0, v23, v20;
	v21 =	vsel vm0, v26, v21;
	(xrf1) =	vsort.ascd.msk.f32 $0xffff, v22, v24  }
0x21b: {  	v22 =	vsub.f32 v29, v12;
	v23 =	vsub.f32 v29, v4;
	(xrf1) =	vsort.ascd.msk.f32 $0xffff, v20, v21  }
0x21c: {  	v21 =	vor.u32 s8, v1;
	v24 =	vsub.f32 v19, v8;
	v20 =	vsub.f32 v27, v7  }
0x21d: {  	v25 =	vmul.f32 v32, v32;
	v29 =	vsub.f32 v19, v11;
	v26 =	vsub.f32 v27, v10  }
0x21e: {  	s5 =	sadd.s32 $0x2, s5;
	v28 =	vmul.f32 v28, v28;
	v30 =	vsub.f32 v27, v14;
	v20 =	vmul.f32 v20, v20  }
0x21f: {  	p0 =	slt.u32 s5, $0x7E;
	v37 =	vsub.f32 v19, v13;
	v22 =	vmul.f32 v22, v22;
	v26 =	vmul.f32 v26, v26  }
0x220: {  	v24 =	vmul.f32 v24, v24;
	v38 =	vmul.f32 v30, v30;
	v20 =	vadd.f32 v20, v25;
	v30 =	vld [tilespmem:s7+$0x10];
	v32, v33, _ =	vpop (xrf1)  }
0x221: {  	v27 =	vsub.f32 v27, v3;
	v39 =	vmul.f32 v29, v29;
	v26 =	vadd.f32 v26, v28;
	v29, v34, _ =	vpop (xrf1)  }
0x222: {  	v40 =	vmul.f32 v37, v37;
	v22 =	vadd.f32 v38, v22;
	v20 =	vadd.f32 v24, v20;
	v25, v31, _ =	vpop (xrf1)  }
0x223: {  	v19 =	vsub.f32 v19, v2;
	v23 =	vmul.f32 v23, v23;
	v37 =	vadd.f32 v39, v26;
	v28, v35, _ =	vpop (xrf1)  }
0x224: {  	v38 =	vmul.f32 v27, v27;
	v39 =	vadd.f32 v40, v22;
	(xrf1) =	vsort.dscd.msk.f32 $0xffff, v20, v21  }
0x225: {  	v19 =	vmul.f32 v19, v19;
	v27 =	vsub.f32 v30, v6;
	(xrf1) =	vsort.dscd.msk.f32 $0xffff, v37, v21;
	v26, v36, _ =	vpop (xrf1)  }
0x226: {  	v37 =	vadd.f32 v38, v23;
	(xrf1) =	vsort.dscd.msk.f32 $0xffff, v39, v21;
	vm0 =	vlt.f32 v32, v26;
	v22, v24, _ =	vpop (xrf1)  }
0x227: {  	v20 =	vld [tilespmem:s7+$0x810];
	v26 =	vsel vm0, v32, v26;
	v32 =	vsel vm0, v33, v36;
	vm0 =	vlt.f32 v29, v22  }
0x228: {  	v22 =	vsel vm0, v29, v22;
	v24 =	vsel vm0, v34, v24;
	v29, v33, _ =	vpop (xrf1);
	(xrf1) =	vsort.ascd.msk.f32 $0xffff, v26, v32  }
0x229: {  	v26 =	vadd.f32 v19, v37;
	vm0 =	vlt.f32 v25, v29;
	v19, v23, _ =	vpop (xrf1);
	(xrf1) =	vsort.ascd.msk.f32 $0xffff, v22, v24  }
0x22a: {  	v22 =	vsel vm0, v25, v29;
	v24 =	vsel vm0, v31, v33;
	vm0 =	vlt.f32 v28, v19  }
.Ltmp3:
0x22b: {  	v19 =	vsel vm0, v28, v19;
	v23 =	vsel vm0, v35, v23;
	(xrf1) =	vsort.ascd.msk.f32 $0xffff, v22, v24;
	(pc) =	sbr.rel @p0 .LBB2_9-.Ltmp3, $4  }
0x22c: {  	v22 =	vsub.f32 v30, v9;
	v25 =	vsub.f32 v20, v7;
	(xrf1) =	vsort.ascd.msk.f32 $0xffff, v19, v23  }
0x22d: {  	v19 =	vor.u32 s4, v1;
	v24 =	vsub.f32 v20, v10;
	v23 =	vsub.f32 v30, v12;
	(xrf1) =	vsort.dscd.msk.f32 $0xffff, v26, v21  }
0x22e: {  	v21 =	vmul.f32 v17, v17;
	v17 =	vmul.f32 v18, v18;
	v18 =	vsub.f32 v20, v14  }
0x22f: {  	s7 =	sadd.s32 $0x20, s7;
	v26 =	vmul.f32 v27, v27;
	v27 =	vmul.f32 v25, v25;
	v25 =	vsub.f32 v30, v4  }
0x230: {  	v2 =	vmul.f32 v22, v22;
	v4 =	vmul.f32 v24, v24;
	_ =	sdelay $0x1  }
0x231: {  	v3 =	vsub.f32 v20, v3;
	v2 =	vadd.f32 v4, v2  }
0x232: {  	v7 =	vmul.f32 v23, v23;
	v8 =	vmul.f32 v18, v18;
	v6 =	vadd.f32 v27, v26  }
0x233: {  	v34 =	vmul.f32 v25, v25;
	v3 =	vmul.f32 v3, v3;
	v2 =	vadd.f32 v17, v2  }
0x234: {  	v35 =	vmul.f32 v16, v16;
	v7 =	vadd.f32 v8, v7;
	v9, v10, _ =	vpop (xrf1);
	v6 =	vadd.f32 v21, v6  }
0x235: {  	v36 =	vmul.f32 v15, v15;
	v11, v12, _ =	vpop (xrf1);
	v3 =	vadd.f32 v3, v34  }
0x236: {  	v7 =	vadd.f32 v35, v7;
	v38, v37, _ =	vpop (xrf1);
	(xrf1) =	vsort.dscd.msk.f32 $0xffff, v6, v19  }
0x237: {  	v3 =	vadd.f32 v36, v3;
	(xrf1) =	vsort.dscd.msk.f32 $0xffff, v2, v19;
	v2, v39, _ =	vpop (xrf1)  }
0x238: {  	(xrf1) =	vsort.dscd.msk.f32 $0xffff, v7, v19;
	vm0 =	vlt.f32 v9, v2  }
0x239: {  	(xrf1) =	vsort.dscd.msk.f32 $0xffff, v3, v19;
	v40, v13, _ =	vpop (xrf1);
	v3 =	vsel vm0, v10, v39  }
0x23a: {  	v2 =	vsel vm0, v9, v2;
	vm9 =	vlt.f32 v11, v40  }
0x23b: {  	v42, v41, _ =	vpop (xrf1);
	v7 =	vsel vm9, v11, v40;
	(xrf1) =	vsort.ascd.msk.f32 $0xffff, v2, v3;
	_ =	sdelay $0x1  }
0x23c: {  	v43 =	vsel vm9, v12, v13;
	v2, v3, _ =	vpop (xrf1)  }
0x23d: {  	vm10 =	vlt.f32 v38, v42;
	(xrf1) =	vsort.ascd.msk.f32 $0xffff, v7, v43;
	v7, v10, _ =	vpop (xrf1)  }
0x23e: {  	v4 =	vsel vm10, v38, v42;
	v44 =	vsel vm10, v37, v41;
	vm11 =	vlt.f32 v7, v2  }
0x23f: {  	(xrf1) =	vsort.ascd.msk.f32 $0xffff, v4, v44;
	v2 =	vsel vm11, v7, v2;
	v3 =	vsel vm11, v10, v3  }
0x240: {  	(xrf1) =	vsort.ascd.msk.f32 $0xffff, v2, v3;
	_ =	sdelay $0x3  }
0x241: {  	v2, v3, _ =	vpop (xrf1)  }
0x242: {  	v4, v6, _ =	vpop (xrf1)  }
0x243: {  	v46, v45, _ =	vpop (xrf1)  }
0x244: {  	v47, v48, _ =	vpop (xrf1)  }
0x245: {  	v49, v50, _ =	vpop (xrf1)  }
0x246: {  	vm12 =	vlt.f32 v2, v49  }
0x247: {  	v3 =	vsel vm12, v3, v50  }
0x248: {  	v2 =	vsel vm12, v2, v49;
	v51, v14, _ =	vpop (xrf1)  }
0x249: {  	vm13 =	vlt.f32 v4, v51  }
0x24a: {  	(xrf1) =	vsort.ascd.msk.f32 $0xffff, v2, v3;
	v52, v53, _ =	vpop (xrf1);
	v4 =	vsel vm13, v4, v51;
	v6 =	vsel vm13, v6, v14  }
0x24b: {  	vm14 =	vlt.f32 v46, v52;
	(xrf1) =	vsort.ascd.msk.f32 $0xffff, v4, v6;
	v2, v3, _ =	vpop (xrf1)  }
0x24c: {  	v54 =	vsel vm14, v46, v52;
	v55 =	vsel vm14, v45, v53;
	vm15 =	vlt.f32 v47, v2  }
0x24d: {  	(xrf1) =	vsort.ascd.msk.f32 $0xffff, v54, v55;
	v2 =	vsel vm15, v47, v2;
	v3 =	vsel vm15, v48, v3  }
0x24e: {  	(xrf1) =	vsort.ascd.msk.f32 $0xffff, v2, v3;
	_ =	sdelay $0x6  }
0x24f: {  	s4 =	sor.u32 $0xC, s23  }
0x250: {  	s8 =	sor.u32 $0xD, s23;
	v2 =	vor.u32 s4, v5  }
0x251: {  	s9 =	sor.u32 $0xE, s23;
	v3 =	vor.u32 s8, v5  }
0x252: {  	s23 =	sor.u32 $0xF, s23;
	s0 =	sadd.s32 $0x1, s0;
	v56 =	vor.u32 s9, v5  }
0x253: {  	v59 =	vor.u32 s23, v5;
	p0 =	sne.s32 s0, $0x4;
	v58, v57, _ =	vpop (xrf1)  }
.Ltmp4:
0x254: {  	v6 =	vadd.s32 v0, v57;
	v60, v8, _ =	vpop (xrf1);
	(pc) =	sbr.rel @p0 .LBB2_2-.Ltmp4, $4  }
0x255: {  	[tilespmem:v2+s29+$0x0] =	vst.idx.msk $0xffff, v6;
	v62, v61, _ =	vpop (xrf1);
	v2 =	vadd.s32 v0, v8  }
0x256: {  	[tilespmem:v3+s29+$0x0] =	vst.idx.msk $0xffff, v2;
	v2 =	vadd.s32 v0, v61;
	v63, v7, _ =	vpop (xrf1)  }
0x257: {  	[tilespmem:v56+s29+$0x0] =	vst.idx.msk $0xffff, v2;
	v2 =	vadd.s32 v0, v7  }
0x258: {  	[tilespmem:v59+s29+$0x0] =	vst.idx.msk $0xffff, v2  }
0x259: {  	[tilespmem:s31], [sflag:$0x1] =	stream.indirect.gather [hbm4b:s2+s30], $0x80, s29, s30, $0xb8;
	[tilespmem:$0x5D00] =	vst v63  }
0x25a: {  	s0 =	simm.s32 $0x1940  }
0x25b: {  	[tilespmem:s1], [sflag:$0x2] =	stream.indirect.gather [hbm4b:s2+s30], $0x80, s0, s30, $0xb8;
	[tilespmem:$0x5D00] =	vst v63  }
0x25c: {  	_ =	swait.ge [sflag:s24], $0x2000  }
0x25d: {  	[sflag:s24] =	ssyncset.done $0x0  }
0x25e: {  	[sflag:s24] =	ssyncadd.s32 $0xFFFFE000  }
0x25f: {  	[hbm4b:s6+s3] =	stream.linear.scatter [tilespmem:s31], [sflag:$0x3], $0x2000, $0x38;
	[tilespmem:$0x5D00] =	vst v63  }
0x260: {  	_ =	swait.ge [sflag:s25], $0x2000  }
0x261: {  	[sflag:s25] =	ssyncset.done $0x0  }
0x262: {  	s5 =	simm.s32 $0x1980;
	[sflag:s25] =	ssyncadd.s32 $0xFFFFE000  }
0x263: {  	[tilespmem:s31], [sflag:$0x1] =	stream.indirect.gather [hbm4b:s2+s30], $0x80, s5, s30, $0xb8;
	[tilespmem:$0x5D00] =	vst v63  }
0x264: {  	_ =	swait.ge [sflag:s28], $0x2000  }
0x265: {  	[sflag:s28] =	ssyncset.done $0x0  }
0x266: {  	s7 =	rddreg [dreg:$0x5];
	[sflag:s28] =	ssyncadd.s32 $0xFFFFE000  }
0x267: {  	[hbm4b:s7+s3] =	stream.linear.scatter [tilespmem:s1], [sflag:$0x3], $0x2000, $0x38;
	[tilespmem:$0x5D00] =	vst v63  }
0x268: {  	_ =	swait.ge [sflag:s25], $0x2000  }
0x269: {  	[sflag:s25] =	ssyncset.done $0x0  }
0x26a: {  	s8 =	simm.s32 $0x19C0;
	[sflag:s25] =	ssyncadd.s32 $0xFFFFE000  }
0x26b: {  	[tilespmem:s1], [sflag:$0x2] =	stream.indirect.gather [hbm4b:s2+s30], $0x80, s8, s30, $0xb8;
	[tilespmem:$0x5D00] =	vst v63  }
0x26c: {  	_ =	swait.ge [sflag:s24], $0x2000  }
0x26d: {  	[sflag:s24] =	ssyncset.done $0x0  }
0x26e: {  	s9 =	rddreg [dreg:$0x6];
	[sflag:s24] =	ssyncadd.s32 $0xFFFFE000  }
0x26f: {  	[hbm4b:s9+s3] =	stream.linear.scatter [tilespmem:s31], [sflag:$0x3], $0x2000, $0x38;
	[tilespmem:$0x5D00] =	vst v63  }
0x270: {  	_ =	swait.ge [sflag:s25], $0x2000  }
0x271: {  	[sflag:s25] =	ssyncset.done $0x0  }
0x272: {  	s23 =	simm.s32 $0x1A00;
	[sflag:s25] =	ssyncadd.s32 $0xFFFFE000  }
0x273: {  	[tilespmem:s31], [sflag:$0x1] =	stream.indirect.gather [hbm4b:s2+s30], $0x80, s23, s30, $0xb8;
	[tilespmem:$0x5D00] =	vst v63  }
0x274: {  	_ =	swait.ge [sflag:s28], $0x2000  }
0x275: {  	[sflag:s28] =	ssyncset.done $0x0  }
0x276: {  	s4 =	rddreg [dreg:$0x7];
	[sflag:s28] =	ssyncadd.s32 $0xFFFFE000  }
0x277: {  	[hbm4b:s4+s3] =	stream.linear.scatter [tilespmem:s1], [sflag:$0x3], $0x2000, $0x38;
	[tilespmem:$0x5D00] =	vst v63  }
0x278: {  	_ =	swait.ge [sflag:s25], $0x2000  }
0x279: {  	[sflag:s25] =	ssyncset.done $0x0  }
0x27a: {  	s5 =	simm.s32 $0x1A40;
	[sflag:s25] =	ssyncadd.s32 $0xFFFFE000  }
0x27b: {  	[tilespmem:s1], [sflag:$0x2] =	stream.indirect.gather [hbm4b:s2+s30], $0x80, s5, s30, $0xb8;
	[tilespmem:$0x5D00] =	vst v63  }
0x27c: {  	_ =	swait.ge [sflag:s24], $0x2000  }
0x27d: {  	[sflag:s24] =	ssyncset.done $0x0  }
0x27e: {  	[sflag:s24] =	ssyncadd.s32 $0xFFFFE000  }
0x27f: {  	[hbm4b:s10+s3] =	stream.linear.scatter [tilespmem:s31], [sflag:$0x3], $0x2000, $0x38;
	[tilespmem:$0x5D00] =	vst v63  }
0x280: {  	_ =	swait.ge [sflag:s25], $0x2000  }
0x281: {  	[sflag:s25] =	ssyncset.done $0x0  }
0x282: {  	s7 =	simm.s32 $0x1A80;
	[sflag:s25] =	ssyncadd.s32 $0xFFFFE000  }
0x283: {  	[tilespmem:s31], [sflag:$0x1] =	stream.indirect.gather [hbm4b:s2+s30], $0x80, s7, s30, $0xb8;
	[tilespmem:$0x5D00] =	vst v63  }
0x284: {  	_ =	swait.ge [sflag:s28], $0x2000  }
0x285: {  	[sflag:s28] =	ssyncset.done $0x0  }
0x286: {  	[sflag:s28] =	ssyncadd.s32 $0xFFFFE000  }
0x287: {  	[hbm4b:s11+s3] =	stream.linear.scatter [tilespmem:s1], [sflag:$0x3], $0x2000, $0x38;
	[tilespmem:$0x5D00] =	vst v63  }
0x288: {  	_ =	swait.ge [sflag:s25], $0x2000  }
0x289: {  	[sflag:s25] =	ssyncset.done $0x0  }
0x28a: {  	s8 =	simm.s32 $0x1AC0;
	[sflag:s25] =	ssyncadd.s32 $0xFFFFE000  }
0x28b: {  	[tilespmem:s1], [sflag:$0x2] =	stream.indirect.gather [hbm4b:s2+s30], $0x80, s8, s30, $0xb8;
	[tilespmem:$0x5D00] =	vst v63  }
0x28c: {  	_ =	swait.ge [sflag:s24], $0x2000  }
0x28d: {  	[sflag:s24] =	ssyncset.done $0x0  }
0x28e: {  	[sflag:s24] =	ssyncadd.s32 $0xFFFFE000  }
0x28f: {  	[hbm4b:s12+s3] =	stream.linear.scatter [tilespmem:s31], [sflag:$0x3], $0x2000, $0x38;
	[tilespmem:$0x5D00] =	vst v63  }
0x290: {  	_ =	swait.ge [sflag:s25], $0x2000  }
0x291: {  	[sflag:s25] =	ssyncset.done $0x0  }
0x292: {  	s9 =	simm.s32 $0x1B00;
	[sflag:s25] =	ssyncadd.s32 $0xFFFFE000  }
0x293: {  	[tilespmem:s31], [sflag:$0x1] =	stream.indirect.gather [hbm4b:s2+s30], $0x80, s9, s30, $0xb8;
	[tilespmem:$0x5D00] =	vst v63  }
0x294: {  	_ =	swait.ge [sflag:s28], $0x2000  }
0x295: {  	[sflag:s28] =	ssyncset.done $0x0  }
0x296: {  	[sflag:s28] =	ssyncadd.s32 $0xFFFFE000  }
0x297: {  	[hbm4b:s13+s3] =	stream.linear.scatter [tilespmem:s1], [sflag:$0x3], $0x2000, $0x38;
	[tilespmem:$0x5D00] =	vst v63  }
0x298: {  	_ =	swait.ge [sflag:s25], $0x2000  }
0x299: {  	[sflag:s25] =	ssyncset.done $0x0  }
0x29a: {  	s23 =	simm.s32 $0x1B40;
	[sflag:s25] =	ssyncadd.s32 $0xFFFFE000  }
0x29b: {  	[tilespmem:s1], [sflag:$0x2] =	stream.indirect.gather [hbm4b:s2+s30], $0x80, s23, s30, $0xb8;
	[tilespmem:$0x5D00] =	vst v63  }
0x29c: {  	_ =	swait.ge [sflag:s24], $0x2000  }
0x29d: {  	[sflag:s24] =	ssyncset.done $0x0  }
0x29e: {  	[sflag:s24] =	ssyncadd.s32 $0xFFFFE000  }
0x29f: {  	[hbm4b:s14+s3] =	stream.linear.scatter [tilespmem:s31], [sflag:$0x3], $0x2000, $0x38;
	[tilespmem:$0x5D00] =	vst v63  }
0x2a0: {  	_ =	swait.ge [sflag:s25], $0x2000  }
0x2a1: {  	[sflag:s25] =	ssyncset.done $0x0  }
0x2a2: {  	s4 =	simm.s32 $0x1B80;
	[sflag:s25] =	ssyncadd.s32 $0xFFFFE000  }
0x2a3: {  	[tilespmem:s31], [sflag:$0x1] =	stream.indirect.gather [hbm4b:s2+s30], $0x80, s4, s30, $0xb8;
	[tilespmem:$0x5D00] =	vst v63  }
0x2a4: {  	_ =	swait.ge [sflag:s28], $0x2000  }
0x2a5: {  	[sflag:s28] =	ssyncset.done $0x0  }
0x2a6: {  	[sflag:s28] =	ssyncadd.s32 $0xFFFFE000  }
0x2a7: {  	[hbm4b:s15+s3] =	stream.linear.scatter [tilespmem:s1], [sflag:$0x3], $0x2000, $0x38;
	[tilespmem:$0x5D00] =	vst v63  }
0x2a8: {  	_ =	swait.ge [sflag:s25], $0x2000  }
0x2a9: {  	[sflag:s25] =	ssyncset.done $0x0  }
0x2aa: {  	s5 =	simm.s32 $0x1BC0;
	[sflag:s25] =	ssyncadd.s32 $0xFFFFE000  }
0x2ab: {  	[tilespmem:s1], [sflag:$0x2] =	stream.indirect.gather [hbm4b:s2+s30], $0x80, s5, s30, $0xb8;
	[tilespmem:$0x5D00] =	vst v63  }
0x2ac: {  	_ =	swait.ge [sflag:s24], $0x2000  }
0x2ad: {  	[sflag:s24] =	ssyncset.done $0x0  }
0x2ae: {  	[sflag:s24] =	ssyncadd.s32 $0xFFFFE000  }
0x2af: {  	[hbm4b:s16+s3] =	stream.linear.scatter [tilespmem:s31], [sflag:$0x3], $0x2000, $0x38;
	[tilespmem:$0x5D00] =	vst v63  }
0x2b0: {  	_ =	swait.ge [sflag:s25], $0x2000  }
0x2b1: {  	[sflag:s25] =	ssyncset.done $0x0  }
0x2b2: {  	s7 =	simm.s32 $0x1C00;
	[sflag:s25] =	ssyncadd.s32 $0xFFFFE000  }
0x2b3: {  	[tilespmem:s31], [sflag:$0x1] =	stream.indirect.gather [hbm4b:s2+s30], $0x80, s7, s30, $0xb8;
	[tilespmem:$0x5D00] =	vst v63  }
0x2b4: {  	_ =	swait.ge [sflag:s28], $0x2000  }
0x2b5: {  	[sflag:s28] =	ssyncset.done $0x0  }
0x2b6: {  	[sflag:s28] =	ssyncadd.s32 $0xFFFFE000  }
0x2b7: {  	[hbm4b:s17+s3] =	stream.linear.scatter [tilespmem:s1], [sflag:$0x3], $0x2000, $0x38;
	[tilespmem:$0x5D00] =	vst v63  }
0x2b8: {  	_ =	swait.ge [sflag:s25], $0x2000  }
0x2b9: {  	[sflag:s25] =	ssyncset.done $0x0  }
0x2ba: {  	s8 =	simm.s32 $0x1C40;
	[sflag:s25] =	ssyncadd.s32 $0xFFFFE000  }
0x2bb: {  	[tilespmem:s1], [sflag:$0x2] =	stream.indirect.gather [hbm4b:s2+s30], $0x80, s8, s30, $0xb8;
	[tilespmem:$0x5D00] =	vst v63  }
0x2bc: {  	_ =	swait.ge [sflag:s24], $0x2000  }
0x2bd: {  	[sflag:s24] =	ssyncset.done $0x0  }
0x2be: {  	[sflag:s24] =	ssyncadd.s32 $0xFFFFE000  }
0x2bf: {  	[hbm4b:s18+s3] =	stream.linear.scatter [tilespmem:s31], [sflag:$0x3], $0x2000, $0x38;
	[tilespmem:$0x5D00] =	vst v63  }
0x2c0: {  	_ =	swait.ge [sflag:s25], $0x2000  }
0x2c1: {  	[sflag:s25] =	ssyncset.done $0x0  }
0x2c2: {  	s9 =	simm.s32 $0x1C80;
	[sflag:s25] =	ssyncadd.s32 $0xFFFFE000  }
0x2c3: {  	[tilespmem:s31], [sflag:$0x1] =	stream.indirect.gather [hbm4b:s2+s30], $0x80, s9, s30, $0xb8;
	[tilespmem:$0x5D00] =	vst v63  }
0x2c4: {  	_ =	swait.ge [sflag:s28], $0x2000  }
0x2c5: {  	[sflag:s28] =	ssyncset.done $0x0  }
0x2c6: {  	[sflag:s28] =	ssyncadd.s32 $0xFFFFE000  }
0x2c7: {  	[hbm4b:s19+s3] =	stream.linear.scatter [tilespmem:s1], [sflag:$0x3], $0x2000, $0x38;
	[tilespmem:$0x5D00] =	vst v63  }
0x2c8: {  	_ =	swait.ge [sflag:s25], $0x2000  }
0x2c9: {  	[sflag:s25] =	ssyncset.done $0x0  }
0x2ca: {  	s23 =	simm.s32 $0x1CC0;
	[sflag:s25] =	ssyncadd.s32 $0xFFFFE000  }
0x2cb: {  	[tilespmem:s1], [sflag:$0x2] =	stream.indirect.gather [hbm4b:s2+s30], $0x80, s23, s30, $0xb8;
	[tilespmem:$0x5D00] =	vst v63  }
0x2cc: {  	_ =	swait.ge [sflag:s24], $0x2000  }
0x2cd: {  	[sflag:s24] =	ssyncset.done $0x0  }
0x2ce: {  	[sflag:s24] =	ssyncadd.s32 $0xFFFFE000  }
0x2cf: {  	[hbm4b:s21+s3] =	stream.linear.scatter [tilespmem:s31], [sflag:$0x3], $0x2000, $0x38;
	[tilespmem:$0x5D00] =	vst v63  }
0x2d0: {  	_ =	swait.ge [sflag:s25], $0x2000  }
0x2d1: {  	[sflag:s25] =	ssyncset.done $0x0  }
0x2d2: {  	[sflag:s25] =	ssyncadd.s32 $0xFFFFE000  }
0x2d3: {  	[tilespmem:s31], [sflag:$0x1] =	stream.indirect.gather [hbm4b:s2+s30], $0x80, s29, s30, $0xb8;
	[tilespmem:$0x5D00] =	vst v63  }
0x2d4: {  	_ =	swait.ge [sflag:s28], $0x2000  }
0x2d5: {  	[sflag:s28] =	ssyncset.done $0x0  }
0x2d6: {  	[sflag:s28] =	ssyncadd.s32 $0xFFFFE000  }
0x2d7: {  	[hbm4b:s22+s3] =	stream.linear.scatter [tilespmem:s1], [sflag:$0x3], $0x2000, $0x38;
	[tilespmem:$0x5D00] =	vst v63  }
0x2d8: {  	_ =	swait.ge [sflag:s25], $0x2000  }
0x2d9: {  	[sflag:s25] =	ssyncset.done $0x0  }
0x2da: {  	[sflag:s25] =	ssyncadd.s32 $0xFFFFE000  }
0x2db: {  	s26 =	sadd.s32 $0x1, s26;
	_ =	swait.ge [sflag:s24], $0x2000  }
0x2dc: {  	p0 =	sne.s32 s26, s20;
	[sflag:s24] =	ssyncset.done $0x0  }
.Ltmp5:
0x2dd: {  	[sflag:s24] =	ssyncadd.s32 $0xFFFFE000;
	(pc) =	sbr.rel @p0 .LBB2_1-.Ltmp5, $4  }
0x2de: {  	[hbm4b:s6+s3] =	stream.linear.scatter [tilespmem:s31], [sflag:$0x3], $0x2000, $0x38;
	[tilespmem:$0x5D00] =	vst v63  }
0x2df: {  	_ =	swait.ge [sflag:s25], $0x2000  }
0x2e0: {  	[sflag:s25] =	ssyncset.done $0x0  }
0x2e1: {  	[sflag:s25] =	ssyncadd.s32 $0xFFFFE000  }
0x2e2: {  	_ =	sfence.sel $0x180000  }
0x2e3: {  	[bflag:$0x0] =	sbarrier.arrive $0xFFFF  }
0x2e4: {  	_ =	strace $0x9000004A  }
0x2e5: {  	s0 =	stileid.u32;
	[bflag:$0x2] =	sbarrier.arrive $0xFFFF  }
0x2e6: {  	p0 =	sne.s32 s0, $0x0;
	s0 =	rddreg [dreg:$0x2]  }
0x2e7: {  	s0 =	sadd.s32 @!p0 $0x100000, s0  }
0x2e8: {  	[sflag:s0] =	ssyncadd.tile.s32 @!p0 $0x1;
	_ =	shalt  }
.Lfunc_end2:
_tile_overlayer_lowered:
.L_overlay_start_2:
0x2e9: {  	(tag) =	ssettag $0x2  }
0x2ea: {  	s0 =	rddreg [dreg:$0x0];
	s2 =	stileid.u32  }
0x2eb: {  	s1 =	rddreg [dreg:$0x1];
	p0 =	sne.s32 s2, $0x0  }
0x2ec: {  	s3 =	rddreg [dreg:$0x2];
	[bflag:$0x3] =	sbarrier.arrive $0xFFFF;
	s2 =	simm.s32 @!p0 $0x1C03  }
0x2ed: {  	[timem:s3], [sflag:s2] =	dma.local @!p0 [hbm:s0], s1  }
0x2ee: {  	s0 =	simm.s32 @!p0 $0x3  }
0x2ef: {  	_ =	swait.ge @!p0 [sflag:s0], s1  }
0x2f0: {  	s1 =	ssub.s32 @!p0 $0x0, s1;
	[sflag:s0] =	ssyncset.done @!p0 $0x0  }
0x2f1: {  	[sflag:s0] =	ssyncadd.s32 @!p0 s1  }
0x2f2: {  	[bflag:$0x3] =	sbarrier.arrive $0xFFFF  }
0x2f3: {  	_ =	shalt  }

</sc_bundles>
